<compile_context>
chip_gen: v7x
topology: tpu7x:2x2x1
jax: 0.10.2.dev20260603
libtpu: 0.0.44.dev20260713+nightly
codegen_flags: <defaults>
</compile_context>

<pallas_src>
import jax
import jax.numpy as jnp
from jax import lax
from jax.experimental import pallas as pl
from jax.experimental.pallas import tpu as pltpu
from jax.experimental.pallas import tpu_sc as plsc

V_DIM = 100000
D_DIM = 64
BATCH = 4096
HIST_LEN = 50

NC = 2
NS = 16
NW = NC * NS
LANES = 16

D_PER_W = D_DIM // NW
N_IDX = BATCH * HIST_LEN
SG_PER_W = N_IDX // NW
SG_SHOT = SG_PER_W // 8
H_VECS = BATCH // LANES
H_CACHED = HIST_LEN


def _softplus_vec(v):
    a = jnp.abs(v)
    u = jnp.exp(-a)
    t = u / (2.0 + u)
    t2 = t * t
    s = 1.0 + t2 * (1.0 / 3.0 + t2 * (1.0 / 5.0 + t2 * (1.0 / 7.0 + t2 * (1.0 / 9.0))))
    return jnp.maximum(v, 0.0) + 2.0 * t * s


def _sc_body(xt_hbm, mu_t_hbm, sg_t_hbm, mu_out_hbm, sg_out_hbm,
             row_v, idx_v, out_v, sgi_v, sg_v, xt_sp,
             sem_row, sem_idx, sem_out, sem_sgi, sem_sg, sem_sgo, sem_xs):
    c = lax.axis_index("c")
    s = lax.axis_index("s")
    wid = s * NC + c

    pltpu.make_async_copy(mu_t_hbm.at[wid * D_PER_W], row_v, sem_row).start()
    N_STAGE_ROUNDS = (H_CACHED + NS - 1) // NS

    def stage_cp(j):
        h = jnp.minimum(s + j * NS, H_CACHED - 1)
        return pltpu.make_async_copy(
            xt_hbm.at[pl.ds(h * BATCH, BATCH)],
            xt_sp.at[pl.ds(h * BATCH, BATCH)], sem_xs)

    for j in range(N_STAGE_ROUNDS):
        cpj = stage_cp(j)

        @pl.when(s + j * NS < H_CACHED)
        def _stage_start():
            cpj.start()

    sg_base = wid * SG_PER_W

    for j in range(N_STAGE_ROUNDS):
        cpj = stage_cp(j)

        @pl.when(s + j * NS < H_CACHED)
        def _stage_wait():
            cpj.wait()
    plsc.subcore_barrier()

    pltpu.make_async_copy(
        xt_sp.at[pl.ds(sg_base, SG_SHOT)], sgi_v, sem_sgi).start()
    pltpu.make_async_copy(
        xt_sp.at[pl.ds(sg_base, SG_SHOT)], sgi_v, sem_sgi).wait()
    pltpu.make_async_copy(sg_t_hbm.at[sgi_v], sg_v, sem_sg).start()

    def sigma_round(shot):
        base = sg_base + shot * SG_SHOT
        pltpu.make_async_copy(sg_t_hbm.at[sgi_v], sg_v, sem_sg).wait()

        def sp_step(i):
            off = i * LANES
            sg_v[pl.ds(off, LANES)] = _softplus_vec(sg_v[pl.ds(off, LANES)])

        plsc.parallel_loop(0, SG_SHOT // LANES, unroll=4)(sp_step)
        pltpu.make_async_copy(
            sg_v, sg_out_hbm.at[pl.ds(base, SG_SHOT)], sem_sgo).start()
        if shot < 7:
            pltpu.make_async_copy(
                sg_v, sg_out_hbm.at[pl.ds(base, SG_SHOT)], sem_sgo).wait()
            nbase = sg_base + (shot + 1) * SG_SHOT
            pltpu.make_async_copy(
                xt_sp.at[pl.ds(nbase, SG_SHOT)], sgi_v, sem_sgi).start()
            pltpu.make_async_copy(
                xt_sp.at[pl.ds(nbase, SG_SHOT)], sgi_v, sem_sgi).wait()
            pltpu.make_async_copy(sg_t_hbm.at[sgi_v], sg_v, sem_sg).start()

    def idx_start(h, p):
        cp_sp = pltpu.make_async_copy(
            xt_sp.at[pl.ds(jnp.minimum(h, H_CACHED - 1) * BATCH, BATCH)],
            idx_v[p], sem_idx[p])
        cp_hbm = pltpu.make_async_copy(
            xt_hbm.at[pl.ds(h * BATCH, BATCH)], idx_v[p], sem_idx[p])

        @pl.when(h < H_CACHED)
        def _from_spmem():
            cp_sp.start()

        @pl.when(h >= H_CACHED)
        def _from_hbm():
            cp_hbm.start()

    for plane in range(D_PER_W):
        d = wid * D_PER_W + plane
        if plane > 0:
            pltpu.make_async_copy(mu_t_hbm.at[d], row_v, sem_row).start()

        idx_start(0, 0)
        pltpu.make_async_copy(mu_t_hbm.at[d], row_v, sem_row).wait()

        def h_pair(i, carry):
            for par in range(2):
                h = 2 * i + par
                @pl.when(h + 1 < HIST_LEN)
                def _start_next():
                    idx_start(h + 1, 1 - par)

                pltpu.make_async_copy(
                    xt_hbm.at[pl.ds(h * BATCH, BATCH)],
                    idx_v[par], sem_idx[par]).wait()

                @pl.when(i > 0)
                def _drain_prev():
                    pltpu.make_async_copy(
                        out_v[par],
                        mu_out_hbm.at[jnp.maximum(h - 2, 0), d],
                        sem_out[par]).wait()

                def g_step(j):
                    off = j * LANES
                    iv = idx_v[par][pl.ds(off, LANES)]
                    out_v[par][pl.ds(off, LANES)] = plsc.load_gather(row_v, [iv])

                plsc.parallel_loop(0, H_VECS, unroll=8)(g_step)
                pltpu.make_async_copy(
                    out_v[par], mu_out_hbm.at[h, d], sem_out[par]).start()

            for k, itrig in enumerate((6, 12, 18)):
                @pl.when(i == itrig)
                def _sigma_mid():
                    sigma_round(4 * plane + k)

            return carry

        lax.fori_loop(0, HIST_LEN // 2, h_pair, None)
        for par in range(2):
            pltpu.make_async_copy(
                out_v[par],
                mu_out_hbm.at[HIST_LEN - 2 + par, d],
                sem_out[par]).wait()
        sigma_round(4 * plane + 3)
    pltpu.make_async_copy(
        sg_v, sg_out_hbm.at[pl.ds(sg_base + 7 * SG_SHOT, SG_SHOT)],
        sem_sgo).wait()


@jax.jit
def _run(xt_flat, mu_tt, sg_flat):
    mesh = plsc.VectorSubcoreMesh(core_axis_name="c", subcore_axis_name="s")
    f = pl.kernel(
        _sc_body,
        out_type=[
            jax.ShapeDtypeStruct((HIST_LEN, D_DIM, BATCH), jnp.float32),
            jax.ShapeDtypeStruct((N_IDX,), jnp.float32),
        ],
        mesh=mesh,
        scratch_types=[
            pltpu.VMEM((V_DIM,), jnp.float32),
            [pltpu.VMEM((BATCH,), jnp.int32) for _ in range(2)],
            [pltpu.VMEM((BATCH,), jnp.float32) for _ in range(2)],
            pltpu.VMEM((SG_SHOT,), jnp.int32),
            pltpu.VMEM((SG_SHOT,), jnp.float32),
            pltpu.VMEM_SHARED((H_CACHED * BATCH,), jnp.int32),
            pltpu.SemaphoreType.DMA,
            [pltpu.SemaphoreType.DMA for _ in range(2)],
            [pltpu.SemaphoreType.DMA for _ in range(2)],
            pltpu.SemaphoreType.DMA,
            pltpu.SemaphoreType.DMA,
            pltpu.SemaphoreType.DMA,
            pltpu.SemaphoreType.DMA,
        ],
        compiler_params=pltpu.CompilerParams(
            use_tc_tiling_on_sc=True, disable_bounds_checks=True,
            needs_layout_passes=False),
    )
    return f(xt_flat, mu_tt, sg_flat)


def kernel(x, mu_table, sigma_table):
    xt_flat = x.T.reshape(N_IDX)
    mu_tt = mu_table.T
    sg_flat = sigma_table.reshape(V_DIM)
    mu_t, sg_t = _run(xt_flat, mu_tt, sg_flat)
    mu = jnp.transpose(mu_t, (2, 0, 1))
    sigma = jnp.transpose(sg_t.reshape(HIST_LEN, BATCH), (1, 0)).reshape(
        BATCH, HIST_LEN, 1)
    return (mu, sigma)

# --- scband reference (transcript-rebuilt; emitter-appended) ---
"""Pipeline reference for scband-prior-9045201125754 (READ-ONLY COPY).

The authoritative reference and input builder live on the scoring server;
editing this copy changes nothing except your own understanding.
"""

import jax, jax.numpy as jnp
import numpy as np

V_DIM = 100000
D_DIM = 64
PAD_INDEX = 0
BATCH = 4096
HIST_LEN = 50


def setup_inputs(seed: int = 0) -> dict:
    key = jax.random.key(seed)
    k1, k2, k3 = jax.random.split(key, 3)
    x = jax.random.randint(k1, (BATCH, HIST_LEN), 0, V_DIM, dtype=jnp.int32)
    mu_table = jax.random.normal(k2, (V_DIM, D_DIM), dtype=jnp.float32)
    sigma_table = jax.random.normal(k3, (V_DIM, 1), dtype=jnp.float32)
    # nn.Embedding with padding_idx zero-initializes the padding row
    mu_table = mu_table.at[PAD_INDEX].set(0.0)
    sigma_table = sigma_table.at[PAD_INDEX].set(0.0)
    return {"x": x, "mu_table": mu_table, "sigma_table": sigma_table}


def reference(x, mu_table, sigma_table):
    # mu = self.mu(x)  -> embedding gather
    mu = jnp.take(mu_table, x, axis=0)
    # sigma = softplus(self.sigma(x))
    sigma_raw = jnp.take(sigma_table, x, axis=0)
    sigma = jax.nn.softplus(sigma_raw)
    return (mu, sigma)

if __name__ == "__main__":
    import jax
    _d = setup_inputs()
    print(jax.jit(kernel)(*tuple(_d.values())))

</pallas_src>

<mosaic_0001>
#map = affine_map<(d0, d1) -> (0)>
#map1 = affine_map<(d0, d1) -> (0, 0)>
#map2 = affine_map<(d0, d1) -> (0, 0, 0)>
module attributes {stable_mosaic.version = 14 : i64} {
  func.func @_sc_body(%arg0: i32, %arg1: i32, %arg2: memref<204800xi32, #tpu.memory_space<hbm>>, %arg3: memref<64x100000xf32, #tpu.memory_space<hbm>>, %arg4: memref<100000xf32, #tpu.memory_space<hbm>>, %arg5: memref<50x64x4096xf32, #tpu.memory_space<hbm>>, %arg6: memref<204800xf32, #tpu.memory_space<hbm>>, %arg7: memref<100000xf32, #tpu.memory_space<vmem>>, %arg8: memref<4096xi32, #tpu.memory_space<vmem>>, %arg9: memref<4096xi32, #tpu.memory_space<vmem>>, %arg10: memref<4096xf32, #tpu.memory_space<vmem>>, %arg11: memref<4096xf32, #tpu.memory_space<vmem>>, %arg12: memref<800xi32, #tpu.memory_space<vmem>>, %arg13: memref<800xf32, #tpu.memory_space<vmem>>, %arg14: memref<204800xi32, #tpu.memory_space<vmem_shared>>, %arg15: memref<!tpu.dma_semaphore, #tpu.memory_space<semaphore_mem>>, %arg16: memref<!tpu.dma_semaphore, #tpu.memory_space<semaphore_mem>>, %arg17: memref<!tpu.dma_semaphore, #tpu.memory_space<semaphore_mem>>, %arg18: memref<!tpu.dma_semaphore, #tpu.memory_space<semaphore_mem>>, %arg19: memref<!tpu.dma_semaphore, #tpu.memory_space<semaphore_mem>>, %arg20: memref<!tpu.dma_semaphore, #tpu.memory_space<semaphore_mem>>, %arg21: memref<!tpu.dma_semaphore, #tpu.memory_space<semaphore_mem>>, %arg22: memref<!tpu.dma_semaphore, #tpu.memory_space<semaphore_mem>>, %arg23: memref<!tpu.dma_semaphore, #tpu.memory_space<semaphore_mem>>) attributes {dimension_semantics = [#tpu.dimension_semantics<core_parallel>, #tpu.dimension_semantics<subcore_parallel>], iteration_bounds = array<i64: 2, 16>, scalar_prefetch = 0 : i64, scratch_operands = 17 : i64, tpu.core_type = #tpu.core_type<sc_vector_subcore>, window_params = [{transform_indices = #map}, {transform_indices = #map1}, {transform_indices = #map}, {transform_indices = #map2}, {transform_indices = #map}]} {
    %mul3A = arith.constant 2 : i32
    %mul3A_0 = arith.muli %arg1, %mul3A : i32
    %add3A = arith.addi %mul3A_0, %arg0 : i32
    %mul3A_1 = arith.constant 2 : i32
    %mul3A_2 = arith.muli %add3A, %mul3A_1 : i32
    %dma_start3A = arith.constant 0 : i32
    %dma_start3A_3 = tpu.memref_slice %arg3[%mul3A_2, %dma_start3A] : memref<64x100000xf32, #tpu.memory_space<hbm>> -> memref<1x100000xf32, #tpu.memory_space<hbm>>
    %dma_start3A_4 = tpu.memref_squeeze %dma_start3A_3 : memref<1x100000xf32, #tpu.memory_space<hbm>> -> memref<100000xf32, #tpu.memory_space<hbm>>
    %dma_start3A_5 = arith.constant 0 : i32
    %dma_start3A_6 = tpu.memref_slice %arg3[%mul3A_2, %dma_start3A_5] : memref<64x100000xf32, #tpu.memory_space<hbm>> -> memref<1x100000xf32, #tpu.memory_space<hbm>>
    %dma_start3A_7 = tpu.memref_squeeze %dma_start3A_6 : memref<1x100000xf32, #tpu.memory_space<hbm>> -> memref<100000xf32, #tpu.memory_space<hbm>>
    tpu.enqueue_dma source(%dma_start3A_7 : memref<100000xf32, #tpu.memory_space<hbm>>) target(%arg7 : memref<100000xf32, #tpu.memory_space<vmem>>) target_semaphore(%arg15 : memref<!tpu.dma_semaphore, #tpu.memory_space<semaphore_mem>>)
    %add3A_8 = arith.constant 0 : i32
    %add3A_9 = arith.addi %arg1, %add3A_8 : i32
    %min3A = arith.constant 49 : i32
    %min3A_10 = arith.minsi %add3A_9, %min3A : i32
    %mul3A_11 = arith.constant 4096 : i32
    %mul3A_12 = arith.muli %min3A_10, %mul3A_11 : i32
    %mul3A_13 = arith.constant 4096 : i32
    %mul3A_14 = arith.muli %min3A_10, %mul3A_13 : i32
    %add3A_15 = arith.constant 0 : i32
    %add3A_16 = arith.addi %arg1, %add3A_15 : i32
    %lt3A = arith.constant 50 : i32
    %lt3A_17 = arith.cmpi slt, %add3A_16, %lt3A : i32
    %convert_element_type3A = arith.extui %lt3A_17 : i1 to i32
    %cond3A = arith.constant 0 : i32
    %cond3A_18 = arith.cmpi ne, %convert_element_type3A, %cond3A : i32
    scf.if %cond3A_18 {
      %dma_start3A_239 = tpu.memref_slice %arg14[%mul3A_14] : memref<204800xi32, #tpu.memory_space<vmem_shared>> -> memref<4096xi32, #tpu.memory_space<vmem_shared>>
      %dma_start3A_240 = tpu.memref_slice %arg2[%mul3A_12] : memref<204800xi32, #tpu.memory_space<hbm>> -> memref<4096xi32, #tpu.memory_space<hbm>>
      tpu.enqueue_dma source(%dma_start3A_240 : memref<4096xi32, #tpu.memory_space<hbm>>) target(%dma_start3A_239 : memref<4096xi32, #tpu.memory_space<vmem_shared>>) target_semaphore(%arg23 : memref<!tpu.dma_semaphore, #tpu.memory_space<semaphore_mem>>)
    } else {
    }
    %add3A_19 = arith.constant 16 : i32
    %add3A_20 = arith.addi %arg1, %add3A_19 : i32
    %min3A_21 = arith.constant 49 : i32
    %min3A_22 = arith.minsi %add3A_20, %min3A_21 : i32
    %mul3A_23 = arith.constant 4096 : i32
    %mul3A_24 = arith.muli %min3A_22, %mul3A_23 : i32
    %mul3A_25 = arith.constant 4096 : i32
    %mul3A_26 = arith.muli %min3A_22, %mul3A_25 : i32
    %add3A_27 = arith.constant 16 : i32
    %add3A_28 = arith.addi %arg1, %add3A_27 : i32
    %lt3A_29 = arith.constant 50 : i32
    %lt3A_30 = arith.cmpi slt, %add3A_28, %lt3A_29 : i32
    %convert_element_type3A_31 = arith.extui %lt3A_30 : i1 to i32
    %cond3A_32 = arith.constant 0 : i32
    %cond3A_33 = arith.cmpi ne, %convert_element_type3A_31, %cond3A_32 : i32
    scf.if %cond3A_33 {
      %dma_start3A_239 = tpu.memref_slice %arg14[%mul3A_26] : memref<204800xi32, #tpu.memory_space<vmem_shared>> -> memref<4096xi32, #tpu.memory_space<vmem_shared>>
      %dma_start3A_240 = tpu.memref_slice %arg2[%mul3A_24] : memref<204800xi32, #tpu.memory_space<hbm>> -> memref<4096xi32, #tpu.memory_space<hbm>>
      tpu.enqueue_dma source(%dma_start3A_240 : memref<4096xi32, #tpu.memory_space<hbm>>) target(%dma_start3A_239 : memref<4096xi32, #tpu.memory_space<vmem_shared>>) target_semaphore(%arg23 : memref<!tpu.dma_semaphore, #tpu.memory_space<semaphore_mem>>)
    } else {
    }
    %add3A_34 = arith.constant 32 : i32
    %add3A_35 = arith.addi %arg1, %add3A_34 : i32
    %min3A_36 = arith.constant 49 : i32
    %min3A_37 = arith.minsi %add3A_35, %min3A_36 : i32
    %mul3A_38 = arith.constant 4096 : i32
    %mul3A_39 = arith.muli %min3A_37, %mul3A_38 : i32
    %mul3A_40 = arith.constant 4096 : i32
    %mul3A_41 = arith.muli %min3A_37, %mul3A_40 : i32
    %add3A_42 = arith.constant 32 : i32
    %add3A_43 = arith.addi %arg1, %add3A_42 : i32
    %lt3A_44 = arith.constant 50 : i32
    %lt3A_45 = arith.cmpi slt, %add3A_43, %lt3A_44 : i32
    %convert_element_type3A_46 = arith.extui %lt3A_45 : i1 to i32
    %cond3A_47 = arith.constant 0 : i32
    %cond3A_48 = arith.cmpi ne, %convert_element_type3A_46, %cond3A_47 : i32
    scf.if %cond3A_48 {
      %dma_start3A_239 = tpu.memref_slice %arg14[%mul3A_41] : memref<204800xi32, #tpu.memory_space<vmem_shared>> -> memref<4096xi32, #tpu.memory_space<vmem_shared>>
      %dma_start3A_240 = tpu.memref_slice %arg2[%mul3A_39] : memref<204800xi32, #tpu.memory_space<hbm>> -> memref<4096xi32, #tpu.memory_space<hbm>>
      tpu.enqueue_dma source(%dma_start3A_240 : memref<4096xi32, #tpu.memory_space<hbm>>) target(%dma_start3A_239 : memref<4096xi32, #tpu.memory_space<vmem_shared>>) target_semaphore(%arg23 : memref<!tpu.dma_semaphore, #tpu.memory_space<semaphore_mem>>)
    } else {
    }
    %add3A_49 = arith.constant 48 : i32
    %add3A_50 = arith.addi %arg1, %add3A_49 : i32
    %min3A_51 = arith.constant 49 : i32
    %min3A_52 = arith.minsi %add3A_50, %min3A_51 : i32
    %mul3A_53 = arith.constant 4096 : i32
    %mul3A_54 = arith.muli %min3A_52, %mul3A_53 : i32
    %mul3A_55 = arith.constant 4096 : i32
    %mul3A_56 = arith.muli %min3A_52, %mul3A_55 : i32
    %add3A_57 = arith.constant 48 : i32
    %add3A_58 = arith.addi %arg1, %add3A_57 : i32
    %lt3A_59 = arith.constant 50 : i32
    %lt3A_60 = arith.cmpi slt, %add3A_58, %lt3A_59 : i32
    %convert_element_type3A_61 = arith.extui %lt3A_60 : i1 to i32
    %cond3A_62 = arith.constant 0 : i32
    %cond3A_63 = arith.cmpi ne, %convert_element_type3A_61, %cond3A_62 : i32
    scf.if %cond3A_63 {
      %dma_start3A_239 = tpu.memref_slice %arg14[%mul3A_56] : memref<204800xi32, #tpu.memory_space<vmem_shared>> -> memref<4096xi32, #tpu.memory_space<vmem_shared>>
      %dma_start3A_240 = tpu.memref_slice %arg2[%mul3A_54] : memref<204800xi32, #tpu.memory_space<hbm>> -> memref<4096xi32, #tpu.memory_space<hbm>>
      tpu.enqueue_dma source(%dma_start3A_240 : memref<4096xi32, #tpu.memory_space<hbm>>) target(%dma_start3A_239 : memref<4096xi32, #tpu.memory_space<vmem_shared>>) target_semaphore(%arg23 : memref<!tpu.dma_semaphore, #tpu.memory_space<semaphore_mem>>)
    } else {
    }
    %mul3A_64 = arith.constant 6400 : i32
    %mul3A_65 = arith.muli %add3A, %mul3A_64 : i32
    %add3A_66 = arith.constant 0 : i32
    %add3A_67 = arith.addi %arg1, %add3A_66 : i32
    %min3A_68 = arith.constant 49 : i32
    %min3A_69 = arith.minsi %add3A_67, %min3A_68 : i32
    %mul3A_70 = arith.constant 4096 : i32
    %mul3A_71 = arith.muli %min3A_69, %mul3A_70 : i32
    %mul3A_72 = arith.constant 4096 : i32
    %mul3A_73 = arith.muli %min3A_69, %mul3A_72 : i32
    %add3A_74 = arith.constant 0 : i32
    %add3A_75 = arith.addi %arg1, %add3A_74 : i32
    %lt3A_76 = arith.constant 50 : i32
    %lt3A_77 = arith.cmpi slt, %add3A_75, %lt3A_76 : i32
    %convert_element_type3A_78 = arith.extui %lt3A_77 : i1 to i32
    %cond3A_79 = arith.constant 0 : i32
    %cond3A_80 = arith.cmpi ne, %convert_element_type3A_78, %cond3A_79 : i32
    scf.if %cond3A_80 {
      %dma_wait3A_239 = tpu.memref_slice %arg14[%mul3A_73] : memref<204800xi32, #tpu.memory_space<vmem_shared>> -> memref<4096xi32, #tpu.memory_space<vmem_shared>>
      %dma_wait3A_240 = tpu.memref_slice %arg2[%mul3A_71] : memref<204800xi32, #tpu.memory_space<hbm>> -> memref<4096xi32, #tpu.memory_space<hbm>>
      tpu.wait_dma2 semaphore(%arg23 : memref<!tpu.dma_semaphore, #tpu.memory_space<semaphore_mem>>) src(%dma_wait3A_240 : memref<4096xi32, #tpu.memory_space<hbm>>) dst(%dma_wait3A_239 : memref<4096xi32, #tpu.memory_space<vmem_shared>>)
    } else {
    }
    %add3A_81 = arith.constant 16 : i32
    %add3A_82 = arith.addi %arg1, %add3A_81 : i32
    %min3A_83 = arith.constant 49 : i32
    %min3A_84 = arith.minsi %add3A_82, %min3A_83 : i32
    %mul3A_85 = arith.constant 4096 : i32
    %mul3A_86 = arith.muli %min3A_84, %mul3A_85 : i32
    %mul3A_87 = arith.constant 4096 : i32
    %mul3A_88 = arith.muli %min3A_84, %mul3A_87 : i32
    %add3A_89 = arith.constant 16 : i32
    %add3A_90 = arith.addi %arg1, %add3A_89 : i32
    %lt3A_91 = arith.constant 50 : i32
    %lt3A_92 = arith.cmpi slt, %add3A_90, %lt3A_91 : i32
    %convert_element_type3A_93 = arith.extui %lt3A_92 : i1 to i32
    %cond3A_94 = arith.constant 0 : i32
    %cond3A_95 = arith.cmpi ne, %convert_element_type3A_93, %cond3A_94 : i32
    scf.if %cond3A_95 {
      %dma_wait3A_239 = tpu.memref_slice %arg14[%mul3A_88] : memref<204800xi32, #tpu.memory_space<vmem_shared>> -> memref<4096xi32, #tpu.memory_space<vmem_shared>>
      %dma_wait3A_240 = tpu.memref_slice %arg2[%mul3A_86] : memref<204800xi32, #tpu.memory_space<hbm>> -> memref<4096xi32, #tpu.memory_space<hbm>>
      tpu.wait_dma2 semaphore(%arg23 : memref<!tpu.dma_semaphore, #tpu.memory_space<semaphore_mem>>) src(%dma_wait3A_240 : memref<4096xi32, #tpu.memory_space<hbm>>) dst(%dma_wait3A_239 : memref<4096xi32, #tpu.memory_space<vmem_shared>>)
    } else {
    }
    %add3A_96 = arith.constant 32 : i32
    %add3A_97 = arith.addi %arg1, %add3A_96 : i32
    %min3A_98 = arith.constant 49 : i32
    %min3A_99 = arith.minsi %add3A_97, %min3A_98 : i32
    %mul3A_100 = arith.constant 4096 : i32
    %mul3A_101 = arith.muli %min3A_99, %mul3A_100 : i32
    %mul3A_102 = arith.constant 4096 : i32
    %mul3A_103 = arith.muli %min3A_99, %mul3A_102 : i32
    %add3A_104 = arith.constant 32 : i32
    %add3A_105 = arith.addi %arg1, %add3A_104 : i32
    %lt3A_106 = arith.constant 50 : i32
    %lt3A_107 = arith.cmpi slt, %add3A_105, %lt3A_106 : i32
    %convert_element_type3A_108 = arith.extui %lt3A_107 : i1 to i32
    %cond3A_109 = arith.constant 0 : i32
    %cond3A_110 = arith.cmpi ne, %convert_element_type3A_108, %cond3A_109 : i32
    scf.if %cond3A_110 {
      %dma_wait3A_239 = tpu.memref_slice %arg14[%mul3A_103] : memref<204800xi32, #tpu.memory_space<vmem_shared>> -> memref<4096xi32, #tpu.memory_space<vmem_shared>>
      %dma_wait3A_240 = tpu.memref_slice %arg2[%mul3A_101] : memref<204800xi32, #tpu.memory_space<hbm>> -> memref<4096xi32, #tpu.memory_space<hbm>>
      tpu.wait_dma2 semaphore(%arg23 : memref<!tpu.dma_semaphore, #tpu.memory_space<semaphore_mem>>) src(%dma_wait3A_240 : memref<4096xi32, #tpu.memory_space<hbm>>) dst(%dma_wait3A_239 : memref<4096xi32, #tpu.memory_space<vmem_shared>>)
    } else {
    }
    %add3A_111 = arith.constant 48 : i32
    %add3A_112 = arith.addi %arg1, %add3A_111 : i32
    %min3A_113 = arith.constant 49 : i32
    %min3A_114 = arith.minsi %add3A_112, %min3A_113 : i32
    %mul3A_115 = arith.constant 4096 : i32
    %mul3A_116 = arith.muli %min3A_114, %mul3A_115 : i32
    %mul3A_117 = arith.constant 4096 : i32
    %mul3A_118 = arith.muli %min3A_114, %mul3A_117 : i32
    %add3A_119 = arith.constant 48 : i32
    %add3A_120 = arith.addi %arg1, %add3A_119 : i32
    %lt3A_121 = arith.constant 50 : i32
    %lt3A_122 = arith.cmpi slt, %add3A_120, %lt3A_121 : i32
    %convert_element_type3A_123 = arith.extui %lt3A_122 : i1 to i32
    %cond3A_124 = arith.constant 0 : i32
    %cond3A_125 = arith.cmpi ne, %convert_element_type3A_123, %cond3A_124 : i32
    scf.if %cond3A_125 {
      %dma_wait3A_239 = tpu.memref_slice %arg14[%mul3A_118] : memref<204800xi32, #tpu.memory_space<vmem_shared>> -> memref<4096xi32, #tpu.memory_space<vmem_shared>>
      %dma_wait3A_240 = tpu.memref_slice %arg2[%mul3A_116] : memref<204800xi32, #tpu.memory_space<hbm>> -> memref<4096xi32, #tpu.memory_space<hbm>>
      tpu.wait_dma2 semaphore(%arg23 : memref<!tpu.dma_semaphore, #tpu.memory_space<semaphore_mem>>) src(%dma_wait3A_240 : memref<4096xi32, #tpu.memory_space<hbm>>) dst(%dma_wait3A_239 : memref<4096xi32, #tpu.memory_space<vmem_shared>>)
    } else {
    }
    %barrier3A = arith.constant 0 : index
    tpu.barrier barrier_id(%barrier3A)
    %dma_start3A_126 = tpu.memref_slice %arg14[%mul3A_65] : memref<204800xi32, #tpu.memory_space<vmem_shared>> -> memref<800xi32, #tpu.memory_space<vmem_shared>>
    %dma_start3A_127 = tpu.memref_slice %arg14[%mul3A_65] : memref<204800xi32, #tpu.memory_space<vmem_shared>> -> memref<800xi32, #tpu.memory_space<vmem_shared>>
    tpu.enqueue_dma source(%dma_start3A_127 : memref<800xi32, #tpu.memory_space<vmem_shared>>) target(%arg12 : memref<800xi32, #tpu.memory_space<vmem>>) target_semaphore(%arg20 : memref<!tpu.dma_semaphore, #tpu.memory_space<semaphore_mem>>)
    %dma_wait3A = tpu.memref_slice %arg14[%mul3A_65] : memref<204800xi32, #tpu.memory_space<vmem_shared>> -> memref<800xi32, #tpu.memory_space<vmem_shared>>
    %dma_wait3A_128 = tpu.memref_slice %arg14[%mul3A_65] : memref<204800xi32, #tpu.memory_space<vmem_shared>> -> memref<800xi32, #tpu.memory_space<vmem_shared>>
    tpu.wait_dma2 semaphore(%arg20 : memref<!tpu.dma_semaphore, #tpu.memory_space<semaphore_mem>>) src(%dma_wait3A_128 : memref<800xi32, #tpu.memory_space<vmem_shared>>) dst(%arg12 : memref<800xi32, #tpu.memory_space<vmem>>)
    %dma_start3A_129 = arith.constant 0 : i32
    %dma_start3A_130 = tpu.memref_slice %arg4[%dma_start3A_129] : memref<100000xf32, #tpu.memory_space<hbm>> -> memref<100000xf32, #tpu.memory_space<hbm>>
    tpu.enqueue_indirect_dma source(%dma_start3A_130 : memref<100000xf32, #tpu.memory_space<hbm>>) target(%arg13 : memref<800xf32, #tpu.memory_space<vmem>>) offsets(%arg12 : memref<800xi32, #tpu.memory_space<vmem>>) semaphore(%arg21 : memref<!tpu.dma_semaphore, #tpu.memory_space<semaphore_mem>>)
    %mul3A_131 = arith.constant 2 : i32
    %mul3A_132 = arith.muli %add3A, %mul3A_131 : i32
    %add3A_133 = arith.constant 0 : i32
    %add3A_134 = arith.addi %mul3A_132, %add3A_133 : i32
    %min3A_135 = arith.constant 0 : i32
    %min3A_136 = arith.constant 49 : i32
    %min3A_137 = arith.minsi %min3A_135, %min3A_136 : i32
    %mul3A_138 = arith.constant 4096 : i32
    %mul3A_139 = arith.muli %min3A_137, %mul3A_138 : i32
    %dma_start3A_140 = tpu.memref_slice %arg14[%mul3A_139] : memref<204800xi32, #tpu.memory_space<vmem_shared>> -> memref<4096xi32, #tpu.memory_space<vmem_shared>>
    %dma_start3A_141 = tpu.memref_slice %arg14[%mul3A_139] : memref<204800xi32, #tpu.memory_space<vmem_shared>> -> memref<4096xi32, #tpu.memory_space<vmem_shared>>
    tpu.enqueue_dma source(%dma_start3A_141 : memref<4096xi32, #tpu.memory_space<vmem_shared>>) target(%arg8 : memref<4096xi32, #tpu.memory_space<vmem>>) target_semaphore(%arg16 : memref<!tpu.dma_semaphore, #tpu.memory_space<semaphore_mem>>)
    %dma_wait3A_142 = arith.constant 0 : i32
    %dma_wait3A_143 = tpu.memref_slice %arg3[%add3A_134, %dma_wait3A_142] : memref<64x100000xf32, #tpu.memory_space<hbm>> -> memref<1x100000xf32, #tpu.memory_space<hbm>>
    %dma_wait3A_144 = tpu.memref_squeeze %dma_wait3A_143 : memref<1x100000xf32, #tpu.memory_space<hbm>> -> memref<100000xf32, #tpu.memory_space<hbm>>
    %dma_wait3A_145 = arith.constant 0 : i32
    %dma_wait3A_146 = tpu.memref_slice %arg3[%add3A_134, %dma_wait3A_145] : memref<64x100000xf32, #tpu.memory_space<hbm>> -> memref<1x100000xf32, #tpu.memory_space<hbm>>
    %dma_wait3A_147 = tpu.memref_squeeze %dma_wait3A_146 : memref<1x100000xf32, #tpu.memory_space<hbm>> -> memref<100000xf32, #tpu.memory_space<hbm>>
    tpu.wait_dma2 semaphore(%arg15 : memref<!tpu.dma_semaphore, #tpu.memory_space<semaphore_mem>>) src(%dma_wait3A_147 : memref<100000xf32, #tpu.memory_space<hbm>>) dst(%arg7 : memref<100000xf32, #tpu.memory_space<vmem>>)
    %scan3A = arith.constant 0 : i32
    %scan3A_148 = arith.constant 25 : i32
    %scan3A_149 = arith.addi %scan3A, %scan3A_148 : i32
    %scan3A_150 = arith.constant 1 : i32
    scf.for %scan3A_239 = %scan3A to %scan3A_149 step %scan3A_150  : i32 {
      %mul3A_240 = arith.constant 2 : i32
      %mul3A_241 = arith.muli %mul3A_240, %scan3A_239 : i32
      %add3A_242 = arith.constant 0 : i32
      %add3A_243 = arith.addi %mul3A_241, %add3A_242 : i32
      %add3A_244 = arith.constant 1 : i32
      %add3A_245 = arith.addi %add3A_243, %add3A_244 : i32
      %lt3A_246 = arith.constant 50 : i32
      %lt3A_247 = arith.cmpi slt, %add3A_245, %lt3A_246 : i32
      %convert_element_type3A_248 = arith.extui %lt3A_247 : i1 to i32
      %cond3A_249 = arith.constant 0 : i32
      %cond3A_250 = arith.cmpi ne, %convert_element_type3A_248, %cond3A_249 : i32
      scf.if %cond3A_250 {
        %add3A_311 = arith.constant 1 : i32
        %add3A_312 = arith.addi %add3A_243, %add3A_311 : i32
        %min3A_313 = arith.constant 49 : i32
        %min3A_314 = arith.minsi %add3A_312, %min3A_313 : i32
        %mul3A_315 = arith.constant 4096 : i32
        %mul3A_316 = arith.muli %min3A_314, %mul3A_315 : i32
        %mul3A_317 = arith.constant 4096 : i32
        %mul3A_318 = arith.muli %add3A_312, %mul3A_317 : i32
        %lt3A_319 = arith.constant 50 : i32
        %lt3A_320 = arith.cmpi slt, %add3A_312, %lt3A_319 : i32
        %convert_element_type3A_321 = arith.extui %lt3A_320 : i1 to i32
        %cond3A_322 = arith.constant 0 : i32
        %cond3A_323 = arith.cmpi ne, %convert_element_type3A_321, %cond3A_322 : i32
        scf.if %cond3A_323 {
          %dma_start3A_328 = tpu.memref_slice %arg14[%mul3A_316] : memref<204800xi32, #tpu.memory_space<vmem_shared>> -> memref<4096xi32, #tpu.memory_space<vmem_shared>>
          %dma_start3A_329 = tpu.memref_slice %arg14[%mul3A_316] : memref<204800xi32, #tpu.memory_space<vmem_shared>> -> memref<4096xi32, #tpu.memory_space<vmem_shared>>
          tpu.enqueue_dma source(%dma_start3A_329 : memref<4096xi32, #tpu.memory_space<vmem_shared>>) target(%arg9 : memref<4096xi32, #tpu.memory_space<vmem>>) target_semaphore(%arg17 : memref<!tpu.dma_semaphore, #tpu.memory_space<semaphore_mem>>)
        } else {
        }
        %ge3A = arith.constant 50 : i32
        %ge3A_324 = arith.cmpi sge, %add3A_312, %ge3A : i32
        %convert_element_type3A_325 = arith.extui %ge3A_324 : i1 to i32
        %cond3A_326 = arith.constant 0 : i32
        %cond3A_327 = arith.cmpi ne, %convert_element_type3A_325, %cond3A_326 : i32
        scf.if %cond3A_327 {
          %dma_start3A_328 = tpu.memref_slice %arg2[%mul3A_318] : memref<204800xi32, #tpu.memory_space<hbm>> -> memref<4096xi32, #tpu.memory_space<hbm>>
          %dma_start3A_329 = tpu.memref_slice %arg2[%mul3A_318] : memref<204800xi32, #tpu.memory_space<hbm>> -> memref<4096xi32, #tpu.memory_space<hbm>>
          tpu.enqueue_dma source(%dma_start3A_329 : memref<4096xi32, #tpu.memory_space<hbm>>) target(%arg9 : memref<4096xi32, #tpu.memory_space<vmem>>) target_semaphore(%arg17 : memref<!tpu.dma_semaphore, #tpu.memory_space<semaphore_mem>>)
        } else {
        }
      } else {
      }
      %mul3A_251 = arith.constant 4096 : i32
      %mul3A_252 = arith.muli %add3A_243, %mul3A_251 : i32
      %dma_wait3A_253 = tpu.memref_slice %arg2[%mul3A_252] : memref<204800xi32, #tpu.memory_space<hbm>> -> memref<4096xi32, #tpu.memory_space<hbm>>
      %dma_wait3A_254 = tpu.memref_slice %arg2[%mul3A_252] : memref<204800xi32, #tpu.memory_space<hbm>> -> memref<4096xi32, #tpu.memory_space<hbm>>
      tpu.wait_dma2 semaphore(%arg16 : memref<!tpu.dma_semaphore, #tpu.memory_space<semaphore_mem>>) src(%dma_wait3A_254 : memref<4096xi32, #tpu.memory_space<hbm>>) dst(%arg8 : memref<4096xi32, #tpu.memory_space<vmem>>)
      %gt3A = arith.constant 0 : i32
      %gt3A_255 = arith.cmpi sgt, %scan3A_239, %gt3A : i32
      %convert_element_type3A_256 = arith.extui %gt3A_255 : i1 to i32
      %cond3A_257 = arith.constant 0 : i32
      %cond3A_258 = arith.cmpi ne, %convert_element_type3A_256, %cond3A_257 : i32
      scf.if %cond3A_258 {
        %sub3A = arith.constant 2 : i32
        %sub3A_311 = arith.subi %add3A_243, %sub3A : i32
        %max3A = arith.constant 0 : i32
        %max3A_312 = arith.maxsi %sub3A_311, %max3A : i32
        %dma_wait3A_313 = arith.constant 0 : i32
        %dma_wait3A_314 = tpu.memref_slice %arg5[%max3A_312, %add3A_134, %dma_wait3A_313] : memref<50x64x4096xf32, #tpu.memory_space<hbm>> -> memref<1x1x4096xf32, #tpu.memory_space<hbm>>
        %dma_wait3A_315 = tpu.memref_squeeze %dma_wait3A_314 : memref<1x1x4096xf32, #tpu.memory_space<hbm>> -> memref<4096xf32, #tpu.memory_space<hbm>>
        %dma_wait3A_316 = arith.constant 0 : i32
        %dma_wait3A_317 = tpu.memref_slice %arg5[%max3A_312, %add3A_134, %dma_wait3A_316] : memref<50x64x4096xf32, #tpu.memory_space<hbm>> -> memref<1x1x4096xf32, #tpu.memory_space<hbm>>
        %dma_wait3A_318 = tpu.memref_squeeze %dma_wait3A_317 : memref<1x1x4096xf32, #tpu.memory_space<hbm>> -> memref<4096xf32, #tpu.memory_space<hbm>>
        tpu.wait_dma2 semaphore(%arg18 : memref<!tpu.dma_semaphore, #tpu.memory_space<semaphore_mem>>) src(%arg10 : memref<4096xf32, #tpu.memory_space<vmem>>) dst(%dma_wait3A_318 : memref<4096xf32, #tpu.memory_space<hbm>>)
      } else {
      }
      %parallel_loop3A_259 = arith.constant 0 : i32
      %parallel_loop3A_260 = arith.constant 256 : i32
      %parallel_loop3A_261 = arith.constant 1 : i32
      scf.for %parallel_loop3A_311 = %parallel_loop3A_259 to %parallel_loop3A_260 step %parallel_loop3A_261  : i32 {
        %parallel_loop3A_312 = arith.constant 16 : i32
        %parallel_loop3A_313 = arith.muli %parallel_loop3A_311, %parallel_loop3A_312 : i32
        %parallel_loop3A_314 = arith.index_cast %parallel_loop3A_313 : i32 to index
        %parallel_loop3A_315 = tpu.vector_load %arg8[%parallel_loop3A_314] {strides = array<i32>} : memref<4096xi32, #tpu.memory_space<vmem>>, vector<16xi32>,
        %parallel_loop3A_316 = tpu.vector_load_idx %arg7[%parallel_loop3A_315] : memref<100000xf32, #tpu.memory_space<vmem>>[vector<16xi32>], vector<16xf32>,
        %parallel_loop3A_317 = arith.index_cast %parallel_loop3A_313 : i32 to index
        %parallel_loop3A_318 = tpu.vector_load %arg10[%parallel_loop3A_317] {strides = array<i32>} : memref<4096xf32, #tpu.memory_space<vmem>>, vector<16xf32>,
        tpu.vector_store %arg10[%parallel_loop3A_317], %parallel_loop3A_316 {strides = array<i32>} : memref<4096xf32, #tpu.memory_space<vmem>>, vector<16xf32>,
      } {sc.loop_unroll_factor = 8 : i64, sc.parallel_access}
      %dma_start3A_262 = arith.constant 0 : i32
      %dma_start3A_263 = tpu.memref_slice %arg5[%add3A_243, %add3A_134, %dma_start3A_262] : memref<50x64x4096xf32, #tpu.memory_space<hbm>> -> memref<1x1x4096xf32, #tpu.memory_space<hbm>>
      %dma_start3A_264 = tpu.memref_squeeze %dma_start3A_263 : memref<1x1x4096xf32, #tpu.memory_space<hbm>> -> memref<4096xf32, #tpu.memory_space<hbm>>
      %dma_start3A_265 = arith.constant 0 : i32
      %dma_start3A_266 = tpu.memref_slice %arg5[%add3A_243, %add3A_134, %dma_start3A_265] : memref<50x64x4096xf32, #tpu.memory_space<hbm>> -> memref<1x1x4096xf32, #tpu.memory_space<hbm>>
      %dma_start3A_267 = tpu.memref_squeeze %dma_start3A_266 : memref<1x1x4096xf32, #tpu.memory_space<hbm>> -> memref<4096xf32, #tpu.memory_space<hbm>>
      tpu.enqueue_dma source(%arg10 : memref<4096xf32, #tpu.memory_space<vmem>>) target(%dma_start3A_267 : memref<4096xf32, #tpu.memory_space<hbm>>) target_semaphore(%arg18 : memref<!tpu.dma_semaphore, #tpu.memory_space<semaphore_mem>>)
      %mul3A_268 = arith.constant 2 : i32
      %mul3A_269 = arith.muli %mul3A_268, %scan3A_239 : i32
      %add3A_270 = arith.constant 1 : i32
      %add3A_271 = arith.addi %mul3A_269, %add3A_270 : i32
      %add3A_272 = arith.constant 1 : i32
      %add3A_273 = arith.addi %add3A_271, %add3A_272 : i32
      %lt3A_274 = arith.constant 50 : i32
      %lt3A_275 = arith.cmpi slt, %add3A_273, %lt3A_274 : i32
      %convert_element_type3A_276 = arith.extui %lt3A_275 : i1 to i32
      %cond3A_277 = arith.constant 0 : i32
      %cond3A_278 = arith.cmpi ne, %convert_element_type3A_276, %cond3A_277 : i32
      scf.if %cond3A_278 {
        %add3A_311 = arith.constant 1 : i32
        %add3A_312 = arith.addi %add3A_271, %add3A_311 : i32
        %min3A_313 = arith.constant 49 : i32
        %min3A_314 = arith.minsi %add3A_312, %min3A_313 : i32
        %mul3A_315 = arith.constant 4096 : i32
        %mul3A_316 = arith.muli %min3A_314, %mul3A_315 : i32
        %mul3A_317 = arith.constant 4096 : i32
        %mul3A_318 = arith.muli %add3A_312, %mul3A_317 : i32
        %lt3A_319 = arith.constant 50 : i32
        %lt3A_320 = arith.cmpi slt, %add3A_312, %lt3A_319 : i32
        %convert_element_type3A_321 = arith.extui %lt3A_320 : i1 to i32
        %cond3A_322 = arith.constant 0 : i32
        %cond3A_323 = arith.cmpi ne, %convert_element_type3A_321, %cond3A_322 : i32
        scf.if %cond3A_323 {
          %dma_start3A_328 = tpu.memref_slice %arg14[%mul3A_316] : memref<204800xi32, #tpu.memory_space<vmem_shared>> -> memref<4096xi32, #tpu.memory_space<vmem_shared>>
          %dma_start3A_329 = tpu.memref_slice %arg14[%mul3A_316] : memref<204800xi32, #tpu.memory_space<vmem_shared>> -> memref<4096xi32, #tpu.memory_space<vmem_shared>>
          tpu.enqueue_dma source(%dma_start3A_329 : memref<4096xi32, #tpu.memory_space<vmem_shared>>) target(%arg8 : memref<4096xi32, #tpu.memory_space<vmem>>) target_semaphore(%arg16 : memref<!tpu.dma_semaphore, #tpu.memory_space<semaphore_mem>>)
        } else {
        }
        %ge3A = arith.constant 50 : i32
        %ge3A_324 = arith.cmpi sge, %add3A_312, %ge3A : i32
        %convert_element_type3A_325 = arith.extui %ge3A_324 : i1 to i32
        %cond3A_326 = arith.constant 0 : i32
        %cond3A_327 = arith.cmpi ne, %convert_element_type3A_325, %cond3A_326 : i32
        scf.if %cond3A_327 {
          %dma_start3A_328 = tpu.memref_slice %arg2[%mul3A_318] : memref<204800xi32, #tpu.memory_space<hbm>> -> memref<4096xi32, #tpu.memory_space<hbm>>
          %dma_start3A_329 = tpu.memref_slice %arg2[%mul3A_318] : memref<204800xi32, #tpu.memory_space<hbm>> -> memref<4096xi32, #tpu.memory_space<hbm>>
          tpu.enqueue_dma source(%dma_start3A_329 : memref<4096xi32, #tpu.memory_space<hbm>>) target(%arg8 : memref<4096xi32, #tpu.memory_space<vmem>>) target_semaphore(%arg16 : memref<!tpu.dma_semaphore, #tpu.memory_space<semaphore_mem>>)
        } else {
        }
      } else {
      }
      %mul3A_279 = arith.constant 4096 : i32
      %mul3A_280 = arith.muli %add3A_271, %mul3A_279 : i32
      %dma_wait3A_281 = tpu.memref_slice %arg2[%mul3A_280] : memref<204800xi32, #tpu.memory_space<hbm>> -> memref<4096xi32, #tpu.memory_space<hbm>>
      %dma_wait3A_282 = tpu.memref_slice %arg2[%mul3A_280] : memref<204800xi32, #tpu.memory_space<hbm>> -> memref<4096xi32, #tpu.memory_space<hbm>>
      tpu.wait_dma2 semaphore(%arg17 : memref<!tpu.dma_semaphore, #tpu.memory_space<semaphore_mem>>) src(%dma_wait3A_282 : memref<4096xi32, #tpu.memory_space<hbm>>) dst(%arg9 : memref<4096xi32, #tpu.memory_space<vmem>>)
      %gt3A_283 = arith.constant 0 : i32
      %gt3A_284 = arith.cmpi sgt, %scan3A_239, %gt3A_283 : i32
      %convert_element_type3A_285 = arith.extui %gt3A_284 : i1 to i32
      %cond3A_286 = arith.constant 0 : i32
      %cond3A_287 = arith.cmpi ne, %convert_element_type3A_285, %cond3A_286 : i32
      scf.if %cond3A_287 {
        %sub3A = arith.constant 2 : i32
        %sub3A_311 = arith.subi %add3A_271, %sub3A : i32
        %max3A = arith.constant 0 : i32
        %max3A_312 = arith.maxsi %sub3A_311, %max3A : i32
        %dma_wait3A_313 = arith.constant 0 : i32
        %dma_wait3A_314 = tpu.memref_slice %arg5[%max3A_312, %add3A_134, %dma_wait3A_313] : memref<50x64x4096xf32, #tpu.memory_space<hbm>> -> memref<1x1x4096xf32, #tpu.memory_space<hbm>>
        %dma_wait3A_315 = tpu.memref_squeeze %dma_wait3A_314 : memref<1x1x4096xf32, #tpu.memory_space<hbm>> -> memref<4096xf32, #tpu.memory_space<hbm>>
        %dma_wait3A_316 = arith.constant 0 : i32
        %dma_wait3A_317 = tpu.memref_slice %arg5[%max3A_312, %add3A_134, %dma_wait3A_316] : memref<50x64x4096xf32, #tpu.memory_space<hbm>> -> memref<1x1x4096xf32, #tpu.memory_space<hbm>>
        %dma_wait3A_318 = tpu.memref_squeeze %dma_wait3A_317 : memref<1x1x4096xf32, #tpu.memory_space<hbm>> -> memref<4096xf32, #tpu.memory_space<hbm>>
        tpu.wait_dma2 semaphore(%arg19 : memref<!tpu.dma_semaphore, #tpu.memory_space<semaphore_mem>>) src(%arg11 : memref<4096xf32, #tpu.memory_space<vmem>>) dst(%dma_wait3A_318 : memref<4096xf32, #tpu.memory_space<hbm>>)
      } else {
      }
      %parallel_loop3A_288 = arith.constant 0 : i32
      %parallel_loop3A_289 = arith.constant 256 : i32
      %parallel_loop3A_290 = arith.constant 1 : i32
      scf.for %parallel_loop3A_311 = %parallel_loop3A_288 to %parallel_loop3A_289 step %parallel_loop3A_290  : i32 {
        %parallel_loop3A_312 = arith.constant 16 : i32
        %parallel_loop3A_313 = arith.muli %parallel_loop3A_311, %parallel_loop3A_312 : i32
        %parallel_loop3A_314 = arith.index_cast %parallel_loop3A_313 : i32 to index
        %parallel_loop3A_315 = tpu.vector_load %arg9[%parallel_loop3A_314] {strides = array<i32>} : memref<4096xi32, #tpu.memory_space<vmem>>, vector<16xi32>,
        %parallel_loop3A_316 = tpu.vector_load_idx %arg7[%parallel_loop3A_315] : memref<100000xf32, #tpu.memory_space<vmem>>[vector<16xi32>], vector<16xf32>,
        %parallel_loop3A_317 = arith.index_cast %parallel_loop3A_313 : i32 to index
        %parallel_loop3A_318 = tpu.vector_load %arg11[%parallel_loop3A_317] {strides = array<i32>} : memref<4096xf32, #tpu.memory_space<vmem>>, vector<16xf32>,
        tpu.vector_store %arg11[%parallel_loop3A_317], %parallel_loop3A_316 {strides = array<i32>} : memref<4096xf32, #tpu.memory_space<vmem>>, vector<16xf32>,
      } {sc.loop_unroll_factor = 8 : i64, sc.parallel_access}
      %dma_start3A_291 = arith.constant 0 : i32
      %dma_start3A_292 = tpu.memref_slice %arg5[%add3A_271, %add3A_134, %dma_start3A_291] : memref<50x64x4096xf32, #tpu.memory_space<hbm>> -> memref<1x1x4096xf32, #tpu.memory_space<hbm>>
      %dma_start3A_293 = tpu.memref_squeeze %dma_start3A_292 : memref<1x1x4096xf32, #tpu.memory_space<hbm>> -> memref<4096xf32, #tpu.memory_space<hbm>>
      %dma_start3A_294 = arith.constant 0 : i32
      %dma_start3A_295 = tpu.memref_slice %arg5[%add3A_271, %add3A_134, %dma_start3A_294] : memref<50x64x4096xf32, #tpu.memory_space<hbm>> -> memref<1x1x4096xf32, #tpu.memory_space<hbm>>
      %dma_start3A_296 = tpu.memref_squeeze %dma_start3A_295 : memref<1x1x4096xf32, #tpu.memory_space<hbm>> -> memref<4096xf32, #tpu.memory_space<hbm>>
      tpu.enqueue_dma source(%arg11 : memref<4096xf32, #tpu.memory_space<vmem>>) target(%dma_start3A_296 : memref<4096xf32, #tpu.memory_space<hbm>>) target_semaphore(%arg19 : memref<!tpu.dma_semaphore, #tpu.memory_space<semaphore_mem>>)
      %eq3A = arith.constant 6 : i32
      %eq3A_297 = arith.cmpi eq, %scan3A_239, %eq3A : i32
      %convert_element_type3A_298 = arith.extui %eq3A_297 : i1 to i32
      %cond3A_299 = arith.constant 0 : i32
      %cond3A_300 = arith.cmpi ne, %convert_element_type3A_298, %cond3A_299 : i32
      scf.if %cond3A_300 {
        %add3A_311 = arith.constant 0 : i32
        %add3A_312 = arith.addi %mul3A_65, %add3A_311 : i32
        %dma_wait3A_313 = arith.constant 0 : i32
        %dma_wait3A_314 = tpu.memref_slice %arg4[%dma_wait3A_313] : memref<100000xf32, #tpu.memory_space<hbm>> -> memref<100000xf32, #tpu.memory_space<hbm>>
        tpu.wait_indirect_dma semaphore(%arg21 : memref<!tpu.dma_semaphore, #tpu.memory_space<semaphore_mem>>) src(%dma_wait3A_314 : memref<100000xf32, #tpu.memory_space<hbm>>) dst(%arg13 : memref<800xf32, #tpu.memory_space<vmem>>)
        %parallel_loop3A_315 = arith.constant 0 : i32
        %parallel_loop3A_316 = arith.constant 50 : i32
        %parallel_loop3A_317 = arith.constant 1 : i32
        scf.for %parallel_loop3A_330 = %parallel_loop3A_315 to %parallel_loop3A_316 step %parallel_loop3A_317  : i32 {
          %parallel_loop3A_331 = arith.constant 16 : i32
          %parallel_loop3A_332 = arith.muli %parallel_loop3A_330, %parallel_loop3A_331 : i32
          %parallel_loop3A_333 = arith.index_cast %parallel_loop3A_332 : i32 to index
          %parallel_loop3A_334 = tpu.vector_load %arg13[%parallel_loop3A_333] {strides = array<i32>} : memref<800xf32, #tpu.memory_space<vmem>>, vector<16xf32>,
          %parallel_loop3A_335 = math.absf %parallel_loop3A_334 : vector<16xf32>
          %parallel_loop3A_336 = arith.constant 0.000000e+00 : f32
          %parallel_loop3A_337 = vector.broadcast %parallel_loop3A_336 : f32 to vector<16xf32>
          %parallel_loop3A_338 = arith.subf %parallel_loop3A_337, %parallel_loop3A_335 : vector<16xf32>
          %parallel_loop3A_339 = math.exp %parallel_loop3A_338 : vector<16xf32>
          %parallel_loop3A_340 = arith.constant 2.000000e+00 : f32
          %parallel_loop3A_341 = vector.broadcast %parallel_loop3A_340 : f32 to vector<16xf32>
          %parallel_loop3A_342 = arith.addf %parallel_loop3A_341, %parallel_loop3A_339 : vector<16xf32>
          %parallel_loop3A_343 = arith.divf %parallel_loop3A_339, %parallel_loop3A_342 : vector<16xf32>
          %parallel_loop3A_344 = arith.mulf %parallel_loop3A_343, %parallel_loop3A_343 : vector<16xf32>
          %parallel_loop3A_345 = arith.constant 0.111111112 : f32
          %parallel_loop3A_346 = vector.broadcast %parallel_loop3A_345 : f32 to vector<16xf32>
          %parallel_loop3A_347 = arith.mulf %parallel_loop3A_344, %parallel_loop3A_346 : vector<16xf32>
          %parallel_loop3A_348 = arith.constant 0.142857149 : f32
          %parallel_loop3A_349 = vector.broadcast %parallel_loop3A_348 : f32 to vector<16xf32>
          %parallel_loop3A_350 = arith.addf %parallel_loop3A_349, %parallel_loop3A_347 : vector<16xf32>
          %parallel_loop3A_351 = arith.mulf %parallel_loop3A_344, %parallel_loop3A_350 : vector<16xf32>
          %parallel_loop3A_352 = arith.constant 2.000000e-01 : f32
          %parallel_loop3A_353 = vector.broadcast %parallel_loop3A_352 : f32 to vector<16xf32>
          %parallel_loop3A_354 = arith.addf %parallel_loop3A_353, %parallel_loop3A_351 : vector<16xf32>
          %parallel_loop3A_355 = arith.mulf %parallel_loop3A_344, %parallel_loop3A_354 : vector<16xf32>
          %parallel_loop3A_356 = arith.constant 0.333333343 : f32
          %parallel_loop3A_357 = vector.broadcast %parallel_loop3A_356 : f32 to vector<16xf32>
          %parallel_loop3A_358 = arith.addf %parallel_loop3A_357, %parallel_loop3A_355 : vector<16xf32>
          %parallel_loop3A_359 = arith.mulf %parallel_loop3A_344, %parallel_loop3A_358 : vector<16xf32>
          %parallel_loop3A_360 = arith.constant 1.000000e+00 : f32
          %parallel_loop3A_361 = vector.broadcast %parallel_loop3A_360 : f32 to vector<16xf32>
          %parallel_loop3A_362 = arith.addf %parallel_loop3A_361, %parallel_loop3A_359 : vector<16xf32>
          %parallel_loop3A_363 = arith.constant 0.000000e+00 : f32
          %parallel_loop3A_364 = vector.broadcast %parallel_loop3A_363 : f32 to vector<16xf32>
          %parallel_loop3A_365 = arith.maximumf %parallel_loop3A_334, %parallel_loop3A_364 : vector<16xf32>
          %parallel_loop3A_366 = arith.constant 2.000000e+00 : f32
          %parallel_loop3A_367 = vector.broadcast %parallel_loop3A_366 : f32 to vector<16xf32>
          %parallel_loop3A_368 = arith.mulf %parallel_loop3A_367, %parallel_loop3A_343 : vector<16xf32>
          %parallel_loop3A_369 = arith.mulf %parallel_loop3A_368, %parallel_loop3A_362 : vector<16xf32>
          %parallel_loop3A_370 = arith.addf %parallel_loop3A_365, %parallel_loop3A_369 : vector<16xf32>
          %parallel_loop3A_371 = arith.index_cast %parallel_loop3A_332 : i32 to index
          %parallel_loop3A_372 = tpu.vector_load %arg13[%parallel_loop3A_371] {strides = array<i32>} : memref<800xf32, #tpu.memory_space<vmem>>, vector<16xf32>,
          tpu.vector_store %arg13[%parallel_loop3A_371], %parallel_loop3A_370 {strides = array<i32>} : memref<800xf32, #tpu.memory_space<vmem>>, vector<16xf32>,
        } {sc.loop_unroll_factor = 4 : i64, sc.parallel_access}
        %dma_start3A_318 = tpu.memref_slice %arg6[%add3A_312] : memref<204800xf32, #tpu.memory_space<hbm>> -> memref<800xf32, #tpu.memory_space<hbm>>
        %dma_start3A_319 = tpu.memref_slice %arg6[%add3A_312] : memref<204800xf32, #tpu.memory_space<hbm>> -> memref<800xf32, #tpu.memory_space<hbm>>
        tpu.enqueue_dma source(%arg13 : memref<800xf32, #tpu.memory_space<vmem>>) target(%dma_start3A_319 : memref<800xf32, #tpu.memory_space<hbm>>) target_semaphore(%arg22 : memref<!tpu.dma_semaphore, #tpu.memory_space<semaphore_mem>>)
        %dma_wait3A_320 = tpu.memref_slice %arg6[%add3A_312] : memref<204800xf32, #tpu.memory_space<hbm>> -> memref<800xf32, #tpu.memory_space<hbm>>
        %dma_wait3A_321 = tpu.memref_slice %arg6[%add3A_312] : memref<204800xf32, #tpu.memory_space<hbm>> -> memref<800xf32, #tpu.memory_space<hbm>>
        tpu.wait_dma2 semaphore(%arg22 : memref<!tpu.dma_semaphore, #tpu.memory_space<semaphore_mem>>) src(%arg13 : memref<800xf32, #tpu.memory_space<vmem>>) dst(%dma_wait3A_321 : memref<800xf32, #tpu.memory_space<hbm>>)
        %add3A_322 = arith.constant 800 : i32
        %add3A_323 = arith.addi %mul3A_65, %add3A_322 : i32
        %dma_start3A_324 = tpu.memref_slice %arg14[%add3A_323] : memref<204800xi32, #tpu.memory_space<vmem_shared>> -> memref<800xi32, #tpu.memory_space<vmem_shared>>
        %dma_start3A_325 = tpu.memref_slice %arg14[%add3A_323] : memref<204800xi32, #tpu.memory_space<vmem_shared>> -> memref<800xi32, #tpu.memory_space<vmem_shared>>
        tpu.enqueue_dma source(%dma_start3A_325 : memref<800xi32, #tpu.memory_space<vmem_shared>>) target(%arg12 : memref<800xi32, #tpu.memory_space<vmem>>) target_semaphore(%arg20 : memref<!tpu.dma_semaphore, #tpu.memory_space<semaphore_mem>>)
        %dma_wait3A_326 = tpu.memref_slice %arg14[%add3A_323] : memref<204800xi32, #tpu.memory_space<vmem_shared>> -> memref<800xi32, #tpu.memory_space<vmem_shared>>
        %dma_wait3A_327 = tpu.memref_slice %arg14[%add3A_323] : memref<204800xi32, #tpu.memory_space<vmem_shared>> -> memref<800xi32, #tpu.memory_space<vmem_shared>>
        tpu.wait_dma2 semaphore(%arg20 : memref<!tpu.dma_semaphore, #tpu.memory_space<semaphore_mem>>) src(%dma_wait3A_327 : memref<800xi32, #tpu.memory_space<vmem_shared>>) dst(%arg12 : memref<800xi32, #tpu.memory_space<vmem>>)
        %dma_start3A_328 = arith.constant 0 : i32
        %dma_start3A_329 = tpu.memref_slice %arg4[%dma_start3A_328] : memref<100000xf32, #tpu.memory_space<hbm>> -> memref<100000xf32, #tpu.memory_space<hbm>>
        tpu.enqueue_indirect_dma source(%dma_start3A_329 : memref<100000xf32, #tpu.memory_space<hbm>>) target(%arg13 : memref<800xf32, #tpu.memory_space<vmem>>) offsets(%arg12 : memref<800xi32, #tpu.memory_space<vmem>>) semaphore(%arg21 : memref<!tpu.dma_semaphore, #tpu.memory_space<semaphore_mem>>)
      } else {
      }
      %eq3A_301 = arith.constant 12 : i32
      %eq3A_302 = arith.cmpi eq, %scan3A_239, %eq3A_301 : i32
      %convert_element_type3A_303 = arith.extui %eq3A_302 : i1 to i32
      %cond3A_304 = arith.constant 0 : i32
      %cond3A_305 = arith.cmpi ne, %convert_element_type3A_303, %cond3A_304 : i32
      scf.if %cond3A_305 {
        %add3A_311 = arith.constant 800 : i32
        %add3A_312 = arith.addi %mul3A_65, %add3A_311 : i32
        %dma_wait3A_313 = arith.constant 0 : i32
        %dma_wait3A_314 = tpu.memref_slice %arg4[%dma_wait3A_313] : memref<100000xf32, #tpu.memory_space<hbm>> -> memref<100000xf32, #tpu.memory_space<hbm>>
        tpu.wait_indirect_dma semaphore(%arg21 : memref<!tpu.dma_semaphore, #tpu.memory_space<semaphore_mem>>) src(%dma_wait3A_314 : memref<100000xf32, #tpu.memory_space<hbm>>) dst(%arg13 : memref<800xf32, #tpu.memory_space<vmem>>)
        %parallel_loop3A_315 = arith.constant 0 : i32
        %parallel_loop3A_316 = arith.constant 50 : i32
        %parallel_loop3A_317 = arith.constant 1 : i32
        scf.for %parallel_loop3A_330 = %parallel_loop3A_315 to %parallel_loop3A_316 step %parallel_loop3A_317  : i32 {
          %parallel_loop3A_331 = arith.constant 16 : i32
          %parallel_loop3A_332 = arith.muli %parallel_loop3A_330, %parallel_loop3A_331 : i32
          %parallel_loop3A_333 = arith.index_cast %parallel_loop3A_332 : i32 to index
          %parallel_loop3A_334 = tpu.vector_load %arg13[%parallel_loop3A_333] {strides = array<i32>} : memref<800xf32, #tpu.memory_space<vmem>>, vector<16xf32>,
          %parallel_loop3A_335 = math.absf %parallel_loop3A_334 : vector<16xf32>
          %parallel_loop3A_336 = arith.constant 0.000000e+00 : f32
          %parallel_loop3A_337 = vector.broadcast %parallel_loop3A_336 : f32 to vector<16xf32>
          %parallel_loop3A_338 = arith.subf %parallel_loop3A_337, %parallel_loop3A_335 : vector<16xf32>
          %parallel_loop3A_339 = math.exp %parallel_loop3A_338 : vector<16xf32>
          %parallel_loop3A_340 = arith.constant 2.000000e+00 : f32
          %parallel_loop3A_341 = vector.broadcast %parallel_loop3A_340 : f32 to vector<16xf32>
          %parallel_loop3A_342 = arith.addf %parallel_loop3A_341, %parallel_loop3A_339 : vector<16xf32>
          %parallel_loop3A_343 = arith.divf %parallel_loop3A_339, %parallel_loop3A_342 : vector<16xf32>
          %parallel_loop3A_344 = arith.mulf %parallel_loop3A_343, %parallel_loop3A_343 : vector<16xf32>
          %parallel_loop3A_345 = arith.constant 0.111111112 : f32
          %parallel_loop3A_346 = vector.broadcast %parallel_loop3A_345 : f32 to vector<16xf32>
          %parallel_loop3A_347 = arith.mulf %parallel_loop3A_344, %parallel_loop3A_346 : vector<16xf32>
          %parallel_loop3A_348 = arith.constant 0.142857149 : f32
          %parallel_loop3A_349 = vector.broadcast %parallel_loop3A_348 : f32 to vector<16xf32>
          %parallel_loop3A_350 = arith.addf %parallel_loop3A_349, %parallel_loop3A_347 : vector<16xf32>
          %parallel_loop3A_351 = arith.mulf %parallel_loop3A_344, %parallel_loop3A_350 : vector<16xf32>
          %parallel_loop3A_352 = arith.constant 2.000000e-01 : f32
          %parallel_loop3A_353 = vector.broadcast %parallel_loop3A_352 : f32 to vector<16xf32>
          %parallel_loop3A_354 = arith.addf %parallel_loop3A_353, %parallel_loop3A_351 : vector<16xf32>
          %parallel_loop3A_355 = arith.mulf %parallel_loop3A_344, %parallel_loop3A_354 : vector<16xf32>
          %parallel_loop3A_356 = arith.constant 0.333333343 : f32
          %parallel_loop3A_357 = vector.broadcast %parallel_loop3A_356 : f32 to vector<16xf32>
          %parallel_loop3A_358 = arith.addf %parallel_loop3A_357, %parallel_loop3A_355 : vector<16xf32>
          %parallel_loop3A_359 = arith.mulf %parallel_loop3A_344, %parallel_loop3A_358 : vector<16xf32>
          %parallel_loop3A_360 = arith.constant 1.000000e+00 : f32
          %parallel_loop3A_361 = vector.broadcast %parallel_loop3A_360 : f32 to vector<16xf32>
          %parallel_loop3A_362 = arith.addf %parallel_loop3A_361, %parallel_loop3A_359 : vector<16xf32>
          %parallel_loop3A_363 = arith.constant 0.000000e+00 : f32
          %parallel_loop3A_364 = vector.broadcast %parallel_loop3A_363 : f32 to vector<16xf32>
          %parallel_loop3A_365 = arith.maximumf %parallel_loop3A_334, %parallel_loop3A_364 : vector<16xf32>
          %parallel_loop3A_366 = arith.constant 2.000000e+00 : f32
          %parallel_loop3A_367 = vector.broadcast %parallel_loop3A_366 : f32 to vector<16xf32>
          %parallel_loop3A_368 = arith.mulf %parallel_loop3A_367, %parallel_loop3A_343 : vector<16xf32>
          %parallel_loop3A_369 = arith.mulf %parallel_loop3A_368, %parallel_loop3A_362 : vector<16xf32>
          %parallel_loop3A_370 = arith.addf %parallel_loop3A_365, %parallel_loop3A_369 : vector<16xf32>
          %parallel_loop3A_371 = arith.index_cast %parallel_loop3A_332 : i32 to index
          %parallel_loop3A_372 = tpu.vector_load %arg13[%parallel_loop3A_371] {strides = array<i32>} : memref<800xf32, #tpu.memory_space<vmem>>, vector<16xf32>,
          tpu.vector_store %arg13[%parallel_loop3A_371], %parallel_loop3A_370 {strides = array<i32>} : memref<800xf32, #tpu.memory_space<vmem>>, vector<16xf32>,
        } {sc.loop_unroll_factor = 4 : i64, sc.parallel_access}
        %dma_start3A_318 = tpu.memref_slice %arg6[%add3A_312] : memref<204800xf32, #tpu.memory_space<hbm>> -> memref<800xf32, #tpu.memory_space<hbm>>
        %dma_start3A_319 = tpu.memref_slice %arg6[%add3A_312] : memref<204800xf32, #tpu.memory_space<hbm>> -> memref<800xf32, #tpu.memory_space<hbm>>
        tpu.enqueue_dma source(%arg13 : memref<800xf32, #tpu.memory_space<vmem>>) target(%dma_start3A_319 : memref<800xf32, #tpu.memory_space<hbm>>) target_semaphore(%arg22 : memref<!tpu.dma_semaphore, #tpu.memory_space<semaphore_mem>>)
        %dma_wait3A_320 = tpu.memref_slice %arg6[%add3A_312] : memref<204800xf32, #tpu.memory_space<hbm>> -> memref<800xf32, #tpu.memory_space<hbm>>
        %dma_wait3A_321 = tpu.memref_slice %arg6[%add3A_312] : memref<204800xf32, #tpu.memory_space<hbm>> -> memref<800xf32, #tpu.memory_space<hbm>>
        tpu.wait_dma2 semaphore(%arg22 : memref<!tpu.dma_semaphore, #tpu.memory_space<semaphore_mem>>) src(%arg13 : memref<800xf32, #tpu.memory_space<vmem>>) dst(%dma_wait3A_321 : memref<800xf32, #tpu.memory_space<hbm>>)
        %add3A_322 = arith.constant 1600 : i32
        %add3A_323 = arith.addi %mul3A_65, %add3A_322 : i32
        %dma_start3A_324 = tpu.memref_slice %arg14[%add3A_323] : memref<204800xi32, #tpu.memory_space<vmem_shared>> -> memref<800xi32, #tpu.memory_space<vmem_shared>>
        %dma_start3A_325 = tpu.memref_slice %arg14[%add3A_323] : memref<204800xi32, #tpu.memory_space<vmem_shared>> -> memref<800xi32, #tpu.memory_space<vmem_shared>>
        tpu.enqueue_dma source(%dma_start3A_325 : memref<800xi32, #tpu.memory_space<vmem_shared>>) target(%arg12 : memref<800xi32, #tpu.memory_space<vmem>>) target_semaphore(%arg20 : memref<!tpu.dma_semaphore, #tpu.memory_space<semaphore_mem>>)
        %dma_wait3A_326 = tpu.memref_slice %arg14[%add3A_323] : memref<204800xi32, #tpu.memory_space<vmem_shared>> -> memref<800xi32, #tpu.memory_space<vmem_shared>>
        %dma_wait3A_327 = tpu.memref_slice %arg14[%add3A_323] : memref<204800xi32, #tpu.memory_space<vmem_shared>> -> memref<800xi32, #tpu.memory_space<vmem_shared>>
        tpu.wait_dma2 semaphore(%arg20 : memref<!tpu.dma_semaphore, #tpu.memory_space<semaphore_mem>>) src(%dma_wait3A_327 : memref<800xi32, #tpu.memory_space<vmem_shared>>) dst(%arg12 : memref<800xi32, #tpu.memory_space<vmem>>)
        %dma_start3A_328 = arith.constant 0 : i32
        %dma_start3A_329 = tpu.memref_slice %arg4[%dma_start3A_328] : memref<100000xf32, #tpu.memory_space<hbm>> -> memref<100000xf32, #tpu.memory_space<hbm>>
        tpu.enqueue_indirect_dma source(%dma_start3A_329 : memref<100000xf32, #tpu.memory_space<hbm>>) target(%arg13 : memref<800xf32, #tpu.memory_space<vmem>>) offsets(%arg12 : memref<800xi32, #tpu.memory_space<vmem>>) semaphore(%arg21 : memref<!tpu.dma_semaphore, #tpu.memory_space<semaphore_mem>>)
      } else {
      }
      %eq3A_306 = arith.constant 18 : i32
      %eq3A_307 = arith.cmpi eq, %scan3A_239, %eq3A_306 : i32
      %convert_element_type3A_308 = arith.extui %eq3A_307 : i1 to i32
      %cond3A_309 = arith.constant 0 : i32
      %cond3A_310 = arith.cmpi ne, %convert_element_type3A_308, %cond3A_309 : i32
      scf.if %cond3A_310 {
        %add3A_311 = arith.constant 1600 : i32
        %add3A_312 = arith.addi %mul3A_65, %add3A_311 : i32
        %dma_wait3A_313 = arith.constant 0 : i32
        %dma_wait3A_314 = tpu.memref_slice %arg4[%dma_wait3A_313] : memref<100000xf32, #tpu.memory_space<hbm>> -> memref<100000xf32, #tpu.memory_space<hbm>>
        tpu.wait_indirect_dma semaphore(%arg21 : memref<!tpu.dma_semaphore, #tpu.memory_space<semaphore_mem>>) src(%dma_wait3A_314 : memref<100000xf32, #tpu.memory_space<hbm>>) dst(%arg13 : memref<800xf32, #tpu.memory_space<vmem>>)
        %parallel_loop3A_315 = arith.constant 0 : i32
        %parallel_loop3A_316 = arith.constant 50 : i32
        %parallel_loop3A_317 = arith.constant 1 : i32
        scf.for %parallel_loop3A_330 = %parallel_loop3A_315 to %parallel_loop3A_316 step %parallel_loop3A_317  : i32 {
          %parallel_loop3A_331 = arith.constant 16 : i32
          %parallel_loop3A_332 = arith.muli %parallel_loop3A_330, %parallel_loop3A_331 : i32
          %parallel_loop3A_333 = arith.index_cast %parallel_loop3A_332 : i32 to index
          %parallel_loop3A_334 = tpu.vector_load %arg13[%parallel_loop3A_333] {strides = array<i32>} : memref<800xf32, #tpu.memory_space<vmem>>, vector<16xf32>,
          %parallel_loop3A_335 = math.absf %parallel_loop3A_334 : vector<16xf32>
          %parallel_loop3A_336 = arith.constant 0.000000e+00 : f32
          %parallel_loop3A_337 = vector.broadcast %parallel_loop3A_336 : f32 to vector<16xf32>
          %parallel_loop3A_338 = arith.subf %parallel_loop3A_337, %parallel_loop3A_335 : vector<16xf32>
          %parallel_loop3A_339 = math.exp %parallel_loop3A_338 : vector<16xf32>
          %parallel_loop3A_340 = arith.constant 2.000000e+00 : f32
          %parallel_loop3A_341 = vector.broadcast %parallel_loop3A_340 : f32 to vector<16xf32>
          %parallel_loop3A_342 = arith.addf %parallel_loop3A_341, %parallel_loop3A_339 : vector<16xf32>
          %parallel_loop3A_343 = arith.divf %parallel_loop3A_339, %parallel_loop3A_342 : vector<16xf32>
          %parallel_loop3A_344 = arith.mulf %parallel_loop3A_343, %parallel_loop3A_343 : vector<16xf32>
          %parallel_loop3A_345 = arith.constant 0.111111112 : f32
          %parallel_loop3A_346 = vector.broadcast %parallel_loop3A_345 : f32 to vector<16xf32>
          %parallel_loop3A_347 = arith.mulf %parallel_loop3A_344, %parallel_loop3A_346 : vector<16xf32>
          %parallel_loop3A_348 = arith.constant 0.142857149 : f32
          %parallel_loop3A_349 = vector.broadcast %parallel_loop3A_348 : f32 to vector<16xf32>
          %parallel_loop3A_350 = arith.addf %parallel_loop3A_349, %parallel_loop3A_347 : vector<16xf32>
          %parallel_loop3A_351 = arith.mulf %parallel_loop3A_344, %parallel_loop3A_350 : vector<16xf32>
          %parallel_loop3A_352 = arith.constant 2.000000e-01 : f32
          %parallel_loop3A_353 = vector.broadcast %parallel_loop3A_352 : f32 to vector<16xf32>
          %parallel_loop3A_354 = arith.addf %parallel_loop3A_353, %parallel_loop3A_351 : vector<16xf32>
          %parallel_loop3A_355 = arith.mulf %parallel_loop3A_344, %parallel_loop3A_354 : vector<16xf32>
          %parallel_loop3A_356 = arith.constant 0.333333343 : f32
          %parallel_loop3A_357 = vector.broadcast %parallel_loop3A_356 : f32 to vector<16xf32>
          %parallel_loop3A_358 = arith.addf %parallel_loop3A_357, %parallel_loop3A_355 : vector<16xf32>
          %parallel_loop3A_359 = arith.mulf %parallel_loop3A_344, %parallel_loop3A_358 : vector<16xf32>
          %parallel_loop3A_360 = arith.constant 1.000000e+00 : f32
          %parallel_loop3A_361 = vector.broadcast %parallel_loop3A_360 : f32 to vector<16xf32>
          %parallel_loop3A_362 = arith.addf %parallel_loop3A_361, %parallel_loop3A_359 : vector<16xf32>
          %parallel_loop3A_363 = arith.constant 0.000000e+00 : f32
          %parallel_loop3A_364 = vector.broadcast %parallel_loop3A_363 : f32 to vector<16xf32>
          %parallel_loop3A_365 = arith.maximumf %parallel_loop3A_334, %parallel_loop3A_364 : vector<16xf32>
          %parallel_loop3A_366 = arith.constant 2.000000e+00 : f32
          %parallel_loop3A_367 = vector.broadcast %parallel_loop3A_366 : f32 to vector<16xf32>
          %parallel_loop3A_368 = arith.mulf %parallel_loop3A_367, %parallel_loop3A_343 : vector<16xf32>
          %parallel_loop3A_369 = arith.mulf %parallel_loop3A_368, %parallel_loop3A_362 : vector<16xf32>
          %parallel_loop3A_370 = arith.addf %parallel_loop3A_365, %parallel_loop3A_369 : vector<16xf32>
          %parallel_loop3A_371 = arith.index_cast %parallel_loop3A_332 : i32 to index
          %parallel_loop3A_372 = tpu.vector_load %arg13[%parallel_loop3A_371] {strides = array<i32>} : memref<800xf32, #tpu.memory_space<vmem>>, vector<16xf32>,
          tpu.vector_store %arg13[%parallel_loop3A_371], %parallel_loop3A_370 {strides = array<i32>} : memref<800xf32, #tpu.memory_space<vmem>>, vector<16xf32>,
        } {sc.loop_unroll_factor = 4 : i64, sc.parallel_access}
        %dma_start3A_318 = tpu.memref_slice %arg6[%add3A_312] : memref<204800xf32, #tpu.memory_space<hbm>> -> memref<800xf32, #tpu.memory_space<hbm>>
        %dma_start3A_319 = tpu.memref_slice %arg6[%add3A_312] : memref<204800xf32, #tpu.memory_space<hbm>> -> memref<800xf32, #tpu.memory_space<hbm>>
        tpu.enqueue_dma source(%arg13 : memref<800xf32, #tpu.memory_space<vmem>>) target(%dma_start3A_319 : memref<800xf32, #tpu.memory_space<hbm>>) target_semaphore(%arg22 : memref<!tpu.dma_semaphore, #tpu.memory_space<semaphore_mem>>)
        %dma_wait3A_320 = tpu.memref_slice %arg6[%add3A_312] : memref<204800xf32, #tpu.memory_space<hbm>> -> memref<800xf32, #tpu.memory_space<hbm>>
        %dma_wait3A_321 = tpu.memref_slice %arg6[%add3A_312] : memref<204800xf32, #tpu.memory_space<hbm>> -> memref<800xf32, #tpu.memory_space<hbm>>
        tpu.wait_dma2 semaphore(%arg22 : memref<!tpu.dma_semaphore, #tpu.memory_space<semaphore_mem>>) src(%arg13 : memref<800xf32, #tpu.memory_space<vmem>>) dst(%dma_wait3A_321 : memref<800xf32, #tpu.memory_space<hbm>>)
        %add3A_322 = arith.constant 2400 : i32
        %add3A_323 = arith.addi %mul3A_65, %add3A_322 : i32
        %dma_start3A_324 = tpu.memref_slice %arg14[%add3A_323] : memref<204800xi32, #tpu.memory_space<vmem_shared>> -> memref<800xi32, #tpu.memory_space<vmem_shared>>
        %dma_start3A_325 = tpu.memref_slice %arg14[%add3A_323] : memref<204800xi32, #tpu.memory_space<vmem_shared>> -> memref<800xi32, #tpu.memory_space<vmem_shared>>
        tpu.enqueue_dma source(%dma_start3A_325 : memref<800xi32, #tpu.memory_space<vmem_shared>>) target(%arg12 : memref<800xi32, #tpu.memory_space<vmem>>) target_semaphore(%arg20 : memref<!tpu.dma_semaphore, #tpu.memory_space<semaphore_mem>>)
        %dma_wait3A_326 = tpu.memref_slice %arg14[%add3A_323] : memref<204800xi32, #tpu.memory_space<vmem_shared>> -> memref<800xi32, #tpu.memory_space<vmem_shared>>
        %dma_wait3A_327 = tpu.memref_slice %arg14[%add3A_323] : memref<204800xi32, #tpu.memory_space<vmem_shared>> -> memref<800xi32, #tpu.memory_space<vmem_shared>>
        tpu.wait_dma2 semaphore(%arg20 : memref<!tpu.dma_semaphore, #tpu.memory_space<semaphore_mem>>) src(%dma_wait3A_327 : memref<800xi32, #tpu.memory_space<vmem_shared>>) dst(%arg12 : memref<800xi32, #tpu.memory_space<vmem>>)
        %dma_start3A_328 = arith.constant 0 : i32
        %dma_start3A_329 = tpu.memref_slice %arg4[%dma_start3A_328] : memref<100000xf32, #tpu.memory_space<hbm>> -> memref<100000xf32, #tpu.memory_space<hbm>>
        tpu.enqueue_indirect_dma source(%dma_start3A_329 : memref<100000xf32, #tpu.memory_space<hbm>>) target(%arg13 : memref<800xf32, #tpu.memory_space<vmem>>) offsets(%arg12 : memref<800xi32, #tpu.memory_space<vmem>>) semaphore(%arg21 : memref<!tpu.dma_semaphore, #tpu.memory_space<semaphore_mem>>)
      } else {
      }
    }
    %scan3A_151 = arith.constant 25 : i32
    %dma_wait3A_152 = arith.constant 48 : i32
    %dma_wait3A_153 = arith.constant 0 : i32
    %dma_wait3A_154 = tpu.memref_slice %arg5[%dma_wait3A_152, %add3A_134, %dma_wait3A_153] : memref<50x64x4096xf32, #tpu.memory_space<hbm>> -> memref<1x1x4096xf32, #tpu.memory_space<hbm>>
    %dma_wait3A_155 = tpu.memref_squeeze %dma_wait3A_154 : memref<1x1x4096xf32, #tpu.memory_space<hbm>> -> memref<4096xf32, #tpu.memory_space<hbm>>
    %dma_wait3A_156 = arith.constant 0 : i32
    %dma_wait3A_157 = tpu.memref_slice %arg5[%dma_wait3A_152, %add3A_134, %dma_wait3A_156] : memref<50x64x4096xf32, #tpu.memory_space<hbm>> -> memref<1x1x4096xf32, #tpu.memory_space<hbm>>
    %dma_wait3A_158 = tpu.memref_squeeze %dma_wait3A_157 : memref<1x1x4096xf32, #tpu.memory_space<hbm>> -> memref<4096xf32, #tpu.memory_space<hbm>>
    tpu.wait_dma2 semaphore(%arg18 : memref<!tpu.dma_semaphore, #tpu.memory_space<semaphore_mem>>) src(%arg10 : memref<4096xf32, #tpu.memory_space<vmem>>) dst(%dma_wait3A_158 : memref<4096xf32, #tpu.memory_space<hbm>>)
    %dma_wait3A_159 = arith.constant 49 : i32
    %dma_wait3A_160 = arith.constant 0 : i32
    %dma_wait3A_161 = tpu.memref_slice %arg5[%dma_wait3A_159, %add3A_134, %dma_wait3A_160] : memref<50x64x4096xf32, #tpu.memory_space<hbm>> -> memref<1x1x4096xf32, #tpu.memory_space<hbm>>
    %dma_wait3A_162 = tpu.memref_squeeze %dma_wait3A_161 : memref<1x1x4096xf32, #tpu.memory_space<hbm>> -> memref<4096xf32, #tpu.memory_space<hbm>>
    %dma_wait3A_163 = arith.constant 0 : i32
    %dma_wait3A_164 = tpu.memref_slice %arg5[%dma_wait3A_159, %add3A_134, %dma_wait3A_163] : memref<50x64x4096xf32, #tpu.memory_space<hbm>> -> memref<1x1x4096xf32, #tpu.memory_space<hbm>>
    %dma_wait3A_165 = tpu.memref_squeeze %dma_wait3A_164 : memref<1x1x4096xf32, #tpu.memory_space<hbm>> -> memref<4096xf32, #tpu.memory_space<hbm>>
    tpu.wait_dma2 semaphore(%arg19 : memref<!tpu.dma_semaphore, #tpu.memory_space<semaphore_mem>>) src(%arg11 : memref<4096xf32, #tpu.memory_space<vmem>>) dst(%dma_wait3A_165 : memref<4096xf32, #tpu.memory_space<hbm>>)
    %add3A_166 = arith.constant 2400 : i32
    %add3A_167 = arith.addi %mul3A_65, %add3A_166 : i32
    %dma_wait3A_168 = arith.constant 0 : i32
    %dma_wait3A_169 = tpu.memref_slice %arg4[%dma_wait3A_168] : memref<100000xf32, #tpu.memory_space<hbm>> -> memref<100000xf32, #tpu.memory_space<hbm>>
    tpu.wait_indirect_dma semaphore(%arg21 : memref<!tpu.dma_semaphore, #tpu.memory_space<semaphore_mem>>) src(%dma_wait3A_169 : memref<100000xf32, #tpu.memory_space<hbm>>) dst(%arg13 : memref<800xf32, #tpu.memory_space<vmem>>)
    %parallel_loop3A = arith.constant 0 : i32
    %parallel_loop3A_170 = arith.constant 50 : i32
    %parallel_loop3A_171 = arith.constant 1 : i32
    scf.for %parallel_loop3A_239 = %parallel_loop3A to %parallel_loop3A_170 step %parallel_loop3A_171  : i32 {
      %parallel_loop3A_240 = arith.constant 16 : i32
      %parallel_loop3A_241 = arith.muli %parallel_loop3A_239, %parallel_loop3A_240 : i32
      %parallel_loop3A_242 = arith.index_cast %parallel_loop3A_241 : i32 to index
      %parallel_loop3A_243 = tpu.vector_load %arg13[%parallel_loop3A_242] {strides = array<i32>} : memref<800xf32, #tpu.memory_space<vmem>>, vector<16xf32>,
      %parallel_loop3A_244 = math.absf %parallel_loop3A_243 : vector<16xf32>
      %parallel_loop3A_245 = arith.constant 0.000000e+00 : f32
      %parallel_loop3A_246 = vector.broadcast %parallel_loop3A_245 : f32 to vector<16xf32>
      %parallel_loop3A_247 = arith.subf %parallel_loop3A_246, %parallel_loop3A_244 : vector<16xf32>
      %parallel_loop3A_248 = math.exp %parallel_loop3A_247 : vector<16xf32>
      %parallel_loop3A_249 = arith.constant 2.000000e+00 : f32
      %parallel_loop3A_250 = vector.broadcast %parallel_loop3A_249 : f32 to vector<16xf32>
      %parallel_loop3A_251 = arith.addf %parallel_loop3A_250, %parallel_loop3A_248 : vector<16xf32>
      %parallel_loop3A_252 = arith.divf %parallel_loop3A_248, %parallel_loop3A_251 : vector<16xf32>
      %parallel_loop3A_253 = arith.mulf %parallel_loop3A_252, %parallel_loop3A_252 : vector<16xf32>
      %parallel_loop3A_254 = arith.constant 0.111111112 : f32
      %parallel_loop3A_255 = vector.broadcast %parallel_loop3A_254 : f32 to vector<16xf32>
      %parallel_loop3A_256 = arith.mulf %parallel_loop3A_253, %parallel_loop3A_255 : vector<16xf32>
      %parallel_loop3A_257 = arith.constant 0.142857149 : f32
      %parallel_loop3A_258 = vector.broadcast %parallel_loop3A_257 : f32 to vector<16xf32>
      %parallel_loop3A_259 = arith.addf %parallel_loop3A_258, %parallel_loop3A_256 : vector<16xf32>
      %parallel_loop3A_260 = arith.mulf %parallel_loop3A_253, %parallel_loop3A_259 : vector<16xf32>
      %parallel_loop3A_261 = arith.constant 2.000000e-01 : f32
      %parallel_loop3A_262 = vector.broadcast %parallel_loop3A_261 : f32 to vector<16xf32>
      %parallel_loop3A_263 = arith.addf %parallel_loop3A_262, %parallel_loop3A_260 : vector<16xf32>
      %parallel_loop3A_264 = arith.mulf %parallel_loop3A_253, %parallel_loop3A_263 : vector<16xf32>
      %parallel_loop3A_265 = arith.constant 0.333333343 : f32
      %parallel_loop3A_266 = vector.broadcast %parallel_loop3A_265 : f32 to vector<16xf32>
      %parallel_loop3A_267 = arith.addf %parallel_loop3A_266, %parallel_loop3A_264 : vector<16xf32>
      %parallel_loop3A_268 = arith.mulf %parallel_loop3A_253, %parallel_loop3A_267 : vector<16xf32>
      %parallel_loop3A_269 = arith.constant 1.000000e+00 : f32
      %parallel_loop3A_270 = vector.broadcast %parallel_loop3A_269 : f32 to vector<16xf32>
      %parallel_loop3A_271 = arith.addf %parallel_loop3A_270, %parallel_loop3A_268 : vector<16xf32>
      %parallel_loop3A_272 = arith.constant 0.000000e+00 : f32
      %parallel_loop3A_273 = vector.broadcast %parallel_loop3A_272 : f32 to vector<16xf32>
      %parallel_loop3A_274 = arith.maximumf %parallel_loop3A_243, %parallel_loop3A_273 : vector<16xf32>
      %parallel_loop3A_275 = arith.constant 2.000000e+00 : f32
      %parallel_loop3A_276 = vector.broadcast %parallel_loop3A_275 : f32 to vector<16xf32>
      %parallel_loop3A_277 = arith.mulf %parallel_loop3A_276, %parallel_loop3A_252 : vector<16xf32>
      %parallel_loop3A_278 = arith.mulf %parallel_loop3A_277, %parallel_loop3A_271 : vector<16xf32>
      %parallel_loop3A_279 = arith.addf %parallel_loop3A_274, %parallel_loop3A_278 : vector<16xf32>
      %parallel_loop3A_280 = arith.index_cast %parallel_loop3A_241 : i32 to index
      %parallel_loop3A_281 = tpu.vector_load %arg13[%parallel_loop3A_280] {strides = array<i32>} : memref<800xf32, #tpu.memory_space<vmem>>, vector<16xf32>,
      tpu.vector_store %arg13[%parallel_loop3A_280], %parallel_loop3A_279 {strides = array<i32>} : memref<800xf32, #tpu.memory_space<vmem>>, vector<16xf32>,
    } {sc.loop_unroll_factor = 4 : i64, sc.parallel_access}
    %dma_start3A_172 = tpu.memref_slice %arg6[%add3A_167] : memref<204800xf32, #tpu.memory_space<hbm>> -> memref<800xf32, #tpu.memory_space<hbm>>
    %dma_start3A_173 = tpu.memref_slice %arg6[%add3A_167] : memref<204800xf32, #tpu.memory_space<hbm>> -> memref<800xf32, #tpu.memory_space<hbm>>
    tpu.enqueue_dma source(%arg13 : memref<800xf32, #tpu.memory_space<vmem>>) target(%dma_start3A_173 : memref<800xf32, #tpu.memory_space<hbm>>) target_semaphore(%arg22 : memref<!tpu.dma_semaphore, #tpu.memory_space<semaphore_mem>>)
    %dma_wait3A_174 = tpu.memref_slice %arg6[%add3A_167] : memref<204800xf32, #tpu.memory_space<hbm>> -> memref<800xf32, #tpu.memory_space<hbm>>
    %dma_wait3A_175 = tpu.memref_slice %arg6[%add3A_167] : memref<204800xf32, #tpu.memory_space<hbm>> -> memref<800xf32, #tpu.memory_space<hbm>>
    tpu.wait_dma2 semaphore(%arg22 : memref<!tpu.dma_semaphore, #tpu.memory_space<semaphore_mem>>) src(%arg13 : memref<800xf32, #tpu.memory_space<vmem>>) dst(%dma_wait3A_175 : memref<800xf32, #tpu.memory_space<hbm>>)
    %add3A_176 = arith.constant 3200 : i32
    %add3A_177 = arith.addi %mul3A_65, %add3A_176 : i32
    %dma_start3A_178 = tpu.memref_slice %arg14[%add3A_177] : memref<204800xi32, #tpu.memory_space<vmem_shared>> -> memref<800xi32, #tpu.memory_space<vmem_shared>>
    %dma_start3A_179 = tpu.memref_slice %arg14[%add3A_177] : memref<204800xi32, #tpu.memory_space<vmem_shared>> -> memref<800xi32, #tpu.memory_space<vmem_shared>>
    tpu.enqueue_dma source(%dma_start3A_179 : memref<800xi32, #tpu.memory_space<vmem_shared>>) target(%arg12 : memref<800xi32, #tpu.memory_space<vmem>>) target_semaphore(%arg20 : memref<!tpu.dma_semaphore, #tpu.memory_space<semaphore_mem>>)
    %dma_wait3A_180 = tpu.memref_slice %arg14[%add3A_177] : memref<204800xi32, #tpu.memory_space<vmem_shared>> -> memref<800xi32, #tpu.memory_space<vmem_shared>>
    %dma_wait3A_181 = tpu.memref_slice %arg14[%add3A_177] : memref<204800xi32, #tpu.memory_space<vmem_shared>> -> memref<800xi32, #tpu.memory_space<vmem_shared>>
    tpu.wait_dma2 semaphore(%arg20 : memref<!tpu.dma_semaphore, #tpu.memory_space<semaphore_mem>>) src(%dma_wait3A_181 : memref<800xi32, #tpu.memory_space<vmem_shared>>) dst(%arg12 : memref<800xi32, #tpu.memory_space<vmem>>)
    %dma_start3A_182 = arith.constant 0 : i32
    %dma_start3A_183 = tpu.memref_slice %arg4[%dma_start3A_182] : memref<100000xf32, #tpu.memory_space<hbm>> -> memref<100000xf32, #tpu.memory_space<hbm>>
    tpu.enqueue_indirect_dma source(%dma_start3A_183 : memref<100000xf32, #tpu.memory_space<hbm>>) target(%arg13 : memref<800xf32, #tpu.memory_space<vmem>>) offsets(%arg12 : memref<800xi32, #tpu.memory_space<vmem>>) semaphore(%arg21 : memref<!tpu.dma_semaphore, #tpu.memory_space<semaphore_mem>>)
    %mul3A_184 = arith.constant 2 : i32
    %mul3A_185 = arith.muli %add3A, %mul3A_184 : i32
    %add3A_186 = arith.constant 1 : i32
    %add3A_187 = arith.addi %mul3A_185, %add3A_186 : i32
    %dma_start3A_188 = arith.constant 0 : i32
    %dma_start3A_189 = tpu.memref_slice %arg3[%add3A_187, %dma_start3A_188] : memref<64x100000xf32, #tpu.memory_space<hbm>> -> memref<1x100000xf32, #tpu.memory_space<hbm>>
    %dma_start3A_190 = tpu.memref_squeeze %dma_start3A_189 : memref<1x100000xf32, #tpu.memory_space<hbm>> -> memref<100000xf32, #tpu.memory_space<hbm>>
    %dma_start3A_191 = arith.constant 0 : i32
    %dma_start3A_192 = tpu.memref_slice %arg3[%add3A_187, %dma_start3A_191] : memref<64x100000xf32, #tpu.memory_space<hbm>> -> memref<1x100000xf32, #tpu.memory_space<hbm>>
    %dma_start3A_193 = tpu.memref_squeeze %dma_start3A_192 : memref<1x100000xf32, #tpu.memory_space<hbm>> -> memref<100000xf32, #tpu.memory_space<hbm>>
    tpu.enqueue_dma source(%dma_start3A_193 : memref<100000xf32, #tpu.memory_space<hbm>>) target(%arg7 : memref<100000xf32, #tpu.memory_space<vmem>>) target_semaphore(%arg15 : memref<!tpu.dma_semaphore, #tpu.memory_space<semaphore_mem>>)
    %min3A_194 = arith.constant 0 : i32
    %min3A_195 = arith.constant 49 : i32
    %min3A_196 = arith.minsi %min3A_194, %min3A_195 : i32
    %mul3A_197 = arith.constant 4096 : i32
    %mul3A_198 = arith.muli %min3A_196, %mul3A_197 : i32
    %dma_start3A_199 = tpu.memref_slice %arg14[%mul3A_198] : memref<204800xi32, #tpu.memory_space<vmem_shared>> -> memref<4096xi32, #tpu.memory_space<vmem_shared>>
    %dma_start3A_200 = tpu.memref_slice %arg14[%mul3A_198] : memref<204800xi32, #tpu.memory_space<vmem_shared>> -> memref<4096xi32, #tpu.memory_space<vmem_shared>>
    tpu.enqueue_dma source(%dma_start3A_200 : memref<4096xi32, #tpu.memory_space<vmem_shared>>) target(%arg8 : memref<4096xi32, #tpu.memory_space<vmem>>) target_semaphore(%arg16 : memref<!tpu.dma_semaphore, #tpu.memory_space<semaphore_mem>>)
    %dma_wait3A_201 = arith.constant 0 : i32
    %dma_wait3A_202 = tpu.memref_slice %arg3[%add3A_187, %dma_wait3A_201] : memref<64x100000xf32, #tpu.memory_space<hbm>> -> memref<1x100000xf32, #tpu.memory_space<hbm>>
    %dma_wait3A_203 = tpu.memref_squeeze %dma_wait3A_202 : memref<1x100000xf32, #tpu.memory_space<hbm>> -> memref<100000xf32, #tpu.memory_space<hbm>>
    %dma_wait3A_204 = arith.constant 0 : i32
    %dma_wait3A_205 = tpu.memref_slice %arg3[%add3A_187, %dma_wait3A_204] : memref<64x100000xf32, #tpu.memory_space<hbm>> -> memref<1x100000xf32, #tpu.memory_space<hbm>>
    %dma_wait3A_206 = tpu.memref_squeeze %dma_wait3A_205 : memref<1x100000xf32, #tpu.memory_space<hbm>> -> memref<100000xf32, #tpu.memory_space<hbm>>
    tpu.wait_dma2 semaphore(%arg15 : memref<!tpu.dma_semaphore, #tpu.memory_space<semaphore_mem>>) src(%dma_wait3A_206 : memref<100000xf32, #tpu.memory_space<hbm>>) dst(%arg7 : memref<100000xf32, #tpu.memory_space<vmem>>)
    %scan3A_207 = arith.constant 0 : i32
    %scan3A_208 = arith.constant 25 : i32
    %scan3A_209 = arith.addi %scan3A_207, %scan3A_208 : i32
    %scan3A_210 = arith.constant 1 : i32
    scf.for %scan3A_239 = %scan3A_207 to %scan3A_209 step %scan3A_210  : i32 {
      %mul3A_240 = arith.constant 2 : i32
      %mul3A_241 = arith.muli %mul3A_240, %scan3A_239 : i32
      %add3A_242 = arith.constant 0 : i32
      %add3A_243 = arith.addi %mul3A_241, %add3A_242 : i32
      %add3A_244 = arith.constant 1 : i32
      %add3A_245 = arith.addi %add3A_243, %add3A_244 : i32
      %lt3A_246 = arith.constant 50 : i32
      %lt3A_247 = arith.cmpi slt, %add3A_245, %lt3A_246 : i32
      %convert_element_type3A_248 = arith.extui %lt3A_247 : i1 to i32
      %cond3A_249 = arith.constant 0 : i32
      %cond3A_250 = arith.cmpi ne, %convert_element_type3A_248, %cond3A_249 : i32
      scf.if %cond3A_250 {
        %add3A_311 = arith.constant 1 : i32
        %add3A_312 = arith.addi %add3A_243, %add3A_311 : i32
        %min3A_313 = arith.constant 49 : i32
        %min3A_314 = arith.minsi %add3A_312, %min3A_313 : i32
        %mul3A_315 = arith.constant 4096 : i32
        %mul3A_316 = arith.muli %min3A_314, %mul3A_315 : i32
        %mul3A_317 = arith.constant 4096 : i32
        %mul3A_318 = arith.muli %add3A_312, %mul3A_317 : i32
        %lt3A_319 = arith.constant 50 : i32
        %lt3A_320 = arith.cmpi slt, %add3A_312, %lt3A_319 : i32
        %convert_element_type3A_321 = arith.extui %lt3A_320 : i1 to i32
        %cond3A_322 = arith.constant 0 : i32
        %cond3A_323 = arith.cmpi ne, %convert_element_type3A_321, %cond3A_322 : i32
        scf.if %cond3A_323 {
          %dma_start3A_328 = tpu.memref_slice %arg14[%mul3A_316] : memref<204800xi32, #tpu.memory_space<vmem_shared>> -> memref<4096xi32, #tpu.memory_space<vmem_shared>>
          %dma_start3A_329 = tpu.memref_slice %arg14[%mul3A_316] : memref<204800xi32, #tpu.memory_space<vmem_shared>> -> memref<4096xi32, #tpu.memory_space<vmem_shared>>
          tpu.enqueue_dma source(%dma_start3A_329 : memref<4096xi32, #tpu.memory_space<vmem_shared>>) target(%arg9 : memref<4096xi32, #tpu.memory_space<vmem>>) target_semaphore(%arg17 : memref<!tpu.dma_semaphore, #tpu.memory_space<semaphore_mem>>)
        } else {
        }
        %ge3A = arith.constant 50 : i32
        %ge3A_324 = arith.cmpi sge, %add3A_312, %ge3A : i32
        %convert_element_type3A_325 = arith.extui %ge3A_324 : i1 to i32
        %cond3A_326 = arith.constant 0 : i32
        %cond3A_327 = arith.cmpi ne, %convert_element_type3A_325, %cond3A_326 : i32
        scf.if %cond3A_327 {
          %dma_start3A_328 = tpu.memref_slice %arg2[%mul3A_318] : memref<204800xi32, #tpu.memory_space<hbm>> -> memref<4096xi32, #tpu.memory_space<hbm>>
          %dma_start3A_329 = tpu.memref_slice %arg2[%mul3A_318] : memref<204800xi32, #tpu.memory_space<hbm>> -> memref<4096xi32, #tpu.memory_space<hbm>>
          tpu.enqueue_dma source(%dma_start3A_329 : memref<4096xi32, #tpu.memory_space<hbm>>) target(%arg9 : memref<4096xi32, #tpu.memory_space<vmem>>) target_semaphore(%arg17 : memref<!tpu.dma_semaphore, #tpu.memory_space<semaphore_mem>>)
        } else {
        }
      } else {
      }
      %mul3A_251 = arith.constant 4096 : i32
      %mul3A_252 = arith.muli %add3A_243, %mul3A_251 : i32
      %dma_wait3A_253 = tpu.memref_slice %arg2[%mul3A_252] : memref<204800xi32, #tpu.memory_space<hbm>> -> memref<4096xi32, #tpu.memory_space<hbm>>
      %dma_wait3A_254 = tpu.memref_slice %arg2[%mul3A_252] : memref<204800xi32, #tpu.memory_space<hbm>> -> memref<4096xi32, #tpu.memory_space<hbm>>
      tpu.wait_dma2 semaphore(%arg16 : memref<!tpu.dma_semaphore, #tpu.memory_space<semaphore_mem>>) src(%dma_wait3A_254 : memref<4096xi32, #tpu.memory_space<hbm>>) dst(%arg8 : memref<4096xi32, #tpu.memory_space<vmem>>)
      %gt3A = arith.constant 0 : i32
      %gt3A_255 = arith.cmpi sgt, %scan3A_239, %gt3A : i32
      %convert_element_type3A_256 = arith.extui %gt3A_255 : i1 to i32
      %cond3A_257 = arith.constant 0 : i32
      %cond3A_258 = arith.cmpi ne, %convert_element_type3A_256, %cond3A_257 : i32
      scf.if %cond3A_258 {
        %sub3A = arith.constant 2 : i32
        %sub3A_311 = arith.subi %add3A_243, %sub3A : i32
        %max3A = arith.constant 0 : i32
        %max3A_312 = arith.maxsi %sub3A_311, %max3A : i32
        %dma_wait3A_313 = arith.constant 0 : i32
        %dma_wait3A_314 = tpu.memref_slice %arg5[%max3A_312, %add3A_187, %dma_wait3A_313] : memref<50x64x4096xf32, #tpu.memory_space<hbm>> -> memref<1x1x4096xf32, #tpu.memory_space<hbm>>
        %dma_wait3A_315 = tpu.memref_squeeze %dma_wait3A_314 : memref<1x1x4096xf32, #tpu.memory_space<hbm>> -> memref<4096xf32, #tpu.memory_space<hbm>>
        %dma_wait3A_316 = arith.constant 0 : i32
        %dma_wait3A_317 = tpu.memref_slice %arg5[%max3A_312, %add3A_187, %dma_wait3A_316] : memref<50x64x4096xf32, #tpu.memory_space<hbm>> -> memref<1x1x4096xf32, #tpu.memory_space<hbm>>
        %dma_wait3A_318 = tpu.memref_squeeze %dma_wait3A_317 : memref<1x1x4096xf32, #tpu.memory_space<hbm>> -> memref<4096xf32, #tpu.memory_space<hbm>>
        tpu.wait_dma2 semaphore(%arg18 : memref<!tpu.dma_semaphore, #tpu.memory_space<semaphore_mem>>) src(%arg10 : memref<4096xf32, #tpu.memory_space<vmem>>) dst(%dma_wait3A_318 : memref<4096xf32, #tpu.memory_space<hbm>>)
      } else {
      }
      %parallel_loop3A_259 = arith.constant 0 : i32
      %parallel_loop3A_260 = arith.constant 256 : i32
      %parallel_loop3A_261 = arith.constant 1 : i32
      scf.for %parallel_loop3A_311 = %parallel_loop3A_259 to %parallel_loop3A_260 step %parallel_loop3A_261  : i32 {
        %parallel_loop3A_312 = arith.constant 16 : i32
        %parallel_loop3A_313 = arith.muli %parallel_loop3A_311, %parallel_loop3A_312 : i32
        %parallel_loop3A_314 = arith.index_cast %parallel_loop3A_313 : i32 to index
        %parallel_loop3A_315 = tpu.vector_load %arg8[%parallel_loop3A_314] {strides = array<i32>} : memref<4096xi32, #tpu.memory_space<vmem>>, vector<16xi32>,
        %parallel_loop3A_316 = tpu.vector_load_idx %arg7[%parallel_loop3A_315] : memref<100000xf32, #tpu.memory_space<vmem>>[vector<16xi32>], vector<16xf32>,
        %parallel_loop3A_317 = arith.index_cast %parallel_loop3A_313 : i32 to index
        %parallel_loop3A_318 = tpu.vector_load %arg10[%parallel_loop3A_317] {strides = array<i32>} : memref<4096xf32, #tpu.memory_space<vmem>>, vector<16xf32>,
        tpu.vector_store %arg10[%parallel_loop3A_317], %parallel_loop3A_316 {strides = array<i32>} : memref<4096xf32, #tpu.memory_space<vmem>>, vector<16xf32>,
      } {sc.loop_unroll_factor = 8 : i64, sc.parallel_access}
      %dma_start3A_262 = arith.constant 0 : i32
      %dma_start3A_263 = tpu.memref_slice %arg5[%add3A_243, %add3A_187, %dma_start3A_262] : memref<50x64x4096xf32, #tpu.memory_space<hbm>> -> memref<1x1x4096xf32, #tpu.memory_space<hbm>>
      %dma_start3A_264 = tpu.memref_squeeze %dma_start3A_263 : memref<1x1x4096xf32, #tpu.memory_space<hbm>> -> memref<4096xf32, #tpu.memory_space<hbm>>
      %dma_start3A_265 = arith.constant 0 : i32
      %dma_start3A_266 = tpu.memref_slice %arg5[%add3A_243, %add3A_187, %dma_start3A_265] : memref<50x64x4096xf32, #tpu.memory_space<hbm>> -> memref<1x1x4096xf32, #tpu.memory_space<hbm>>
      %dma_start3A_267 = tpu.memref_squeeze %dma_start3A_266 : memref<1x1x4096xf32, #tpu.memory_space<hbm>> -> memref<4096xf32, #tpu.memory_space<hbm>>
      tpu.enqueue_dma source(%arg10 : memref<4096xf32, #tpu.memory_space<vmem>>) target(%dma_start3A_267 : memref<4096xf32, #tpu.memory_space<hbm>>) target_semaphore(%arg18 : memref<!tpu.dma_semaphore, #tpu.memory_space<semaphore_mem>>)
      %mul3A_268 = arith.constant 2 : i32
      %mul3A_269 = arith.muli %mul3A_268, %scan3A_239 : i32
      %add3A_270 = arith.constant 1 : i32
      %add3A_271 = arith.addi %mul3A_269, %add3A_270 : i32
      %add3A_272 = arith.constant 1 : i32
      %add3A_273 = arith.addi %add3A_271, %add3A_272 : i32
      %lt3A_274 = arith.constant 50 : i32
      %lt3A_275 = arith.cmpi slt, %add3A_273, %lt3A_274 : i32
      %convert_element_type3A_276 = arith.extui %lt3A_275 : i1 to i32
      %cond3A_277 = arith.constant 0 : i32
      %cond3A_278 = arith.cmpi ne, %convert_element_type3A_276, %cond3A_277 : i32
      scf.if %cond3A_278 {
        %add3A_311 = arith.constant 1 : i32
        %add3A_312 = arith.addi %add3A_271, %add3A_311 : i32
        %min3A_313 = arith.constant 49 : i32
        %min3A_314 = arith.minsi %add3A_312, %min3A_313 : i32
        %mul3A_315 = arith.constant 4096 : i32
        %mul3A_316 = arith.muli %min3A_314, %mul3A_315 : i32
        %mul3A_317 = arith.constant 4096 : i32
        %mul3A_318 = arith.muli %add3A_312, %mul3A_317 : i32
        %lt3A_319 = arith.constant 50 : i32
        %lt3A_320 = arith.cmpi slt, %add3A_312, %lt3A_319 : i32
        %convert_element_type3A_321 = arith.extui %lt3A_320 : i1 to i32
        %cond3A_322 = arith.constant 0 : i32
        %cond3A_323 = arith.cmpi ne, %convert_element_type3A_321, %cond3A_322 : i32
        scf.if %cond3A_323 {
          %dma_start3A_328 = tpu.memref_slice %arg14[%mul3A_316] : memref<204800xi32, #tpu.memory_space<vmem_shared>> -> memref<4096xi32, #tpu.memory_space<vmem_shared>>
          %dma_start3A_329 = tpu.memref_slice %arg14[%mul3A_316] : memref<204800xi32, #tpu.memory_space<vmem_shared>> -> memref<4096xi32, #tpu.memory_space<vmem_shared>>
          tpu.enqueue_dma source(%dma_start3A_329 : memref<4096xi32, #tpu.memory_space<vmem_shared>>) target(%arg8 : memref<4096xi32, #tpu.memory_space<vmem>>) target_semaphore(%arg16 : memref<!tpu.dma_semaphore, #tpu.memory_space<semaphore_mem>>)
        } else {
        }
        %ge3A = arith.constant 50 : i32
        %ge3A_324 = arith.cmpi sge, %add3A_312, %ge3A : i32
        %convert_element_type3A_325 = arith.extui %ge3A_324 : i1 to i32
        %cond3A_326 = arith.constant 0 : i32
        %cond3A_327 = arith.cmpi ne, %convert_element_type3A_325, %cond3A_326 : i32
        scf.if %cond3A_327 {
          %dma_start3A_328 = tpu.memref_slice %arg2[%mul3A_318] : memref<204800xi32, #tpu.memory_space<hbm>> -> memref<4096xi32, #tpu.memory_space<hbm>>
          %dma_start3A_329 = tpu.memref_slice %arg2[%mul3A_318] : memref<204800xi32, #tpu.memory_space<hbm>> -> memref<4096xi32, #tpu.memory_space<hbm>>
          tpu.enqueue_dma source(%dma_start3A_329 : memref<4096xi32, #tpu.memory_space<hbm>>) target(%arg8 : memref<4096xi32, #tpu.memory_space<vmem>>) target_semaphore(%arg16 : memref<!tpu.dma_semaphore, #tpu.memory_space<semaphore_mem>>)
        } else {
        }
      } else {
      }
      %mul3A_279 = arith.constant 4096 : i32
      %mul3A_280 = arith.muli %add3A_271, %mul3A_279 : i32
      %dma_wait3A_281 = tpu.memref_slice %arg2[%mul3A_280] : memref<204800xi32, #tpu.memory_space<hbm>> -> memref<4096xi32, #tpu.memory_space<hbm>>
      %dma_wait3A_282 = tpu.memref_slice %arg2[%mul3A_280] : memref<204800xi32, #tpu.memory_space<hbm>> -> memref<4096xi32, #tpu.memory_space<hbm>>
      tpu.wait_dma2 semaphore(%arg17 : memref<!tpu.dma_semaphore, #tpu.memory_space<semaphore_mem>>) src(%dma_wait3A_282 : memref<4096xi32, #tpu.memory_space<hbm>>) dst(%arg9 : memref<4096xi32, #tpu.memory_space<vmem>>)
      %gt3A_283 = arith.constant 0 : i32
      %gt3A_284 = arith.cmpi sgt, %scan3A_239, %gt3A_283 : i32
      %convert_element_type3A_285 = arith.extui %gt3A_284 : i1 to i32
      %cond3A_286 = arith.constant 0 : i32
      %cond3A_287 = arith.cmpi ne, %convert_element_type3A_285, %cond3A_286 : i32
      scf.if %cond3A_287 {
        %sub3A = arith.constant 2 : i32
        %sub3A_311 = arith.subi %add3A_271, %sub3A : i32
        %max3A = arith.constant 0 : i32
        %max3A_312 = arith.maxsi %sub3A_311, %max3A : i32
        %dma_wait3A_313 = arith.constant 0 : i32
        %dma_wait3A_314 = tpu.memref_slice %arg5[%max3A_312, %add3A_187, %dma_wait3A_313] : memref<50x64x4096xf32, #tpu.memory_space<hbm>> -> memref<1x1x4096xf32, #tpu.memory_space<hbm>>
        %dma_wait3A_315 = tpu.memref_squeeze %dma_wait3A_314 : memref<1x1x4096xf32, #tpu.memory_space<hbm>> -> memref<4096xf32, #tpu.memory_space<hbm>>
        %dma_wait3A_316 = arith.constant 0 : i32
        %dma_wait3A_317 = tpu.memref_slice %arg5[%max3A_312, %add3A_187, %dma_wait3A_316] : memref<50x64x4096xf32, #tpu.memory_space<hbm>> -> memref<1x1x4096xf32, #tpu.memory_space<hbm>>
        %dma_wait3A_318 = tpu.memref_squeeze %dma_wait3A_317 : memref<1x1x4096xf32, #tpu.memory_space<hbm>> -> memref<4096xf32, #tpu.memory_space<hbm>>
        tpu.wait_dma2 semaphore(%arg19 : memref<!tpu.dma_semaphore, #tpu.memory_space<semaphore_mem>>) src(%arg11 : memref<4096xf32, #tpu.memory_space<vmem>>) dst(%dma_wait3A_318 : memref<4096xf32, #tpu.memory_space<hbm>>)
      } else {
      }
      %parallel_loop3A_288 = arith.constant 0 : i32
      %parallel_loop3A_289 = arith.constant 256 : i32
      %parallel_loop3A_290 = arith.constant 1 : i32
      scf.for %parallel_loop3A_311 = %parallel_loop3A_288 to %parallel_loop3A_289 step %parallel_loop3A_290  : i32 {
        %parallel_loop3A_312 = arith.constant 16 : i32
        %parallel_loop3A_313 = arith.muli %parallel_loop3A_311, %parallel_loop3A_312 : i32
        %parallel_loop3A_314 = arith.index_cast %parallel_loop3A_313 : i32 to index
        %parallel_loop3A_315 = tpu.vector_load %arg9[%parallel_loop3A_314] {strides = array<i32>} : memref<4096xi32, #tpu.memory_space<vmem>>, vector<16xi32>,
        %parallel_loop3A_316 = tpu.vector_load_idx %arg7[%parallel_loop3A_315] : memref<100000xf32, #tpu.memory_space<vmem>>[vector<16xi32>], vector<16xf32>,
        %parallel_loop3A_317 = arith.index_cast %parallel_loop3A_313 : i32 to index
        %parallel_loop3A_318 = tpu.vector_load %arg11[%parallel_loop3A_317] {strides = array<i32>} : memref<4096xf32, #tpu.memory_space<vmem>>, vector<16xf32>,
        tpu.vector_store %arg11[%parallel_loop3A_317], %parallel_loop3A_316 {strides = array<i32>} : memref<4096xf32, #tpu.memory_space<vmem>>, vector<16xf32>,
      } {sc.loop_unroll_factor = 8 : i64, sc.parallel_access}
      %dma_start3A_291 = arith.constant 0 : i32
      %dma_start3A_292 = tpu.memref_slice %arg5[%add3A_271, %add3A_187, %dma_start3A_291] : memref<50x64x4096xf32, #tpu.memory_space<hbm>> -> memref<1x1x4096xf32, #tpu.memory_space<hbm>>
      %dma_start3A_293 = tpu.memref_squeeze %dma_start3A_292 : memref<1x1x4096xf32, #tpu.memory_space<hbm>> -> memref<4096xf32, #tpu.memory_space<hbm>>
      %dma_start3A_294 = arith.constant 0 : i32
      %dma_start3A_295 = tpu.memref_slice %arg5[%add3A_271, %add3A_187, %dma_start3A_294] : memref<50x64x4096xf32, #tpu.memory_space<hbm>> -> memref<1x1x4096xf32, #tpu.memory_space<hbm>>
      %dma_start3A_296 = tpu.memref_squeeze %dma_start3A_295 : memref<1x1x4096xf32, #tpu.memory_space<hbm>> -> memref<4096xf32, #tpu.memory_space<hbm>>
      tpu.enqueue_dma source(%arg11 : memref<4096xf32, #tpu.memory_space<vmem>>) target(%dma_start3A_296 : memref<4096xf32, #tpu.memory_space<hbm>>) target_semaphore(%arg19 : memref<!tpu.dma_semaphore, #tpu.memory_space<semaphore_mem>>)
      %eq3A = arith.constant 6 : i32
      %eq3A_297 = arith.cmpi eq, %scan3A_239, %eq3A : i32
      %convert_element_type3A_298 = arith.extui %eq3A_297 : i1 to i32
      %cond3A_299 = arith.constant 0 : i32
      %cond3A_300 = arith.cmpi ne, %convert_element_type3A_298, %cond3A_299 : i32
      scf.if %cond3A_300 {
        %add3A_311 = arith.constant 3200 : i32
        %add3A_312 = arith.addi %mul3A_65, %add3A_311 : i32
        %dma_wait3A_313 = arith.constant 0 : i32
        %dma_wait3A_314 = tpu.memref_slice %arg4[%dma_wait3A_313] : memref<100000xf32, #tpu.memory_space<hbm>> -> memref<100000xf32, #tpu.memory_space<hbm>>
        tpu.wait_indirect_dma semaphore(%arg21 : memref<!tpu.dma_semaphore, #tpu.memory_space<semaphore_mem>>) src(%dma_wait3A_314 : memref<100000xf32, #tpu.memory_space<hbm>>) dst(%arg13 : memref<800xf32, #tpu.memory_space<vmem>>)
        %parallel_loop3A_315 = arith.constant 0 : i32
        %parallel_loop3A_316 = arith.constant 50 : i32
        %parallel_loop3A_317 = arith.constant 1 : i32
        scf.for %parallel_loop3A_330 = %parallel_loop3A_315 to %parallel_loop3A_316 step %parallel_loop3A_317  : i32 {
          %parallel_loop3A_331 = arith.constant 16 : i32
          %parallel_loop3A_332 = arith.muli %parallel_loop3A_330, %parallel_loop3A_331 : i32
          %parallel_loop3A_333 = arith.index_cast %parallel_loop3A_332 : i32 to index
          %parallel_loop3A_334 = tpu.vector_load %arg13[%parallel_loop3A_333] {strides = array<i32>} : memref<800xf32, #tpu.memory_space<vmem>>, vector<16xf32>,
          %parallel_loop3A_335 = math.absf %parallel_loop3A_334 : vector<16xf32>
          %parallel_loop3A_336 = arith.constant 0.000000e+00 : f32
          %parallel_loop3A_337 = vector.broadcast %parallel_loop3A_336 : f32 to vector<16xf32>
          %parallel_loop3A_338 = arith.subf %parallel_loop3A_337, %parallel_loop3A_335 : vector<16xf32>
          %parallel_loop3A_339 = math.exp %parallel_loop3A_338 : vector<16xf32>
          %parallel_loop3A_340 = arith.constant 2.000000e+00 : f32
          %parallel_loop3A_341 = vector.broadcast %parallel_loop3A_340 : f32 to vector<16xf32>
          %parallel_loop3A_342 = arith.addf %parallel_loop3A_341, %parallel_loop3A_339 : vector<16xf32>
          %parallel_loop3A_343 = arith.divf %parallel_loop3A_339, %parallel_loop3A_342 : vector<16xf32>
          %parallel_loop3A_344 = arith.mulf %parallel_loop3A_343, %parallel_loop3A_343 : vector<16xf32>
          %parallel_loop3A_345 = arith.constant 0.111111112 : f32
          %parallel_loop3A_346 = vector.broadcast %parallel_loop3A_345 : f32 to vector<16xf32>
          %parallel_loop3A_347 = arith.mulf %parallel_loop3A_344, %parallel_loop3A_346 : vector<16xf32>
          %parallel_loop3A_348 = arith.constant 0.142857149 : f32
          %parallel_loop3A_349 = vector.broadcast %parallel_loop3A_348 : f32 to vector<16xf32>
          %parallel_loop3A_350 = arith.addf %parallel_loop3A_349, %parallel_loop3A_347 : vector<16xf32>
          %parallel_loop3A_351 = arith.mulf %parallel_loop3A_344, %parallel_loop3A_350 : vector<16xf32>
          %parallel_loop3A_352 = arith.constant 2.000000e-01 : f32
          %parallel_loop3A_353 = vector.broadcast %parallel_loop3A_352 : f32 to vector<16xf32>
          %parallel_loop3A_354 = arith.addf %parallel_loop3A_353, %parallel_loop3A_351 : vector<16xf32>
          %parallel_loop3A_355 = arith.mulf %parallel_loop3A_344, %parallel_loop3A_354 : vector<16xf32>
          %parallel_loop3A_356 = arith.constant 0.333333343 : f32
          %parallel_loop3A_357 = vector.broadcast %parallel_loop3A_356 : f32 to vector<16xf32>
          %parallel_loop3A_358 = arith.addf %parallel_loop3A_357, %parallel_loop3A_355 : vector<16xf32>
          %parallel_loop3A_359 = arith.mulf %parallel_loop3A_344, %parallel_loop3A_358 : vector<16xf32>
          %parallel_loop3A_360 = arith.constant 1.000000e+00 : f32
          %parallel_loop3A_361 = vector.broadcast %parallel_loop3A_360 : f32 to vector<16xf32>
          %parallel_loop3A_362 = arith.addf %parallel_loop3A_361, %parallel_loop3A_359 : vector<16xf32>
          %parallel_loop3A_363 = arith.constant 0.000000e+00 : f32
          %parallel_loop3A_364 = vector.broadcast %parallel_loop3A_363 : f32 to vector<16xf32>
          %parallel_loop3A_365 = arith.maximumf %parallel_loop3A_334, %parallel_loop3A_364 : vector<16xf32>
          %parallel_loop3A_366 = arith.constant 2.000000e+00 : f32
          %parallel_loop3A_367 = vector.broadcast %parallel_loop3A_366 : f32 to vector<16xf32>
          %parallel_loop3A_368 = arith.mulf %parallel_loop3A_367, %parallel_loop3A_343 : vector<16xf32>
          %parallel_loop3A_369 = arith.mulf %parallel_loop3A_368, %parallel_loop3A_362 : vector<16xf32>
          %parallel_loop3A_370 = arith.addf %parallel_loop3A_365, %parallel_loop3A_369 : vector<16xf32>
          %parallel_loop3A_371 = arith.index_cast %parallel_loop3A_332 : i32 to index
          %parallel_loop3A_372 = tpu.vector_load %arg13[%parallel_loop3A_371] {strides = array<i32>} : memref<800xf32, #tpu.memory_space<vmem>>, vector<16xf32>,
          tpu.vector_store %arg13[%parallel_loop3A_371], %parallel_loop3A_370 {strides = array<i32>} : memref<800xf32, #tpu.memory_space<vmem>>, vector<16xf32>,
        } {sc.loop_unroll_factor = 4 : i64, sc.parallel_access}
        %dma_start3A_318 = tpu.memref_slice %arg6[%add3A_312] : memref<204800xf32, #tpu.memory_space<hbm>> -> memref<800xf32, #tpu.memory_space<hbm>>
        %dma_start3A_319 = tpu.memref_slice %arg6[%add3A_312] : memref<204800xf32, #tpu.memory_space<hbm>> -> memref<800xf32, #tpu.memory_space<hbm>>
        tpu.enqueue_dma source(%arg13 : memref<800xf32, #tpu.memory_space<vmem>>) target(%dma_start3A_319 : memref<800xf32, #tpu.memory_space<hbm>>) target_semaphore(%arg22 : memref<!tpu.dma_semaphore, #tpu.memory_space<semaphore_mem>>)
        %dma_wait3A_320 = tpu.memref_slice %arg6[%add3A_312] : memref<204800xf32, #tpu.memory_space<hbm>> -> memref<800xf32, #tpu.memory_space<hbm>>
        %dma_wait3A_321 = tpu.memref_slice %arg6[%add3A_312] : memref<204800xf32, #tpu.memory_space<hbm>> -> memref<800xf32, #tpu.memory_space<hbm>>
        tpu.wait_dma2 semaphore(%arg22 : memref<!tpu.dma_semaphore, #tpu.memory_space<semaphore_mem>>) src(%arg13 : memref<800xf32, #tpu.memory_space<vmem>>) dst(%dma_wait3A_321 : memref<800xf32, #tpu.memory_space<hbm>>)
        %add3A_322 = arith.constant 4000 : i32
        %add3A_323 = arith.addi %mul3A_65, %add3A_322 : i32
        %dma_start3A_324 = tpu.memref_slice %arg14[%add3A_323] : memref<204800xi32, #tpu.memory_space<vmem_shared>> -> memref<800xi32, #tpu.memory_space<vmem_shared>>
        %dma_start3A_325 = tpu.memref_slice %arg14[%add3A_323] : memref<204800xi32, #tpu.memory_space<vmem_shared>> -> memref<800xi32, #tpu.memory_space<vmem_shared>>
        tpu.enqueue_dma source(%dma_start3A_325 : memref<800xi32, #tpu.memory_space<vmem_shared>>) target(%arg12 : memref<800xi32, #tpu.memory_space<vmem>>) target_semaphore(%arg20 : memref<!tpu.dma_semaphore, #tpu.memory_space<semaphore_mem>>)
        %dma_wait3A_326 = tpu.memref_slice %arg14[%add3A_323] : memref<204800xi32, #tpu.memory_space<vmem_shared>> -> memref<800xi32, #tpu.memory_space<vmem_shared>>
        %dma_wait3A_327 = tpu.memref_slice %arg14[%add3A_323] : memref<204800xi32, #tpu.memory_space<vmem_shared>> -> memref<800xi32, #tpu.memory_space<vmem_shared>>
        tpu.wait_dma2 semaphore(%arg20 : memref<!tpu.dma_semaphore, #tpu.memory_space<semaphore_mem>>) src(%dma_wait3A_327 : memref<800xi32, #tpu.memory_space<vmem_shared>>) dst(%arg12 : memref<800xi32, #tpu.memory_space<vmem>>)
        %dma_start3A_328 = arith.constant 0 : i32
        %dma_start3A_329 = tpu.memref_slice %arg4[%dma_start3A_328] : memref<100000xf32, #tpu.memory_space<hbm>> -> memref<100000xf32, #tpu.memory_space<hbm>>
        tpu.enqueue_indirect_dma source(%dma_start3A_329 : memref<100000xf32, #tpu.memory_space<hbm>>) target(%arg13 : memref<800xf32, #tpu.memory_space<vmem>>) offsets(%arg12 : memref<800xi32, #tpu.memory_space<vmem>>) semaphore(%arg21 : memref<!tpu.dma_semaphore, #tpu.memory_space<semaphore_mem>>)
      } else {
      }
      %eq3A_301 = arith.constant 12 : i32
      %eq3A_302 = arith.cmpi eq, %scan3A_239, %eq3A_301 : i32
      %convert_element_type3A_303 = arith.extui %eq3A_302 : i1 to i32
      %cond3A_304 = arith.constant 0 : i32
      %cond3A_305 = arith.cmpi ne, %convert_element_type3A_303, %cond3A_304 : i32
      scf.if %cond3A_305 {
        %add3A_311 = arith.constant 4000 : i32
        %add3A_312 = arith.addi %mul3A_65, %add3A_311 : i32
        %dma_wait3A_313 = arith.constant 0 : i32
        %dma_wait3A_314 = tpu.memref_slice %arg4[%dma_wait3A_313] : memref<100000xf32, #tpu.memory_space<hbm>> -> memref<100000xf32, #tpu.memory_space<hbm>>
        tpu.wait_indirect_dma semaphore(%arg21 : memref<!tpu.dma_semaphore, #tpu.memory_space<semaphore_mem>>) src(%dma_wait3A_314 : memref<100000xf32, #tpu.memory_space<hbm>>) dst(%arg13 : memref<800xf32, #tpu.memory_space<vmem>>)
        %parallel_loop3A_315 = arith.constant 0 : i32
        %parallel_loop3A_316 = arith.constant 50 : i32
        %parallel_loop3A_317 = arith.constant 1 : i32
        scf.for %parallel_loop3A_330 = %parallel_loop3A_315 to %parallel_loop3A_316 step %parallel_loop3A_317  : i32 {
          %parallel_loop3A_331 = arith.constant 16 : i32
          %parallel_loop3A_332 = arith.muli %parallel_loop3A_330, %parallel_loop3A_331 : i32
          %parallel_loop3A_333 = arith.index_cast %parallel_loop3A_332 : i32 to index
          %parallel_loop3A_334 = tpu.vector_load %arg13[%parallel_loop3A_333] {strides = array<i32>} : memref<800xf32, #tpu.memory_space<vmem>>, vector<16xf32>,
          %parallel_loop3A_335 = math.absf %parallel_loop3A_334 : vector<16xf32>
          %parallel_loop3A_336 = arith.constant 0.000000e+00 : f32
          %parallel_loop3A_337 = vector.broadcast %parallel_loop3A_336 : f32 to vector<16xf32>
          %parallel_loop3A_338 = arith.subf %parallel_loop3A_337, %parallel_loop3A_335 : vector<16xf32>
          %parallel_loop3A_339 = math.exp %parallel_loop3A_338 : vector<16xf32>
          %parallel_loop3A_340 = arith.constant 2.000000e+00 : f32
          %parallel_loop3A_341 = vector.broadcast %parallel_loop3A_340 : f32 to vector<16xf32>
          %parallel_loop3A_342 = arith.addf %parallel_loop3A_341, %parallel_loop3A_339 : vector<16xf32>
          %parallel_loop3A_343 = arith.divf %parallel_loop3A_339, %parallel_loop3A_342 : vector<16xf32>
          %parallel_loop3A_344 = arith.mulf %parallel_loop3A_343, %parallel_loop3A_343 : vector<16xf32>
          %parallel_loop3A_345 = arith.constant 0.111111112 : f32
          %parallel_loop3A_346 = vector.broadcast %parallel_loop3A_345 : f32 to vector<16xf32>
          %parallel_loop3A_347 = arith.mulf %parallel_loop3A_344, %parallel_loop3A_346 : vector<16xf32>
          %parallel_loop3A_348 = arith.constant 0.142857149 : f32
          %parallel_loop3A_349 = vector.broadcast %parallel_loop3A_348 : f32 to vector<16xf32>
          %parallel_loop3A_350 = arith.addf %parallel_loop3A_349, %parallel_loop3A_347 : vector<16xf32>
          %parallel_loop3A_351 = arith.mulf %parallel_loop3A_344, %parallel_loop3A_350 : vector<16xf32>
          %parallel_loop3A_352 = arith.constant 2.000000e-01 : f32
          %parallel_loop3A_353 = vector.broadcast %parallel_loop3A_352 : f32 to vector<16xf32>
          %parallel_loop3A_354 = arith.addf %parallel_loop3A_353, %parallel_loop3A_351 : vector<16xf32>
          %parallel_loop3A_355 = arith.mulf %parallel_loop3A_344, %parallel_loop3A_354 : vector<16xf32>
          %parallel_loop3A_356 = arith.constant 0.333333343 : f32
          %parallel_loop3A_357 = vector.broadcast %parallel_loop3A_356 : f32 to vector<16xf32>
          %parallel_loop3A_358 = arith.addf %parallel_loop3A_357, %parallel_loop3A_355 : vector<16xf32>
          %parallel_loop3A_359 = arith.mulf %parallel_loop3A_344, %parallel_loop3A_358 : vector<16xf32>
          %parallel_loop3A_360 = arith.constant 1.000000e+00 : f32
          %parallel_loop3A_361 = vector.broadcast %parallel_loop3A_360 : f32 to vector<16xf32>
          %parallel_loop3A_362 = arith.addf %parallel_loop3A_361, %parallel_loop3A_359 : vector<16xf32>
          %parallel_loop3A_363 = arith.constant 0.000000e+00 : f32
          %parallel_loop3A_364 = vector.broadcast %parallel_loop3A_363 : f32 to vector<16xf32>
          %parallel_loop3A_365 = arith.maximumf %parallel_loop3A_334, %parallel_loop3A_364 : vector<16xf32>
          %parallel_loop3A_366 = arith.constant 2.000000e+00 : f32
          %parallel_loop3A_367 = vector.broadcast %parallel_loop3A_366 : f32 to vector<16xf32>
          %parallel_loop3A_368 = arith.mulf %parallel_loop3A_367, %parallel_loop3A_343 : vector<16xf32>
          %parallel_loop3A_369 = arith.mulf %parallel_loop3A_368, %parallel_loop3A_362 : vector<16xf32>
          %parallel_loop3A_370 = arith.addf %parallel_loop3A_365, %parallel_loop3A_369 : vector<16xf32>
          %parallel_loop3A_371 = arith.index_cast %parallel_loop3A_332 : i32 to index
          %parallel_loop3A_372 = tpu.vector_load %arg13[%parallel_loop3A_371] {strides = array<i32>} : memref<800xf32, #tpu.memory_space<vmem>>, vector<16xf32>,
          tpu.vector_store %arg13[%parallel_loop3A_371], %parallel_loop3A_370 {strides = array<i32>} : memref<800xf32, #tpu.memory_space<vmem>>, vector<16xf32>,
        } {sc.loop_unroll_factor = 4 : i64, sc.parallel_access}
        %dma_start3A_318 = tpu.memref_slice %arg6[%add3A_312] : memref<204800xf32, #tpu.memory_space<hbm>> -> memref<800xf32, #tpu.memory_space<hbm>>
        %dma_start3A_319 = tpu.memref_slice %arg6[%add3A_312] : memref<204800xf32, #tpu.memory_space<hbm>> -> memref<800xf32, #tpu.memory_space<hbm>>
        tpu.enqueue_dma source(%arg13 : memref<800xf32, #tpu.memory_space<vmem>>) target(%dma_start3A_319 : memref<800xf32, #tpu.memory_space<hbm>>) target_semaphore(%arg22 : memref<!tpu.dma_semaphore, #tpu.memory_space<semaphore_mem>>)
        %dma_wait3A_320 = tpu.memref_slice %arg6[%add3A_312] : memref<204800xf32, #tpu.memory_space<hbm>> -> memref<800xf32, #tpu.memory_space<hbm>>
        %dma_wait3A_321 = tpu.memref_slice %arg6[%add3A_312] : memref<204800xf32, #tpu.memory_space<hbm>> -> memref<800xf32, #tpu.memory_space<hbm>>
        tpu.wait_dma2 semaphore(%arg22 : memref<!tpu.dma_semaphore, #tpu.memory_space<semaphore_mem>>) src(%arg13 : memref<800xf32, #tpu.memory_space<vmem>>) dst(%dma_wait3A_321 : memref<800xf32, #tpu.memory_space<hbm>>)
        %add3A_322 = arith.constant 4800 : i32
        %add3A_323 = arith.addi %mul3A_65, %add3A_322 : i32
        %dma_start3A_324 = tpu.memref_slice %arg14[%add3A_323] : memref<204800xi32, #tpu.memory_space<vmem_shared>> -> memref<800xi32, #tpu.memory_space<vmem_shared>>
        %dma_start3A_325 = tpu.memref_slice %arg14[%add3A_323] : memref<204800xi32, #tpu.memory_space<vmem_shared>> -> memref<800xi32, #tpu.memory_space<vmem_shared>>
        tpu.enqueue_dma source(%dma_start3A_325 : memref<800xi32, #tpu.memory_space<vmem_shared>>) target(%arg12 : memref<800xi32, #tpu.memory_space<vmem>>) target_semaphore(%arg20 : memref<!tpu.dma_semaphore, #tpu.memory_space<semaphore_mem>>)
        %dma_wait3A_326 = tpu.memref_slice %arg14[%add3A_323] : memref<204800xi32, #tpu.memory_space<vmem_shared>> -> memref<800xi32, #tpu.memory_space<vmem_shared>>
        %dma_wait3A_327 = tpu.memref_slice %arg14[%add3A_323] : memref<204800xi32, #tpu.memory_space<vmem_shared>> -> memref<800xi32, #tpu.memory_space<vmem_shared>>
        tpu.wait_dma2 semaphore(%arg20 : memref<!tpu.dma_semaphore, #tpu.memory_space<semaphore_mem>>) src(%dma_wait3A_327 : memref<800xi32, #tpu.memory_space<vmem_shared>>) dst(%arg12 : memref<800xi32, #tpu.memory_space<vmem>>)
        %dma_start3A_328 = arith.constant 0 : i32
        %dma_start3A_329 = tpu.memref_slice %arg4[%dma_start3A_328] : memref<100000xf32, #tpu.memory_space<hbm>> -> memref<100000xf32, #tpu.memory_space<hbm>>
        tpu.enqueue_indirect_dma source(%dma_start3A_329 : memref<100000xf32, #tpu.memory_space<hbm>>) target(%arg13 : memref<800xf32, #tpu.memory_space<vmem>>) offsets(%arg12 : memref<800xi32, #tpu.memory_space<vmem>>) semaphore(%arg21 : memref<!tpu.dma_semaphore, #tpu.memory_space<semaphore_mem>>)
      } else {
      }
      %eq3A_306 = arith.constant 18 : i32
      %eq3A_307 = arith.cmpi eq, %scan3A_239, %eq3A_306 : i32
      %convert_element_type3A_308 = arith.extui %eq3A_307 : i1 to i32
      %cond3A_309 = arith.constant 0 : i32
      %cond3A_310 = arith.cmpi ne, %convert_element_type3A_308, %cond3A_309 : i32
      scf.if %cond3A_310 {
        %add3A_311 = arith.constant 4800 : i32
        %add3A_312 = arith.addi %mul3A_65, %add3A_311 : i32
        %dma_wait3A_313 = arith.constant 0 : i32
        %dma_wait3A_314 = tpu.memref_slice %arg4[%dma_wait3A_313] : memref<100000xf32, #tpu.memory_space<hbm>> -> memref<100000xf32, #tpu.memory_space<hbm>>
        tpu.wait_indirect_dma semaphore(%arg21 : memref<!tpu.dma_semaphore, #tpu.memory_space<semaphore_mem>>) src(%dma_wait3A_314 : memref<100000xf32, #tpu.memory_space<hbm>>) dst(%arg13 : memref<800xf32, #tpu.memory_space<vmem>>)
        %parallel_loop3A_315 = arith.constant 0 : i32
        %parallel_loop3A_316 = arith.constant 50 : i32
        %parallel_loop3A_317 = arith.constant 1 : i32
        scf.for %parallel_loop3A_330 = %parallel_loop3A_315 to %parallel_loop3A_316 step %parallel_loop3A_317  : i32 {
          %parallel_loop3A_331 = arith.constant 16 : i32
          %parallel_loop3A_332 = arith.muli %parallel_loop3A_330, %parallel_loop3A_331 : i32
          %parallel_loop3A_333 = arith.index_cast %parallel_loop3A_332 : i32 to index
          %parallel_loop3A_334 = tpu.vector_load %arg13[%parallel_loop3A_333] {strides = array<i32>} : memref<800xf32, #tpu.memory_space<vmem>>, vector<16xf32>,
          %parallel_loop3A_335 = math.absf %parallel_loop3A_334 : vector<16xf32>
          %parallel_loop3A_336 = arith.constant 0.000000e+00 : f32
          %parallel_loop3A_337 = vector.broadcast %parallel_loop3A_336 : f32 to vector<16xf32>
          %parallel_loop3A_338 = arith.subf %parallel_loop3A_337, %parallel_loop3A_335 : vector<16xf32>
          %parallel_loop3A_339 = math.exp %parallel_loop3A_338 : vector<16xf32>
          %parallel_loop3A_340 = arith.constant 2.000000e+00 : f32
          %parallel_loop3A_341 = vector.broadcast %parallel_loop3A_340 : f32 to vector<16xf32>
          %parallel_loop3A_342 = arith.addf %parallel_loop3A_341, %parallel_loop3A_339 : vector<16xf32>
          %parallel_loop3A_343 = arith.divf %parallel_loop3A_339, %parallel_loop3A_342 : vector<16xf32>
          %parallel_loop3A_344 = arith.mulf %parallel_loop3A_343, %parallel_loop3A_343 : vector<16xf32>
          %parallel_loop3A_345 = arith.constant 0.111111112 : f32
          %parallel_loop3A_346 = vector.broadcast %parallel_loop3A_345 : f32 to vector<16xf32>
          %parallel_loop3A_347 = arith.mulf %parallel_loop3A_344, %parallel_loop3A_346 : vector<16xf32>
          %parallel_loop3A_348 = arith.constant 0.142857149 : f32
          %parallel_loop3A_349 = vector.broadcast %parallel_loop3A_348 : f32 to vector<16xf32>
          %parallel_loop3A_350 = arith.addf %parallel_loop3A_349, %parallel_loop3A_347 : vector<16xf32>
          %parallel_loop3A_351 = arith.mulf %parallel_loop3A_344, %parallel_loop3A_350 : vector<16xf32>
          %parallel_loop3A_352 = arith.constant 2.000000e-01 : f32
          %parallel_loop3A_353 = vector.broadcast %parallel_loop3A_352 : f32 to vector<16xf32>
          %parallel_loop3A_354 = arith.addf %parallel_loop3A_353, %parallel_loop3A_351 : vector<16xf32>
          %parallel_loop3A_355 = arith.mulf %parallel_loop3A_344, %parallel_loop3A_354 : vector<16xf32>
          %parallel_loop3A_356 = arith.constant 0.333333343 : f32
          %parallel_loop3A_357 = vector.broadcast %parallel_loop3A_356 : f32 to vector<16xf32>
          %parallel_loop3A_358 = arith.addf %parallel_loop3A_357, %parallel_loop3A_355 : vector<16xf32>
          %parallel_loop3A_359 = arith.mulf %parallel_loop3A_344, %parallel_loop3A_358 : vector<16xf32>
          %parallel_loop3A_360 = arith.constant 1.000000e+00 : f32
          %parallel_loop3A_361 = vector.broadcast %parallel_loop3A_360 : f32 to vector<16xf32>
          %parallel_loop3A_362 = arith.addf %parallel_loop3A_361, %parallel_loop3A_359 : vector<16xf32>
          %parallel_loop3A_363 = arith.constant 0.000000e+00 : f32
          %parallel_loop3A_364 = vector.broadcast %parallel_loop3A_363 : f32 to vector<16xf32>
          %parallel_loop3A_365 = arith.maximumf %parallel_loop3A_334, %parallel_loop3A_364 : vector<16xf32>
          %parallel_loop3A_366 = arith.constant 2.000000e+00 : f32
          %parallel_loop3A_367 = vector.broadcast %parallel_loop3A_366 : f32 to vector<16xf32>
          %parallel_loop3A_368 = arith.mulf %parallel_loop3A_367, %parallel_loop3A_343 : vector<16xf32>
          %parallel_loop3A_369 = arith.mulf %parallel_loop3A_368, %parallel_loop3A_362 : vector<16xf32>
          %parallel_loop3A_370 = arith.addf %parallel_loop3A_365, %parallel_loop3A_369 : vector<16xf32>
          %parallel_loop3A_371 = arith.index_cast %parallel_loop3A_332 : i32 to index
          %parallel_loop3A_372 = tpu.vector_load %arg13[%parallel_loop3A_371] {strides = array<i32>} : memref<800xf32, #tpu.memory_space<vmem>>, vector<16xf32>,
          tpu.vector_store %arg13[%parallel_loop3A_371], %parallel_loop3A_370 {strides = array<i32>} : memref<800xf32, #tpu.memory_space<vmem>>, vector<16xf32>,
        } {sc.loop_unroll_factor = 4 : i64, sc.parallel_access}
        %dma_start3A_318 = tpu.memref_slice %arg6[%add3A_312] : memref<204800xf32, #tpu.memory_space<hbm>> -> memref<800xf32, #tpu.memory_space<hbm>>
        %dma_start3A_319 = tpu.memref_slice %arg6[%add3A_312] : memref<204800xf32, #tpu.memory_space<hbm>> -> memref<800xf32, #tpu.memory_space<hbm>>
        tpu.enqueue_dma source(%arg13 : memref<800xf32, #tpu.memory_space<vmem>>) target(%dma_start3A_319 : memref<800xf32, #tpu.memory_space<hbm>>) target_semaphore(%arg22 : memref<!tpu.dma_semaphore, #tpu.memory_space<semaphore_mem>>)
        %dma_wait3A_320 = tpu.memref_slice %arg6[%add3A_312] : memref<204800xf32, #tpu.memory_space<hbm>> -> memref<800xf32, #tpu.memory_space<hbm>>
        %dma_wait3A_321 = tpu.memref_slice %arg6[%add3A_312] : memref<204800xf32, #tpu.memory_space<hbm>> -> memref<800xf32, #tpu.memory_space<hbm>>
        tpu.wait_dma2 semaphore(%arg22 : memref<!tpu.dma_semaphore, #tpu.memory_space<semaphore_mem>>) src(%arg13 : memref<800xf32, #tpu.memory_space<vmem>>) dst(%dma_wait3A_321 : memref<800xf32, #tpu.memory_space<hbm>>)
        %add3A_322 = arith.constant 5600 : i32
        %add3A_323 = arith.addi %mul3A_65, %add3A_322 : i32
        %dma_start3A_324 = tpu.memref_slice %arg14[%add3A_323] : memref<204800xi32, #tpu.memory_space<vmem_shared>> -> memref<800xi32, #tpu.memory_space<vmem_shared>>
        %dma_start3A_325 = tpu.memref_slice %arg14[%add3A_323] : memref<204800xi32, #tpu.memory_space<vmem_shared>> -> memref<800xi32, #tpu.memory_space<vmem_shared>>
        tpu.enqueue_dma source(%dma_start3A_325 : memref<800xi32, #tpu.memory_space<vmem_shared>>) target(%arg12 : memref<800xi32, #tpu.memory_space<vmem>>) target_semaphore(%arg20 : memref<!tpu.dma_semaphore, #tpu.memory_space<semaphore_mem>>)
        %dma_wait3A_326 = tpu.memref_slice %arg14[%add3A_323] : memref<204800xi32, #tpu.memory_space<vmem_shared>> -> memref<800xi32, #tpu.memory_space<vmem_shared>>
        %dma_wait3A_327 = tpu.memref_slice %arg14[%add3A_323] : memref<204800xi32, #tpu.memory_space<vmem_shared>> -> memref<800xi32, #tpu.memory_space<vmem_shared>>
        tpu.wait_dma2 semaphore(%arg20 : memref<!tpu.dma_semaphore, #tpu.memory_space<semaphore_mem>>) src(%dma_wait3A_327 : memref<800xi32, #tpu.memory_space<vmem_shared>>) dst(%arg12 : memref<800xi32, #tpu.memory_space<vmem>>)
        %dma_start3A_328 = arith.constant 0 : i32
        %dma_start3A_329 = tpu.memref_slice %arg4[%dma_start3A_328] : memref<100000xf32, #tpu.memory_space<hbm>> -> memref<100000xf32, #tpu.memory_space<hbm>>
        tpu.enqueue_indirect_dma source(%dma_start3A_329 : memref<100000xf32, #tpu.memory_space<hbm>>) target(%arg13 : memref<800xf32, #tpu.memory_space<vmem>>) offsets(%arg12 : memref<800xi32, #tpu.memory_space<vmem>>) semaphore(%arg21 : memref<!tpu.dma_semaphore, #tpu.memory_space<semaphore_mem>>)
      } else {
      }
    }
    %scan3A_211 = arith.constant 25 : i32
    %dma_wait3A_212 = arith.constant 48 : i32
    %dma_wait3A_213 = arith.constant 0 : i32
    %dma_wait3A_214 = tpu.memref_slice %arg5[%dma_wait3A_212, %add3A_187, %dma_wait3A_213] : memref<50x64x4096xf32, #tpu.memory_space<hbm>> -> memref<1x1x4096xf32, #tpu.memory_space<hbm>>
    %dma_wait3A_215 = tpu.memref_squeeze %dma_wait3A_214 : memref<1x1x4096xf32, #tpu.memory_space<hbm>> -> memref<4096xf32, #tpu.memory_space<hbm>>
    %dma_wait3A_216 = arith.constant 0 : i32
    %dma_wait3A_217 = tpu.memref_slice %arg5[%dma_wait3A_212, %add3A_187, %dma_wait3A_216] : memref<50x64x4096xf32, #tpu.memory_space<hbm>> -> memref<1x1x4096xf32, #tpu.memory_space<hbm>>
    %dma_wait3A_218 = tpu.memref_squeeze %dma_wait3A_217 : memref<1x1x4096xf32, #tpu.memory_space<hbm>> -> memref<4096xf32, #tpu.memory_space<hbm>>
    tpu.wait_dma2 semaphore(%arg18 : memref<!tpu.dma_semaphore, #tpu.memory_space<semaphore_mem>>) src(%arg10 : memref<4096xf32, #tpu.memory_space<vmem>>) dst(%dma_wait3A_218 : memref<4096xf32, #tpu.memory_space<hbm>>)
    %dma_wait3A_219 = arith.constant 49 : i32
    %dma_wait3A_220 = arith.constant 0 : i32
    %dma_wait3A_221 = tpu.memref_slice %arg5[%dma_wait3A_219, %add3A_187, %dma_wait3A_220] : memref<50x64x4096xf32, #tpu.memory_space<hbm>> -> memref<1x1x4096xf32, #tpu.memory_space<hbm>>
    %dma_wait3A_222 = tpu.memref_squeeze %dma_wait3A_221 : memref<1x1x4096xf32, #tpu.memory_space<hbm>> -> memref<4096xf32, #tpu.memory_space<hbm>>
    %dma_wait3A_223 = arith.constant 0 : i32
    %dma_wait3A_224 = tpu.memref_slice %arg5[%dma_wait3A_219, %add3A_187, %dma_wait3A_223] : memref<50x64x4096xf32, #tpu.memory_space<hbm>> -> memref<1x1x4096xf32, #tpu.memory_space<hbm>>
    %dma_wait3A_225 = tpu.memref_squeeze %dma_wait3A_224 : memref<1x1x4096xf32, #tpu.memory_space<hbm>> -> memref<4096xf32, #tpu.memory_space<hbm>>
    tpu.wait_dma2 semaphore(%arg19 : memref<!tpu.dma_semaphore, #tpu.memory_space<semaphore_mem>>) src(%arg11 : memref<4096xf32, #tpu.memory_space<vmem>>) dst(%dma_wait3A_225 : memref<4096xf32, #tpu.memory_space<hbm>>)
    %add3A_226 = arith.constant 5600 : i32
    %add3A_227 = arith.addi %mul3A_65, %add3A_226 : i32
    %dma_wait3A_228 = arith.constant 0 : i32
    %dma_wait3A_229 = tpu.memref_slice %arg4[%dma_wait3A_228] : memref<100000xf32, #tpu.memory_space<hbm>> -> memref<100000xf32, #tpu.memory_space<hbm>>
    tpu.wait_indirect_dma semaphore(%arg21 : memref<!tpu.dma_semaphore, #tpu.memory_space<semaphore_mem>>) src(%dma_wait3A_229 : memref<100000xf32, #tpu.memory_space<hbm>>) dst(%arg13 : memref<800xf32, #tpu.memory_space<vmem>>)
    %parallel_loop3A_230 = arith.constant 0 : i32
    %parallel_loop3A_231 = arith.constant 50 : i32
    %parallel_loop3A_232 = arith.constant 1 : i32
    scf.for %parallel_loop3A_239 = %parallel_loop3A_230 to %parallel_loop3A_231 step %parallel_loop3A_232  : i32 {
      %parallel_loop3A_240 = arith.constant 16 : i32
      %parallel_loop3A_241 = arith.muli %parallel_loop3A_239, %parallel_loop3A_240 : i32
      %parallel_loop3A_242 = arith.index_cast %parallel_loop3A_241 : i32 to index
      %parallel_loop3A_243 = tpu.vector_load %arg13[%parallel_loop3A_242] {strides = array<i32>} : memref<800xf32, #tpu.memory_space<vmem>>, vector<16xf32>,
      %parallel_loop3A_244 = math.absf %parallel_loop3A_243 : vector<16xf32>
      %parallel_loop3A_245 = arith.constant 0.000000e+00 : f32
      %parallel_loop3A_246 = vector.broadcast %parallel_loop3A_245 : f32 to vector<16xf32>
      %parallel_loop3A_247 = arith.subf %parallel_loop3A_246, %parallel_loop3A_244 : vector<16xf32>
      %parallel_loop3A_248 = math.exp %parallel_loop3A_247 : vector<16xf32>
      %parallel_loop3A_249 = arith.constant 2.000000e+00 : f32
      %parallel_loop3A_250 = vector.broadcast %parallel_loop3A_249 : f32 to vector<16xf32>
      %parallel_loop3A_251 = arith.addf %parallel_loop3A_250, %parallel_loop3A_248 : vector<16xf32>
      %parallel_loop3A_252 = arith.divf %parallel_loop3A_248, %parallel_loop3A_251 : vector<16xf32>
      %parallel_loop3A_253 = arith.mulf %parallel_loop3A_252, %parallel_loop3A_252 : vector<16xf32>
      %parallel_loop3A_254 = arith.constant 0.111111112 : f32
      %parallel_loop3A_255 = vector.broadcast %parallel_loop3A_254 : f32 to vector<16xf32>
      %parallel_loop3A_256 = arith.mulf %parallel_loop3A_253, %parallel_loop3A_255 : vector<16xf32>
      %parallel_loop3A_257 = arith.constant 0.142857149 : f32
      %parallel_loop3A_258 = vector.broadcast %parallel_loop3A_257 : f32 to vector<16xf32>
      %parallel_loop3A_259 = arith.addf %parallel_loop3A_258, %parallel_loop3A_256 : vector<16xf32>
      %parallel_loop3A_260 = arith.mulf %parallel_loop3A_253, %parallel_loop3A_259 : vector<16xf32>
      %parallel_loop3A_261 = arith.constant 2.000000e-01 : f32
      %parallel_loop3A_262 = vector.broadcast %parallel_loop3A_261 : f32 to vector<16xf32>
      %parallel_loop3A_263 = arith.addf %parallel_loop3A_262, %parallel_loop3A_260 : vector<16xf32>
      %parallel_loop3A_264 = arith.mulf %parallel_loop3A_253, %parallel_loop3A_263 : vector<16xf32>
      %parallel_loop3A_265 = arith.constant 0.333333343 : f32
      %parallel_loop3A_266 = vector.broadcast %parallel_loop3A_265 : f32 to vector<16xf32>
      %parallel_loop3A_267 = arith.addf %parallel_loop3A_266, %parallel_loop3A_264 : vector<16xf32>
      %parallel_loop3A_268 = arith.mulf %parallel_loop3A_253, %parallel_loop3A_267 : vector<16xf32>
      %parallel_loop3A_269 = arith.constant 1.000000e+00 : f32
      %parallel_loop3A_270 = vector.broadcast %parallel_loop3A_269 : f32 to vector<16xf32>
      %parallel_loop3A_271 = arith.addf %parallel_loop3A_270, %parallel_loop3A_268 : vector<16xf32>
      %parallel_loop3A_272 = arith.constant 0.000000e+00 : f32
      %parallel_loop3A_273 = vector.broadcast %parallel_loop3A_272 : f32 to vector<16xf32>
      %parallel_loop3A_274 = arith.maximumf %parallel_loop3A_243, %parallel_loop3A_273 : vector<16xf32>
      %parallel_loop3A_275 = arith.constant 2.000000e+00 : f32
      %parallel_loop3A_276 = vector.broadcast %parallel_loop3A_275 : f32 to vector<16xf32>
      %parallel_loop3A_277 = arith.mulf %parallel_loop3A_276, %parallel_loop3A_252 : vector<16xf32>
      %parallel_loop3A_278 = arith.mulf %parallel_loop3A_277, %parallel_loop3A_271 : vector<16xf32>
      %parallel_loop3A_279 = arith.addf %parallel_loop3A_274, %parallel_loop3A_278 : vector<16xf32>
      %parallel_loop3A_280 = arith.index_cast %parallel_loop3A_241 : i32 to index
      %parallel_loop3A_281 = tpu.vector_load %arg13[%parallel_loop3A_280] {strides = array<i32>} : memref<800xf32, #tpu.memory_space<vmem>>, vector<16xf32>,
      tpu.vector_store %arg13[%parallel_loop3A_280], %parallel_loop3A_279 {strides = array<i32>} : memref<800xf32, #tpu.memory_space<vmem>>, vector<16xf32>,
    } {sc.loop_unroll_factor = 4 : i64, sc.parallel_access}
    %dma_start3A_233 = tpu.memref_slice %arg6[%add3A_227] : memref<204800xf32, #tpu.memory_space<hbm>> -> memref<800xf32, #tpu.memory_space<hbm>>
    %dma_start3A_234 = tpu.memref_slice %arg6[%add3A_227] : memref<204800xf32, #tpu.memory_space<hbm>> -> memref<800xf32, #tpu.memory_space<hbm>>
    tpu.enqueue_dma source(%arg13 : memref<800xf32, #tpu.memory_space<vmem>>) target(%dma_start3A_234 : memref<800xf32, #tpu.memory_space<hbm>>) target_semaphore(%arg22 : memref<!tpu.dma_semaphore, #tpu.memory_space<semaphore_mem>>)
    %add3A_235 = arith.constant 5600 : i32
    %add3A_236 = arith.addi %mul3A_65, %add3A_235 : i32
    %dma_wait3A_237 = tpu.memref_slice %arg6[%add3A_236] : memref<204800xf32, #tpu.memory_space<hbm>> -> memref<800xf32, #tpu.memory_space<hbm>>
    %dma_wait3A_238 = tpu.memref_slice %arg6[%add3A_236] : memref<204800xf32, #tpu.memory_space<hbm>> -> memref<800xf32, #tpu.memory_space<hbm>>
    tpu.wait_dma2 semaphore(%arg22 : memref<!tpu.dma_semaphore, #tpu.memory_space<semaphore_mem>>) src(%arg13 : memref<800xf32, #tpu.memory_space<vmem>>) dst(%dma_wait3A_238 : memref<800xf32, #tpu.memory_space<hbm>>)
    return
  }
}

</mosaic_0001>

<sc_bundles>
// kernel: _run.3.cloned.1.call-start
scs
__scs_entry_jumppad:
0x0: {  	(pc) =	sbr.rel $0x88, $3  }
0x1: {  	(tag) =	ssettag $0x0;
	lr =	simm.s32 $0x1  }
0x2: {  	[smem:$0x3F9E] =	sst lr;
	_ =	strace $0xD0000000  }
0x3: {  	_ = 	snop  }
0x4: {  	_ = 	snop  }
0x5: {  	_ = 	snop  }
0x6: {  	_ = 	snop  }
0x7: {  	_ = 	snop  }
__scs_overlays_trampoline_lowered:
0x8: {  	[smem:$0x3FAD] =	sst s0  }
0x9: {  	[smem:$0x3FAE] =	sst s1  }
0xa: {  	[smem:$0x3FAF] =	sst s2  }
0xb: {  	[smem:$0x3FB0] =	sst s3  }
0xc: {  	[smem:$0x3FB1] =	sst s4  }
0xd: {  	[smem:$0x3FB2] =	sst s5  }
0xe: {  	[smem:$0x3FB3] =	sst s6  }
0xf: {  	[smem:$0x3FB4] =	sst s7  }
0x10: {  	[smem:$0x3FB5] =	sst s8  }
0x11: {  	[smem:$0x3FB6] =	sst s9;
	s0 =	simm.s32 @!p0 $0x0  }
0x12: {  	s1 =	sld [smem:$0x3F9C];
	s0 =	simm.s32 @p0 $0x1  }
0x13: {  	[smem:$0x3FB7] =	sst s0;
	s0 =	simm.s32 @!p1 $0x0  }
0x14: {  	s2 =	sld [smem:$0x3F9B];
	s0 =	simm.s32 @p1 $0x1  }
0x15: {  	[smem:$0x3FB8] =	sst s0;
	s0 =	simm.s32 @!p2 $0x0  }
0x16: {  	s3 =	sld [smem:$0x3FDB];
	s0 =	simm.s32 @p2 $0x1  }
0x17: {  	s4 =	simm.s32 $0x1BF5;
	[smem:$0x3FBA] =	sst s0  }
0x18: {  	s0 =	sld [smem:$0x3F9D];
	_ =	swait.ge [sflag:s4], $0x0  }
0x19: {  	s7 =	sld [smem:$0x3F9E]  }
0x1a: {  	s8 =	sadd.s32 $0xFFFFE003, lr  }
0x1b: {  	s9 =	sadd.s32 $0xFFFFFEF7, lr;
	s5 =	simm.s32 $0xFFFFFFFF;
	p2 =	slt.u32 s8, $0xFFFFF086  }
0x1c: {  	p1 =	slt.u32 s9, $0xF7A;
	s5 =	simm.s32 @!p2 $0x0  }
0x1d: {  	s5 =	simm.s32 @p1 $0x1;
	p0 =	seq.s32 s7, s2  }
0x1e: {  	s7 =	smul.u32 @!p0 $0xF7A, s2;
	p2 =	seq.s32 @!p0 s5, $0x0  }
0x1f: {  	s9 =	smul.u32 $0xF7A, s1;
	s8 =	simm.s32 @!p0 $0x1BF5;
	p2 =	por !p2, p0  }
0x20: {  	[sflag:s8] =	ssyncset.s32 @!p0 $0xFFFFF086;
	s6 =	sadd.s32 @!p0 s3, s7;
	s7 =	simm.s32 @!p0 $0x108  }
0x21: {  	s3 =	sadd.s32 s3, s9;
	s6 =	sadd.s32 @!p0 $0x88, s6;
	s7 =	simm.s32 @p2 $0x1082  }
0x22: {  	[simem:s7], [sflag:s8] =	dma.local @!p0 [hbm:s6], $0xF7A  }
0x23: {  	s9 =	sor.u32 $0xD0000000, s2;
	s6 =	simm.s32 $0x108;
	_ =	swait.ge @!p0 [sflag:s8], $0x0  }
0x24: {  	s3 =	sadd.s32 $0x88, s3;
	s6 =	simm.s32 @!p1 $0x1082;
	[sflag:s4] =	ssyncset.s32 $0xFFFFF086  }
0x25: {  	[simem:s6], [sflag:s4] =	dma.local [hbm:s3], $0xF7A  }
0x26: {  	[smem:$0x3F9E] =	sst s1;
	(tag) =	ssettag s2;
	_ =	strace s9  }
0x27: {  	s1 =	sld [smem:$0x3FAE]  }
0x28: {  	s2 =	sld [smem:$0x3FAF]  }
0x29: {  	s4 =	sld [smem:$0x3FB1]  }
0x2a: {  	p0 =	seq.s32 s5, $0x0;
	s5 =	sld [smem:$0x3FB2]  }
0x2b: {  	s6 =	sld [smem:$0x3FB3]  }
0x2c: {  	s7 =	sld [smem:$0x3FB4]  }
0x2d: {  	s3 =	simm.s32 $0x108;
	s8 =	sld [smem:$0x3FB5]  }
0x2e: {  	s3 =	simm.s32 @!p0 $0x1082;
	s9 =	sld [smem:$0x3FB6]  }
0x2f: {  	lr =	sadd.s32 s0, s3;
	s0 =	sld [smem:$0x3FAD]  }
0x30: {  	s3 =	sld [smem:$0x3FB0]  }
0x31: {  	[smem:$0x3FB9] =	sst s10  }
0x32: {  	s10 =	sld [smem:$0x3FB7];
	_ =	sdelay $0x3  }
0x33: {  	p0 =	seq.s32 s10, $0x1;
	s10 =	sld [smem:$0x3FB9];
	_ =	sdelay $0x3  }
0x34: {  	[smem:$0x3FB9] =	sst s10  }
0x35: {  	s10 =	sld [smem:$0x3FB8];
	_ =	sdelay $0x3  }
0x36: {  	p1 =	seq.s32 s10, $0x1;
	s10 =	sld [smem:$0x3FB9];
	_ =	sdelay $0x3  }
0x37: {  	[smem:$0x3FB9] =	sst s10  }
0x38: {  	s10 =	sld [smem:$0x3FBA]  }
0x39: {  	_ = 	snop;
	(pc) =	sbr.ind lr, $3  }
0x3a: {  	_ = 	snop  }
0x3b: {  	_ = 	snop  }
0x3c: {  	p2 =	seq.s32 s10, $0x1;
	s10 =	sld [smem:$0x3FB9]  }
0x3d: {  	_ =	shalt  }
0x3e: {  	_ =	shalt  }
0x3f: {  	_ =	shalt  }
0x40: {  	_ =	shalt  }
0x41: {  	_ =	shalt  }
0x42: {  	_ =	shalt  }
0x43: {  	_ =	shalt  }
0x44: {  	_ =	shalt  }
0x45: {  	_ =	shalt  }
0x46: {  	_ =	shalt  }
0x47: {  	_ =	shalt  }
0x48: {  	_ =	shalt  }
0x49: {  	_ =	shalt  }
0x4a: {  	_ =	shalt  }
0x4b: {  	_ =	shalt  }
0x4c: {  	_ =	shalt  }
0x4d: {  	_ =	shalt  }
0x4e: {  	_ =	shalt  }
0x4f: {  	_ =	shalt  }
0x50: {  	_ =	shalt  }
0x51: {  	_ =	shalt  }
0x52: {  	_ =	shalt  }
0x53: {  	_ =	shalt  }
0x54: {  	_ =	shalt  }
0x55: {  	_ =	shalt  }
0x56: {  	_ =	shalt  }
0x57: {  	_ =	shalt  }
0x58: {  	_ =	shalt  }
0x59: {  	_ =	shalt  }
0x5a: {  	_ =	shalt  }
0x5b: {  	_ =	shalt  }
0x5c: {  	_ =	shalt  }
0x5d: {  	_ =	shalt  }
0x5e: {  	_ =	shalt  }
0x5f: {  	_ =	shalt  }
0x60: {  	_ =	shalt  }
0x61: {  	_ =	shalt  }
0x62: {  	_ =	shalt  }
0x63: {  	_ =	shalt  }
0x64: {  	_ =	shalt  }
0x65: {  	_ =	shalt  }
0x66: {  	_ =	shalt  }
0x67: {  	_ =	shalt  }
0x68: {  	_ =	shalt  }
0x69: {  	_ =	shalt  }
0x6a: {  	_ =	shalt  }
0x6b: {  	_ =	shalt  }
0x6c: {  	_ =	shalt  }
0x6d: {  	_ =	shalt  }
0x6e: {  	_ =	shalt  }
0x6f: {  	_ =	shalt  }
0x70: {  	_ =	shalt  }
0x71: {  	_ =	shalt  }
0x72: {  	_ =	shalt  }
0x73: {  	_ =	shalt  }
0x74: {  	_ =	shalt  }
0x75: {  	_ =	shalt  }
0x76: {  	_ =	shalt  }
0x77: {  	_ =	shalt  }
0x78: {  	_ =	shalt  }
0x79: {  	_ =	shalt  }
0x7a: {  	_ =	shalt  }
0x7b: {  	_ =	shalt  }
0x7c: {  	_ =	shalt  }
0x7d: {  	_ =	shalt  }
0x7e: {  	_ =	shalt  }
0x7f: {  	_ =	shalt  }
0x80: {  	_ =	shalt  }
0x81: {  	_ =	shalt  }
0x82: {  	_ =	shalt  }
0x83: {  	_ =	shalt  }
0x84: {  	_ =	shalt  }
0x85: {  	_ =	shalt  }
0x86: {  	_ =	shalt  }
0x87: {  	_ =	shalt  }
.Lfunc_end0:
.L_simem_size_0:
called_computation_lowered:
.L_overlay_start_0:
0x88: {  	s2 =	sld [smem:$0x3FD9]  }
0x89: {  	s3 =	sld [smem:$0x3FFE];
	_ =	sdelay $0x1  }
0x8a: {  	s1 =	srdreg.scid  }
0x8b: {  	s0 =	sand.u32 $0x1, s1  }
0x8c: {  	s15 =	sshll.u32 s0, $0xA;
	s2 =	sadd.s32 s3, s2  }
0x8d: {  	s2 =	sadd.s32 s2, s15  }
0x8e: {  	[smem:$0x3FC5] =	sst s2  }
0x8f: {  	_ = 	snop  }
0x90: {  	s2 =	sld [smem:$0x3FD0]  }
0x91: {  	s16 =	sld [smem:$0x3FC9]  }
0x92: {  	s4 =	sld [smem:$0x3FC8]  }
0x93: {  	s6 =	simm.s32 $0xA;
	s7 =	simm.s32 $0x10;
	s5 =	sld [smem:$0x3FC7]  }
0x94: {  	[smem:s7], [sflag:s6] =	dma.local [hbm:s2], $0x1  }
0x95: {  	_ =	swait.eq [sflag:s6], $0x1  }
0x96: {  	[sflag:s6] =	ssyncset.done $0x0  }
0x97: {  	s17 =	sld [smem:$0x10];
	[sflag:s6] =	ssyncadd.s32 $0xFFFFFFFF  }
0x98: {  	s18 =	sld [smem:$0x11];
	(tm) =	ssettm $0x1  }
0x99: {  	s19 =	sld [smem:$0x3FFB];
	_ =	sdelay $0x3  }
0x9a: {  	_ =	strace s19  }
0x9b: {  	s7 =	sld [smem:$0x3FFC];
	_ =	sdelay $0x3  }
0x9c: {  	_ =	strace s7  }
0x9d: {  	s7 =	sld [smem:$0x3FFD];
	_ =	sdelay $0x3  }
0x9e: {  	_ =	strace s7  }
0x9f: {  	_ =	strace $0x8FFFFFFF  }
0xa0: {  	s20 =	sld [smem:$0x3FDB];
	_ =	sdelay $0x1  }
0xa1: {  	s8 =	simm.s32 $_scs_section_size  }
0xa2: {  	s9 =	simm.s32 $_size__tile_overlayer_lowered;
	s10 =	simm.s32 $_tile_overlayer_lowered  }
0xa3: {  	s23 =	simm.s32 $0x1BFF;
	s22 =	sshll.u32 s10, $0x1;
	s7 =	sadd.s32 s8, s20  }
0xa4: {  	s11 =	simm.s32 $0x0;
	s21 =	sshll.u32 s9, $0x1;
	s9 =	sadd.s32 s22, s7  }
0xa5: {  	[timem:s11], [sflag:s23] =	dma.local [hbm:s9], s21  }
0xa6: {  	_ =	swait.ge [sflag:s23], s21  }
0xa7: {  	s8 =	ssub.s32 $0x0, s21;
	[sflag:s23] =	ssyncset.done $0x0  }
0xa8: {  	[sflag:s23] =	ssyncadd.s32 s8;
	_ =	sdelay $0x1  }
0xa9: {  	s24 =	simm.s32 $0x1B8B  }
0xaa: {  	_ =	swait.ge [sflag:s24], $0x1  }
0xab: {  	[sflag:s24] =	ssyncset.done $0x0  }
0xac: {  	s25 =	simm.s32 $0x1B8E;
	[sflag:s24] =	ssyncadd.s32 $0xFFFFFFFF  }
0xad: {  	s26 =	simm.s32 $execute0_lowered;
	[smem:$0x3FD2] =	sst s25  }
0xae: {  	s8 =	sshll.u32 s26, $0x1;
	_ =	strace $0x80000046;
	[dreg:$0x1] =	wrdreg $0xFFFFFFFF  }
0xaf: {  	s28 =	simm.s32 $_size_execute0_lowered;
	s7 =	sadd.s32 s7, s8;
	[dreg:$0x0] =	wrdreg $0x0  }
0xb0: {  	s8 =	sshll.u32 s28, $0x1;
	[dreg:$0x2] =	wrdreg s7  }
0xb1: {  	[dreg:$0x3] =	wrdreg s8  }
0xb2: {  	[dreg:$0x4] =	wrdreg $0xC0  }
0xb3: {  	_ =	task [dreg:s11], $0x5FFFF  }
0xb4: {  	[dreg:$0x1] =	wrdreg $0xFFFFFFFF  }
0xb5: {  	[dreg:$0x0] =	wrdreg $0x60  }
0xb6: {  	[dreg:$0x2] =	wrdreg s16  }
0xb7: {  	[dreg:$0x3] =	wrdreg s4  }
0xb8: {  	[dreg:$0x4] =	wrdreg s5  }
0xb9: {  	[dreg:$0x5] =	wrdreg s17  }
0xba: {  	[dreg:$0x6] =	wrdreg s18  }
0xbb: {  	[dreg:$0x7] =	wrdreg $0x1CE000  }
0xbc: {  	[dreg:$0x8] =	wrdreg $0x9  }
0xbd: {  	_ =	task.clear_ibuf [dreg:s11], $0x9FFFF;
	_ =	strace $0x90000046  }
0xbe: {  	s29 =	simm.s32 $0x9;
	_ =	strace $0x80000048  }
0xbf: {  	_ =	swait.ge [sflag:s29], $0x1  }
0xc0: {  	[sflag:s29] =	ssyncadd.s32 $0xFFFFFFFF  }
0xc1: {  	_ =	strace $0x90000048  }
0xc2: {  	_ =	sfence  }
0xc3: {  	s30 =	sld [smem:$0x0];
	_ =	sdelay $0x2  }
0xc4: {  	s31 =	sshll.u32 s1, $0xD;
	s1 =	sshrl.u32 s1, $0x2  }
0xc5: {  	s3 =	sand.u32 $0x4000, s31;
	s1 =	sadd.s32 s1, s30  }
0xc6: {  	s0 =	sor.u32 s3, s0;
	s1 =	sshll.u32 s1, $0x11  }
0xc7: {  	s0 =	sor.u32 s1, s0  }
0xc8: {  	s0 =	sadd.s32 $0x8F2B, s0  }
0xc9: {  	[sflag:s0] =	ssyncadd.remote.s32 $0x1  }
0xca: {  	_ =	sfence.sel $0xFFFF  }
0xcb: {  	[dreg:$0x0] =	wrdreg $0xFFFFFFFF;
	(pc) =	sbr.abs _section_cstart, $3  }
0xcc: {  	[dreg:$0x1] =	wrdreg $0xFFFFFFFF  }
0xcd: {  	_ =	task.clear_ibuf [dreg:s11], $0x2FFFF;
	_ =	strace $0x9FFFFFFF  }
0xce: {  	(tm) =	ssettm $0x7FFFFFFF  }
0xcf: {  	_ =	shalt  }
tec
execute0_lowered:
.L_overlay_start_1:
0x0: {  	(tag) =	ssettag $0x1  }
0x1: {  	s0 =	rddreg [dreg:$0x0]  }
0x2: {  	s3 =	rddreg [dreg:$0x1]  }
0x3: {  	s1 =	rddreg [dreg:$0x2]  }
0x4: {  	s2 =	rddreg [dreg:$0x3]  }
0x5: {  	s5 =	srdreg.scid;
	s20 =	stileid.u32  }
0x6: {  	s4 =	rddreg [dreg:$0x4];
	s28 =	simm.s32 $0x8;
	s7 =	sand.u32 $0x1, s5  }
0x7: {  	s6 =	sshll.u32 s20, $0x1;
	s5 =	rddreg [dreg:$0x5];
	s9 =	sshrl.u32 s20, $0x1  }
0x8: {  	s31 =	sshll.u32 s20, $0xC;
	s17 =	sshll.u32 s20, $0x9;
	s18 =	sshll.u32 s20, $0x6  }
0x9: {  	p0 =	sgt.u32 s20, $0x1;
	s8 =	sor.u32 s7, s6;
	s11 =	smul.u32 $0xC3800, s9  }
0xa: {  	s6 =	simm.s32 $0x0;
	s7 =	ssub.s32 $0x2, s7;
	s14 =	sadd.s32 s31, s5  }
0xb: {  	s19 =	sor.u32 $0x10000, s31;
	s15 =	sor.u32 $0x20000, s31;
	s23 =	sor.u32 $0x30000, s31  }
0xc: {  	s9 =	sshll.u32 s9, $0xF;
	s10 =	sshll.u32 s8, $0x8;
	[smem:$0x7FF] =	sst s6  }
0xd: {  	s12 =	sshrl.u32 s7, $0x1;
	s16 =	sadd.s32 s19, s5;
	s10 =	sand.u32 $0x300, s10  }
0xe: {  	s21 =	sadd.s32 s15, s5;
	_ =	strace $0x80000047;
	s13 =	sor.u32 s11, s10  }
0xf: {  	s7 =	ssub.s32 s7, s12;
	s24 =	sor.u32 $0x80, s10;
	s30 =	sshrl.u32 s13, $0x3  }
0x10: {  	s13 =	sadd.s32 s0, s17;
	s17 =	sshrl.u32 s15, $0x3;
	s15 =	sshrl.u32 s23, $0x3  }
0x11: {  	s11 =	sor.u32 s11, s24;
	s12 =	sadd.s32 s3, s30;
	[dreg:$0x8] =	wrdreg s13  }
0x12: {  	s13 =	sor.u32 $0x1C09, s18;
	s22 =	sadd.s32 s0, s17;
	[dreg:$0x7] =	wrdreg s12  }
0x13: {  	s25 =	sshrl.u32 s11, $0x3;
	s17 =	sor.u32 s10, s9;
	[dreg:$0x9] =	wrdreg s13  }
0x14: {  	s18 =	sor.u32 s24, s9;
	s10 =	smax.u32 s7, $0x1;
	[dreg:$0xb] =	wrdreg s22  }
0x15: {  	s11 =	sshrl.u32 s14, $0x3;
	s14 =	sshrl.u32 s16, $0x3;
	[dreg:$0x12] =	wrdreg s10  }
0x16: {  	s16 =	sshrl.u32 s21, $0x3;
	s7 =	simm.s32 $0x0;
	[dreg:$0x13] =	wrdreg s11  }
0x17: {  	s13 =	sshrl.u32 s19, $0x3;
	s12 =	smul.u32 $0x1900, s8;
	[dreg:$0x14] =	wrdreg s14  }
0x18: {  	s19 =	sadd.s32 s23, s5;
	[dreg:$0x15] =	wrdreg s16;
	s13 =	sadd.s32 s0, s13  }
0x19: {  	s14 =	simm.s32 $0x2;
	s0 =	sadd.s32 s0, s15;
	[dreg:$0xa] =	wrdreg s13  }
0x1a: {  	s16 =	simm.s32 $0x1B700;
	[dreg:$0xc] =	wrdreg s0;
	s0 =	sadd.s32 s3, s25  }
0x1b: {  	s15 =	sadd.s32 s12, s5;
	s20 =	sadd.s32 $0x320, s12;
	[dreg:$0xe] =	wrdreg s0  }
0x1c: {  	s26 =	sshrl.u32 s12, $0x3;
	s22 =	sadd.s32 $0x640, s12;
	[dreg:$0x17] =	wrdreg s20  }
0x1d: {  	s29 =	sadd.s32 $0xC80, s12;
	s13 =	simm.s32 $0x80;
	[dreg:$0x19] =	wrdreg s22  }
0x1e: {  	s3 =	simm.s32 $0x19700;
	s30 =	sadd.s32 $0x320, s15;
	[dreg:$0xd] =	wrdreg s15  }
0x1f: {  	s31 =	sadd.s32 s4, s26;
	s21 =	sadd.s32 $0x640, s15;
	[dreg:$0xf] =	wrdreg s30  }
0x20: {  	s23 =	sadd.s32 $0x960, s15;
	s24 =	sadd.s32 s29, s5;
	[dreg:$0x18] =	wrdreg s21  }
0x21: {  	s25 =	sadd.s32 $0xFA0, s15;
	s26 =	sadd.s32 $0xFA0, s12;
	[dreg:$0x1a] =	wrdreg s23  }
0x22: {  	s11 =	sadd.s32 $0x15E0, s15;
	s20 =	simm.s32 $0x1C700;
	[dreg:$0x1b] =	wrdreg s24  }
0x23: {  	s22 =	simm.s32 $0x320;
	s9 =	sadd.s32 $0x12C, s31;
	[dreg:$0x1c] =	wrdreg s25  }
0x24: {  	s0 =	sadd.s32 $0x2BC, s31;
	[dreg:$0x1d] =	wrdreg s26;
	s30 =	sadd.s32 $0x12C0, s15  }
0x25: {  	s31 =	sadd.s32 $0x12C0, s12;
	s15 =	simm.s32 $0x400;
	[dreg:$0x10] =	wrdreg s9  }
0x26: {  	s21 =	simm.s32 $0x6;
	s23 =	simm.s32 $0x1CA80;
	[dreg:$0x11] =	wrdreg s0  }
0x27: {  	s24 =	simm.s32 $0x18700;
	s25 =	simm.s32 $0x1A700;
	[dreg:$0x1e] =	wrdreg s30  }
0x28: {  	s26 =	simm.s32 $0x7;
	s0 =	sshrl.u32 @!p0 s19, $0x3;
	[dreg:$0x1f] =	wrdreg s31  }
0x29: {  	s9 =	simm.s32 $0x3;
	s19 =	simm.s32 $0x5;
	[dreg:$0x16] =	wrdreg s0  }
.LBB2_1:
0x2a: {  	[smem:$0x7FD] =	sst s7  }
0x2b: {  	s0 =	rddreg [dreg:$0x7]  }
0x2c: {  	s31 =	rddreg [dreg:$0x8]  }
0x2d: {  	s7 =	rddreg [dreg:$0x9]  }
0x2e: {  	s8 =	rddreg [dreg:$0x13]  }
0x2f: {  	[tilespmem:s6], [sflag:$0x1] =	stream.strided.gather [hbm4b:s0+s13], $0x18700, s15, s13, $0x38;
	v63 =	vld [tilespmem:$0x0]  }
0x30: {  	[spmem:s8], [sflag:s7] =	dma.local [hbm:s31], $0x200  }
0x31: {  	s0 =	rddreg [dreg:$0xa]  }
0x32: {  	s8 =	rddreg [dreg:$0x14]  }
0x33: {  	[spmem:s8], [sflag:s7] =	dma.local [hbm:s0], $0x200  }
0x34: {  	s0 =	rddreg [dreg:$0xb]  }
0x35: {  	s8 =	rddreg [dreg:$0x15]  }
0x36: {  	[spmem:s8], [sflag:s7] =	dma.local [hbm:s0], $0x200  }
0x37: {  	s0 =	rddreg [dreg:$0xc]  }
0x38: {  	s8 =	rddreg [dreg:$0x16]  }
0x39: {  	[spmem:s8], [sflag:s7] =	dma.local @!p0 [hbm:s0], $0x200  }
0x3a: {  	s0 =	simm.s32 @!p0 $0x9  }
0x3b: {  	_ =	swait.ge @!p0 [sflag:s0], $0x200  }
0x3c: {  	[sflag:s0] =	ssyncset.done @!p0 $0x0  }
0x3d: {  	s8 =	simm.s32 $0x9;
	[sflag:s0] =	ssyncadd.s32 @!p0 $0xFFFFFE00  }
0x3e: {  	_ =	swait.ge [sflag:s8], $0x200  }
0x3f: {  	[sflag:s8] =	ssyncset.done $0x0  }
0x40: {  	[sflag:s8] =	ssyncadd.s32 $0xFFFFFE00  }
0x41: {  	_ =	swait.ge [sflag:s8], $0x200  }
0x42: {  	[sflag:s8] =	ssyncset.done $0x0  }
0x43: {  	[sflag:s8] =	ssyncadd.s32 $0xFFFFFE00  }
0x44: {  	_ =	swait.ge [sflag:s8], $0x200  }
0x45: {  	[sflag:s8] =	ssyncset.done $0x0  }
0x46: {  	[sflag:s8] =	ssyncadd.s32 $0xFFFFFE00  }
0x47: {  	[bflag:$0x0] =	sbarrier.arrive $0xFFFF  }
0x48: {  	s10 =	rddreg [dreg:$0xd]  }
0x49: {  	[tilespmem:s20], [sflag:$0x6] =	stream.linear.gather [spmem:s10], $0x320, $0x38;
	v63 =	vld [tilespmem:$0x0]  }
0x4a: {  	_ =	swait.ge [sflag:s21], $0x320  }
0x4b: {  	[sflag:s21] =	ssyncset.done $0x0  }
0x4c: {  	[sflag:s21] =	ssyncadd.s32 $0xFFFFFCE0  }
0x4d: {  	[tilespmem:s23], [sflag:$0x7] =	stream.indirect.gather [hbm4b:s1+s22], $0x1, s20, s22, $0xb8;
	v63 =	vld [tilespmem:$0x0]  }
.Ltmp0:
0x4e: {  	s31 =	simm.s32 $0x1;
	(pc) =	sbr.rel .LBB2_2-.Ltmp0, $4  }
0x4f: {  	[tilespmem:s24], [sflag:$0x2] =	stream.linear.gather [spmem:s5], $0x1000, $0x38;
	v63 =	vld [tilespmem:$0x0]  }
0x50: {  	_ =	swait.ge [sflag:s31], $0x18700  }
0x51: {  	[sflag:s31] =	ssyncset.done $0x0  }
0x52: {  	s30 =	simm.s32 $0x0;
	[sflag:s31] =	ssyncadd.s32 $0xFFFE7900  }
.LBB2_28:
0x53: {  	s7 =	sshrl.u32 s7, $0x3  }
0x54: {  	s7 =	sadd.s32 s4, s7  }
0x55: {  	[hbm4b:s7+s6] =	stream.linear.scatter [tilespmem:s23], [sflag:$0x8], $0x320, $0x38;
	v63 =	vld [tilespmem:$0x0]  }
0x56: {  	_ =	swait.ge [sflag:s28], $0x320  }
0x57: {  	[sflag:s28] =	ssyncset.done $0x0  }
0x58: {  	[sflag:s28] =	ssyncadd.s32 $0xFFFFFCE0  }
0x59: {  	[tilespmem:s20], [sflag:$0x6] =	stream.linear.gather [spmem:s0], $0x320, $0x38;
	v63 =	vld [tilespmem:$0x0]  }
0x5a: {  	_ =	swait.ge [sflag:s21], $0x320  }
0x5b: {  	[sflag:s21] =	ssyncset.done $0x0  }
0x5c: {  	[sflag:s21] =	ssyncadd.s32 $0xFFFFFCE0  }
0x5d: {  	[tilespmem:s23], [sflag:$0x7] =	stream.indirect.gather [hbm4b:s1+s22], $0x1, s20, s22, $0xb8;
	v63 =	vld [tilespmem:$0x0]  }
.LBB2_29:
0x5e: {  	s30 =	sadd.s32 $0x1, s30  }
0x5f: {  	p1 =	sne.s32 s30, $0x19  }
.Ltmp1:
0x60: {  	_ = 	snop;
	(pc) =	sbr.rel @!p1 .LBB2_30-.Ltmp1, $1  }
0x61: {  	_ =	sdelay $0x3  }
.LBB2_2:
0x62: {  	s0 =	sshllo.u32 s30, $0x1  }
0x63: {  	s7 =	sshll.u32 s0, $0xC  }
0x64: {  	s7 =	sand.u32 $0x3FFFF000, s7  }
0x65: {  	s7 =	sadd.s32 s7, s5  }
0x66: {  	[tilespmem:s3], [sflag:$0x3] =	stream.linear.gather [spmem:s7], $0x1000, $0x38;
	v63 =	vld [tilespmem:$0x0]  }
0x67: {  	_ =	swait.ge [sflag:s14], $0x1000  }
0x68: {  	p1 =	seq.s32 s30, $0x0;
	[sflag:s14] =	ssyncset.done $0x0  }
0x69: {  	s7 =	simm.s32 @!p1 $0x4;
	[sflag:s14] =	ssyncadd.s32 $0xFFFFF000  }
0x6a: {  	_ =	swait.ge @!p1 [sflag:s7], $0x1000  }
0x6b: {  	[sflag:s7] =	ssyncset.done @!p1 $0x0  }
0x6c: {  	s31 =	simm.s32 $0x18740;
	[sflag:s7] =	ssyncadd.s32 @!p1 $0xFFFFF000  }
0x6d: {  	v0 =	vld [tilespmem:s31+$0x30]  }
0x6e: {  	v1 =	vld [tilespmem:s31+$0xFFFFFFD0]  }
0x6f: {  	v2 =	vld [tilespmem:s31+$0xFFFFFFE0]  }
0x70: {  	v3 =	vld [tilespmem:s31+$0xFFFFFFF0]  }
0x71: {  	v6 =	vld [tilespmem:s31+$0x0]  }
0x72: {  	v7 =	vld [tilespmem:s31+$0x10]  }
0x73: {  	v8 =	vld [tilespmem:s31+$0x20]  }
0x74: {  	v9 =	vld [tilespmem:s31+$0xFFFFFFC0]  }
0x75: {  	v10 =	vld.idx.msk [tilespmem:v0+s6+$0x0], $0xffff  }
0x76: {  	v11 =	vld.idx.msk [tilespmem:v1+s6+$0x0], $0xffff  }
0x77: {  	v5 =	vld.idx.msk [tilespmem:v2+s6+$0x0], $0xffff  }
0x78: {  	v4 =	vld.idx.msk [tilespmem:v3+s6+$0x0], $0xffff  }
0x79: {  	v3 =	vld.idx.msk [tilespmem:v6+s6+$0x0], $0xffff  }
0x7a: {  	s7 =	simm.s32 $0x1A740;
	v1 =	vld.idx.msk [tilespmem:v7+s6+$0x0], $0xffff  }
0x7b: {  	v0 =	vld.idx.msk [tilespmem:v8+s6+$0x0], $0xffff;
	[tilespmem:s7+$0x30] =	vst v10  }
0x7c: {  	s8 =	simm.s32 $0x0;
	s10 =	simm.s32 $0x187C0;
	v2 =	vld.idx.msk [tilespmem:v9+s6+$0x0], $0xffff;
	[tilespmem:s7+$0xFFFFFFD0] =	vst v11  }
.LBB2_3:
0x7d: {  	v6 =	vld [tilespmem:s10+$0x30];
	s8 =	sadd.s32 $0x8, s8;
	[tilespmem:s7+$0xFFFFFFE0] =	vst v5  }
0x7e: {  	v5 =	vld [tilespmem:s10+$0xFFFFFFD0];
	p2 =	slt.u32 s8, $0xF8;
	[tilespmem:s7+$0xFFFFFFF0] =	vst v4  }
0x7f: {  	v4 =	vld [tilespmem:s10+$0xFFFFFFE0];
	[tilespmem:s7+$0x0] =	vst v3  }
0x80: {  	v3 =	vld [tilespmem:s10+$0xFFFFFFF0];
	[tilespmem:s7+$0x10] =	vst v1  }
0x81: {  	v1 =	vld [tilespmem:s10+$0x0];
	[tilespmem:s7+$0x20] =	vst v0  }
0x82: {  	v0 =	vld [tilespmem:s10+$0x10];
	[tilespmem:s7+$0xFFFFFFC0] =	vst v2  }
0x83: {  	v2 =	vld [tilespmem:s10+$0x20]  }
0x84: {  	v7 =	vld [tilespmem:s10+$0xFFFFFFC0]  }
0x85: {  	v6 =	vld.idx.msk [tilespmem:v6+s6+$0x0], $0xffff  }
0x86: {  	v8 =	vld.idx.msk [tilespmem:v5+s6+$0x0], $0xffff  }
0x87: {  	v5 =	vld.idx.msk [tilespmem:v4+s6+$0x0], $0xffff  }
.Ltmp2:
0x88: {  	v4 =	vld.idx.msk [tilespmem:v3+s6+$0x0], $0xffff;
	(pc) =	sbr.rel @p2 .LBB2_3-.Ltmp2, $4  }
0x89: {  	v3 =	vld.idx.msk [tilespmem:v1+s6+$0x0], $0xffff  }
0x8a: {  	s7 =	sadd.s32 $0x80, s7;
	v1 =	vld.idx.msk [tilespmem:v0+s6+$0x0], $0xffff  }
0x8b: {  	v0 =	vld.idx.msk [tilespmem:v2+s6+$0x0], $0xffff;
	[tilespmem:s7+$0x30] =	vst v6  }
0x8c: {  	s10 =	sadd.s32 $0x80, s10;
	v2 =	vld.idx.msk [tilespmem:v7+s6+$0x0], $0xffff;
	[tilespmem:s7+$0xFFFFFFD0] =	vst v8  }
0x8d: {  	[tilespmem:s7+$0xFFFFFFE0] =	vst v5  }
0x8e: {  	[tilespmem:s7+$0xFFFFFFF0] =	vst v4;
	p2 =	sne.s32 s30, $0x18  }
.Ltmp3:
0x8f: {  	s8 =	sshll.u32 s30, $0x13;
	[tilespmem:s7+$0x0] =	vst v3;
	(pc) =	sbr.rel @p2 .LBB2_6-.Ltmp3, $4  }
0x90: {  	s8 =	sor.u32 s17, s8;
	[tilespmem:s7+$0x10] =	vst v1  }
0x91: {  	s8 =	sshrl.u32 s8, $0x3;
	[tilespmem:s7+$0x20] =	vst v0  }
0x92: {  	s31 =	sadd.s32 s2, s8;
	[tilespmem:s7+$0xFFFFFFC0] =	vst v2  }
0x93: {  	[hbm4b:s31+s13] =	stream.strided.scatter [tilespmem:s25], [sflag:$0x4], $0x1000, s15, s13, $0x38;
	v63 =	vld [tilespmem:$0x0]  }
.Ltmp4:
0x94: {  	(pc) =	sbr.rel .LBB2_7-.Ltmp4, $4  }
0x95: {  	_ = 	snop  }
0x96: {  	_ =	swait.ge [sflag:s9], $0x1000  }
0x97: {  	[sflag:s9] =	ssyncset.done $0x0  }
0x98: {  	[sflag:s9] =	ssyncadd.s32 $0xFFFFF000  }
.LBB2_6:
0x99: {  	s7 =	sshll.u32 s30, $0xD  }
0x9a: {  	s7 =	sand.u32 $0x3FFFE000, s7  }
0x9b: {  	s7 =	sadd.s32 s7, s5  }
.Ltmp5:
0x9c: {  	s7 =	sadd.s32 $0x2000, s7;
	(pc) =	sbr.rel @p1 .LBB2_8-.Ltmp5, $4  }
0x9d: {  	[tilespmem:s24], [sflag:$0x2] =	stream.linear.gather [spmem:s7], $0x1000, $0x38;
	v63 =	vld [tilespmem:$0x0]  }
0x9e: {  	_ =	swait.ge [sflag:s9], $0x1000  }
0x9f: {  	[sflag:s9] =	ssyncset.done $0x0  }
0xa0: {  	[sflag:s9] =	ssyncadd.s32 $0xFFFFF000  }
.LBB2_7:
0xa1: {  	_ =	swait.ge [sflag:s19], $0x1000  }
0xa2: {  	[sflag:s19] =	ssyncset.done $0x0  }
0xa3: {  	[sflag:s19] =	ssyncadd.s32 $0xFFFFF000  }
.LBB2_8:
0xa4: {  	s7 =	simm.s32 $0x19740  }
0xa5: {  	v0 =	vld [tilespmem:s7+$0x30]  }
0xa6: {  	v1 =	vld [tilespmem:s7+$0xFFFFFFD0]  }
0xa7: {  	v2 =	vld [tilespmem:s7+$0xFFFFFFE0]  }
0xa8: {  	v3 =	vld [tilespmem:s7+$0xFFFFFFF0]  }
0xa9: {  	v6 =	vld [tilespmem:s7+$0x0]  }
0xaa: {  	v7 =	vld [tilespmem:s7+$0x10]  }
0xab: {  	v8 =	vld [tilespmem:s7+$0x20]  }
0xac: {  	v9 =	vld [tilespmem:s7+$0xFFFFFFC0]  }
0xad: {  	v10 =	vld.idx.msk [tilespmem:v0+s6+$0x0], $0xffff  }
0xae: {  	v11 =	vld.idx.msk [tilespmem:v1+s6+$0x0], $0xffff  }
0xaf: {  	v5 =	vld.idx.msk [tilespmem:v2+s6+$0x0], $0xffff  }
0xb0: {  	v4 =	vld.idx.msk [tilespmem:v3+s6+$0x0], $0xffff  }
0xb1: {  	v3 =	vld.idx.msk [tilespmem:v6+s6+$0x0], $0xffff  }
0xb2: {  	s7 =	simm.s32 $0x1B740;
	v1 =	vld.idx.msk [tilespmem:v7+s6+$0x0], $0xffff  }
0xb3: {  	v0 =	vld.idx.msk [tilespmem:v8+s6+$0x0], $0xffff;
	[tilespmem:s7+$0x30] =	vst v10  }
0xb4: {  	s8 =	simm.s32 $0x0;
	s10 =	simm.s32 $0x197C0;
	v2 =	vld.idx.msk [tilespmem:v9+s6+$0x0], $0xffff;
	[tilespmem:s7+$0xFFFFFFD0] =	vst v11  }
.LBB2_9:
0xb5: {  	v6 =	vld [tilespmem:s10+$0x30];
	s8 =	sadd.s32 $0x8, s8;
	[tilespmem:s7+$0xFFFFFFE0] =	vst v5  }
0xb6: {  	v5 =	vld [tilespmem:s10+$0xFFFFFFD0];
	p1 =	slt.u32 s8, $0xF8;
	[tilespmem:s7+$0xFFFFFFF0] =	vst v4  }
0xb7: {  	v4 =	vld [tilespmem:s10+$0xFFFFFFE0];
	[tilespmem:s7+$0x0] =	vst v3  }
0xb8: {  	v3 =	vld [tilespmem:s10+$0xFFFFFFF0];
	[tilespmem:s7+$0x10] =	vst v1  }
0xb9: {  	v1 =	vld [tilespmem:s10+$0x0];
	[tilespmem:s7+$0x20] =	vst v0  }
0xba: {  	v0 =	vld [tilespmem:s10+$0x10];
	[tilespmem:s7+$0xFFFFFFC0] =	vst v2  }
0xbb: {  	v2 =	vld [tilespmem:s10+$0x20]  }
0xbc: {  	v7 =	vld [tilespmem:s10+$0xFFFFFFC0]  }
0xbd: {  	v6 =	vld.idx.msk [tilespmem:v6+s6+$0x0], $0xffff  }
0xbe: {  	v8 =	vld.idx.msk [tilespmem:v5+s6+$0x0], $0xffff  }
0xbf: {  	v5 =	vld.idx.msk [tilespmem:v4+s6+$0x0], $0xffff  }
.Ltmp6:
0xc0: {  	v4 =	vld.idx.msk [tilespmem:v3+s6+$0x0], $0xffff;
	(pc) =	sbr.rel @p1 .LBB2_9-.Ltmp6, $4  }
0xc1: {  	v3 =	vld.idx.msk [tilespmem:v1+s6+$0x0], $0xffff  }
0xc2: {  	s7 =	sadd.s32 $0x80, s7;
	v1 =	vld.idx.msk [tilespmem:v0+s6+$0x0], $0xffff  }
0xc3: {  	v0 =	vld.idx.msk [tilespmem:v2+s6+$0x0], $0xffff;
	[tilespmem:s7+$0x30] =	vst v6  }
0xc4: {  	s10 =	sadd.s32 $0x80, s10;
	v2 =	vld.idx.msk [tilespmem:v7+s6+$0x0], $0xffff;
	[tilespmem:s7+$0xFFFFFFD0] =	vst v8  }
0xc5: {  	[tilespmem:s7+$0xFFFFFFE0] =	vst v5  }
0xc6: {  	[tilespmem:s7+$0xFFFFFFF0] =	vst v4;
	p1 =	seq.s32 s30, $0x12  }
.Ltmp7:
0xc7: {  	s0 =	sshll.u32 s0, $0x12;
	[tilespmem:s7+$0x0] =	vst v3;
	(pc) =	sbr.rel @p1 .LBB2_23-.Ltmp7, $4  }
0xc8: {  	s0 =	sor.u32 s17, s0;
	[tilespmem:s7+$0x10] =	vst v1  }
0xc9: {  	s0 =	sshrl.u32 s0, $0x3;
	[tilespmem:s7+$0x20] =	vst v0  }
0xca: {  	s0 =	sadd.s32 s2, s0;
	[tilespmem:s7+$0xFFFFFFC0] =	vst v2  }
0xcb: {  	[hbm4b:s0+s13] =	stream.strided.scatter [tilespmem:s16], [sflag:$0x5], $0x1000, s15, s13, $0x38;
	v63 =	vld [tilespmem:$0x0]  }
0xcc: {  	p1 =	seq.s32 s30, $0xC  }
.Ltmp8:
0xcd: {  	_ = 	snop;
	(pc) =	sbr.rel @p1 .LBB2_18-.Ltmp8, $1  }
0xce: {  	_ =	sdelay $0x3  }
0xcf: {  	p1 =	sne.s32 s30, $0x6  }
.Ltmp9:
0xd0: {  	_ = 	snop;
	(pc) =	sbr.rel @p1 .LBB2_29-.Ltmp9, $1  }
0xd1: {  	_ =	sdelay $0x3  }
0xd2: {  	_ =	swait.ge [sflag:s26], $0x320  }
0xd3: {  	[sflag:s26] =	ssyncset.done $0x0  }
0xd4: {  	s31 =	simm.s32 $0x1CAA0;
	[sflag:s26] =	ssyncadd.s32 $0xFFFFFCE0  }
0xd5: {  	v1 =	vld [tilespmem:s31+$0x10];
	_ =	sdelay $0x4  }
0xd6: {  	v0 =	vld [tilespmem:s31+$0xFFFFFFF0];
	v2 =	vand.u32 $0x7FFFFFFF, v1  }
0xd7: {  	v3 =	vld [tilespmem:s31+$0x0];
	v2 =	vsub.f32 $0.0e+00, v2  }
0xd8: {  	v4 =	vld [tilespmem:s31+$0xFFFFFFE0]  }
0xd9: {  	v2 =	vmul.f32 $1.442695020e+00, v2;
	_ =	sdelay $0x1  }
0xda: {  	v5 =	vand.u32 $0x7FFFFFFF, v0;
	(erf) = vpow2.f32 v2  }
0xdb: {  	v2 =	vsub.f32 $0.0e+00, v5;
	v5 =	vand.u32 $0x7FFFFFFF, v3  }
0xdc: {  	v6 =	vand.u32 $0x7FFFFFFF, v4;
	v5 =	vsub.f32 $0.0e+00, v5  }
0xdd: {  	v6 =	vsub.f32 $0.0e+00, v6;
	v2 =	vmul.f32 $1.442695020e+00, v2  }
0xde: {  	v5 =	vmul.f32 $1.442695020e+00, v5  }
0xdf: {  	v6 =	vmul.f32 $1.442695020e+00, v6;
	(erf) = vpow2.f32 v2  }
0xe0: {  	(erf) = vpow2.f32 v5  }
0xe1: {  	(erf) = vpow2.f32 v6;
	_ =	sdelay $0x1  }
0xe2: {  	v2 =	vpop (erf)  }
0xe3: {  	v5 =	vadd.f32 $2.000000000e+00, v2;
	_ =	sdelay $0x1  }
0xe4: {  	(erf) = vrcp.f32 v5  }
0xe5: {  	s0 =	simm.s32 $0x1CAE0  }
0xe6: {  	v13 =	vld [tilespmem:s0+$0x10];
	v5 =	vpop (erf)  }
0xe7: {  	v6 =	vadd.f32 $2.000000000e+00, v5;
	v7 =	vpop (erf)  }
0xe8: {  	v8 =	vadd.f32 $2.000000000e+00, v7;
	v9 =	vpop (erf)  }
0xe9: {  	v10 =	vld [tilespmem:s0+$0xFFFFFFF0];
	(erf) = vrcp.f32 v6;
	v6 =	vadd.f32 $2.000000000e+00, v9  }
0xea: {  	v11 =	vld [tilespmem:s0+$0x0];
	(erf) = vrcp.f32 v8  }
0xeb: {  	v8 =	vand.u32 $0x7FFFFFFF, v13;
	(erf) = vrcp.f32 v6  }
0xec: {  	v8 =	vsub.f32 $0.0e+00, v8  }
0xed: {  	v12 =	vld [tilespmem:s0+$0xFFFFFFE0];
	v6 =	vpop (erf)  }
0xee: {  	v8 =	vmul.f32 $1.442695020e+00, v8;
	v2 =	vmul.f32 v6, v2;
	v6 =	vand.u32 $0x7FFFFFFF, v10  }
0xef: {  	v14 =	vand.u32 $0x7FFFFFFF, v11;
	v6 =	vsub.f32 $0.0e+00, v6  }
0xf0: {  	v14 =	vsub.f32 $0.0e+00, v14;
	(erf) = vpow2.f32 v8;
	v15 =	vmul.f32 v2, v2  }
0xf1: {  	v6 =	vmul.f32 $1.442695020e+00, v6  }
0xf2: {  	v19 =	vand.u32 $0x7FFFFFFF, v12;
	v14 =	vmul.f32 $1.442695020e+00, v14;
	v16 =	vpop (erf);
	v17 =	vmul.f32 $1.111111120e-01, v15  }
0xf3: {  	v19 =	vsub.f32 $0.0e+00, v19;
	v18 =	vpop (erf);
	(erf) = vpow2.f32 v6;
	v5 =	vmul.f32 v16, v5  }
0xf4: {  	v8 =	vpop (erf);
	v6 =	vadd.f32 $1.428571490e-01, v17;
	(erf) = vpow2.f32 v14;
	v7 =	vmul.f32 v18, v7  }
0xf5: {  	v9 =	vmul.f32 v8, v9;
	v8 =	vmul.f32 $1.442695020e+00, v19  }
0xf6: {  	v16 =	vmul.f32 v5, v5;
	v19 =	vadd.f32 v5, v5;
	v6 =	vmul.f32 v6, v15  }
0xf7: {  	v17 =	vmul.f32 v7, v7;
	v21 =	vadd.f32 v7, v7;
	v14 =	vmul.f32 v9, v9  }
0xf8: {  	(erf) = vpow2.f32 v8;
	v8 =	vmax.f32 v4, $0.0e+00;
	v6 =	vadd.f32 $2.000000030e-01, v6  }
0xf9: {  	v18 =	vadd.f32 v9, v9;
	v7 =	vmul.f32 $1.111111120e-01, v17;
	v4 =	vmul.f32 $1.111111120e-01, v14;
	v9 =	vpop (erf)  }
0xfa: {  	v5 =	vmul.f32 v6, v15;
	v6 =	vmul.f32 $1.111111120e-01, v16;
	v20 =	vadd.f32 $2.000000000e+00, v9  }
0xfb: {  	v7 =	vadd.f32 $1.428571490e-01, v7;
	v4 =	vadd.f32 $1.428571490e-01, v4  }
0xfc: {  	v5 =	vadd.f32 $3.333333430e-01, v5;
	v6 =	vadd.f32 $1.428571490e-01, v6;
	v22 =	vpop (erf);
	(erf) = vrcp.f32 v20  }
0xfd: {  	v20 =	vmul.f32 v7, v17;
	v4 =	vmul.f32 v4, v14;
	v23 =	vadd.f32 $2.000000000e+00, v22  }
0xfe: {  	v24 =	vpop (erf);
	v5 =	vmul.f32 v5, v15;
	v15 =	vmul.f32 v6, v16  }
0xff: {  	v25 =	vadd.f32 $2.000000000e+00, v24;
	v6 =	vmax.f32 v0, $0.0e+00;
	v0 =	vadd.f32 v2, v2  }
0x100: {  	(erf) = vrcp.f32 v23;
	v2 =	vadd.f32 $2.000000030e-01, v4;
	v5 =	vadd.f32 $1.000000000e+00, v5  }
0x101: {  	s7 =	simm.s32 $0x1CB20;
	v7 =	vmax.f32 v3, $0.0e+00;
	v4 =	vadd.f32 $2.000000030e-01, v15;
	v15 =	vadd.f32 $2.000000030e-01, v20;
	v23 =	vpop (erf)  }
0x102: {  	v3 =	vld [tilespmem:s7+$0x10];
	(erf) = vrcp.f32 v25;
	v25 =	vmul.f32 v2, v14;
	v20 =	vadd.f32 $2.000000000e+00, v23  }
0x103: {  	v2 =	vmax.f32 v12, $0.0e+00;
	v4 =	vmul.f32 v4, v16;
	v12 =	vmul.f32 v15, v17  }
0x104: {  	v5 =	vmul.f32 v5, v0;
	v0 =	vld [tilespmem:s7+$0xFFFFFFF0];
	v15 =	vadd.f32 $3.333333430e-01, v25;
	(erf) = vrcp.f32 v20  }
0x105: {  	v20 =	vmax.f32 v1, $0.0e+00;
	v1 =	vld [tilespmem:s7+$0x0];
	v25 =	vadd.f32 $3.333333430e-01, v4;
	v4 =	vmax.f32 v11, $0.0e+00  }
0x106: {  	v27 =	vadd.f32 v5, v20;
	v5 =	vmax.f32 v10, $0.0e+00;
	v10 =	vmul.f32 v15, v14;
	v11 =	vpop (erf)  }
0x107: {  	v20 =	vld [tilespmem:s7+$0xFFFFFFE0];
	v15 =	vand.u32 $0x7FFFFFFF, v3;
	v14 =	vmul.f32 v25, v16;
	v25 =	vmul.f32 v11, v9  }
0x108: {  	v12 =	vadd.f32 $3.333333430e-01, v12;
	v15 =	vsub.f32 $0.0e+00, v15  }
0x109: {  	v11 =	vadd.f32 $1.000000000e+00, v10;
	v10 =	vand.u32 $0x7FFFFFFF, v0;
	v9 =	vpop (erf);
	v26 =	vmul.f32 v25, v25  }
0x10a: {  	v16 =	vmul.f32 v9, v22;
	v9 =	vsub.f32 $0.0e+00, v10;
	v10 =	vand.u32 $0x7FFFFFFF, v1  }
0x10b: {  	v12 =	vmul.f32 v12, v17;
	v15 =	vmul.f32 $1.442695020e+00, v15;
	v10 =	vsub.f32 $0.0e+00, v10  }
0x10c: {  	v17 =	vand.u32 $0x7FFFFFFF, v20;
	v22 =	vmul.f32 $1.111111120e-01, v26;
	v9 =	vmul.f32 $1.442695020e+00, v9  }
0x10d: {  	(erf) = vpow2.f32 v15;
	v17 =	vsub.f32 $0.0e+00, v17;
	v10 =	vmul.f32 $1.442695020e+00, v10  }
0x10e: {  	v28 =	vpop (erf);
	v22 =	vadd.f32 $1.428571490e-01, v22;
	(erf) = vpow2.f32 v9  }
0x10f: {  	v15 =	vadd.f32 $1.000000000e+00, v14;
	v14 =	vpop (erf);
	v17 =	vmul.f32 $1.442695020e+00, v17;
	(erf) = vpow2.f32 v10  }
0x110: {  	v29 =	vadd.f32 $1.000000000e+00, v12;
	v10 =	vmul.f32 v14, v23;
	v12 =	vmul.f32 v22, v26  }
0x111: {  	v22 =	vmul.f32 v28, v24;
	v14 =	vmul.f32 v16, v16  }
0x112: {  	(erf) = vpow2.f32 v17;
	v17 =	vmul.f32 v10, v10;
	v23 =	vadd.f32 $2.000000030e-01, v12  }
0x113: {  	v18 =	vmul.f32 v11, v18;
	v9 =	vadd.f32 v16, v16;
	v16 =	vmul.f32 v22, v22  }
0x114: {  	v12 =	vadd.f32 v22, v22;
	v22 =	vmul.f32 $1.111111120e-01, v14;
	v24 =	vmul.f32 $1.111111120e-01, v17  }
0x115: {  	v11 =	vmax.f32 v20, $0.0e+00;
	v20 =	vmul.f32 v15, v19;
	v28 =	vmul.f32 v23, v26  }
0x116: {  	v30 =	vmul.f32 $1.111111120e-01, v16;
	v31 =	vadd.f32 $1.428571490e-01, v22;
	v24 =	vadd.f32 $1.428571490e-01, v24;
	v23 =	vpop (erf)  }
0x117: {  	v19 =	vmul.f32 v29, v21;
	v28 =	vadd.f32 $3.333333430e-01, v28;
	v21 =	vadd.f32 $2.000000000e+00, v23  }
0x118: {  	v10 =	vadd.f32 v10, v10;
	v29 =	vadd.f32 $1.428571490e-01, v30;
	v31 =	vmul.f32 v31, v14;
	v22 =	vpop (erf)  }
0x119: {  	v24 =	vmul.f32 v24, v17;
	v26 =	vmul.f32 v28, v26;
	v30 =	vadd.f32 $2.000000000e+00, v22;
	v15 =	vpop (erf)  }
0x11a: {  	v29 =	vmul.f32 v29, v16;
	(erf) = vrcp.f32 v21;
	v28 =	vadd.f32 $2.000000000e+00, v15  }
0x11b: {  	v26 =	vadd.f32 $1.000000000e+00, v26;
	v21 =	vpop (erf);
	(erf) = vrcp.f32 v30;
	v30 =	vadd.f32 v25, v25  }
0x11c: {  	v32 =	vadd.f32 $2.000000000e+00, v21;
	(erf) = vrcp.f32 v28;
	v28 =	vadd.f32 $2.000000030e-01, v24  }
0x11d: {  	v25 =	vadd.f32 $2.000000030e-01, v29;
	v24 =	vadd.f32 $2.000000030e-01, v31;
	v26 =	vmul.f32 v26, v30  }
0x11e: {  	s8 =	simm.s32 $0x8;
	s10 =	simm.s32 $0x1CB60;
	[tilespmem:s31+$0x10] =	vst v27;
	(erf) = vrcp.f32 v32;
	v27 =	vmul.f32 v28, v17;
	v28 =	vmax.f32 v13, $0.0e+00  }
.LBB2_14:
0x11f: {  	v13 =	vld [tilespmem:s10+$0x10];
	s8 =	sadd.s32 $0x4, s8;
	v24 =	vmul.f32 v24, v14;
	v25 =	vmul.f32 v25, v16;
	v26 =	vadd.f32 v26, v28  }
0x120: {  	v28 =	vmax.f32 v0, $0.0e+00;
	v29 =	vmax.f32 v1, $0.0e+00;
	p1 =	slt.u32 s8, $0x2C;
	v0 =	vld [tilespmem:s10+$0xFFFFFFF0];
	v27 =	vadd.f32 $3.333333430e-01, v27  }
0x121: {  	v1 =	vld [tilespmem:s10+$0x0];
	v24 =	vadd.f32 $3.333333430e-01, v24;
	v25 =	vadd.f32 $3.333333430e-01, v25;
	[tilespmem:s0+$0x10] =	vst v26  }
0x122: {  	v8 =	vadd.f32 v18, v8;
	v18 =	vadd.f32 v20, v6;
	v6 =	vmovc v5;
	v26 =	vld [tilespmem:s10+$0xFFFFFFE0];
	v17 =	vmul.f32 v27, v17  }
0x123: {  	v27 =	vadd.f32 v19, v7;
	v5 =	vpop (erf);
	v14 =	vmul.f32 v24, v14;
	v16 =	vmul.f32 v25, v16  }
0x124: {  	v19 =	vand.u32 $0x7FFFFFFF, v13;
	v24 =	vmul.f32 v5, v23;
	v5 =	vpop (erf);
	v20 =	vadd.f32 $1.000000000e+00, v17;
	[tilespmem:s31+$0xFFFFFFE0] =	vst v8  }
0x125: {  	v8 =	vand.u32 $0x7FFFFFFF, v0;
	v17 =	vsub.f32 $0.0e+00, v19;
	v19 =	vmul.f32 v5, v22;
	v22 =	vpop (erf);
	[tilespmem:s31+$0xFFFFFFF0] =	vst v18  }
0x126: {  	v7 =	vmovc v4;
	v5 =	vmovc v28;
	v32 =	vsub.f32 $0.0e+00, v8;
	v18 =	vand.u32 $0x7FFFFFFF, v1;
	v25 =	vmul.f32 v24, v24;
	[tilespmem:s31+$0x0] =	vst v27;
	s31 =	smov.u32 s0;
	s0 =	smov.u32 s7;
	s7 =	smov.u32 s10  }
0x127: {  	v31 =	vand.u32 $0x7FFFFFFF, v26;
	v18 =	vsub.f32 $0.0e+00, v18;
	v17 =	vmul.f32 $1.442695020e+00, v17;
	v23 =	vpop (erf)  }
0x128: {  	v4 =	vmovc v29;
	v27 =	vsub.f32 $0.0e+00, v31;
	v28 =	vmul.f32 $1.442695020e+00, v32;
	v30 =	vmul.f32 $1.111111120e-01, v25;
	v8 =	vmovc v2  }
0x129: {  	v29 =	vadd.f32 $1.000000000e+00, v14;
	v2 =	vmovc v11;
	v18 =	vmul.f32 $1.442695020e+00, v18;
	(erf) = vpow2.f32 v17  }
0x12a: {  	v11 =	vmul.f32 $1.442695020e+00, v27;
	(erf) = vpow2.f32 v28;
	v14 =	vadd.f32 $1.428571490e-01, v30  }
0x12b: {  	(erf) = vpow2.f32 v18;
	v18 =	vmul.f32 v23, v21;
	v21 =	vadd.f32 $1.000000000e+00, v16  }
0x12c: {  	v23 =	vadd.f32 v19, v19;
	(erf) = vpow2.f32 v11;
	v11 =	vmul.f32 v14, v25  }
0x12d: {  	v15 =	vmul.f32 v22, v15;
	v17 =	vmul.f32 v18, v18;
	v27 =	vadd.f32 v18, v18  }
0x12e: {  	v14 =	vmul.f32 v19, v19;
	v18 =	vmul.f32 v20, v10;
	v19 =	vadd.f32 $2.000000030e-01, v11  }
0x12f: {  	v28 =	vadd.f32 v15, v15;
	v16 =	vmul.f32 v15, v15;
	v20 =	vmul.f32 $1.111111120e-01, v17;
	v10 =	vmovc v27  }
0x130: {  	v11 =	vmax.f32 v26, $0.0e+00;
	v15 =	vmul.f32 $1.111111120e-01, v14;
	v19 =	vmul.f32 v19, v25  }
0x131: {  	v27 =	vmul.f32 $1.111111120e-01, v16;
	v26 =	vadd.f32 $1.428571490e-01, v20;
	v20 =	vmul.f32 v29, v9;
	v9 =	vmovc v23  }
0x132: {  	v29 =	vadd.f32 $1.428571490e-01, v15;
	v23 =	vpop (erf);
	v30 =	vadd.f32 $3.333333430e-01, v19;
	v19 =	vmul.f32 v21, v12  }
0x133: {  	v27 =	vadd.f32 $1.428571490e-01, v27;
	v33 =	vadd.f32 $2.000000000e+00, v23;
	v22 =	vpop (erf);
	v26 =	vmul.f32 v26, v17  }
0x134: {  	v29 =	vmul.f32 v29, v14;
	v31 =	vadd.f32 $2.000000000e+00, v22;
	v15 =	vpop (erf);
	v25 =	vmul.f32 v30, v25  }
.Ltmp10:
0x135: {  	v27 =	vmul.f32 v27, v16;
	v30 =	vadd.f32 $2.000000000e+00, v15;
	v21 =	vpop (erf);
	(erf) = vrcp.f32 v33;
	(pc) =	sbr.rel @p1 .LBB2_14-.Ltmp10, $4  }
0x136: {  	v32 =	vadd.f32 v24, v24;
	v12 =	vmovc v28;
	(erf) = vrcp.f32 v31;
	v31 =	vadd.f32 $1.000000000e+00, v25  }
0x137: {  	v28 =	vadd.f32 $2.000000000e+00, v21;
	(erf) = vrcp.f32 v30;
	v30 =	vadd.f32 $2.000000030e-01, v26  }
0x138: {  	v24 =	vadd.f32 $2.000000030e-01, v29;
	v25 =	vadd.f32 $2.000000030e-01, v27;
	v26 =	vmul.f32 v31, v32  }
0x139: {  	s10 =	sadd.s32 $0x40, s10;
	(erf) = vrcp.f32 v28;
	v27 =	vmul.f32 v30, v17;
	v28 =	vmax.f32 v3, $0.0e+00;
	v3 =	vmovc v13  }
0x13a: {  	_ =	sdelay $0x4  }
0x13b: {  	v13 =	vpop (erf)  }
0x13c: {  	v26 =	vadd.f32 v26, v28;
	v13 =	vmul.f32 v13, v23;
	v39 =	vpop (erf)  }
0x13d: {  	v24 =	vmul.f32 v24, v14;
	v25 =	vmul.f32 v25, v16;
	v8 =	vadd.f32 v18, v8;
	v29 =	vpop (erf)  }
0x13e: {  	v6 =	vadd.f32 v20, v6;
	v30 =	vmul.f32 v13, v13;
	v15 =	vmul.f32 v29, v15;
	v31 =	vpop (erf)  }
0x13f: {  	v7 =	vadd.f32 v19, v7;
	v22 =	vmul.f32 v39, v22;
	v21 =	vmul.f32 v31, v21  }
0x140: {  	v3 =	vmax.f32 v3, $0.0e+00;
	v40 =	vmul.f32 $1.111111120e-01, v30;
	v29 =	vmul.f32 v15, v15  }
0x141: {  	v27 =	vadd.f32 $3.333333430e-01, v27;
	v24 =	vadd.f32 $3.333333430e-01, v24;
	v42 =	vmul.f32 v21, v21  }
0x142: {  	v43 =	vmul.f32 v22, v22;
	v41 =	vadd.f32 $1.428571490e-01, v40;
	v48 =	vmul.f32 $1.111111120e-01, v29  }
0x143: {  	v25 =	vadd.f32 $3.333333430e-01, v25;
	v17 =	vmul.f32 v27, v17;
	v44 =	vmul.f32 $1.111111120e-01, v42  }
0x144: {  	v46 =	vmul.f32 $1.111111120e-01, v43;
	v23 =	vmul.f32 v41, v30;
	v50 =	vadd.f32 $1.428571490e-01, v48  }
0x145: {  	v47 =	vmul.f32 v24, v14;
	v49 =	vmul.f32 v25, v16;
	v18 =	vadd.f32 $1.428571490e-01, v44  }
0x146: {  	v45 =	vadd.f32 $2.000000030e-01, v23;
	v23 =	vadd.f32 $1.428571490e-01, v46;
	v19 =	vmul.f32 v50, v29  }
0x147: {  	v17 =	vadd.f32 $1.000000000e+00, v17;
	v14 =	vadd.f32 $1.000000000e+00, v47;
	v18 =	vmul.f32 v18, v42  }
0x148: {  	v16 =	vadd.f32 $1.000000000e+00, v49;
	v23 =	vmul.f32 v23, v43;
	v19 =	vadd.f32 $2.000000030e-01, v19  }
0x149: {  	v13 =	vadd.f32 v13, v13;
	v20 =	vmul.f32 v45, v30;
	v18 =	vadd.f32 $2.000000030e-01, v18  }
0x14a: {  	v10 =	vmul.f32 v17, v10;
	v23 =	vadd.f32 $2.000000030e-01, v23;
	v19 =	vmul.f32 v19, v29  }
0x14b: {  	v22 =	vadd.f32 v22, v22;
	v20 =	vadd.f32 $3.333333430e-01, v20;
	v18 =	vmul.f32 v18, v42  }
0x14c: {  	v52 =	vmul.f32 v14, v9;
	v23 =	vmul.f32 v23, v43;
	v19 =	vadd.f32 $3.333333430e-01, v19  }
0x14d: {  	v56 =	vmul.f32 v16, v12;
	v20 =	vmul.f32 v20, v30;
	v18 =	vadd.f32 $3.333333430e-01, v18  }
0x14e: {  	[tilespmem:s0+$0x10] =	vst v26;
	v15 =	vadd.f32 v15, v15;
	v51 =	vadd.f32 $3.333333430e-01, v23;
	v54 =	vmul.f32 v19, v29  }
0x14f: {  	[tilespmem:s31+$0xFFFFFFE0] =	vst v8;
	v2 =	vadd.f32 v10, v2;
	v20 =	vadd.f32 $1.000000000e+00, v20;
	v18 =	vmul.f32 v18, v42  }
0x150: {  	[tilespmem:s31+$0xFFFFFFF0] =	vst v6;
	v57 =	vadd.f32 v52, v5;
	v53 =	vmul.f32 v51, v43;
	v58 =	vadd.f32 $1.000000000e+00, v54  }
0x151: {  	[tilespmem:s31+$0x0] =	vst v7;
	v21 =	vadd.f32 v21, v21;
	v13 =	vmul.f32 v20, v13;
	v55 =	vadd.f32 $1.000000000e+00, v18  }
0x152: {  	v4 =	vadd.f32 v56, v4;
	[tilespmem:s0+$0xFFFFFFE0] =	vst v2;
	v9 =	vadd.f32 $1.000000000e+00, v53;
	v61 =	vmul.f32 v58, v15  }
0x153: {  	v1 =	vmax.f32 v1, $0.0e+00;
	[tilespmem:s0+$0xFFFFFFF0] =	vst v57;
	v3 =	vadd.f32 v13, v3;
	v59 =	vmul.f32 v55, v21  }
0x154: {  	[tilespmem:s0+$0x0] =	vst v4;
	v60 =	vmul.f32 v9, v22;
	v1 =	vadd.f32 v61, v1  }
0x155: {  	v0 =	vmax.f32 v0, $0.0e+00;
	[tilespmem:s7+$0x10] =	vst v3;
	v62 =	vadd.f32 v59, v11  }
0x156: {  	v0 =	vadd.f32 v60, v0;
	[tilespmem:s7+$0x0] =	vst v1  }
0x157: {  	[tilespmem:s7+$0xFFFFFFE0] =	vst v62  }
0x158: {  	s0 =	simm.s32 $0x0;
	[tilespmem:s7+$0xFFFFFFF0] =	vst v0  }
.LBB2_16:
0x159: {  	s7 =	sshra.s32 s0, $0x2  }
0x15a: {  	v0 =	vld [tilespmem:s7+$0x1CD80];
	_ =	sdelay $0x4  }
0x15b: {  	v1 =	vand.u32 $0x7FFFFFFF, v0  }
0x15c: {  	v1 =	vsub.f32 $0.0e+00, v1;
	_ =	sdelay $0x1  }
0x15d: {  	v1 =	vmul.f32 $1.442695020e+00, v1;
	_ =	sdelay $0x1  }
0x15e: {  	(erf) = vpow2.f32 v1;
	_ =	sdelay $0x8  }
0x15f: {  	v1 =	vpop (erf)  }
0x160: {  	v2 =	vadd.f32 $2.000000000e+00, v1;
	_ =	sdelay $0x1  }
0x161: {  	(erf) = vrcp.f32 v2;
	_ =	sdelay $0x8  }
0x162: {  	v2 =	vpop (erf)  }
0x163: {  	v1 =	vmul.f32 v2, v1;
	_ =	sdelay $0x1  }
0x164: {  	v2 =	vmul.f32 v1, v1;
	_ =	sdelay $0x1  }
0x165: {  	v3 =	vmul.f32 $1.111111120e-01, v2;
	_ =	sdelay $0x1  }
0x166: {  	v3 =	vadd.f32 $1.428571490e-01, v3;
	_ =	sdelay $0x1  }
0x167: {  	v3 =	vmul.f32 v3, v2;
	_ =	sdelay $0x1  }
0x168: {  	v3 =	vadd.f32 $2.000000030e-01, v3;
	_ =	sdelay $0x1  }
0x169: {  	v3 =	vmul.f32 v3, v2;
	_ =	sdelay $0x1  }
0x16a: {  	v3 =	vadd.f32 $3.333333430e-01, v3;
	_ =	sdelay $0x1  }
0x16b: {  	v2 =	vmul.f32 v3, v2;
	_ =	sdelay $0x1  }
0x16c: {  	v1 =	vadd.f32 v1, v1;
	v2 =	vadd.f32 $1.000000000e+00, v2  }
0x16d: {  	p1 =	seq.s32 s0, $0x40  }
.Ltmp11:
0x16e: {  	v1 =	vmul.f32 v2, v1;
	(pc) =	sbr.rel @!p1 .LBB2_16-.Ltmp11, $3  }
0x16f: {  	v0 =	vmax.f32 v0, $0.0e+00  }
0x170: {  	v0 =	vadd.f32 v1, v0;
	_ =	sdelay $0x1  }
0x171: {  	s0 =	sadd.s32 $0x40, s0;
	[tilespmem:s7+$0x1CD80] =	vst v0  }
.Ltmp12:
0x172: {  	(pc) =	sbr.rel .LBB2_28-.Ltmp12, $2  }
0x173: {  	_ =	sdelay $0x2  }
0x174: {  	s7 =	smov.u32 s12;
	s0 =	rddreg [dreg:$0xf]  }
.LBB2_18:
0x175: {  	_ =	swait.ge [sflag:s26], $0x320  }
0x176: {  	[sflag:s26] =	ssyncset.done $0x0  }
0x177: {  	s31 =	simm.s32 $0x1CAA0;
	[sflag:s26] =	ssyncadd.s32 $0xFFFFFCE0  }
0x178: {  	v1 =	vld [tilespmem:s31+$0x10];
	_ =	sdelay $0x4  }
0x179: {  	v0 =	vld [tilespmem:s31+$0xFFFFFFF0];
	v2 =	vand.u32 $0x7FFFFFFF, v1  }
0x17a: {  	v3 =	vld [tilespmem:s31+$0x0];
	v2 =	vsub.f32 $0.0e+00, v2  }
0x17b: {  	v4 =	vld [tilespmem:s31+$0xFFFFFFE0]  }
0x17c: {  	v2 =	vmul.f32 $1.442695020e+00, v2;
	_ =	sdelay $0x1  }
0x17d: {  	v5 =	vand.u32 $0x7FFFFFFF, v0;
	(erf) = vpow2.f32 v2  }
0x17e: {  	v2 =	vsub.f32 $0.0e+00, v5;
	v5 =	vand.u32 $0x7FFFFFFF, v3  }
0x17f: {  	v6 =	vand.u32 $0x7FFFFFFF, v4;
	v5 =	vsub.f32 $0.0e+00, v5  }
0x180: {  	v6 =	vsub.f32 $0.0e+00, v6;
	v2 =	vmul.f32 $1.442695020e+00, v2  }
0x181: {  	v5 =	vmul.f32 $1.442695020e+00, v5  }
0x182: {  	v6 =	vmul.f32 $1.442695020e+00, v6;
	(erf) = vpow2.f32 v2  }
0x183: {  	(erf) = vpow2.f32 v5  }
0x184: {  	(erf) = vpow2.f32 v6;
	_ =	sdelay $0x1  }
0x185: {  	v2 =	vpop (erf)  }
0x186: {  	v5 =	vadd.f32 $2.000000000e+00, v2;
	_ =	sdelay $0x1  }
0x187: {  	(erf) = vrcp.f32 v5  }
0x188: {  	s0 =	simm.s32 $0x1CAE0  }
0x189: {  	v13 =	vld [tilespmem:s0+$0x10];
	v5 =	vpop (erf)  }
0x18a: {  	v6 =	vadd.f32 $2.000000000e+00, v5;
	v7 =	vpop (erf)  }
0x18b: {  	v8 =	vadd.f32 $2.000000000e+00, v7;
	v9 =	vpop (erf)  }
0x18c: {  	v10 =	vld [tilespmem:s0+$0xFFFFFFF0];
	(erf) = vrcp.f32 v6;
	v6 =	vadd.f32 $2.000000000e+00, v9  }
0x18d: {  	v11 =	vld [tilespmem:s0+$0x0];
	(erf) = vrcp.f32 v8  }
0x18e: {  	v8 =	vand.u32 $0x7FFFFFFF, v13;
	(erf) = vrcp.f32 v6  }
0x18f: {  	v8 =	vsub.f32 $0.0e+00, v8  }
0x190: {  	v12 =	vld [tilespmem:s0+$0xFFFFFFE0];
	v6 =	vpop (erf)  }
0x191: {  	v8 =	vmul.f32 $1.442695020e+00, v8;
	v2 =	vmul.f32 v6, v2;
	v6 =	vand.u32 $0x7FFFFFFF, v10  }
0x192: {  	v14 =	vand.u32 $0x7FFFFFFF, v11;
	v6 =	vsub.f32 $0.0e+00, v6  }
0x193: {  	v14 =	vsub.f32 $0.0e+00, v14;
	(erf) = vpow2.f32 v8;
	v15 =	vmul.f32 v2, v2  }
0x194: {  	v6 =	vmul.f32 $1.442695020e+00, v6  }
0x195: {  	v19 =	vand.u32 $0x7FFFFFFF, v12;
	v14 =	vmul.f32 $1.442695020e+00, v14;
	v16 =	vpop (erf);
	v17 =	vmul.f32 $1.111111120e-01, v15  }
0x196: {  	v19 =	vsub.f32 $0.0e+00, v19;
	v18 =	vpop (erf);
	(erf) = vpow2.f32 v6;
	v5 =	vmul.f32 v16, v5  }
0x197: {  	v8 =	vpop (erf);
	v6 =	vadd.f32 $1.428571490e-01, v17;
	(erf) = vpow2.f32 v14;
	v7 =	vmul.f32 v18, v7  }
0x198: {  	v9 =	vmul.f32 v8, v9;
	v8 =	vmul.f32 $1.442695020e+00, v19  }
0x199: {  	v16 =	vmul.f32 v5, v5;
	v19 =	vadd.f32 v5, v5;
	v6 =	vmul.f32 v6, v15  }
0x19a: {  	v17 =	vmul.f32 v7, v7;
	v21 =	vadd.f32 v7, v7;
	v14 =	vmul.f32 v9, v9  }
0x19b: {  	(erf) = vpow2.f32 v8;
	v8 =	vmax.f32 v4, $0.0e+00;
	v6 =	vadd.f32 $2.000000030e-01, v6  }
0x19c: {  	v18 =	vadd.f32 v9, v9;
	v7 =	vmul.f32 $1.111111120e-01, v17;
	v4 =	vmul.f32 $1.111111120e-01, v14;
	v9 =	vpop (erf)  }
0x19d: {  	v5 =	vmul.f32 v6, v15;
	v6 =	vmul.f32 $1.111111120e-01, v16;
	v20 =	vadd.f32 $2.000000000e+00, v9  }
0x19e: {  	v7 =	vadd.f32 $1.428571490e-01, v7;
	v4 =	vadd.f32 $1.428571490e-01, v4  }
0x19f: {  	v5 =	vadd.f32 $3.333333430e-01, v5;
	v6 =	vadd.f32 $1.428571490e-01, v6;
	v22 =	vpop (erf);
	(erf) = vrcp.f32 v20  }
0x1a0: {  	v20 =	vmul.f32 v7, v17;
	v4 =	vmul.f32 v4, v14;
	v23 =	vadd.f32 $2.000000000e+00, v22  }
0x1a1: {  	v24 =	vpop (erf);
	v5 =	vmul.f32 v5, v15;
	v15 =	vmul.f32 v6, v16  }
0x1a2: {  	v25 =	vadd.f32 $2.000000000e+00, v24;
	v6 =	vmax.f32 v0, $0.0e+00;
	v0 =	vadd.f32 v2, v2  }
0x1a3: {  	(erf) = vrcp.f32 v23;
	v2 =	vadd.f32 $2.000000030e-01, v4;
	v5 =	vadd.f32 $1.000000000e+00, v5  }
0x1a4: {  	s7 =	simm.s32 $0x1CB20;
	v7 =	vmax.f32 v3, $0.0e+00;
	v4 =	vadd.f32 $2.000000030e-01, v15;
	v15 =	vadd.f32 $2.000000030e-01, v20;
	v23 =	vpop (erf)  }
0x1a5: {  	v3 =	vld [tilespmem:s7+$0x10];
	(erf) = vrcp.f32 v25;
	v25 =	vmul.f32 v2, v14;
	v20 =	vadd.f32 $2.000000000e+00, v23  }
0x1a6: {  	v2 =	vmax.f32 v12, $0.0e+00;
	v4 =	vmul.f32 v4, v16;
	v12 =	vmul.f32 v15, v17  }
0x1a7: {  	v5 =	vmul.f32 v5, v0;
	v0 =	vld [tilespmem:s7+$0xFFFFFFF0];
	v15 =	vadd.f32 $3.333333430e-01, v25;
	(erf) = vrcp.f32 v20  }
0x1a8: {  	v20 =	vmax.f32 v1, $0.0e+00;
	v1 =	vld [tilespmem:s7+$0x0];
	v25 =	vadd.f32 $3.333333430e-01, v4;
	v4 =	vmax.f32 v11, $0.0e+00  }
0x1a9: {  	v27 =	vadd.f32 v5, v20;
	v5 =	vmax.f32 v10, $0.0e+00;
	v10 =	vmul.f32 v15, v14;
	v11 =	vpop (erf)  }
0x1aa: {  	v20 =	vld [tilespmem:s7+$0xFFFFFFE0];
	v15 =	vand.u32 $0x7FFFFFFF, v3;
	v14 =	vmul.f32 v25, v16;
	v25 =	vmul.f32 v11, v9  }
0x1ab: {  	v12 =	vadd.f32 $3.333333430e-01, v12;
	v15 =	vsub.f32 $0.0e+00, v15  }
0x1ac: {  	v11 =	vadd.f32 $1.000000000e+00, v10;
	v10 =	vand.u32 $0x7FFFFFFF, v0;
	v9 =	vpop (erf);
	v26 =	vmul.f32 v25, v25  }
0x1ad: {  	v16 =	vmul.f32 v9, v22;
	v9 =	vsub.f32 $0.0e+00, v10;
	v10 =	vand.u32 $0x7FFFFFFF, v1  }
0x1ae: {  	v12 =	vmul.f32 v12, v17;
	v15 =	vmul.f32 $1.442695020e+00, v15;
	v10 =	vsub.f32 $0.0e+00, v10  }
0x1af: {  	v17 =	vand.u32 $0x7FFFFFFF, v20;
	v22 =	vmul.f32 $1.111111120e-01, v26;
	v9 =	vmul.f32 $1.442695020e+00, v9  }
0x1b0: {  	(erf) = vpow2.f32 v15;
	v17 =	vsub.f32 $0.0e+00, v17;
	v10 =	vmul.f32 $1.442695020e+00, v10  }
0x1b1: {  	v28 =	vpop (erf);
	v22 =	vadd.f32 $1.428571490e-01, v22;
	(erf) = vpow2.f32 v9  }
0x1b2: {  	v15 =	vadd.f32 $1.000000000e+00, v14;
	v14 =	vpop (erf);
	v17 =	vmul.f32 $1.442695020e+00, v17;
	(erf) = vpow2.f32 v10  }
0x1b3: {  	v29 =	vadd.f32 $1.000000000e+00, v12;
	v10 =	vmul.f32 v14, v23;
	v12 =	vmul.f32 v22, v26  }
0x1b4: {  	v22 =	vmul.f32 v28, v24;
	v14 =	vmul.f32 v16, v16  }
0x1b5: {  	(erf) = vpow2.f32 v17;
	v17 =	vmul.f32 v10, v10;
	v23 =	vadd.f32 $2.000000030e-01, v12  }
0x1b6: {  	v18 =	vmul.f32 v11, v18;
	v9 =	vadd.f32 v16, v16;
	v16 =	vmul.f32 v22, v22  }
0x1b7: {  	v12 =	vadd.f32 v22, v22;
	v22 =	vmul.f32 $1.111111120e-01, v14;
	v24 =	vmul.f32 $1.111111120e-01, v17  }
0x1b8: {  	v11 =	vmax.f32 v20, $0.0e+00;
	v20 =	vmul.f32 v15, v19;
	v28 =	vmul.f32 v23, v26  }
0x1b9: {  	v30 =	vmul.f32 $1.111111120e-01, v16;
	v31 =	vadd.f32 $1.428571490e-01, v22;
	v24 =	vadd.f32 $1.428571490e-01, v24;
	v23 =	vpop (erf)  }
0x1ba: {  	v19 =	vmul.f32 v29, v21;
	v28 =	vadd.f32 $3.333333430e-01, v28;
	v21 =	vadd.f32 $2.000000000e+00, v23  }
0x1bb: {  	v10 =	vadd.f32 v10, v10;
	v29 =	vadd.f32 $1.428571490e-01, v30;
	v31 =	vmul.f32 v31, v14;
	v22 =	vpop (erf)  }
0x1bc: {  	v24 =	vmul.f32 v24, v17;
	v26 =	vmul.f32 v28, v26;
	v30 =	vadd.f32 $2.000000000e+00, v22;
	v15 =	vpop (erf)  }
0x1bd: {  	v29 =	vmul.f32 v29, v16;
	(erf) = vrcp.f32 v21;
	v28 =	vadd.f32 $2.000000000e+00, v15  }
0x1be: {  	v26 =	vadd.f32 $1.000000000e+00, v26;
	v21 =	vpop (erf);
	(erf) = vrcp.f32 v30;
	v30 =	vadd.f32 v25, v25  }
0x1bf: {  	v32 =	vadd.f32 $2.000000000e+00, v21;
	(erf) = vrcp.f32 v28;
	v28 =	vadd.f32 $2.000000030e-01, v24  }
0x1c0: {  	v25 =	vadd.f32 $2.000000030e-01, v29;
	v24 =	vadd.f32 $2.000000030e-01, v31;
	v26 =	vmul.f32 v26, v30  }
0x1c1: {  	s8 =	simm.s32 $0x8;
	s10 =	simm.s32 $0x1CB60;
	[tilespmem:s31+$0x10] =	vst v27;
	(erf) = vrcp.f32 v32;
	v27 =	vmul.f32 v28, v17;
	v28 =	vmax.f32 v13, $0.0e+00  }
.LBB2_19:
0x1c2: {  	v13 =	vld [tilespmem:s10+$0x10];
	s8 =	sadd.s32 $0x4, s8;
	v24 =	vmul.f32 v24, v14;
	v25 =	vmul.f32 v25, v16;
	v26 =	vadd.f32 v26, v28  }
0x1c3: {  	v28 =	vmax.f32 v0, $0.0e+00;
	v29 =	vmax.f32 v1, $0.0e+00;
	p1 =	slt.u32 s8, $0x2C;
	v0 =	vld [tilespmem:s10+$0xFFFFFFF0];
	v27 =	vadd.f32 $3.333333430e-01, v27  }
0x1c4: {  	v1 =	vld [tilespmem:s10+$0x0];
	v24 =	vadd.f32 $3.333333430e-01, v24;
	v25 =	vadd.f32 $3.333333430e-01, v25;
	[tilespmem:s0+$0x10] =	vst v26  }
0x1c5: {  	v8 =	vadd.f32 v18, v8;
	v18 =	vadd.f32 v20, v6;
	v6 =	vmovc v5;
	v26 =	vld [tilespmem:s10+$0xFFFFFFE0];
	v17 =	vmul.f32 v27, v17  }
0x1c6: {  	v27 =	vadd.f32 v19, v7;
	v5 =	vpop (erf);
	v14 =	vmul.f32 v24, v14;
	v16 =	vmul.f32 v25, v16  }
0x1c7: {  	v19 =	vand.u32 $0x7FFFFFFF, v13;
	v24 =	vmul.f32 v5, v23;
	v5 =	vpop (erf);
	v20 =	vadd.f32 $1.000000000e+00, v17;
	[tilespmem:s31+$0xFFFFFFE0] =	vst v8  }
0x1c8: {  	v8 =	vand.u32 $0x7FFFFFFF, v0;
	v17 =	vsub.f32 $0.0e+00, v19;
	v19 =	vmul.f32 v5, v22;
	v22 =	vpop (erf);
	[tilespmem:s31+$0xFFFFFFF0] =	vst v18  }
0x1c9: {  	v7 =	vmovc v4;
	v5 =	vmovc v28;
	v32 =	vsub.f32 $0.0e+00, v8;
	v18 =	vand.u32 $0x7FFFFFFF, v1;
	v25 =	vmul.f32 v24, v24;
	[tilespmem:s31+$0x0] =	vst v27;
	s31 =	smov.u32 s0;
	s0 =	smov.u32 s7;
	s7 =	smov.u32 s10  }
0x1ca: {  	v31 =	vand.u32 $0x7FFFFFFF, v26;
	v18 =	vsub.f32 $0.0e+00, v18;
	v17 =	vmul.f32 $1.442695020e+00, v17;
	v23 =	vpop (erf)  }
0x1cb: {  	v4 =	vmovc v29;
	v27 =	vsub.f32 $0.0e+00, v31;
	v28 =	vmul.f32 $1.442695020e+00, v32;
	v30 =	vmul.f32 $1.111111120e-01, v25;
	v8 =	vmovc v2  }
0x1cc: {  	v29 =	vadd.f32 $1.000000000e+00, v14;
	v2 =	vmovc v11;
	v18 =	vmul.f32 $1.442695020e+00, v18;
	(erf) = vpow2.f32 v17  }
0x1cd: {  	v11 =	vmul.f32 $1.442695020e+00, v27;
	(erf) = vpow2.f32 v28;
	v14 =	vadd.f32 $1.428571490e-01, v30  }
0x1ce: {  	(erf) = vpow2.f32 v18;
	v18 =	vmul.f32 v23, v21;
	v21 =	vadd.f32 $1.000000000e+00, v16  }
0x1cf: {  	v23 =	vadd.f32 v19, v19;
	(erf) = vpow2.f32 v11;
	v11 =	vmul.f32 v14, v25  }
0x1d0: {  	v15 =	vmul.f32 v22, v15;
	v17 =	vmul.f32 v18, v18;
	v27 =	vadd.f32 v18, v18  }
0x1d1: {  	v14 =	vmul.f32 v19, v19;
	v18 =	vmul.f32 v20, v10;
	v19 =	vadd.f32 $2.000000030e-01, v11  }
0x1d2: {  	v28 =	vadd.f32 v15, v15;
	v16 =	vmul.f32 v15, v15;
	v20 =	vmul.f32 $1.111111120e-01, v17;
	v10 =	vmovc v27  }
0x1d3: {  	v11 =	vmax.f32 v26, $0.0e+00;
	v15 =	vmul.f32 $1.111111120e-01, v14;
	v19 =	vmul.f32 v19, v25  }
0x1d4: {  	v27 =	vmul.f32 $1.111111120e-01, v16;
	v26 =	vadd.f32 $1.428571490e-01, v20;
	v20 =	vmul.f32 v29, v9;
	v9 =	vmovc v23  }
0x1d5: {  	v29 =	vadd.f32 $1.428571490e-01, v15;
	v23 =	vpop (erf);
	v30 =	vadd.f32 $3.333333430e-01, v19;
	v19 =	vmul.f32 v21, v12  }
0x1d6: {  	v27 =	vadd.f32 $1.428571490e-01, v27;
	v33 =	vadd.f32 $2.000000000e+00, v23;
	v22 =	vpop (erf);
	v26 =	vmul.f32 v26, v17  }
0x1d7: {  	v29 =	vmul.f32 v29, v14;
	v31 =	vadd.f32 $2.000000000e+00, v22;
	v15 =	vpop (erf);
	v25 =	vmul.f32 v30, v25  }
.Ltmp13:
0x1d8: {  	v27 =	vmul.f32 v27, v16;
	v30 =	vadd.f32 $2.000000000e+00, v15;
	v21 =	vpop (erf);
	(erf) = vrcp.f32 v33;
	(pc) =	sbr.rel @p1 .LBB2_19-.Ltmp13, $4  }
0x1d9: {  	v32 =	vadd.f32 v24, v24;
	v12 =	vmovc v28;
	(erf) = vrcp.f32 v31;
	v31 =	vadd.f32 $1.000000000e+00, v25  }
0x1da: {  	v28 =	vadd.f32 $2.000000000e+00, v21;
	(erf) = vrcp.f32 v30;
	v30 =	vadd.f32 $2.000000030e-01, v26  }
0x1db: {  	v24 =	vadd.f32 $2.000000030e-01, v29;
	v25 =	vadd.f32 $2.000000030e-01, v27;
	v26 =	vmul.f32 v31, v32  }
0x1dc: {  	s10 =	sadd.s32 $0x40, s10;
	(erf) = vrcp.f32 v28;
	v27 =	vmul.f32 v30, v17;
	v28 =	vmax.f32 v3, $0.0e+00;
	v3 =	vmovc v13  }
0x1dd: {  	_ =	sdelay $0x4  }
0x1de: {  	v13 =	vpop (erf)  }
0x1df: {  	v26 =	vadd.f32 v26, v28;
	v13 =	vmul.f32 v13, v23;
	v39 =	vpop (erf)  }
0x1e0: {  	v24 =	vmul.f32 v24, v14;
	v25 =	vmul.f32 v25, v16;
	v8 =	vadd.f32 v18, v8;
	v29 =	vpop (erf)  }
0x1e1: {  	v6 =	vadd.f32 v20, v6;
	v30 =	vmul.f32 v13, v13;
	v15 =	vmul.f32 v29, v15;
	v31 =	vpop (erf)  }
0x1e2: {  	v7 =	vadd.f32 v19, v7;
	v22 =	vmul.f32 v39, v22;
	v21 =	vmul.f32 v31, v21  }
0x1e3: {  	v3 =	vmax.f32 v3, $0.0e+00;
	v40 =	vmul.f32 $1.111111120e-01, v30;
	v29 =	vmul.f32 v15, v15  }
0x1e4: {  	v27 =	vadd.f32 $3.333333430e-01, v27;
	v24 =	vadd.f32 $3.333333430e-01, v24;
	v42 =	vmul.f32 v21, v21  }
0x1e5: {  	v43 =	vmul.f32 v22, v22;
	v41 =	vadd.f32 $1.428571490e-01, v40;
	v48 =	vmul.f32 $1.111111120e-01, v29  }
0x1e6: {  	v25 =	vadd.f32 $3.333333430e-01, v25;
	v17 =	vmul.f32 v27, v17;
	v44 =	vmul.f32 $1.111111120e-01, v42  }
0x1e7: {  	v46 =	vmul.f32 $1.111111120e-01, v43;
	v23 =	vmul.f32 v41, v30;
	v50 =	vadd.f32 $1.428571490e-01, v48  }
0x1e8: {  	v47 =	vmul.f32 v24, v14;
	v49 =	vmul.f32 v25, v16;
	v18 =	vadd.f32 $1.428571490e-01, v44  }
0x1e9: {  	v45 =	vadd.f32 $2.000000030e-01, v23;
	v23 =	vadd.f32 $1.428571490e-01, v46;
	v19 =	vmul.f32 v50, v29  }
0x1ea: {  	v17 =	vadd.f32 $1.000000000e+00, v17;
	v14 =	vadd.f32 $1.000000000e+00, v47;
	v18 =	vmul.f32 v18, v42  }
0x1eb: {  	v16 =	vadd.f32 $1.000000000e+00, v49;
	v23 =	vmul.f32 v23, v43;
	v19 =	vadd.f32 $2.000000030e-01, v19  }
0x1ec: {  	v13 =	vadd.f32 v13, v13;
	v20 =	vmul.f32 v45, v30;
	v18 =	vadd.f32 $2.000000030e-01, v18  }
0x1ed: {  	v10 =	vmul.f32 v17, v10;
	v23 =	vadd.f32 $2.000000030e-01, v23;
	v19 =	vmul.f32 v19, v29  }
0x1ee: {  	v22 =	vadd.f32 v22, v22;
	v20 =	vadd.f32 $3.333333430e-01, v20;
	v18 =	vmul.f32 v18, v42  }
0x1ef: {  	v52 =	vmul.f32 v14, v9;
	v23 =	vmul.f32 v23, v43;
	v19 =	vadd.f32 $3.333333430e-01, v19  }
0x1f0: {  	v56 =	vmul.f32 v16, v12;
	v20 =	vmul.f32 v20, v30;
	v18 =	vadd.f32 $3.333333430e-01, v18  }
0x1f1: {  	[tilespmem:s0+$0x10] =	vst v26;
	v15 =	vadd.f32 v15, v15;
	v51 =	vadd.f32 $3.333333430e-01, v23;
	v54 =	vmul.f32 v19, v29  }
0x1f2: {  	[tilespmem:s31+$0xFFFFFFE0] =	vst v8;
	v2 =	vadd.f32 v10, v2;
	v20 =	vadd.f32 $1.000000000e+00, v20;
	v18 =	vmul.f32 v18, v42  }
0x1f3: {  	[tilespmem:s31+$0xFFFFFFF0] =	vst v6;
	v57 =	vadd.f32 v52, v5;
	v53 =	vmul.f32 v51, v43;
	v58 =	vadd.f32 $1.000000000e+00, v54  }
0x1f4: {  	[tilespmem:s31+$0x0] =	vst v7;
	v21 =	vadd.f32 v21, v21;
	v13 =	vmul.f32 v20, v13;
	v55 =	vadd.f32 $1.000000000e+00, v18  }
0x1f5: {  	v4 =	vadd.f32 v56, v4;
	[tilespmem:s0+$0xFFFFFFE0] =	vst v2;
	v9 =	vadd.f32 $1.000000000e+00, v53;
	v61 =	vmul.f32 v58, v15  }
0x1f6: {  	v1 =	vmax.f32 v1, $0.0e+00;
	[tilespmem:s0+$0xFFFFFFF0] =	vst v57;
	v3 =	vadd.f32 v13, v3;
	v59 =	vmul.f32 v55, v21  }
0x1f7: {  	[tilespmem:s0+$0x0] =	vst v4;
	v60 =	vmul.f32 v9, v22;
	v1 =	vadd.f32 v61, v1  }
0x1f8: {  	v0 =	vmax.f32 v0, $0.0e+00;
	[tilespmem:s7+$0x10] =	vst v3;
	v62 =	vadd.f32 v59, v11  }
0x1f9: {  	v0 =	vadd.f32 v60, v0;
	[tilespmem:s7+$0x0] =	vst v1  }
0x1fa: {  	[tilespmem:s7+$0xFFFFFFE0] =	vst v62  }
0x1fb: {  	s0 =	simm.s32 $0x0;
	[tilespmem:s7+$0xFFFFFFF0] =	vst v0  }
.LBB2_21:
0x1fc: {  	s7 =	sshra.s32 s0, $0x2  }
0x1fd: {  	v0 =	vld [tilespmem:s7+$0x1CD80];
	_ =	sdelay $0x4  }
0x1fe: {  	v1 =	vand.u32 $0x7FFFFFFF, v0  }
0x1ff: {  	v1 =	vsub.f32 $0.0e+00, v1;
	_ =	sdelay $0x1  }
0x200: {  	v1 =	vmul.f32 $1.442695020e+00, v1;
	_ =	sdelay $0x1  }
0x201: {  	(erf) = vpow2.f32 v1;
	_ =	sdelay $0x8  }
0x202: {  	v1 =	vpop (erf)  }
0x203: {  	v2 =	vadd.f32 $2.000000000e+00, v1;
	_ =	sdelay $0x1  }
0x204: {  	(erf) = vrcp.f32 v2;
	_ =	sdelay $0x8  }
0x205: {  	v2 =	vpop (erf)  }
0x206: {  	v1 =	vmul.f32 v2, v1;
	_ =	sdelay $0x1  }
0x207: {  	v2 =	vmul.f32 v1, v1;
	_ =	sdelay $0x1  }
0x208: {  	v3 =	vmul.f32 $1.111111120e-01, v2;
	_ =	sdelay $0x1  }
0x209: {  	v3 =	vadd.f32 $1.428571490e-01, v3;
	_ =	sdelay $0x1  }
0x20a: {  	v3 =	vmul.f32 v3, v2;
	_ =	sdelay $0x1  }
0x20b: {  	v3 =	vadd.f32 $2.000000030e-01, v3;
	_ =	sdelay $0x1  }
0x20c: {  	v3 =	vmul.f32 v3, v2;
	_ =	sdelay $0x1  }
0x20d: {  	v3 =	vadd.f32 $3.333333430e-01, v3;
	_ =	sdelay $0x1  }
0x20e: {  	v2 =	vmul.f32 v3, v2;
	_ =	sdelay $0x1  }
0x20f: {  	v1 =	vadd.f32 v1, v1;
	v2 =	vadd.f32 $1.000000000e+00, v2  }
0x210: {  	p1 =	seq.s32 s0, $0x40  }
.Ltmp14:
0x211: {  	v1 =	vmul.f32 v2, v1;
	(pc) =	sbr.rel @!p1 .LBB2_21-.Ltmp14, $3  }
0x212: {  	v0 =	vmax.f32 v0, $0.0e+00  }
0x213: {  	v0 =	vadd.f32 v1, v0;
	_ =	sdelay $0x1  }
0x214: {  	s0 =	sadd.s32 $0x40, s0;
	[tilespmem:s7+$0x1CD80] =	vst v0  }
.Ltmp15:
0x215: {  	(pc) =	sbr.rel .LBB2_28-.Ltmp15, $3  }
0x216: {  	_ =	sdelay $0x1  }
0x217: {  	s7 =	rddreg [dreg:$0x17]  }
0x218: {  	s0 =	rddreg [dreg:$0x18]  }
.LBB2_23:
0x219: {  	_ =	swait.ge [sflag:s26], $0x320  }
0x21a: {  	[sflag:s26] =	ssyncset.done $0x0  }
0x21b: {  	s31 =	simm.s32 $0x1CAA0;
	[sflag:s26] =	ssyncadd.s32 $0xFFFFFCE0  }
0x21c: {  	v1 =	vld [tilespmem:s31+$0x10];
	_ =	sdelay $0x4  }
0x21d: {  	v0 =	vld [tilespmem:s31+$0xFFFFFFF0];
	v2 =	vand.u32 $0x7FFFFFFF, v1  }
0x21e: {  	v3 =	vld [tilespmem:s31+$0x0];
	v2 =	vsub.f32 $0.0e+00, v2  }
0x21f: {  	v4 =	vld [tilespmem:s31+$0xFFFFFFE0]  }
0x220: {  	v2 =	vmul.f32 $1.442695020e+00, v2;
	_ =	sdelay $0x1  }
0x221: {  	v5 =	vand.u32 $0x7FFFFFFF, v0;
	(erf) = vpow2.f32 v2  }
0x222: {  	v2 =	vsub.f32 $0.0e+00, v5;
	v5 =	vand.u32 $0x7FFFFFFF, v3  }
0x223: {  	v6 =	vand.u32 $0x7FFFFFFF, v4;
	v5 =	vsub.f32 $0.0e+00, v5  }
0x224: {  	v6 =	vsub.f32 $0.0e+00, v6;
	v2 =	vmul.f32 $1.442695020e+00, v2  }
0x225: {  	v5 =	vmul.f32 $1.442695020e+00, v5  }
0x226: {  	v6 =	vmul.f32 $1.442695020e+00, v6;
	(erf) = vpow2.f32 v2  }
0x227: {  	(erf) = vpow2.f32 v5  }
0x228: {  	(erf) = vpow2.f32 v6;
	_ =	sdelay $0x1  }
0x229: {  	v2 =	vpop (erf)  }
0x22a: {  	v5 =	vadd.f32 $2.000000000e+00, v2;
	_ =	sdelay $0x1  }
0x22b: {  	(erf) = vrcp.f32 v5  }
0x22c: {  	s0 =	simm.s32 $0x1CAE0  }
0x22d: {  	v13 =	vld [tilespmem:s0+$0x10];
	v5 =	vpop (erf)  }
0x22e: {  	v6 =	vadd.f32 $2.000000000e+00, v5;
	v7 =	vpop (erf)  }
0x22f: {  	v8 =	vadd.f32 $2.000000000e+00, v7;
	v9 =	vpop (erf)  }
0x230: {  	v10 =	vld [tilespmem:s0+$0xFFFFFFF0];
	(erf) = vrcp.f32 v6;
	v6 =	vadd.f32 $2.000000000e+00, v9  }
0x231: {  	v11 =	vld [tilespmem:s0+$0x0];
	(erf) = vrcp.f32 v8  }
0x232: {  	v8 =	vand.u32 $0x7FFFFFFF, v13;
	(erf) = vrcp.f32 v6  }
0x233: {  	v8 =	vsub.f32 $0.0e+00, v8  }
0x234: {  	v12 =	vld [tilespmem:s0+$0xFFFFFFE0];
	v6 =	vpop (erf)  }
0x235: {  	v8 =	vmul.f32 $1.442695020e+00, v8;
	v2 =	vmul.f32 v6, v2;
	v6 =	vand.u32 $0x7FFFFFFF, v10  }
0x236: {  	v14 =	vand.u32 $0x7FFFFFFF, v11;
	v6 =	vsub.f32 $0.0e+00, v6  }
0x237: {  	v14 =	vsub.f32 $0.0e+00, v14;
	(erf) = vpow2.f32 v8;
	v15 =	vmul.f32 v2, v2  }
0x238: {  	v6 =	vmul.f32 $1.442695020e+00, v6  }
0x239: {  	v19 =	vand.u32 $0x7FFFFFFF, v12;
	v14 =	vmul.f32 $1.442695020e+00, v14;
	v16 =	vpop (erf);
	v17 =	vmul.f32 $1.111111120e-01, v15  }
0x23a: {  	v19 =	vsub.f32 $0.0e+00, v19;
	v18 =	vpop (erf);
	(erf) = vpow2.f32 v6;
	v5 =	vmul.f32 v16, v5  }
0x23b: {  	v8 =	vpop (erf);
	v6 =	vadd.f32 $1.428571490e-01, v17;
	(erf) = vpow2.f32 v14;
	v7 =	vmul.f32 v18, v7  }
0x23c: {  	v9 =	vmul.f32 v8, v9;
	v8 =	vmul.f32 $1.442695020e+00, v19  }
0x23d: {  	v16 =	vmul.f32 v5, v5;
	v19 =	vadd.f32 v5, v5;
	v6 =	vmul.f32 v6, v15  }
0x23e: {  	v17 =	vmul.f32 v7, v7;
	v21 =	vadd.f32 v7, v7;
	v14 =	vmul.f32 v9, v9  }
0x23f: {  	(erf) = vpow2.f32 v8;
	v8 =	vmax.f32 v4, $0.0e+00;
	v6 =	vadd.f32 $2.000000030e-01, v6  }
0x240: {  	v18 =	vadd.f32 v9, v9;
	v7 =	vmul.f32 $1.111111120e-01, v17;
	v4 =	vmul.f32 $1.111111120e-01, v14;
	v9 =	vpop (erf)  }
0x241: {  	v5 =	vmul.f32 v6, v15;
	v6 =	vmul.f32 $1.111111120e-01, v16;
	v20 =	vadd.f32 $2.000000000e+00, v9  }
0x242: {  	v7 =	vadd.f32 $1.428571490e-01, v7;
	v4 =	vadd.f32 $1.428571490e-01, v4  }
0x243: {  	v5 =	vadd.f32 $3.333333430e-01, v5;
	v6 =	vadd.f32 $1.428571490e-01, v6;
	v22 =	vpop (erf);
	(erf) = vrcp.f32 v20  }
0x244: {  	v20 =	vmul.f32 v7, v17;
	v4 =	vmul.f32 v4, v14;
	v23 =	vadd.f32 $2.000000000e+00, v22  }
0x245: {  	v24 =	vpop (erf);
	v5 =	vmul.f32 v5, v15;
	v15 =	vmul.f32 v6, v16  }
0x246: {  	v25 =	vadd.f32 $2.000000000e+00, v24;
	v6 =	vmax.f32 v0, $0.0e+00;
	v0 =	vadd.f32 v2, v2  }
0x247: {  	(erf) = vrcp.f32 v23;
	v2 =	vadd.f32 $2.000000030e-01, v4;
	v5 =	vadd.f32 $1.000000000e+00, v5  }
0x248: {  	s7 =	simm.s32 $0x1CB20;
	v7 =	vmax.f32 v3, $0.0e+00;
	v4 =	vadd.f32 $2.000000030e-01, v15;
	v15 =	vadd.f32 $2.000000030e-01, v20;
	v23 =	vpop (erf)  }
0x249: {  	v3 =	vld [tilespmem:s7+$0x10];
	(erf) = vrcp.f32 v25;
	v25 =	vmul.f32 v2, v14;
	v20 =	vadd.f32 $2.000000000e+00, v23  }
0x24a: {  	v2 =	vmax.f32 v12, $0.0e+00;
	v4 =	vmul.f32 v4, v16;
	v12 =	vmul.f32 v15, v17  }
0x24b: {  	v5 =	vmul.f32 v5, v0;
	v0 =	vld [tilespmem:s7+$0xFFFFFFF0];
	v15 =	vadd.f32 $3.333333430e-01, v25;
	(erf) = vrcp.f32 v20  }
0x24c: {  	v20 =	vmax.f32 v1, $0.0e+00;
	v1 =	vld [tilespmem:s7+$0x0];
	v25 =	vadd.f32 $3.333333430e-01, v4;
	v4 =	vmax.f32 v11, $0.0e+00  }
0x24d: {  	v27 =	vadd.f32 v5, v20;
	v5 =	vmax.f32 v10, $0.0e+00;
	v10 =	vmul.f32 v15, v14;
	v11 =	vpop (erf)  }
0x24e: {  	v20 =	vld [tilespmem:s7+$0xFFFFFFE0];
	v15 =	vand.u32 $0x7FFFFFFF, v3;
	v14 =	vmul.f32 v25, v16;
	v25 =	vmul.f32 v11, v9  }
0x24f: {  	v12 =	vadd.f32 $3.333333430e-01, v12;
	v15 =	vsub.f32 $0.0e+00, v15  }
0x250: {  	v11 =	vadd.f32 $1.000000000e+00, v10;
	v10 =	vand.u32 $0x7FFFFFFF, v0;
	v9 =	vpop (erf);
	v26 =	vmul.f32 v25, v25  }
0x251: {  	v16 =	vmul.f32 v9, v22;
	v9 =	vsub.f32 $0.0e+00, v10;
	v10 =	vand.u32 $0x7FFFFFFF, v1  }
0x252: {  	v12 =	vmul.f32 v12, v17;
	v15 =	vmul.f32 $1.442695020e+00, v15;
	v10 =	vsub.f32 $0.0e+00, v10  }
0x253: {  	v17 =	vand.u32 $0x7FFFFFFF, v20;
	v22 =	vmul.f32 $1.111111120e-01, v26;
	v9 =	vmul.f32 $1.442695020e+00, v9  }
0x254: {  	(erf) = vpow2.f32 v15;
	v17 =	vsub.f32 $0.0e+00, v17;
	v10 =	vmul.f32 $1.442695020e+00, v10  }
0x255: {  	v28 =	vpop (erf);
	v22 =	vadd.f32 $1.428571490e-01, v22;
	(erf) = vpow2.f32 v9  }
0x256: {  	v15 =	vadd.f32 $1.000000000e+00, v14;
	v14 =	vpop (erf);
	v17 =	vmul.f32 $1.442695020e+00, v17;
	(erf) = vpow2.f32 v10  }
0x257: {  	v29 =	vadd.f32 $1.000000000e+00, v12;
	v10 =	vmul.f32 v14, v23;
	v12 =	vmul.f32 v22, v26  }
0x258: {  	v22 =	vmul.f32 v28, v24;
	v14 =	vmul.f32 v16, v16  }
0x259: {  	(erf) = vpow2.f32 v17;
	v17 =	vmul.f32 v10, v10;
	v23 =	vadd.f32 $2.000000030e-01, v12  }
0x25a: {  	v18 =	vmul.f32 v11, v18;
	v9 =	vadd.f32 v16, v16;
	v16 =	vmul.f32 v22, v22  }
0x25b: {  	v12 =	vadd.f32 v22, v22;
	v22 =	vmul.f32 $1.111111120e-01, v14;
	v24 =	vmul.f32 $1.111111120e-01, v17  }
0x25c: {  	v11 =	vmax.f32 v20, $0.0e+00;
	v20 =	vmul.f32 v15, v19;
	v28 =	vmul.f32 v23, v26  }
0x25d: {  	v30 =	vmul.f32 $1.111111120e-01, v16;
	v31 =	vadd.f32 $1.428571490e-01, v22;
	v24 =	vadd.f32 $1.428571490e-01, v24;
	v23 =	vpop (erf)  }
0x25e: {  	v19 =	vmul.f32 v29, v21;
	v28 =	vadd.f32 $3.333333430e-01, v28;
	v21 =	vadd.f32 $2.000000000e+00, v23  }
0x25f: {  	v10 =	vadd.f32 v10, v10;
	v29 =	vadd.f32 $1.428571490e-01, v30;
	v31 =	vmul.f32 v31, v14;
	v22 =	vpop (erf)  }
0x260: {  	v24 =	vmul.f32 v24, v17;
	v26 =	vmul.f32 v28, v26;
	v30 =	vadd.f32 $2.000000000e+00, v22;
	v15 =	vpop (erf)  }
0x261: {  	v29 =	vmul.f32 v29, v16;
	(erf) = vrcp.f32 v21;
	v28 =	vadd.f32 $2.000000000e+00, v15  }
0x262: {  	v26 =	vadd.f32 $1.000000000e+00, v26;
	v21 =	vpop (erf);
	(erf) = vrcp.f32 v30;
	v30 =	vadd.f32 v25, v25  }
0x263: {  	v32 =	vadd.f32 $2.000000000e+00, v21;
	(erf) = vrcp.f32 v28;
	v28 =	vadd.f32 $2.000000030e-01, v24  }
0x264: {  	v25 =	vadd.f32 $2.000000030e-01, v29;
	v24 =	vadd.f32 $2.000000030e-01, v31;
	v26 =	vmul.f32 v26, v30  }
0x265: {  	s8 =	simm.s32 $0x8;
	s10 =	simm.s32 $0x1CB60;
	[tilespmem:s31+$0x10] =	vst v27;
	(erf) = vrcp.f32 v32;
	v27 =	vmul.f32 v28, v17;
	v28 =	vmax.f32 v13, $0.0e+00  }
.LBB2_24:
0x266: {  	v13 =	vld [tilespmem:s10+$0x10];
	s8 =	sadd.s32 $0x4, s8;
	v24 =	vmul.f32 v24, v14;
	v25 =	vmul.f32 v25, v16;
	v26 =	vadd.f32 v26, v28  }
0x267: {  	v28 =	vmax.f32 v0, $0.0e+00;
	v29 =	vmax.f32 v1, $0.0e+00;
	p1 =	slt.u32 s8, $0x2C;
	v0 =	vld [tilespmem:s10+$0xFFFFFFF0];
	v27 =	vadd.f32 $3.333333430e-01, v27  }
0x268: {  	v1 =	vld [tilespmem:s10+$0x0];
	v24 =	vadd.f32 $3.333333430e-01, v24;
	v25 =	vadd.f32 $3.333333430e-01, v25;
	[tilespmem:s0+$0x10] =	vst v26  }
0x269: {  	v8 =	vadd.f32 v18, v8;
	v18 =	vadd.f32 v20, v6;
	v6 =	vmovc v5;
	v26 =	vld [tilespmem:s10+$0xFFFFFFE0];
	v17 =	vmul.f32 v27, v17  }
0x26a: {  	v27 =	vadd.f32 v19, v7;
	v5 =	vpop (erf);
	v14 =	vmul.f32 v24, v14;
	v16 =	vmul.f32 v25, v16  }
0x26b: {  	v19 =	vand.u32 $0x7FFFFFFF, v13;
	v24 =	vmul.f32 v5, v23;
	v5 =	vpop (erf);
	v20 =	vadd.f32 $1.000000000e+00, v17;
	[tilespmem:s31+$0xFFFFFFE0] =	vst v8  }
0x26c: {  	v8 =	vand.u32 $0x7FFFFFFF, v0;
	v17 =	vsub.f32 $0.0e+00, v19;
	v19 =	vmul.f32 v5, v22;
	v22 =	vpop (erf);
	[tilespmem:s31+$0xFFFFFFF0] =	vst v18  }
0x26d: {  	v7 =	vmovc v4;
	v5 =	vmovc v28;
	v32 =	vsub.f32 $0.0e+00, v8;
	v18 =	vand.u32 $0x7FFFFFFF, v1;
	v25 =	vmul.f32 v24, v24;
	[tilespmem:s31+$0x0] =	vst v27;
	s31 =	smov.u32 s0;
	s0 =	smov.u32 s7;
	s7 =	smov.u32 s10  }
0x26e: {  	v31 =	vand.u32 $0x7FFFFFFF, v26;
	v18 =	vsub.f32 $0.0e+00, v18;
	v17 =	vmul.f32 $1.442695020e+00, v17;
	v23 =	vpop (erf)  }
0x26f: {  	v4 =	vmovc v29;
	v27 =	vsub.f32 $0.0e+00, v31;
	v28 =	vmul.f32 $1.442695020e+00, v32;
	v30 =	vmul.f32 $1.111111120e-01, v25;
	v8 =	vmovc v2  }
0x270: {  	v29 =	vadd.f32 $1.000000000e+00, v14;
	v2 =	vmovc v11;
	v18 =	vmul.f32 $1.442695020e+00, v18;
	(erf) = vpow2.f32 v17  }
0x271: {  	v11 =	vmul.f32 $1.442695020e+00, v27;
	(erf) = vpow2.f32 v28;
	v14 =	vadd.f32 $1.428571490e-01, v30  }
0x272: {  	(erf) = vpow2.f32 v18;
	v18 =	vmul.f32 v23, v21;
	v21 =	vadd.f32 $1.000000000e+00, v16  }
0x273: {  	v23 =	vadd.f32 v19, v19;
	(erf) = vpow2.f32 v11;
	v11 =	vmul.f32 v14, v25  }
0x274: {  	v15 =	vmul.f32 v22, v15;
	v17 =	vmul.f32 v18, v18;
	v27 =	vadd.f32 v18, v18  }
0x275: {  	v14 =	vmul.f32 v19, v19;
	v18 =	vmul.f32 v20, v10;
	v19 =	vadd.f32 $2.000000030e-01, v11  }
0x276: {  	v28 =	vadd.f32 v15, v15;
	v16 =	vmul.f32 v15, v15;
	v20 =	vmul.f32 $1.111111120e-01, v17;
	v10 =	vmovc v27  }
0x277: {  	v11 =	vmax.f32 v26, $0.0e+00;
	v15 =	vmul.f32 $1.111111120e-01, v14;
	v19 =	vmul.f32 v19, v25  }
0x278: {  	v27 =	vmul.f32 $1.111111120e-01, v16;
	v26 =	vadd.f32 $1.428571490e-01, v20;
	v20 =	vmul.f32 v29, v9;
	v9 =	vmovc v23  }
0x279: {  	v29 =	vadd.f32 $1.428571490e-01, v15;
	v23 =	vpop (erf);
	v30 =	vadd.f32 $3.333333430e-01, v19;
	v19 =	vmul.f32 v21, v12  }
0x27a: {  	v27 =	vadd.f32 $1.428571490e-01, v27;
	v33 =	vadd.f32 $2.000000000e+00, v23;
	v22 =	vpop (erf);
	v26 =	vmul.f32 v26, v17  }
0x27b: {  	v29 =	vmul.f32 v29, v14;
	v31 =	vadd.f32 $2.000000000e+00, v22;
	v15 =	vpop (erf);
	v25 =	vmul.f32 v30, v25  }
.Ltmp16:
0x27c: {  	v27 =	vmul.f32 v27, v16;
	v30 =	vadd.f32 $2.000000000e+00, v15;
	v21 =	vpop (erf);
	(erf) = vrcp.f32 v33;
	(pc) =	sbr.rel @p1 .LBB2_24-.Ltmp16, $4  }
0x27d: {  	v32 =	vadd.f32 v24, v24;
	v12 =	vmovc v28;
	(erf) = vrcp.f32 v31;
	v31 =	vadd.f32 $1.000000000e+00, v25  }
0x27e: {  	v28 =	vadd.f32 $2.000000000e+00, v21;
	(erf) = vrcp.f32 v30;
	v30 =	vadd.f32 $2.000000030e-01, v26  }
0x27f: {  	v24 =	vadd.f32 $2.000000030e-01, v29;
	v25 =	vadd.f32 $2.000000030e-01, v27;
	v26 =	vmul.f32 v31, v32  }
0x280: {  	s10 =	sadd.s32 $0x40, s10;
	(erf) = vrcp.f32 v28;
	v27 =	vmul.f32 v30, v17;
	v28 =	vmax.f32 v3, $0.0e+00;
	v3 =	vmovc v13  }
0x281: {  	_ =	sdelay $0x4  }
0x282: {  	v13 =	vpop (erf)  }
0x283: {  	v26 =	vadd.f32 v26, v28;
	v13 =	vmul.f32 v13, v23;
	v39 =	vpop (erf)  }
0x284: {  	v24 =	vmul.f32 v24, v14;
	v25 =	vmul.f32 v25, v16;
	v8 =	vadd.f32 v18, v8;
	v29 =	vpop (erf)  }
0x285: {  	v6 =	vadd.f32 v20, v6;
	v30 =	vmul.f32 v13, v13;
	v15 =	vmul.f32 v29, v15;
	v31 =	vpop (erf)  }
0x286: {  	v7 =	vadd.f32 v19, v7;
	v22 =	vmul.f32 v39, v22;
	v21 =	vmul.f32 v31, v21  }
0x287: {  	v3 =	vmax.f32 v3, $0.0e+00;
	v40 =	vmul.f32 $1.111111120e-01, v30;
	v29 =	vmul.f32 v15, v15  }
0x288: {  	v27 =	vadd.f32 $3.333333430e-01, v27;
	v24 =	vadd.f32 $3.333333430e-01, v24;
	v42 =	vmul.f32 v21, v21  }
0x289: {  	v43 =	vmul.f32 v22, v22;
	v41 =	vadd.f32 $1.428571490e-01, v40;
	v48 =	vmul.f32 $1.111111120e-01, v29  }
0x28a: {  	v25 =	vadd.f32 $3.333333430e-01, v25;
	v17 =	vmul.f32 v27, v17;
	v44 =	vmul.f32 $1.111111120e-01, v42  }
0x28b: {  	v46 =	vmul.f32 $1.111111120e-01, v43;
	v23 =	vmul.f32 v41, v30;
	v50 =	vadd.f32 $1.428571490e-01, v48  }
0x28c: {  	v47 =	vmul.f32 v24, v14;
	v49 =	vmul.f32 v25, v16;
	v18 =	vadd.f32 $1.428571490e-01, v44  }
0x28d: {  	v45 =	vadd.f32 $2.000000030e-01, v23;
	v23 =	vadd.f32 $1.428571490e-01, v46;
	v19 =	vmul.f32 v50, v29  }
0x28e: {  	v17 =	vadd.f32 $1.000000000e+00, v17;
	v14 =	vadd.f32 $1.000000000e+00, v47;
	v18 =	vmul.f32 v18, v42  }
0x28f: {  	v16 =	vadd.f32 $1.000000000e+00, v49;
	v23 =	vmul.f32 v23, v43;
	v19 =	vadd.f32 $2.000000030e-01, v19  }
0x290: {  	v13 =	vadd.f32 v13, v13;
	v20 =	vmul.f32 v45, v30;
	v18 =	vadd.f32 $2.000000030e-01, v18  }
0x291: {  	v10 =	vmul.f32 v17, v10;
	v23 =	vadd.f32 $2.000000030e-01, v23;
	v19 =	vmul.f32 v19, v29  }
0x292: {  	v22 =	vadd.f32 v22, v22;
	v20 =	vadd.f32 $3.333333430e-01, v20;
	v18 =	vmul.f32 v18, v42  }
0x293: {  	v52 =	vmul.f32 v14, v9;
	v23 =	vmul.f32 v23, v43;
	v19 =	vadd.f32 $3.333333430e-01, v19  }
0x294: {  	v56 =	vmul.f32 v16, v12;
	v20 =	vmul.f32 v20, v30;
	v18 =	vadd.f32 $3.333333430e-01, v18  }
0x295: {  	[tilespmem:s0+$0x10] =	vst v26;
	v15 =	vadd.f32 v15, v15;
	v51 =	vadd.f32 $3.333333430e-01, v23;
	v54 =	vmul.f32 v19, v29  }
0x296: {  	[tilespmem:s31+$0xFFFFFFE0] =	vst v8;
	v2 =	vadd.f32 v10, v2;
	v20 =	vadd.f32 $1.000000000e+00, v20;
	v18 =	vmul.f32 v18, v42  }
0x297: {  	[tilespmem:s31+$0xFFFFFFF0] =	vst v6;
	v57 =	vadd.f32 v52, v5;
	v53 =	vmul.f32 v51, v43;
	v58 =	vadd.f32 $1.000000000e+00, v54  }
0x298: {  	[tilespmem:s31+$0x0] =	vst v7;
	v21 =	vadd.f32 v21, v21;
	v13 =	vmul.f32 v20, v13;
	v55 =	vadd.f32 $1.000000000e+00, v18  }
0x299: {  	v4 =	vadd.f32 v56, v4;
	[tilespmem:s0+$0xFFFFFFE0] =	vst v2;
	v9 =	vadd.f32 $1.000000000e+00, v53;
	v61 =	vmul.f32 v58, v15  }
0x29a: {  	v1 =	vmax.f32 v1, $0.0e+00;
	[tilespmem:s0+$0xFFFFFFF0] =	vst v57;
	v3 =	vadd.f32 v13, v3;
	v59 =	vmul.f32 v55, v21  }
0x29b: {  	[tilespmem:s0+$0x0] =	vst v4;
	v60 =	vmul.f32 v9, v22;
	v1 =	vadd.f32 v61, v1  }
0x29c: {  	v0 =	vmax.f32 v0, $0.0e+00;
	[tilespmem:s7+$0x10] =	vst v3;
	v62 =	vadd.f32 v59, v11  }
0x29d: {  	v0 =	vadd.f32 v60, v0;
	[tilespmem:s7+$0x0] =	vst v1  }
0x29e: {  	[tilespmem:s7+$0xFFFFFFE0] =	vst v62  }
0x29f: {  	s0 =	simm.s32 $0x0;
	[tilespmem:s7+$0xFFFFFFF0] =	vst v0  }
.LBB2_26:
0x2a0: {  	s7 =	sshra.s32 s0, $0x2  }
0x2a1: {  	v0 =	vld [tilespmem:s7+$0x1CD80];
	_ =	sdelay $0x4  }
0x2a2: {  	v1 =	vand.u32 $0x7FFFFFFF, v0  }
0x2a3: {  	v1 =	vsub.f32 $0.0e+00, v1;
	_ =	sdelay $0x1  }
0x2a4: {  	v1 =	vmul.f32 $1.442695020e+00, v1;
	_ =	sdelay $0x1  }
0x2a5: {  	(erf) = vpow2.f32 v1;
	_ =	sdelay $0x8  }
0x2a6: {  	v1 =	vpop (erf)  }
0x2a7: {  	v2 =	vadd.f32 $2.000000000e+00, v1;
	_ =	sdelay $0x1  }
0x2a8: {  	(erf) = vrcp.f32 v2;
	_ =	sdelay $0x8  }
0x2a9: {  	v2 =	vpop (erf)  }
0x2aa: {  	v1 =	vmul.f32 v2, v1;
	_ =	sdelay $0x1  }
0x2ab: {  	v2 =	vmul.f32 v1, v1;
	_ =	sdelay $0x1  }
0x2ac: {  	v3 =	vmul.f32 $1.111111120e-01, v2;
	_ =	sdelay $0x1  }
0x2ad: {  	v3 =	vadd.f32 $1.428571490e-01, v3;
	_ =	sdelay $0x1  }
0x2ae: {  	v3 =	vmul.f32 v3, v2;
	_ =	sdelay $0x1  }
0x2af: {  	v3 =	vadd.f32 $2.000000030e-01, v3;
	_ =	sdelay $0x1  }
0x2b0: {  	v3 =	vmul.f32 v3, v2;
	_ =	sdelay $0x1  }
0x2b1: {  	v3 =	vadd.f32 $3.333333430e-01, v3;
	_ =	sdelay $0x1  }
0x2b2: {  	v2 =	vmul.f32 v3, v2;
	_ =	sdelay $0x1  }
0x2b3: {  	v1 =	vadd.f32 v1, v1;
	v2 =	vadd.f32 $1.000000000e+00, v2  }
0x2b4: {  	p1 =	sne.s32 s0, $0x40  }
.Ltmp17:
0x2b5: {  	v1 =	vmul.f32 v2, v1;
	(pc) =	sbr.rel @p1 .LBB2_26-.Ltmp17, $3  }
0x2b6: {  	v0 =	vmax.f32 v0, $0.0e+00  }
0x2b7: {  	v0 =	vadd.f32 v1, v0;
	_ =	sdelay $0x1  }
0x2b8: {  	s0 =	sadd.s32 $0x40, s0;
	[tilespmem:s7+$0x1CD80] =	vst v0  }
.Ltmp18:
0x2b9: {  	(pc) =	sbr.rel .LBB2_28-.Ltmp18, $3  }
0x2ba: {  	_ =	sdelay $0x1  }
0x2bb: {  	s7 =	rddreg [dreg:$0x19]  }
0x2bc: {  	s0 =	rddreg [dreg:$0x1a]  }
.LBB2_30:
0x2bd: {  	s0 =	simm.s32 $0x4  }
0x2be: {  	_ =	swait.ge [sflag:s0], $0x1000  }
0x2bf: {  	[sflag:s0] =	ssyncset.done $0x0  }
0x2c0: {  	[sflag:s0] =	ssyncadd.s32 $0xFFFFF000  }
0x2c1: {  	_ =	swait.ge [sflag:s19], $0x1000  }
0x2c2: {  	[sflag:s19] =	ssyncset.done $0x0  }
0x2c3: {  	[sflag:s19] =	ssyncadd.s32 $0xFFFFF000  }
0x2c4: {  	_ =	swait.ge [sflag:s26], $0x320  }
0x2c5: {  	[sflag:s26] =	ssyncset.done $0x0  }
0x2c6: {  	s30 =	simm.s32 $0x1CAA0;
	[sflag:s26] =	ssyncadd.s32 $0xFFFFFCE0  }
0x2c7: {  	v1 =	vld [tilespmem:s30+$0x10];
	_ =	sdelay $0x4  }
0x2c8: {  	v0 =	vld [tilespmem:s30+$0xFFFFFFF0];
	v2 =	vand.u32 $0x7FFFFFFF, v1  }
0x2c9: {  	v3 =	vld [tilespmem:s30+$0x0];
	v2 =	vsub.f32 $0.0e+00, v2  }
0x2ca: {  	v4 =	vld [tilespmem:s30+$0xFFFFFFE0]  }
0x2cb: {  	v2 =	vmul.f32 $1.442695020e+00, v2;
	_ =	sdelay $0x1  }
0x2cc: {  	v5 =	vand.u32 $0x7FFFFFFF, v0;
	(erf) = vpow2.f32 v2  }
0x2cd: {  	v2 =	vsub.f32 $0.0e+00, v5;
	v5 =	vand.u32 $0x7FFFFFFF, v3  }
0x2ce: {  	v6 =	vand.u32 $0x7FFFFFFF, v4;
	v5 =	vsub.f32 $0.0e+00, v5  }
0x2cf: {  	v6 =	vsub.f32 $0.0e+00, v6;
	v2 =	vmul.f32 $1.442695020e+00, v2  }
0x2d0: {  	v5 =	vmul.f32 $1.442695020e+00, v5  }
0x2d1: {  	v6 =	vmul.f32 $1.442695020e+00, v6;
	(erf) = vpow2.f32 v2  }
0x2d2: {  	(erf) = vpow2.f32 v5  }
0x2d3: {  	(erf) = vpow2.f32 v6;
	_ =	sdelay $0x1  }
0x2d4: {  	v2 =	vpop (erf)  }
0x2d5: {  	v5 =	vadd.f32 $2.000000000e+00, v2;
	_ =	sdelay $0x1  }
0x2d6: {  	(erf) = vrcp.f32 v5  }
0x2d7: {  	s0 =	simm.s32 $0x1CAE0  }
0x2d8: {  	v13 =	vld [tilespmem:s0+$0x10];
	v5 =	vpop (erf)  }
0x2d9: {  	v6 =	vadd.f32 $2.000000000e+00, v5;
	v7 =	vpop (erf)  }
0x2da: {  	v8 =	vadd.f32 $2.000000000e+00, v7;
	v9 =	vpop (erf)  }
0x2db: {  	v10 =	vld [tilespmem:s0+$0xFFFFFFF0];
	(erf) = vrcp.f32 v6;
	v6 =	vadd.f32 $2.000000000e+00, v9  }
0x2dc: {  	v11 =	vld [tilespmem:s0+$0x0];
	(erf) = vrcp.f32 v8  }
0x2dd: {  	v8 =	vand.u32 $0x7FFFFFFF, v13;
	(erf) = vrcp.f32 v6  }
0x2de: {  	v8 =	vsub.f32 $0.0e+00, v8  }
0x2df: {  	v12 =	vld [tilespmem:s0+$0xFFFFFFE0];
	v6 =	vpop (erf)  }
0x2e0: {  	v8 =	vmul.f32 $1.442695020e+00, v8;
	v2 =	vmul.f32 v6, v2;
	v6 =	vand.u32 $0x7FFFFFFF, v10  }
0x2e1: {  	v14 =	vand.u32 $0x7FFFFFFF, v11;
	v6 =	vsub.f32 $0.0e+00, v6  }
0x2e2: {  	v14 =	vsub.f32 $0.0e+00, v14;
	(erf) = vpow2.f32 v8;
	v15 =	vmul.f32 v2, v2  }
0x2e3: {  	v6 =	vmul.f32 $1.442695020e+00, v6  }
0x2e4: {  	v19 =	vand.u32 $0x7FFFFFFF, v12;
	v14 =	vmul.f32 $1.442695020e+00, v14;
	v16 =	vpop (erf);
	v17 =	vmul.f32 $1.111111120e-01, v15  }
0x2e5: {  	v19 =	vsub.f32 $0.0e+00, v19;
	v18 =	vpop (erf);
	(erf) = vpow2.f32 v6;
	v5 =	vmul.f32 v16, v5  }
0x2e6: {  	v8 =	vpop (erf);
	v6 =	vadd.f32 $1.428571490e-01, v17;
	(erf) = vpow2.f32 v14;
	v7 =	vmul.f32 v18, v7  }
0x2e7: {  	v9 =	vmul.f32 v8, v9;
	v8 =	vmul.f32 $1.442695020e+00, v19  }
0x2e8: {  	v16 =	vmul.f32 v5, v5;
	v19 =	vadd.f32 v5, v5;
	v6 =	vmul.f32 v6, v15  }
0x2e9: {  	v17 =	vmul.f32 v7, v7;
	v21 =	vadd.f32 v7, v7;
	v14 =	vmul.f32 v9, v9  }
0x2ea: {  	(erf) = vpow2.f32 v8;
	v8 =	vmax.f32 v4, $0.0e+00;
	v6 =	vadd.f32 $2.000000030e-01, v6  }
0x2eb: {  	v18 =	vadd.f32 v9, v9;
	v7 =	vmul.f32 $1.111111120e-01, v17;
	v4 =	vmul.f32 $1.111111120e-01, v14;
	v9 =	vpop (erf)  }
0x2ec: {  	v5 =	vmul.f32 v6, v15;
	v6 =	vmul.f32 $1.111111120e-01, v16;
	v20 =	vadd.f32 $2.000000000e+00, v9  }
0x2ed: {  	v7 =	vadd.f32 $1.428571490e-01, v7;
	v4 =	vadd.f32 $1.428571490e-01, v4  }
0x2ee: {  	v5 =	vadd.f32 $3.333333430e-01, v5;
	v6 =	vadd.f32 $1.428571490e-01, v6;
	v22 =	vpop (erf);
	(erf) = vrcp.f32 v20  }
0x2ef: {  	v20 =	vmul.f32 v7, v17;
	v4 =	vmul.f32 v4, v14;
	v23 =	vadd.f32 $2.000000000e+00, v22  }
0x2f0: {  	v24 =	vpop (erf);
	v5 =	vmul.f32 v5, v15;
	v15 =	vmul.f32 v6, v16  }
0x2f1: {  	v25 =	vadd.f32 $2.000000000e+00, v24;
	v6 =	vmax.f32 v0, $0.0e+00;
	v0 =	vadd.f32 v2, v2  }
0x2f2: {  	(erf) = vrcp.f32 v23;
	v2 =	vadd.f32 $2.000000030e-01, v4;
	v5 =	vadd.f32 $1.000000000e+00, v5  }
0x2f3: {  	s7 =	simm.s32 $0x1CB20;
	v7 =	vmax.f32 v3, $0.0e+00;
	v4 =	vadd.f32 $2.000000030e-01, v15;
	v15 =	vadd.f32 $2.000000030e-01, v20;
	v23 =	vpop (erf)  }
0x2f4: {  	v3 =	vld [tilespmem:s7+$0x10];
	(erf) = vrcp.f32 v25;
	v25 =	vmul.f32 v2, v14;
	v20 =	vadd.f32 $2.000000000e+00, v23  }
0x2f5: {  	v2 =	vmax.f32 v12, $0.0e+00;
	v4 =	vmul.f32 v4, v16;
	v12 =	vmul.f32 v15, v17  }
0x2f6: {  	v5 =	vmul.f32 v5, v0;
	v0 =	vld [tilespmem:s7+$0xFFFFFFF0];
	v15 =	vadd.f32 $3.333333430e-01, v25;
	(erf) = vrcp.f32 v20  }
0x2f7: {  	v20 =	vmax.f32 v1, $0.0e+00;
	v1 =	vld [tilespmem:s7+$0x0];
	v25 =	vadd.f32 $3.333333430e-01, v4;
	v4 =	vmax.f32 v11, $0.0e+00  }
0x2f8: {  	v27 =	vadd.f32 v5, v20;
	v5 =	vmax.f32 v10, $0.0e+00;
	v10 =	vmul.f32 v15, v14;
	v11 =	vpop (erf)  }
0x2f9: {  	v20 =	vld [tilespmem:s7+$0xFFFFFFE0];
	v15 =	vand.u32 $0x7FFFFFFF, v3;
	v14 =	vmul.f32 v25, v16;
	v25 =	vmul.f32 v11, v9  }
0x2fa: {  	v12 =	vadd.f32 $3.333333430e-01, v12;
	v15 =	vsub.f32 $0.0e+00, v15  }
0x2fb: {  	v11 =	vadd.f32 $1.000000000e+00, v10;
	v10 =	vand.u32 $0x7FFFFFFF, v0;
	v9 =	vpop (erf);
	v26 =	vmul.f32 v25, v25  }
0x2fc: {  	v16 =	vmul.f32 v9, v22;
	v9 =	vsub.f32 $0.0e+00, v10;
	v10 =	vand.u32 $0x7FFFFFFF, v1  }
0x2fd: {  	v12 =	vmul.f32 v12, v17;
	v15 =	vmul.f32 $1.442695020e+00, v15;
	v10 =	vsub.f32 $0.0e+00, v10  }
0x2fe: {  	v17 =	vand.u32 $0x7FFFFFFF, v20;
	v22 =	vmul.f32 $1.111111120e-01, v26;
	v9 =	vmul.f32 $1.442695020e+00, v9  }
0x2ff: {  	(erf) = vpow2.f32 v15;
	v17 =	vsub.f32 $0.0e+00, v17;
	v10 =	vmul.f32 $1.442695020e+00, v10  }
0x300: {  	v28 =	vpop (erf);
	v22 =	vadd.f32 $1.428571490e-01, v22;
	(erf) = vpow2.f32 v9  }
0x301: {  	v15 =	vadd.f32 $1.000000000e+00, v14;
	v14 =	vpop (erf);
	v17 =	vmul.f32 $1.442695020e+00, v17;
	(erf) = vpow2.f32 v10  }
0x302: {  	v29 =	vadd.f32 $1.000000000e+00, v12;
	v10 =	vmul.f32 v14, v23;
	v12 =	vmul.f32 v22, v26  }
0x303: {  	v22 =	vmul.f32 v28, v24;
	v14 =	vmul.f32 v16, v16  }
0x304: {  	(erf) = vpow2.f32 v17;
	v17 =	vmul.f32 v10, v10;
	v23 =	vadd.f32 $2.000000030e-01, v12  }
0x305: {  	v18 =	vmul.f32 v11, v18;
	v9 =	vadd.f32 v16, v16;
	v16 =	vmul.f32 v22, v22  }
0x306: {  	v12 =	vadd.f32 v22, v22;
	v22 =	vmul.f32 $1.111111120e-01, v14;
	v24 =	vmul.f32 $1.111111120e-01, v17  }
0x307: {  	v11 =	vmax.f32 v20, $0.0e+00;
	v20 =	vmul.f32 v15, v19;
	v28 =	vmul.f32 v23, v26  }
0x308: {  	v30 =	vmul.f32 $1.111111120e-01, v16;
	v31 =	vadd.f32 $1.428571490e-01, v22;
	v24 =	vadd.f32 $1.428571490e-01, v24;
	v23 =	vpop (erf)  }
0x309: {  	v19 =	vmul.f32 v29, v21;
	v28 =	vadd.f32 $3.333333430e-01, v28;
	v21 =	vadd.f32 $2.000000000e+00, v23  }
0x30a: {  	v10 =	vadd.f32 v10, v10;
	v29 =	vadd.f32 $1.428571490e-01, v30;
	v31 =	vmul.f32 v31, v14;
	v22 =	vpop (erf)  }
0x30b: {  	v24 =	vmul.f32 v24, v17;
	v26 =	vmul.f32 v28, v26;
	v30 =	vadd.f32 $2.000000000e+00, v22;
	v15 =	vpop (erf)  }
0x30c: {  	v29 =	vmul.f32 v29, v16;
	(erf) = vrcp.f32 v21;
	v28 =	vadd.f32 $2.000000000e+00, v15  }
0x30d: {  	v26 =	vadd.f32 $1.000000000e+00, v26;
	v21 =	vpop (erf);
	(erf) = vrcp.f32 v30;
	v30 =	vadd.f32 v25, v25  }
0x30e: {  	v32 =	vadd.f32 $2.000000000e+00, v21;
	(erf) = vrcp.f32 v28;
	v28 =	vadd.f32 $2.000000030e-01, v24  }
0x30f: {  	v25 =	vadd.f32 $2.000000030e-01, v29;
	v24 =	vadd.f32 $2.000000030e-01, v31;
	v26 =	vmul.f32 v26, v30  }
0x310: {  	s8 =	simm.s32 $0x8;
	s10 =	simm.s32 $0x1CB60;
	[tilespmem:s30+$0x10] =	vst v27;
	(erf) = vrcp.f32 v32;
	v27 =	vmul.f32 v28, v17;
	v28 =	vmax.f32 v13, $0.0e+00  }
.LBB2_31:
0x311: {  	v13 =	vld [tilespmem:s10+$0x10];
	s8 =	sadd.s32 $0x4, s8;
	v24 =	vmul.f32 v24, v14;
	v25 =	vmul.f32 v25, v16;
	v26 =	vadd.f32 v26, v28  }
0x312: {  	v28 =	vmax.f32 v0, $0.0e+00;
	v29 =	vmax.f32 v1, $0.0e+00;
	p1 =	slt.u32 s8, $0x2C;
	v0 =	vld [tilespmem:s10+$0xFFFFFFF0];
	v27 =	vadd.f32 $3.333333430e-01, v27  }
0x313: {  	v1 =	vld [tilespmem:s10+$0x0];
	v24 =	vadd.f32 $3.333333430e-01, v24;
	v25 =	vadd.f32 $3.333333430e-01, v25;
	[tilespmem:s0+$0x10] =	vst v26  }
0x314: {  	v8 =	vadd.f32 v18, v8;
	v18 =	vadd.f32 v20, v6;
	v6 =	vmovc v5;
	v26 =	vld [tilespmem:s10+$0xFFFFFFE0];
	v17 =	vmul.f32 v27, v17  }
0x315: {  	v27 =	vadd.f32 v19, v7;
	v5 =	vpop (erf);
	v14 =	vmul.f32 v24, v14;
	v16 =	vmul.f32 v25, v16  }
0x316: {  	v19 =	vand.u32 $0x7FFFFFFF, v13;
	v24 =	vmul.f32 v5, v23;
	v5 =	vpop (erf);
	v20 =	vadd.f32 $1.000000000e+00, v17;
	[tilespmem:s30+$0xFFFFFFE0] =	vst v8  }
0x317: {  	v8 =	vand.u32 $0x7FFFFFFF, v0;
	v17 =	vsub.f32 $0.0e+00, v19;
	v19 =	vmul.f32 v5, v22;
	v22 =	vpop (erf);
	[tilespmem:s30+$0xFFFFFFF0] =	vst v18  }
0x318: {  	v7 =	vmovc v4;
	v5 =	vmovc v28;
	v32 =	vsub.f32 $0.0e+00, v8;
	v18 =	vand.u32 $0x7FFFFFFF, v1;
	v25 =	vmul.f32 v24, v24;
	[tilespmem:s30+$0x0] =	vst v27;
	s30 =	smov.u32 s0;
	s0 =	smov.u32 s7;
	s7 =	smov.u32 s10  }
0x319: {  	v31 =	vand.u32 $0x7FFFFFFF, v26;
	v18 =	vsub.f32 $0.0e+00, v18;
	v17 =	vmul.f32 $1.442695020e+00, v17;
	v23 =	vpop (erf)  }
0x31a: {  	v4 =	vmovc v29;
	v27 =	vsub.f32 $0.0e+00, v31;
	v28 =	vmul.f32 $1.442695020e+00, v32;
	v30 =	vmul.f32 $1.111111120e-01, v25;
	v8 =	vmovc v2  }
0x31b: {  	v29 =	vadd.f32 $1.000000000e+00, v14;
	v2 =	vmovc v11;
	v18 =	vmul.f32 $1.442695020e+00, v18;
	(erf) = vpow2.f32 v17  }
0x31c: {  	v11 =	vmul.f32 $1.442695020e+00, v27;
	(erf) = vpow2.f32 v28;
	v14 =	vadd.f32 $1.428571490e-01, v30  }
0x31d: {  	(erf) = vpow2.f32 v18;
	v18 =	vmul.f32 v23, v21;
	v21 =	vadd.f32 $1.000000000e+00, v16  }
0x31e: {  	v23 =	vadd.f32 v19, v19;
	(erf) = vpow2.f32 v11;
	v11 =	vmul.f32 v14, v25  }
0x31f: {  	v15 =	vmul.f32 v22, v15;
	v17 =	vmul.f32 v18, v18;
	v27 =	vadd.f32 v18, v18  }
0x320: {  	v14 =	vmul.f32 v19, v19;
	v18 =	vmul.f32 v20, v10;
	v19 =	vadd.f32 $2.000000030e-01, v11  }
0x321: {  	v28 =	vadd.f32 v15, v15;
	v16 =	vmul.f32 v15, v15;
	v20 =	vmul.f32 $1.111111120e-01, v17;
	v10 =	vmovc v27  }
0x322: {  	v11 =	vmax.f32 v26, $0.0e+00;
	v15 =	vmul.f32 $1.111111120e-01, v14;
	v19 =	vmul.f32 v19, v25  }
0x323: {  	v27 =	vmul.f32 $1.111111120e-01, v16;
	v26 =	vadd.f32 $1.428571490e-01, v20;
	v20 =	vmul.f32 v29, v9;
	v9 =	vmovc v23  }
0x324: {  	v29 =	vadd.f32 $1.428571490e-01, v15;
	v23 =	vpop (erf);
	v30 =	vadd.f32 $3.333333430e-01, v19;
	v19 =	vmul.f32 v21, v12  }
0x325: {  	v27 =	vadd.f32 $1.428571490e-01, v27;
	v33 =	vadd.f32 $2.000000000e+00, v23;
	v22 =	vpop (erf);
	v26 =	vmul.f32 v26, v17  }
0x326: {  	v29 =	vmul.f32 v29, v14;
	v31 =	vadd.f32 $2.000000000e+00, v22;
	v15 =	vpop (erf);
	v25 =	vmul.f32 v30, v25  }
.Ltmp19:
0x327: {  	v27 =	vmul.f32 v27, v16;
	v30 =	vadd.f32 $2.000000000e+00, v15;
	v21 =	vpop (erf);
	(erf) = vrcp.f32 v33;
	(pc) =	sbr.rel @p1 .LBB2_31-.Ltmp19, $4  }
0x328: {  	v32 =	vadd.f32 v24, v24;
	v12 =	vmovc v28;
	(erf) = vrcp.f32 v31;
	v31 =	vadd.f32 $1.000000000e+00, v25  }
0x329: {  	v28 =	vadd.f32 $2.000000000e+00, v21;
	(erf) = vrcp.f32 v30;
	v30 =	vadd.f32 $2.000000030e-01, v26  }
0x32a: {  	v24 =	vadd.f32 $2.000000030e-01, v29;
	v25 =	vadd.f32 $2.000000030e-01, v27;
	v26 =	vmul.f32 v31, v32  }
0x32b: {  	s10 =	sadd.s32 $0x40, s10;
	(erf) = vrcp.f32 v28;
	v27 =	vmul.f32 v30, v17;
	v28 =	vmax.f32 v3, $0.0e+00;
	v3 =	vmovc v13  }
0x32c: {  	_ =	sdelay $0x4  }
0x32d: {  	v13 =	vpop (erf)  }
0x32e: {  	v26 =	vadd.f32 v26, v28;
	v13 =	vmul.f32 v13, v23;
	v39 =	vpop (erf)  }
0x32f: {  	v24 =	vmul.f32 v24, v14;
	v25 =	vmul.f32 v25, v16;
	v8 =	vadd.f32 v18, v8;
	v29 =	vpop (erf)  }
0x330: {  	v6 =	vadd.f32 v20, v6;
	v30 =	vmul.f32 v13, v13;
	v15 =	vmul.f32 v29, v15;
	v31 =	vpop (erf)  }
0x331: {  	v7 =	vadd.f32 v19, v7;
	v22 =	vmul.f32 v39, v22;
	v21 =	vmul.f32 v31, v21  }
0x332: {  	v3 =	vmax.f32 v3, $0.0e+00;
	v40 =	vmul.f32 $1.111111120e-01, v30;
	v29 =	vmul.f32 v15, v15  }
0x333: {  	v27 =	vadd.f32 $3.333333430e-01, v27;
	v24 =	vadd.f32 $3.333333430e-01, v24;
	v42 =	vmul.f32 v21, v21  }
0x334: {  	v43 =	vmul.f32 v22, v22;
	v41 =	vadd.f32 $1.428571490e-01, v40;
	v48 =	vmul.f32 $1.111111120e-01, v29  }
0x335: {  	v25 =	vadd.f32 $3.333333430e-01, v25;
	v17 =	vmul.f32 v27, v17;
	v44 =	vmul.f32 $1.111111120e-01, v42  }
0x336: {  	v46 =	vmul.f32 $1.111111120e-01, v43;
	v23 =	vmul.f32 v41, v30;
	v50 =	vadd.f32 $1.428571490e-01, v48  }
0x337: {  	v47 =	vmul.f32 v24, v14;
	v49 =	vmul.f32 v25, v16;
	v18 =	vadd.f32 $1.428571490e-01, v44  }
0x338: {  	v45 =	vadd.f32 $2.000000030e-01, v23;
	v23 =	vadd.f32 $1.428571490e-01, v46;
	v19 =	vmul.f32 v50, v29  }
0x339: {  	v17 =	vadd.f32 $1.000000000e+00, v17;
	v14 =	vadd.f32 $1.000000000e+00, v47;
	v18 =	vmul.f32 v18, v42  }
0x33a: {  	v16 =	vadd.f32 $1.000000000e+00, v49;
	v23 =	vmul.f32 v23, v43;
	v19 =	vadd.f32 $2.000000030e-01, v19  }
0x33b: {  	v13 =	vadd.f32 v13, v13;
	v20 =	vmul.f32 v45, v30;
	v18 =	vadd.f32 $2.000000030e-01, v18  }
0x33c: {  	v10 =	vmul.f32 v17, v10;
	v23 =	vadd.f32 $2.000000030e-01, v23;
	v19 =	vmul.f32 v19, v29  }
0x33d: {  	v22 =	vadd.f32 v22, v22;
	v20 =	vadd.f32 $3.333333430e-01, v20;
	v18 =	vmul.f32 v18, v42  }
0x33e: {  	v52 =	vmul.f32 v14, v9;
	v23 =	vmul.f32 v23, v43;
	v19 =	vadd.f32 $3.333333430e-01, v19  }
0x33f: {  	v56 =	vmul.f32 v16, v12;
	v20 =	vmul.f32 v20, v30;
	v18 =	vadd.f32 $3.333333430e-01, v18  }
0x340: {  	[tilespmem:s0+$0x10] =	vst v26;
	v15 =	vadd.f32 v15, v15;
	v51 =	vadd.f32 $3.333333430e-01, v23;
	v54 =	vmul.f32 v19, v29  }
0x341: {  	[tilespmem:s30+$0xFFFFFFE0] =	vst v8;
	v2 =	vadd.f32 v10, v2;
	v20 =	vadd.f32 $1.000000000e+00, v20;
	v18 =	vmul.f32 v18, v42  }
0x342: {  	[tilespmem:s30+$0xFFFFFFF0] =	vst v6;
	v57 =	vadd.f32 v52, v5;
	v53 =	vmul.f32 v51, v43;
	v58 =	vadd.f32 $1.000000000e+00, v54  }
0x343: {  	[tilespmem:s30+$0x0] =	vst v7;
	v21 =	vadd.f32 v21, v21;
	v13 =	vmul.f32 v20, v13;
	v55 =	vadd.f32 $1.000000000e+00, v18  }
0x344: {  	v4 =	vadd.f32 v56, v4;
	[tilespmem:s0+$0xFFFFFFE0] =	vst v2;
	v9 =	vadd.f32 $1.000000000e+00, v53;
	v61 =	vmul.f32 v58, v15  }
0x345: {  	v1 =	vmax.f32 v1, $0.0e+00;
	[tilespmem:s0+$0xFFFFFFF0] =	vst v57;
	v3 =	vadd.f32 v13, v3;
	v59 =	vmul.f32 v55, v21  }
0x346: {  	[tilespmem:s0+$0x0] =	vst v4;
	v60 =	vmul.f32 v9, v22;
	v1 =	vadd.f32 v61, v1  }
0x347: {  	v0 =	vmax.f32 v0, $0.0e+00;
	[tilespmem:s7+$0x10] =	vst v3;
	v62 =	vadd.f32 v59, v11  }
0x348: {  	v0 =	vadd.f32 v60, v0;
	[tilespmem:s7+$0x0] =	vst v1  }
0x349: {  	[tilespmem:s7+$0xFFFFFFE0] =	vst v62  }
0x34a: {  	s0 =	simm.s32 $0x0;
	[tilespmem:s7+$0xFFFFFFF0] =	vst v0  }
.LBB2_33:
0x34b: {  	s7 =	sshra.s32 s0, $0x2  }
0x34c: {  	v0 =	vld [tilespmem:s7+$0x1CD80];
	_ =	sdelay $0x4  }
0x34d: {  	v1 =	vand.u32 $0x7FFFFFFF, v0  }
0x34e: {  	v1 =	vsub.f32 $0.0e+00, v1;
	_ =	sdelay $0x1  }
0x34f: {  	v1 =	vmul.f32 $1.442695020e+00, v1;
	_ =	sdelay $0x1  }
0x350: {  	(erf) = vpow2.f32 v1;
	_ =	sdelay $0x8  }
0x351: {  	v1 =	vpop (erf)  }
0x352: {  	v2 =	vadd.f32 $2.000000000e+00, v1;
	_ =	sdelay $0x1  }
0x353: {  	(erf) = vrcp.f32 v2;
	_ =	sdelay $0x8  }
0x354: {  	v2 =	vpop (erf)  }
0x355: {  	v1 =	vmul.f32 v2, v1;
	_ =	sdelay $0x1  }
0x356: {  	v2 =	vmul.f32 v1, v1;
	_ =	sdelay $0x1  }
0x357: {  	v3 =	vmul.f32 $1.111111120e-01, v2;
	_ =	sdelay $0x1  }
0x358: {  	v3 =	vadd.f32 $1.428571490e-01, v3;
	_ =	sdelay $0x1  }
0x359: {  	v3 =	vmul.f32 v3, v2;
	_ =	sdelay $0x1  }
0x35a: {  	v3 =	vadd.f32 $2.000000030e-01, v3;
	_ =	sdelay $0x1  }
0x35b: {  	v3 =	vmul.f32 v3, v2;
	_ =	sdelay $0x1  }
0x35c: {  	v3 =	vadd.f32 $3.333333430e-01, v3;
	_ =	sdelay $0x1  }
0x35d: {  	v2 =	vmul.f32 v3, v2;
	_ =	sdelay $0x1  }
0x35e: {  	v1 =	vadd.f32 v1, v1;
	v2 =	vadd.f32 $1.000000000e+00, v2  }
0x35f: {  	p1 =	sne.s32 s0, $0x40  }
.Ltmp20:
0x360: {  	v1 =	vmul.f32 v2, v1;
	(pc) =	sbr.rel @p1 .LBB2_33-.Ltmp20, $3  }
0x361: {  	v0 =	vmax.f32 v0, $0.0e+00  }
0x362: {  	v0 =	vadd.f32 v1, v0;
	_ =	sdelay $0x1  }
0x363: {  	s0 =	sadd.s32 $0x40, s0;
	[tilespmem:s7+$0x1CD80] =	vst v0  }
0x364: {  	s30 =	simm.s32 $0x0;
	s0 =	rddreg [dreg:$0x10]  }
0x365: {  	[hbm4b:s0+s30] =	stream.linear.scatter [tilespmem:s23], [sflag:$0x8], $0x320, $0x38;
	v63 =	vld [tilespmem:$0x0]  }
0x366: {  	_ =	swait.ge [sflag:s28], $0x320  }
0x367: {  	[sflag:s28] =	ssyncset.done $0x0  }
0x368: {  	s8 =	rddreg [dreg:$0x1b];
	[sflag:s28] =	ssyncadd.s32 $0xFFFFFCE0  }
0x369: {  	[tilespmem:s20], [sflag:$0x6] =	stream.linear.gather [spmem:s8], $0x320, $0x38;
	v63 =	vld [tilespmem:$0x0]  }
0x36a: {  	_ =	swait.ge [sflag:s21], $0x320  }
0x36b: {  	[sflag:s21] =	ssyncset.done $0x0  }
0x36c: {  	[sflag:s21] =	ssyncadd.s32 $0xFFFFFCE0  }
0x36d: {  	[tilespmem:s23], [sflag:$0x7] =	stream.indirect.gather [hbm4b:s1+s22], $0x1, s20, s22, $0xb8;
	v63 =	vld [tilespmem:$0x0]  }
0x36e: {  	s10 =	rddreg [dreg:$0xe]  }
0x36f: {  	[tilespmem:s30], [sflag:$0x1] =	stream.strided.gather [hbm4b:s10+s13], $0x18700, s15, s13, $0x38;
	v63 =	vld [tilespmem:$0x0]  }
.Ltmp21:
0x370: {  	s31 =	simm.s32 $0x1;
	(pc) =	sbr.rel .LBB2_35-.Ltmp21, $4  }
0x371: {  	[tilespmem:s24], [sflag:$0x2] =	stream.linear.gather [spmem:s5], $0x1000, $0x38;
	v63 =	vld [tilespmem:$0x0]  }
0x372: {  	_ =	swait.ge [sflag:s31], $0x18700  }
0x373: {  	[sflag:s31] =	ssyncset.done $0x0  }
0x374: {  	[sflag:s31] =	ssyncadd.s32 $0xFFFE7900  }
.LBB2_61:
0x375: {  	s7 =	sshrl.u32 s7, $0x3  }
0x376: {  	s7 =	sadd.s32 s4, s7  }
0x377: {  	[hbm4b:s7+s6] =	stream.linear.scatter [tilespmem:s23], [sflag:$0x8], $0x320, $0x38;
	v63 =	vld [tilespmem:$0x0]  }
0x378: {  	_ =	swait.ge [sflag:s28], $0x320  }
0x379: {  	[sflag:s28] =	ssyncset.done $0x0  }
0x37a: {  	[sflag:s28] =	ssyncadd.s32 $0xFFFFFCE0  }
0x37b: {  	[tilespmem:s20], [sflag:$0x6] =	stream.linear.gather [spmem:s0], $0x320, $0x38;
	v63 =	vld [tilespmem:$0x0]  }
0x37c: {  	_ =	swait.ge [sflag:s21], $0x320  }
0x37d: {  	[sflag:s21] =	ssyncset.done $0x0  }
0x37e: {  	[sflag:s21] =	ssyncadd.s32 $0xFFFFFCE0  }
0x37f: {  	[tilespmem:s23], [sflag:$0x7] =	stream.indirect.gather [hbm4b:s1+s22], $0x1, s20, s22, $0xb8;
	v63 =	vld [tilespmem:$0x0]  }
.LBB2_62:
0x380: {  	s30 =	sadd.s32 $0x1, s30  }
0x381: {  	p1 =	sne.s32 s30, $0x19  }
.Ltmp22:
0x382: {  	_ = 	snop;
	(pc) =	sbr.rel @!p1 .LBB2_63-.Ltmp22, $1  }
0x383: {  	_ =	sdelay $0x3  }
.LBB2_35:
0x384: {  	s0 =	sshllo.u32 s30, $0x1  }
0x385: {  	s7 =	sshll.u32 s0, $0xC  }
0x386: {  	s7 =	sand.u32 $0x3FFFF000, s7  }
0x387: {  	s7 =	sadd.s32 s7, s5  }
0x388: {  	[tilespmem:s3], [sflag:$0x3] =	stream.linear.gather [spmem:s7], $0x1000, $0x38;
	v63 =	vld [tilespmem:$0x0]  }
0x389: {  	_ =	swait.ge [sflag:s14], $0x1000  }
0x38a: {  	p1 =	seq.s32 s30, $0x0;
	[sflag:s14] =	ssyncset.done $0x0  }
0x38b: {  	s7 =	simm.s32 @!p1 $0x4;
	[sflag:s14] =	ssyncadd.s32 $0xFFFFF000  }
0x38c: {  	_ =	swait.ge @!p1 [sflag:s7], $0x1000  }
0x38d: {  	[sflag:s7] =	ssyncset.done @!p1 $0x0  }
0x38e: {  	s31 =	simm.s32 $0x18740;
	[sflag:s7] =	ssyncadd.s32 @!p1 $0xFFFFF000  }
0x38f: {  	v0 =	vld [tilespmem:s31+$0x30]  }
0x390: {  	v1 =	vld [tilespmem:s31+$0xFFFFFFD0]  }
0x391: {  	v2 =	vld [tilespmem:s31+$0xFFFFFFE0]  }
0x392: {  	v3 =	vld [tilespmem:s31+$0xFFFFFFF0]  }
0x393: {  	v6 =	vld [tilespmem:s31+$0x0]  }
0x394: {  	v7 =	vld [tilespmem:s31+$0x10]  }
0x395: {  	v8 =	vld [tilespmem:s31+$0x20]  }
0x396: {  	v9 =	vld [tilespmem:s31+$0xFFFFFFC0]  }
0x397: {  	v10 =	vld.idx.msk [tilespmem:v0+s6+$0x0], $0xffff  }
0x398: {  	v11 =	vld.idx.msk [tilespmem:v1+s6+$0x0], $0xffff  }
0x399: {  	v5 =	vld.idx.msk [tilespmem:v2+s6+$0x0], $0xffff  }
0x39a: {  	v4 =	vld.idx.msk [tilespmem:v3+s6+$0x0], $0xffff  }
0x39b: {  	v3 =	vld.idx.msk [tilespmem:v6+s6+$0x0], $0xffff  }
0x39c: {  	s7 =	simm.s32 $0x1A740;
	v1 =	vld.idx.msk [tilespmem:v7+s6+$0x0], $0xffff  }
0x39d: {  	v0 =	vld.idx.msk [tilespmem:v8+s6+$0x0], $0xffff;
	[tilespmem:s7+$0x30] =	vst v10  }
0x39e: {  	s8 =	simm.s32 $0x0;
	s10 =	simm.s32 $0x187C0;
	v2 =	vld.idx.msk [tilespmem:v9+s6+$0x0], $0xffff;
	[tilespmem:s7+$0xFFFFFFD0] =	vst v11  }
.LBB2_36:
0x39f: {  	v6 =	vld [tilespmem:s10+$0x30];
	s8 =	sadd.s32 $0x8, s8;
	[tilespmem:s7+$0xFFFFFFE0] =	vst v5  }
0x3a0: {  	v5 =	vld [tilespmem:s10+$0xFFFFFFD0];
	p2 =	slt.u32 s8, $0xF8;
	[tilespmem:s7+$0xFFFFFFF0] =	vst v4  }
0x3a1: {  	v4 =	vld [tilespmem:s10+$0xFFFFFFE0];
	[tilespmem:s7+$0x0] =	vst v3  }
0x3a2: {  	v3 =	vld [tilespmem:s10+$0xFFFFFFF0];
	[tilespmem:s7+$0x10] =	vst v1  }
0x3a3: {  	v1 =	vld [tilespmem:s10+$0x0];
	[tilespmem:s7+$0x20] =	vst v0  }
0x3a4: {  	v0 =	vld [tilespmem:s10+$0x10];
	[tilespmem:s7+$0xFFFFFFC0] =	vst v2  }
0x3a5: {  	v2 =	vld [tilespmem:s10+$0x20]  }
0x3a6: {  	v7 =	vld [tilespmem:s10+$0xFFFFFFC0]  }
0x3a7: {  	v6 =	vld.idx.msk [tilespmem:v6+s6+$0x0], $0xffff  }
0x3a8: {  	v8 =	vld.idx.msk [tilespmem:v5+s6+$0x0], $0xffff  }
0x3a9: {  	v5 =	vld.idx.msk [tilespmem:v4+s6+$0x0], $0xffff  }
.Ltmp23:
0x3aa: {  	v4 =	vld.idx.msk [tilespmem:v3+s6+$0x0], $0xffff;
	(pc) =	sbr.rel @p2 .LBB2_36-.Ltmp23, $4  }
0x3ab: {  	v3 =	vld.idx.msk [tilespmem:v1+s6+$0x0], $0xffff  }
0x3ac: {  	s7 =	sadd.s32 $0x80, s7;
	v1 =	vld.idx.msk [tilespmem:v0+s6+$0x0], $0xffff  }
0x3ad: {  	v0 =	vld.idx.msk [tilespmem:v2+s6+$0x0], $0xffff;
	[tilespmem:s7+$0x30] =	vst v6  }
0x3ae: {  	s10 =	sadd.s32 $0x80, s10;
	v2 =	vld.idx.msk [tilespmem:v7+s6+$0x0], $0xffff;
	[tilespmem:s7+$0xFFFFFFD0] =	vst v8  }
0x3af: {  	[tilespmem:s7+$0xFFFFFFE0] =	vst v5  }
0x3b0: {  	[tilespmem:s7+$0xFFFFFFF0] =	vst v4;
	p2 =	sne.s32 s30, $0x18  }
.Ltmp24:
0x3b1: {  	s8 =	sshll.u32 s30, $0x13;
	[tilespmem:s7+$0x0] =	vst v3;
	(pc) =	sbr.rel @p2 .LBB2_39-.Ltmp24, $4  }
0x3b2: {  	s8 =	sor.u32 s18, s8;
	[tilespmem:s7+$0x10] =	vst v1  }
0x3b3: {  	s8 =	sshrl.u32 s8, $0x3;
	[tilespmem:s7+$0x20] =	vst v0  }
0x3b4: {  	s31 =	sadd.s32 s2, s8;
	[tilespmem:s7+$0xFFFFFFC0] =	vst v2  }
0x3b5: {  	[hbm4b:s31+s13] =	stream.strided.scatter [tilespmem:s25], [sflag:$0x4], $0x1000, s15, s13, $0x38;
	v63 =	vld [tilespmem:$0x0]  }
.Ltmp25:
0x3b6: {  	(pc) =	sbr.rel .LBB2_40-.Ltmp25, $4  }
0x3b7: {  	_ = 	snop  }
0x3b8: {  	_ =	swait.ge [sflag:s9], $0x1000  }
0x3b9: {  	[sflag:s9] =	ssyncset.done $0x0  }
0x3ba: {  	[sflag:s9] =	ssyncadd.s32 $0xFFFFF000  }
.LBB2_39:
0x3bb: {  	s7 =	sshll.u32 s30, $0xD  }
0x3bc: {  	s7 =	sand.u32 $0x3FFFE000, s7  }
0x3bd: {  	s7 =	sadd.s32 s7, s5  }
.Ltmp26:
0x3be: {  	s7 =	sadd.s32 $0x2000, s7;
	(pc) =	sbr.rel @p1 .LBB2_41-.Ltmp26, $4  }
0x3bf: {  	[tilespmem:s24], [sflag:$0x2] =	stream.linear.gather [spmem:s7], $0x1000, $0x38;
	v63 =	vld [tilespmem:$0x0]  }
0x3c0: {  	_ =	swait.ge [sflag:s9], $0x1000  }
0x3c1: {  	[sflag:s9] =	ssyncset.done $0x0  }
0x3c2: {  	[sflag:s9] =	ssyncadd.s32 $0xFFFFF000  }
.LBB2_40:
0x3c3: {  	_ =	swait.ge [sflag:s19], $0x1000  }
0x3c4: {  	[sflag:s19] =	ssyncset.done $0x0  }
0x3c5: {  	[sflag:s19] =	ssyncadd.s32 $0xFFFFF000  }
.LBB2_41:
0x3c6: {  	s7 =	simm.s32 $0x19740  }
0x3c7: {  	v0 =	vld [tilespmem:s7+$0x30]  }
0x3c8: {  	v1 =	vld [tilespmem:s7+$0xFFFFFFD0]  }
0x3c9: {  	v2 =	vld [tilespmem:s7+$0xFFFFFFE0]  }
0x3ca: {  	v3 =	vld [tilespmem:s7+$0xFFFFFFF0]  }
0x3cb: {  	v6 =	vld [tilespmem:s7+$0x0]  }
0x3cc: {  	v7 =	vld [tilespmem:s7+$0x10]  }
0x3cd: {  	v8 =	vld [tilespmem:s7+$0x20]  }
0x3ce: {  	v9 =	vld [tilespmem:s7+$0xFFFFFFC0]  }
0x3cf: {  	v10 =	vld.idx.msk [tilespmem:v0+s6+$0x0], $0xffff  }
0x3d0: {  	v11 =	vld.idx.msk [tilespmem:v1+s6+$0x0], $0xffff  }
0x3d1: {  	v5 =	vld.idx.msk [tilespmem:v2+s6+$0x0], $0xffff  }
0x3d2: {  	v4 =	vld.idx.msk [tilespmem:v3+s6+$0x0], $0xffff  }
0x3d3: {  	v3 =	vld.idx.msk [tilespmem:v6+s6+$0x0], $0xffff  }
0x3d4: {  	s7 =	simm.s32 $0x1B740;
	v1 =	vld.idx.msk [tilespmem:v7+s6+$0x0], $0xffff  }
0x3d5: {  	v0 =	vld.idx.msk [tilespmem:v8+s6+$0x0], $0xffff;
	[tilespmem:s7+$0x30] =	vst v10  }
0x3d6: {  	s8 =	simm.s32 $0x0;
	s10 =	simm.s32 $0x197C0;
	v2 =	vld.idx.msk [tilespmem:v9+s6+$0x0], $0xffff;
	[tilespmem:s7+$0xFFFFFFD0] =	vst v11  }
.LBB2_42:
0x3d7: {  	v6 =	vld [tilespmem:s10+$0x30];
	s8 =	sadd.s32 $0x8, s8;
	[tilespmem:s7+$0xFFFFFFE0] =	vst v5  }
0x3d8: {  	v5 =	vld [tilespmem:s10+$0xFFFFFFD0];
	p1 =	slt.u32 s8, $0xF8;
	[tilespmem:s7+$0xFFFFFFF0] =	vst v4  }
0x3d9: {  	v4 =	vld [tilespmem:s10+$0xFFFFFFE0];
	[tilespmem:s7+$0x0] =	vst v3  }
0x3da: {  	v3 =	vld [tilespmem:s10+$0xFFFFFFF0];
	[tilespmem:s7+$0x10] =	vst v1  }
0x3db: {  	v1 =	vld [tilespmem:s10+$0x0];
	[tilespmem:s7+$0x20] =	vst v0  }
0x3dc: {  	v0 =	vld [tilespmem:s10+$0x10];
	[tilespmem:s7+$0xFFFFFFC0] =	vst v2  }
0x3dd: {  	v2 =	vld [tilespmem:s10+$0x20]  }
0x3de: {  	v7 =	vld [tilespmem:s10+$0xFFFFFFC0]  }
0x3df: {  	v6 =	vld.idx.msk [tilespmem:v6+s6+$0x0], $0xffff  }
0x3e0: {  	v8 =	vld.idx.msk [tilespmem:v5+s6+$0x0], $0xffff  }
0x3e1: {  	v5 =	vld.idx.msk [tilespmem:v4+s6+$0x0], $0xffff  }
.Ltmp27:
0x3e2: {  	v4 =	vld.idx.msk [tilespmem:v3+s6+$0x0], $0xffff;
	(pc) =	sbr.rel @p1 .LBB2_42-.Ltmp27, $4  }
0x3e3: {  	v3 =	vld.idx.msk [tilespmem:v1+s6+$0x0], $0xffff  }
0x3e4: {  	s7 =	sadd.s32 $0x80, s7;
	v1 =	vld.idx.msk [tilespmem:v0+s6+$0x0], $0xffff  }
0x3e5: {  	v0 =	vld.idx.msk [tilespmem:v2+s6+$0x0], $0xffff;
	[tilespmem:s7+$0x30] =	vst v6  }
0x3e6: {  	s10 =	sadd.s32 $0x80, s10;
	v2 =	vld.idx.msk [tilespmem:v7+s6+$0x0], $0xffff;
	[tilespmem:s7+$0xFFFFFFD0] =	vst v8  }
0x3e7: {  	[tilespmem:s7+$0xFFFFFFE0] =	vst v5  }
0x3e8: {  	[tilespmem:s7+$0xFFFFFFF0] =	vst v4;
	p1 =	seq.s32 s30, $0x12  }
.Ltmp28:
0x3e9: {  	s0 =	sshll.u32 s0, $0x12;
	[tilespmem:s7+$0x0] =	vst v3;
	(pc) =	sbr.rel @p1 .LBB2_56-.Ltmp28, $4  }
0x3ea: {  	s0 =	sor.u32 s18, s0;
	[tilespmem:s7+$0x10] =	vst v1  }
0x3eb: {  	s0 =	sshrl.u32 s0, $0x3;
	[tilespmem:s7+$0x20] =	vst v0  }
0x3ec: {  	s0 =	sadd.s32 s2, s0;
	[tilespmem:s7+$0xFFFFFFC0] =	vst v2  }
0x3ed: {  	[hbm4b:s0+s13] =	stream.strided.scatter [tilespmem:s16], [sflag:$0x5], $0x1000, s15, s13, $0x38;
	v63 =	vld [tilespmem:$0x0]  }
0x3ee: {  	p1 =	seq.s32 s30, $0xC  }
.Ltmp29:
0x3ef: {  	_ = 	snop;
	(pc) =	sbr.rel @p1 .LBB2_51-.Ltmp29, $1  }
0x3f0: {  	_ =	sdelay $0x3  }
0x3f1: {  	p1 =	sne.s32 s30, $0x6  }
.Ltmp30:
0x3f2: {  	_ = 	snop;
	(pc) =	sbr.rel @p1 .LBB2_62-.Ltmp30, $1  }
0x3f3: {  	_ =	sdelay $0x3  }
0x3f4: {  	_ =	swait.ge [sflag:s26], $0x320  }
0x3f5: {  	[sflag:s26] =	ssyncset.done $0x0  }
0x3f6: {  	s31 =	simm.s32 $0x1CAA0;
	[sflag:s26] =	ssyncadd.s32 $0xFFFFFCE0  }
0x3f7: {  	v1 =	vld [tilespmem:s31+$0x10];
	_ =	sdelay $0x4  }
0x3f8: {  	v0 =	vld [tilespmem:s31+$0xFFFFFFF0];
	v2 =	vand.u32 $0x7FFFFFFF, v1  }
0x3f9: {  	v3 =	vld [tilespmem:s31+$0x0];
	v2 =	vsub.f32 $0.0e+00, v2  }
0x3fa: {  	v4 =	vld [tilespmem:s31+$0xFFFFFFE0]  }
0x3fb: {  	v2 =	vmul.f32 $1.442695020e+00, v2;
	_ =	sdelay $0x1  }
0x3fc: {  	v5 =	vand.u32 $0x7FFFFFFF, v0;
	(erf) = vpow2.f32 v2  }
0x3fd: {  	v2 =	vsub.f32 $0.0e+00, v5;
	v5 =	vand.u32 $0x7FFFFFFF, v3  }
0x3fe: {  	v6 =	vand.u32 $0x7FFFFFFF, v4;
	v5 =	vsub.f32 $0.0e+00, v5  }
0x3ff: {  	v6 =	vsub.f32 $0.0e+00, v6;
	v2 =	vmul.f32 $1.442695020e+00, v2  }
0x400: {  	v5 =	vmul.f32 $1.442695020e+00, v5  }
0x401: {  	v6 =	vmul.f32 $1.442695020e+00, v6;
	(erf) = vpow2.f32 v2  }
0x402: {  	(erf) = vpow2.f32 v5  }
0x403: {  	(erf) = vpow2.f32 v6;
	_ =	sdelay $0x1  }
0x404: {  	v2 =	vpop (erf)  }
0x405: {  	v5 =	vadd.f32 $2.000000000e+00, v2;
	_ =	sdelay $0x1  }
0x406: {  	(erf) = vrcp.f32 v5  }
0x407: {  	s0 =	simm.s32 $0x1CAE0  }
0x408: {  	v13 =	vld [tilespmem:s0+$0x10];
	v5 =	vpop (erf)  }
0x409: {  	v6 =	vadd.f32 $2.000000000e+00, v5;
	v7 =	vpop (erf)  }
0x40a: {  	v8 =	vadd.f32 $2.000000000e+00, v7;
	v9 =	vpop (erf)  }
0x40b: {  	v10 =	vld [tilespmem:s0+$0xFFFFFFF0];
	(erf) = vrcp.f32 v6;
	v6 =	vadd.f32 $2.000000000e+00, v9  }
0x40c: {  	v11 =	vld [tilespmem:s0+$0x0];
	(erf) = vrcp.f32 v8  }
0x40d: {  	v8 =	vand.u32 $0x7FFFFFFF, v13;
	(erf) = vrcp.f32 v6  }
0x40e: {  	v8 =	vsub.f32 $0.0e+00, v8  }
0x40f: {  	v12 =	vld [tilespmem:s0+$0xFFFFFFE0];
	v6 =	vpop (erf)  }
0x410: {  	v8 =	vmul.f32 $1.442695020e+00, v8;
	v2 =	vmul.f32 v6, v2;
	v6 =	vand.u32 $0x7FFFFFFF, v10  }
0x411: {  	v14 =	vand.u32 $0x7FFFFFFF, v11;
	v6 =	vsub.f32 $0.0e+00, v6  }
0x412: {  	v14 =	vsub.f32 $0.0e+00, v14;
	(erf) = vpow2.f32 v8;
	v15 =	vmul.f32 v2, v2  }
0x413: {  	v6 =	vmul.f32 $1.442695020e+00, v6  }
0x414: {  	v19 =	vand.u32 $0x7FFFFFFF, v12;
	v14 =	vmul.f32 $1.442695020e+00, v14;
	v16 =	vpop (erf);
	v17 =	vmul.f32 $1.111111120e-01, v15  }
0x415: {  	v19 =	vsub.f32 $0.0e+00, v19;
	v18 =	vpop (erf);
	(erf) = vpow2.f32 v6;
	v5 =	vmul.f32 v16, v5  }
0x416: {  	v8 =	vpop (erf);
	v6 =	vadd.f32 $1.428571490e-01, v17;
	(erf) = vpow2.f32 v14;
	v7 =	vmul.f32 v18, v7  }
0x417: {  	v9 =	vmul.f32 v8, v9;
	v8 =	vmul.f32 $1.442695020e+00, v19  }
0x418: {  	v16 =	vmul.f32 v5, v5;
	v19 =	vadd.f32 v5, v5;
	v6 =	vmul.f32 v6, v15  }
0x419: {  	v17 =	vmul.f32 v7, v7;
	v21 =	vadd.f32 v7, v7;
	v14 =	vmul.f32 v9, v9  }
0x41a: {  	(erf) = vpow2.f32 v8;
	v8 =	vmax.f32 v4, $0.0e+00;
	v6 =	vadd.f32 $2.000000030e-01, v6  }
0x41b: {  	v18 =	vadd.f32 v9, v9;
	v7 =	vmul.f32 $1.111111120e-01, v17;
	v4 =	vmul.f32 $1.111111120e-01, v14;
	v9 =	vpop (erf)  }
0x41c: {  	v5 =	vmul.f32 v6, v15;
	v6 =	vmul.f32 $1.111111120e-01, v16;
	v20 =	vadd.f32 $2.000000000e+00, v9  }
0x41d: {  	v7 =	vadd.f32 $1.428571490e-01, v7;
	v4 =	vadd.f32 $1.428571490e-01, v4  }
0x41e: {  	v5 =	vadd.f32 $3.333333430e-01, v5;
	v6 =	vadd.f32 $1.428571490e-01, v6;
	v22 =	vpop (erf);
	(erf) = vrcp.f32 v20  }
0x41f: {  	v20 =	vmul.f32 v7, v17;
	v4 =	vmul.f32 v4, v14;
	v23 =	vadd.f32 $2.000000000e+00, v22  }
0x420: {  	v24 =	vpop (erf);
	v5 =	vmul.f32 v5, v15;
	v15 =	vmul.f32 v6, v16  }
0x421: {  	v25 =	vadd.f32 $2.000000000e+00, v24;
	v6 =	vmax.f32 v0, $0.0e+00;
	v0 =	vadd.f32 v2, v2  }
0x422: {  	(erf) = vrcp.f32 v23;
	v2 =	vadd.f32 $2.000000030e-01, v4;
	v5 =	vadd.f32 $1.000000000e+00, v5  }
0x423: {  	s7 =	simm.s32 $0x1CB20;
	v7 =	vmax.f32 v3, $0.0e+00;
	v4 =	vadd.f32 $2.000000030e-01, v15;
	v15 =	vadd.f32 $2.000000030e-01, v20;
	v23 =	vpop (erf)  }
0x424: {  	v3 =	vld [tilespmem:s7+$0x10];
	(erf) = vrcp.f32 v25;
	v25 =	vmul.f32 v2, v14;
	v20 =	vadd.f32 $2.000000000e+00, v23  }
0x425: {  	v2 =	vmax.f32 v12, $0.0e+00;
	v4 =	vmul.f32 v4, v16;
	v12 =	vmul.f32 v15, v17  }
0x426: {  	v5 =	vmul.f32 v5, v0;
	v0 =	vld [tilespmem:s7+$0xFFFFFFF0];
	v15 =	vadd.f32 $3.333333430e-01, v25;
	(erf) = vrcp.f32 v20  }
0x427: {  	v20 =	vmax.f32 v1, $0.0e+00;
	v1 =	vld [tilespmem:s7+$0x0];
	v25 =	vadd.f32 $3.333333430e-01, v4;
	v4 =	vmax.f32 v11, $0.0e+00  }
0x428: {  	v27 =	vadd.f32 v5, v20;
	v5 =	vmax.f32 v10, $0.0e+00;
	v10 =	vmul.f32 v15, v14;
	v11 =	vpop (erf)  }
0x429: {  	v20 =	vld [tilespmem:s7+$0xFFFFFFE0];
	v15 =	vand.u32 $0x7FFFFFFF, v3;
	v14 =	vmul.f32 v25, v16;
	v25 =	vmul.f32 v11, v9  }
0x42a: {  	v12 =	vadd.f32 $3.333333430e-01, v12;
	v15 =	vsub.f32 $0.0e+00, v15  }
0x42b: {  	v11 =	vadd.f32 $1.000000000e+00, v10;
	v10 =	vand.u32 $0x7FFFFFFF, v0;
	v9 =	vpop (erf);
	v26 =	vmul.f32 v25, v25  }
0x42c: {  	v16 =	vmul.f32 v9, v22;
	v9 =	vsub.f32 $0.0e+00, v10;
	v10 =	vand.u32 $0x7FFFFFFF, v1  }
0x42d: {  	v12 =	vmul.f32 v12, v17;
	v15 =	vmul.f32 $1.442695020e+00, v15;
	v10 =	vsub.f32 $0.0e+00, v10  }
0x42e: {  	v17 =	vand.u32 $0x7FFFFFFF, v20;
	v22 =	vmul.f32 $1.111111120e-01, v26;
	v9 =	vmul.f32 $1.442695020e+00, v9  }
0x42f: {  	(erf) = vpow2.f32 v15;
	v17 =	vsub.f32 $0.0e+00, v17;
	v10 =	vmul.f32 $1.442695020e+00, v10  }
0x430: {  	v28 =	vpop (erf);
	v22 =	vadd.f32 $1.428571490e-01, v22;
	(erf) = vpow2.f32 v9  }
0x431: {  	v15 =	vadd.f32 $1.000000000e+00, v14;
	v14 =	vpop (erf);
	v17 =	vmul.f32 $1.442695020e+00, v17;
	(erf) = vpow2.f32 v10  }
0x432: {  	v29 =	vadd.f32 $1.000000000e+00, v12;
	v10 =	vmul.f32 v14, v23;
	v12 =	vmul.f32 v22, v26  }
0x433: {  	v22 =	vmul.f32 v28, v24;
	v14 =	vmul.f32 v16, v16  }
0x434: {  	(erf) = vpow2.f32 v17;
	v17 =	vmul.f32 v10, v10;
	v23 =	vadd.f32 $2.000000030e-01, v12  }
0x435: {  	v18 =	vmul.f32 v11, v18;
	v9 =	vadd.f32 v16, v16;
	v16 =	vmul.f32 v22, v22  }
0x436: {  	v12 =	vadd.f32 v22, v22;
	v22 =	vmul.f32 $1.111111120e-01, v14;
	v24 =	vmul.f32 $1.111111120e-01, v17  }
0x437: {  	v11 =	vmax.f32 v20, $0.0e+00;
	v20 =	vmul.f32 v15, v19;
	v28 =	vmul.f32 v23, v26  }
0x438: {  	v30 =	vmul.f32 $1.111111120e-01, v16;
	v31 =	vadd.f32 $1.428571490e-01, v22;
	v24 =	vadd.f32 $1.428571490e-01, v24;
	v23 =	vpop (erf)  }
0x439: {  	v19 =	vmul.f32 v29, v21;
	v28 =	vadd.f32 $3.333333430e-01, v28;
	v21 =	vadd.f32 $2.000000000e+00, v23  }
0x43a: {  	v10 =	vadd.f32 v10, v10;
	v29 =	vadd.f32 $1.428571490e-01, v30;
	v31 =	vmul.f32 v31, v14;
	v22 =	vpop (erf)  }
0x43b: {  	v24 =	vmul.f32 v24, v17;
	v26 =	vmul.f32 v28, v26;
	v30 =	vadd.f32 $2.000000000e+00, v22;
	v15 =	vpop (erf)  }
0x43c: {  	v29 =	vmul.f32 v29, v16;
	(erf) = vrcp.f32 v21;
	v28 =	vadd.f32 $2.000000000e+00, v15  }
0x43d: {  	v26 =	vadd.f32 $1.000000000e+00, v26;
	v21 =	vpop (erf);
	(erf) = vrcp.f32 v30;
	v30 =	vadd.f32 v25, v25  }
0x43e: {  	v32 =	vadd.f32 $2.000000000e+00, v21;
	(erf) = vrcp.f32 v28;
	v28 =	vadd.f32 $2.000000030e-01, v24  }
0x43f: {  	v25 =	vadd.f32 $2.000000030e-01, v29;
	v24 =	vadd.f32 $2.000000030e-01, v31;
	v26 =	vmul.f32 v26, v30  }
0x440: {  	s8 =	simm.s32 $0x8;
	s10 =	simm.s32 $0x1CB60;
	[tilespmem:s31+$0x10] =	vst v27;
	(erf) = vrcp.f32 v32;
	v27 =	vmul.f32 v28, v17;
	v28 =	vmax.f32 v13, $0.0e+00  }
.LBB2_47:
0x441: {  	v13 =	vld [tilespmem:s10+$0x10];
	s8 =	sadd.s32 $0x4, s8;
	v24 =	vmul.f32 v24, v14;
	v25 =	vmul.f32 v25, v16;
	v26 =	vadd.f32 v26, v28  }
0x442: {  	v28 =	vmax.f32 v0, $0.0e+00;
	v29 =	vmax.f32 v1, $0.0e+00;
	p1 =	slt.u32 s8, $0x2C;
	v0 =	vld [tilespmem:s10+$0xFFFFFFF0];
	v27 =	vadd.f32 $3.333333430e-01, v27  }
0x443: {  	v1 =	vld [tilespmem:s10+$0x0];
	v24 =	vadd.f32 $3.333333430e-01, v24;
	v25 =	vadd.f32 $3.333333430e-01, v25;
	[tilespmem:s0+$0x10] =	vst v26  }
0x444: {  	v8 =	vadd.f32 v18, v8;
	v18 =	vadd.f32 v20, v6;
	v6 =	vmovc v5;
	v26 =	vld [tilespmem:s10+$0xFFFFFFE0];
	v17 =	vmul.f32 v27, v17  }
0x445: {  	v27 =	vadd.f32 v19, v7;
	v5 =	vpop (erf);
	v14 =	vmul.f32 v24, v14;
	v16 =	vmul.f32 v25, v16  }
0x446: {  	v19 =	vand.u32 $0x7FFFFFFF, v13;
	v24 =	vmul.f32 v5, v23;
	v5 =	vpop (erf);
	v20 =	vadd.f32 $1.000000000e+00, v17;
	[tilespmem:s31+$0xFFFFFFE0] =	vst v8  }
0x447: {  	v8 =	vand.u32 $0x7FFFFFFF, v0;
	v17 =	vsub.f32 $0.0e+00, v19;
	v19 =	vmul.f32 v5, v22;
	v22 =	vpop (erf);
	[tilespmem:s31+$0xFFFFFFF0] =	vst v18  }
0x448: {  	v7 =	vmovc v4;
	v5 =	vmovc v28;
	v32 =	vsub.f32 $0.0e+00, v8;
	v18 =	vand.u32 $0x7FFFFFFF, v1;
	v25 =	vmul.f32 v24, v24;
	[tilespmem:s31+$0x0] =	vst v27;
	s31 =	smov.u32 s0;
	s0 =	smov.u32 s7;
	s7 =	smov.u32 s10  }
0x449: {  	v31 =	vand.u32 $0x7FFFFFFF, v26;
	v18 =	vsub.f32 $0.0e+00, v18;
	v17 =	vmul.f32 $1.442695020e+00, v17;
	v23 =	vpop (erf)  }
0x44a: {  	v4 =	vmovc v29;
	v27 =	vsub.f32 $0.0e+00, v31;
	v28 =	vmul.f32 $1.442695020e+00, v32;
	v30 =	vmul.f32 $1.111111120e-01, v25;
	v8 =	vmovc v2  }
0x44b: {  	v29 =	vadd.f32 $1.000000000e+00, v14;
	v2 =	vmovc v11;
	v18 =	vmul.f32 $1.442695020e+00, v18;
	(erf) = vpow2.f32 v17  }
0x44c: {  	v11 =	vmul.f32 $1.442695020e+00, v27;
	(erf) = vpow2.f32 v28;
	v14 =	vadd.f32 $1.428571490e-01, v30  }
0x44d: {  	(erf) = vpow2.f32 v18;
	v18 =	vmul.f32 v23, v21;
	v21 =	vadd.f32 $1.000000000e+00, v16  }
0x44e: {  	v23 =	vadd.f32 v19, v19;
	(erf) = vpow2.f32 v11;
	v11 =	vmul.f32 v14, v25  }
0x44f: {  	v15 =	vmul.f32 v22, v15;
	v17 =	vmul.f32 v18, v18;
	v27 =	vadd.f32 v18, v18  }
0x450: {  	v14 =	vmul.f32 v19, v19;
	v18 =	vmul.f32 v20, v10;
	v19 =	vadd.f32 $2.000000030e-01, v11  }
0x451: {  	v28 =	vadd.f32 v15, v15;
	v16 =	vmul.f32 v15, v15;
	v20 =	vmul.f32 $1.111111120e-01, v17;
	v10 =	vmovc v27  }
0x452: {  	v11 =	vmax.f32 v26, $0.0e+00;
	v15 =	vmul.f32 $1.111111120e-01, v14;
	v19 =	vmul.f32 v19, v25  }
0x453: {  	v27 =	vmul.f32 $1.111111120e-01, v16;
	v26 =	vadd.f32 $1.428571490e-01, v20;
	v20 =	vmul.f32 v29, v9;
	v9 =	vmovc v23  }
0x454: {  	v29 =	vadd.f32 $1.428571490e-01, v15;
	v23 =	vpop (erf);
	v30 =	vadd.f32 $3.333333430e-01, v19;
	v19 =	vmul.f32 v21, v12  }
0x455: {  	v27 =	vadd.f32 $1.428571490e-01, v27;
	v33 =	vadd.f32 $2.000000000e+00, v23;
	v22 =	vpop (erf);
	v26 =	vmul.f32 v26, v17  }
0x456: {  	v29 =	vmul.f32 v29, v14;
	v31 =	vadd.f32 $2.000000000e+00, v22;
	v15 =	vpop (erf);
	v25 =	vmul.f32 v30, v25  }
.Ltmp31:
0x457: {  	v27 =	vmul.f32 v27, v16;
	v30 =	vadd.f32 $2.000000000e+00, v15;
	v21 =	vpop (erf);
	(erf) = vrcp.f32 v33;
	(pc) =	sbr.rel @p1 .LBB2_47-.Ltmp31, $4  }
0x458: {  	v32 =	vadd.f32 v24, v24;
	v12 =	vmovc v28;
	(erf) = vrcp.f32 v31;
	v31 =	vadd.f32 $1.000000000e+00, v25  }
0x459: {  	v28 =	vadd.f32 $2.000000000e+00, v21;
	(erf) = vrcp.f32 v30;
	v30 =	vadd.f32 $2.000000030e-01, v26  }
0x45a: {  	v24 =	vadd.f32 $2.000000030e-01, v29;
	v25 =	vadd.f32 $2.000000030e-01, v27;
	v26 =	vmul.f32 v31, v32  }
0x45b: {  	s10 =	sadd.s32 $0x40, s10;
	(erf) = vrcp.f32 v28;
	v27 =	vmul.f32 v30, v17;
	v28 =	vmax.f32 v3, $0.0e+00;
	v3 =	vmovc v13  }
0x45c: {  	_ =	sdelay $0x4  }
0x45d: {  	v13 =	vpop (erf)  }
0x45e: {  	v26 =	vadd.f32 v26, v28;
	v13 =	vmul.f32 v13, v23;
	v39 =	vpop (erf)  }
0x45f: {  	v24 =	vmul.f32 v24, v14;
	v25 =	vmul.f32 v25, v16;
	v8 =	vadd.f32 v18, v8;
	v29 =	vpop (erf)  }
0x460: {  	v6 =	vadd.f32 v20, v6;
	v30 =	vmul.f32 v13, v13;
	v15 =	vmul.f32 v29, v15;
	v31 =	vpop (erf)  }
0x461: {  	v7 =	vadd.f32 v19, v7;
	v22 =	vmul.f32 v39, v22;
	v21 =	vmul.f32 v31, v21  }
0x462: {  	v3 =	vmax.f32 v3, $0.0e+00;
	v40 =	vmul.f32 $1.111111120e-01, v30;
	v29 =	vmul.f32 v15, v15  }
0x463: {  	v27 =	vadd.f32 $3.333333430e-01, v27;
	v24 =	vadd.f32 $3.333333430e-01, v24;
	v42 =	vmul.f32 v21, v21  }
0x464: {  	v43 =	vmul.f32 v22, v22;
	v41 =	vadd.f32 $1.428571490e-01, v40;
	v48 =	vmul.f32 $1.111111120e-01, v29  }
0x465: {  	v25 =	vadd.f32 $3.333333430e-01, v25;
	v17 =	vmul.f32 v27, v17;
	v44 =	vmul.f32 $1.111111120e-01, v42  }
0x466: {  	v46 =	vmul.f32 $1.111111120e-01, v43;
	v23 =	vmul.f32 v41, v30;
	v50 =	vadd.f32 $1.428571490e-01, v48  }
0x467: {  	v47 =	vmul.f32 v24, v14;
	v49 =	vmul.f32 v25, v16;
	v18 =	vadd.f32 $1.428571490e-01, v44  }
0x468: {  	v45 =	vadd.f32 $2.000000030e-01, v23;
	v23 =	vadd.f32 $1.428571490e-01, v46;
	v19 =	vmul.f32 v50, v29  }
0x469: {  	v17 =	vadd.f32 $1.000000000e+00, v17;
	v14 =	vadd.f32 $1.000000000e+00, v47;
	v18 =	vmul.f32 v18, v42  }
0x46a: {  	v16 =	vadd.f32 $1.000000000e+00, v49;
	v23 =	vmul.f32 v23, v43;
	v19 =	vadd.f32 $2.000000030e-01, v19  }
0x46b: {  	v13 =	vadd.f32 v13, v13;
	v20 =	vmul.f32 v45, v30;
	v18 =	vadd.f32 $2.000000030e-01, v18  }
0x46c: {  	v10 =	vmul.f32 v17, v10;
	v23 =	vadd.f32 $2.000000030e-01, v23;
	v19 =	vmul.f32 v19, v29  }
0x46d: {  	v22 =	vadd.f32 v22, v22;
	v20 =	vadd.f32 $3.333333430e-01, v20;
	v18 =	vmul.f32 v18, v42  }
0x46e: {  	v52 =	vmul.f32 v14, v9;
	v23 =	vmul.f32 v23, v43;
	v19 =	vadd.f32 $3.333333430e-01, v19  }
0x46f: {  	v56 =	vmul.f32 v16, v12;
	v20 =	vmul.f32 v20, v30;
	v18 =	vadd.f32 $3.333333430e-01, v18  }
0x470: {  	[tilespmem:s0+$0x10] =	vst v26;
	v15 =	vadd.f32 v15, v15;
	v51 =	vadd.f32 $3.333333430e-01, v23;
	v54 =	vmul.f32 v19, v29  }
0x471: {  	[tilespmem:s31+$0xFFFFFFE0] =	vst v8;
	v2 =	vadd.f32 v10, v2;
	v20 =	vadd.f32 $1.000000000e+00, v20;
	v18 =	vmul.f32 v18, v42  }
0x472: {  	[tilespmem:s31+$0xFFFFFFF0] =	vst v6;
	v57 =	vadd.f32 v52, v5;
	v53 =	vmul.f32 v51, v43;
	v58 =	vadd.f32 $1.000000000e+00, v54  }
0x473: {  	[tilespmem:s31+$0x0] =	vst v7;
	v21 =	vadd.f32 v21, v21;
	v13 =	vmul.f32 v20, v13;
	v55 =	vadd.f32 $1.000000000e+00, v18  }
0x474: {  	v4 =	vadd.f32 v56, v4;
	[tilespmem:s0+$0xFFFFFFE0] =	vst v2;
	v9 =	vadd.f32 $1.000000000e+00, v53;
	v61 =	vmul.f32 v58, v15  }
0x475: {  	v1 =	vmax.f32 v1, $0.0e+00;
	[tilespmem:s0+$0xFFFFFFF0] =	vst v57;
	v3 =	vadd.f32 v13, v3;
	v59 =	vmul.f32 v55, v21  }
0x476: {  	[tilespmem:s0+$0x0] =	vst v4;
	v60 =	vmul.f32 v9, v22;
	v1 =	vadd.f32 v61, v1  }
0x477: {  	v0 =	vmax.f32 v0, $0.0e+00;
	[tilespmem:s7+$0x10] =	vst v3;
	v62 =	vadd.f32 v59, v11  }
0x478: {  	v0 =	vadd.f32 v60, v0;
	[tilespmem:s7+$0x0] =	vst v1  }
0x479: {  	[tilespmem:s7+$0xFFFFFFE0] =	vst v62  }
0x47a: {  	s0 =	simm.s32 $0x0;
	[tilespmem:s7+$0xFFFFFFF0] =	vst v0  }
.LBB2_49:
0x47b: {  	s7 =	sshra.s32 s0, $0x2  }
0x47c: {  	v0 =	vld [tilespmem:s7+$0x1CD80];
	_ =	sdelay $0x4  }
0x47d: {  	v1 =	vand.u32 $0x7FFFFFFF, v0  }
0x47e: {  	v1 =	vsub.f32 $0.0e+00, v1;
	_ =	sdelay $0x1  }
0x47f: {  	v1 =	vmul.f32 $1.442695020e+00, v1;
	_ =	sdelay $0x1  }
0x480: {  	(erf) = vpow2.f32 v1;
	_ =	sdelay $0x8  }
0x481: {  	v1 =	vpop (erf)  }
0x482: {  	v2 =	vadd.f32 $2.000000000e+00, v1;
	_ =	sdelay $0x1  }
0x483: {  	(erf) = vrcp.f32 v2;
	_ =	sdelay $0x8  }
0x484: {  	v2 =	vpop (erf)  }
0x485: {  	v1 =	vmul.f32 v2, v1;
	_ =	sdelay $0x1  }
0x486: {  	v2 =	vmul.f32 v1, v1;
	_ =	sdelay $0x1  }
0x487: {  	v3 =	vmul.f32 $1.111111120e-01, v2;
	_ =	sdelay $0x1  }
0x488: {  	v3 =	vadd.f32 $1.428571490e-01, v3;
	_ =	sdelay $0x1  }
0x489: {  	v3 =	vmul.f32 v3, v2;
	_ =	sdelay $0x1  }
0x48a: {  	v3 =	vadd.f32 $2.000000030e-01, v3;
	_ =	sdelay $0x1  }
0x48b: {  	v3 =	vmul.f32 v3, v2;
	_ =	sdelay $0x1  }
0x48c: {  	v3 =	vadd.f32 $3.333333430e-01, v3;
	_ =	sdelay $0x1  }
0x48d: {  	v2 =	vmul.f32 v3, v2;
	_ =	sdelay $0x1  }
0x48e: {  	v1 =	vadd.f32 v1, v1;
	v2 =	vadd.f32 $1.000000000e+00, v2  }
0x48f: {  	p1 =	seq.s32 s0, $0x40  }
.Ltmp32:
0x490: {  	v1 =	vmul.f32 v2, v1;
	(pc) =	sbr.rel @!p1 .LBB2_49-.Ltmp32, $3  }
0x491: {  	v0 =	vmax.f32 v0, $0.0e+00  }
0x492: {  	v0 =	vadd.f32 v1, v0;
	_ =	sdelay $0x1  }
0x493: {  	s0 =	sadd.s32 $0x40, s0;
	[tilespmem:s7+$0x1CD80] =	vst v0  }
.Ltmp33:
0x494: {  	(pc) =	sbr.rel .LBB2_61-.Ltmp33, $2  }
0x495: {  	_ =	sdelay $0x2  }
0x496: {  	s7 =	smov.u32 s29;
	s0 =	rddreg [dreg:$0x1c]  }
.LBB2_51:
0x497: {  	_ =	swait.ge [sflag:s26], $0x320  }
0x498: {  	[sflag:s26] =	ssyncset.done $0x0  }
0x499: {  	s31 =	simm.s32 $0x1CAA0;
	[sflag:s26] =	ssyncadd.s32 $0xFFFFFCE0  }
0x49a: {  	v1 =	vld [tilespmem:s31+$0x10];
	_ =	sdelay $0x4  }
0x49b: {  	v0 =	vld [tilespmem:s31+$0xFFFFFFF0];
	v2 =	vand.u32 $0x7FFFFFFF, v1  }
0x49c: {  	v3 =	vld [tilespmem:s31+$0x0];
	v2 =	vsub.f32 $0.0e+00, v2  }
0x49d: {  	v4 =	vld [tilespmem:s31+$0xFFFFFFE0]  }
0x49e: {  	v2 =	vmul.f32 $1.442695020e+00, v2;
	_ =	sdelay $0x1  }
0x49f: {  	v5 =	vand.u32 $0x7FFFFFFF, v0;
	(erf) = vpow2.f32 v2  }
0x4a0: {  	v2 =	vsub.f32 $0.0e+00, v5;
	v5 =	vand.u32 $0x7FFFFFFF, v3  }
0x4a1: {  	v6 =	vand.u32 $0x7FFFFFFF, v4;
	v5 =	vsub.f32 $0.0e+00, v5  }
0x4a2: {  	v6 =	vsub.f32 $0.0e+00, v6;
	v2 =	vmul.f32 $1.442695020e+00, v2  }
0x4a3: {  	v5 =	vmul.f32 $1.442695020e+00, v5  }
0x4a4: {  	v6 =	vmul.f32 $1.442695020e+00, v6;
	(erf) = vpow2.f32 v2  }
0x4a5: {  	(erf) = vpow2.f32 v5  }
0x4a6: {  	(erf) = vpow2.f32 v6;
	_ =	sdelay $0x1  }
0x4a7: {  	v2 =	vpop (erf)  }
0x4a8: {  	v5 =	vadd.f32 $2.000000000e+00, v2;
	_ =	sdelay $0x1  }
0x4a9: {  	(erf) = vrcp.f32 v5  }
0x4aa: {  	s0 =	simm.s32 $0x1CAE0  }
0x4ab: {  	v13 =	vld [tilespmem:s0+$0x10];
	v5 =	vpop (erf)  }
0x4ac: {  	v6 =	vadd.f32 $2.000000000e+00, v5;
	v7 =	vpop (erf)  }
0x4ad: {  	v8 =	vadd.f32 $2.000000000e+00, v7;
	v9 =	vpop (erf)  }
0x4ae: {  	v10 =	vld [tilespmem:s0+$0xFFFFFFF0];
	(erf) = vrcp.f32 v6;
	v6 =	vadd.f32 $2.000000000e+00, v9  }
0x4af: {  	v11 =	vld [tilespmem:s0+$0x0];
	(erf) = vrcp.f32 v8  }
0x4b0: {  	v8 =	vand.u32 $0x7FFFFFFF, v13;
	(erf) = vrcp.f32 v6  }
0x4b1: {  	v8 =	vsub.f32 $0.0e+00, v8  }
0x4b2: {  	v12 =	vld [tilespmem:s0+$0xFFFFFFE0];
	v6 =	vpop (erf)  }
0x4b3: {  	v8 =	vmul.f32 $1.442695020e+00, v8;
	v2 =	vmul.f32 v6, v2;
	v6 =	vand.u32 $0x7FFFFFFF, v10  }
0x4b4: {  	v14 =	vand.u32 $0x7FFFFFFF, v11;
	v6 =	vsub.f32 $0.0e+00, v6  }
0x4b5: {  	v14 =	vsub.f32 $0.0e+00, v14;
	(erf) = vpow2.f32 v8;
	v15 =	vmul.f32 v2, v2  }
0x4b6: {  	v6 =	vmul.f32 $1.442695020e+00, v6  }
0x4b7: {  	v19 =	vand.u32 $0x7FFFFFFF, v12;
	v14 =	vmul.f32 $1.442695020e+00, v14;
	v16 =	vpop (erf);
	v17 =	vmul.f32 $1.111111120e-01, v15  }
0x4b8: {  	v19 =	vsub.f32 $0.0e+00, v19;
	v18 =	vpop (erf);
	(erf) = vpow2.f32 v6;
	v5 =	vmul.f32 v16, v5  }
0x4b9: {  	v8 =	vpop (erf);
	v6 =	vadd.f32 $1.428571490e-01, v17;
	(erf) = vpow2.f32 v14;
	v7 =	vmul.f32 v18, v7  }
0x4ba: {  	v9 =	vmul.f32 v8, v9;
	v8 =	vmul.f32 $1.442695020e+00, v19  }
0x4bb: {  	v16 =	vmul.f32 v5, v5;
	v19 =	vadd.f32 v5, v5;
	v6 =	vmul.f32 v6, v15  }
0x4bc: {  	v17 =	vmul.f32 v7, v7;
	v21 =	vadd.f32 v7, v7;
	v14 =	vmul.f32 v9, v9  }
0x4bd: {  	(erf) = vpow2.f32 v8;
	v8 =	vmax.f32 v4, $0.0e+00;
	v6 =	vadd.f32 $2.000000030e-01, v6  }
0x4be: {  	v18 =	vadd.f32 v9, v9;
	v7 =	vmul.f32 $1.111111120e-01, v17;
	v4 =	vmul.f32 $1.111111120e-01, v14;
	v9 =	vpop (erf)  }
0x4bf: {  	v5 =	vmul.f32 v6, v15;
	v6 =	vmul.f32 $1.111111120e-01, v16;
	v20 =	vadd.f32 $2.000000000e+00, v9  }
0x4c0: {  	v7 =	vadd.f32 $1.428571490e-01, v7;
	v4 =	vadd.f32 $1.428571490e-01, v4  }
0x4c1: {  	v5 =	vadd.f32 $3.333333430e-01, v5;
	v6 =	vadd.f32 $1.428571490e-01, v6;
	v22 =	vpop (erf);
	(erf) = vrcp.f32 v20  }
0x4c2: {  	v20 =	vmul.f32 v7, v17;
	v4 =	vmul.f32 v4, v14;
	v23 =	vadd.f32 $2.000000000e+00, v22  }
0x4c3: {  	v24 =	vpop (erf);
	v5 =	vmul.f32 v5, v15;
	v15 =	vmul.f32 v6, v16  }
0x4c4: {  	v25 =	vadd.f32 $2.000000000e+00, v24;
	v6 =	vmax.f32 v0, $0.0e+00;
	v0 =	vadd.f32 v2, v2  }
0x4c5: {  	(erf) = vrcp.f32 v23;
	v2 =	vadd.f32 $2.000000030e-01, v4;
	v5 =	vadd.f32 $1.000000000e+00, v5  }
0x4c6: {  	s7 =	simm.s32 $0x1CB20;
	v7 =	vmax.f32 v3, $0.0e+00;
	v4 =	vadd.f32 $2.000000030e-01, v15;
	v15 =	vadd.f32 $2.000000030e-01, v20;
	v23 =	vpop (erf)  }
0x4c7: {  	v3 =	vld [tilespmem:s7+$0x10];
	(erf) = vrcp.f32 v25;
	v25 =	vmul.f32 v2, v14;
	v20 =	vadd.f32 $2.000000000e+00, v23  }
0x4c8: {  	v2 =	vmax.f32 v12, $0.0e+00;
	v4 =	vmul.f32 v4, v16;
	v12 =	vmul.f32 v15, v17  }
0x4c9: {  	v5 =	vmul.f32 v5, v0;
	v0 =	vld [tilespmem:s7+$0xFFFFFFF0];
	v15 =	vadd.f32 $3.333333430e-01, v25;
	(erf) = vrcp.f32 v20  }
0x4ca: {  	v20 =	vmax.f32 v1, $0.0e+00;
	v1 =	vld [tilespmem:s7+$0x0];
	v25 =	vadd.f32 $3.333333430e-01, v4;
	v4 =	vmax.f32 v11, $0.0e+00  }
0x4cb: {  	v27 =	vadd.f32 v5, v20;
	v5 =	vmax.f32 v10, $0.0e+00;
	v10 =	vmul.f32 v15, v14;
	v11 =	vpop (erf)  }
0x4cc: {  	v20 =	vld [tilespmem:s7+$0xFFFFFFE0];
	v15 =	vand.u32 $0x7FFFFFFF, v3;
	v14 =	vmul.f32 v25, v16;
	v25 =	vmul.f32 v11, v9  }
0x4cd: {  	v12 =	vadd.f32 $3.333333430e-01, v12;
	v15 =	vsub.f32 $0.0e+00, v15  }
0x4ce: {  	v11 =	vadd.f32 $1.000000000e+00, v10;
	v10 =	vand.u32 $0x7FFFFFFF, v0;
	v9 =	vpop (erf);
	v26 =	vmul.f32 v25, v25  }
0x4cf: {  	v16 =	vmul.f32 v9, v22;
	v9 =	vsub.f32 $0.0e+00, v10;
	v10 =	vand.u32 $0x7FFFFFFF, v1  }
0x4d0: {  	v12 =	vmul.f32 v12, v17;
	v15 =	vmul.f32 $1.442695020e+00, v15;
	v10 =	vsub.f32 $0.0e+00, v10  }
0x4d1: {  	v17 =	vand.u32 $0x7FFFFFFF, v20;
	v22 =	vmul.f32 $1.111111120e-01, v26;
	v9 =	vmul.f32 $1.442695020e+00, v9  }
0x4d2: {  	(erf) = vpow2.f32 v15;
	v17 =	vsub.f32 $0.0e+00, v17;
	v10 =	vmul.f32 $1.442695020e+00, v10  }
0x4d3: {  	v28 =	vpop (erf);
	v22 =	vadd.f32 $1.428571490e-01, v22;
	(erf) = vpow2.f32 v9  }
0x4d4: {  	v15 =	vadd.f32 $1.000000000e+00, v14;
	v14 =	vpop (erf);
	v17 =	vmul.f32 $1.442695020e+00, v17;
	(erf) = vpow2.f32 v10  }
0x4d5: {  	v29 =	vadd.f32 $1.000000000e+00, v12;
	v10 =	vmul.f32 v14, v23;
	v12 =	vmul.f32 v22, v26  }
0x4d6: {  	v22 =	vmul.f32 v28, v24;
	v14 =	vmul.f32 v16, v16  }
0x4d7: {  	(erf) = vpow2.f32 v17;
	v17 =	vmul.f32 v10, v10;
	v23 =	vadd.f32 $2.000000030e-01, v12  }
0x4d8: {  	v18 =	vmul.f32 v11, v18;
	v9 =	vadd.f32 v16, v16;
	v16 =	vmul.f32 v22, v22  }
0x4d9: {  	v12 =	vadd.f32 v22, v22;
	v22 =	vmul.f32 $1.111111120e-01, v14;
	v24 =	vmul.f32 $1.111111120e-01, v17  }
0x4da: {  	v11 =	vmax.f32 v20, $0.0e+00;
	v20 =	vmul.f32 v15, v19;
	v28 =	vmul.f32 v23, v26  }
0x4db: {  	v30 =	vmul.f32 $1.111111120e-01, v16;
	v31 =	vadd.f32 $1.428571490e-01, v22;
	v24 =	vadd.f32 $1.428571490e-01, v24;
	v23 =	vpop (erf)  }
0x4dc: {  	v19 =	vmul.f32 v29, v21;
	v28 =	vadd.f32 $3.333333430e-01, v28;
	v21 =	vadd.f32 $2.000000000e+00, v23  }
0x4dd: {  	v10 =	vadd.f32 v10, v10;
	v29 =	vadd.f32 $1.428571490e-01, v30;
	v31 =	vmul.f32 v31, v14;
	v22 =	vpop (erf)  }
0x4de: {  	v24 =	vmul.f32 v24, v17;
	v26 =	vmul.f32 v28, v26;
	v30 =	vadd.f32 $2.000000000e+00, v22;
	v15 =	vpop (erf)  }
0x4df: {  	v29 =	vmul.f32 v29, v16;
	(erf) = vrcp.f32 v21;
	v28 =	vadd.f32 $2.000000000e+00, v15  }
0x4e0: {  	v26 =	vadd.f32 $1.000000000e+00, v26;
	v21 =	vpop (erf);
	(erf) = vrcp.f32 v30;
	v30 =	vadd.f32 v25, v25  }
0x4e1: {  	v32 =	vadd.f32 $2.000000000e+00, v21;
	(erf) = vrcp.f32 v28;
	v28 =	vadd.f32 $2.000000030e-01, v24  }
0x4e2: {  	v25 =	vadd.f32 $2.000000030e-01, v29;
	v24 =	vadd.f32 $2.000000030e-01, v31;
	v26 =	vmul.f32 v26, v30  }
0x4e3: {  	s8 =	simm.s32 $0x8;
	s10 =	simm.s32 $0x1CB60;
	[tilespmem:s31+$0x10] =	vst v27;
	(erf) = vrcp.f32 v32;
	v27 =	vmul.f32 v28, v17;
	v28 =	vmax.f32 v13, $0.0e+00  }
.LBB2_52:
0x4e4: {  	v13 =	vld [tilespmem:s10+$0x10];
	s8 =	sadd.s32 $0x4, s8;
	v24 =	vmul.f32 v24, v14;
	v25 =	vmul.f32 v25, v16;
	v26 =	vadd.f32 v26, v28  }
0x4e5: {  	v28 =	vmax.f32 v0, $0.0e+00;
	v29 =	vmax.f32 v1, $0.0e+00;
	p1 =	slt.u32 s8, $0x2C;
	v0 =	vld [tilespmem:s10+$0xFFFFFFF0];
	v27 =	vadd.f32 $3.333333430e-01, v27  }
0x4e6: {  	v1 =	vld [tilespmem:s10+$0x0];
	v24 =	vadd.f32 $3.333333430e-01, v24;
	v25 =	vadd.f32 $3.333333430e-01, v25;
	[tilespmem:s0+$0x10] =	vst v26  }
0x4e7: {  	v8 =	vadd.f32 v18, v8;
	v18 =	vadd.f32 v20, v6;
	v6 =	vmovc v5;
	v26 =	vld [tilespmem:s10+$0xFFFFFFE0];
	v17 =	vmul.f32 v27, v17  }
0x4e8: {  	v27 =	vadd.f32 v19, v7;
	v5 =	vpop (erf);
	v14 =	vmul.f32 v24, v14;
	v16 =	vmul.f32 v25, v16  }
0x4e9: {  	v19 =	vand.u32 $0x7FFFFFFF, v13;
	v24 =	vmul.f32 v5, v23;
	v5 =	vpop (erf);
	v20 =	vadd.f32 $1.000000000e+00, v17;
	[tilespmem:s31+$0xFFFFFFE0] =	vst v8  }
0x4ea: {  	v8 =	vand.u32 $0x7FFFFFFF, v0;
	v17 =	vsub.f32 $0.0e+00, v19;
	v19 =	vmul.f32 v5, v22;
	v22 =	vpop (erf);
	[tilespmem:s31+$0xFFFFFFF0] =	vst v18  }
0x4eb: {  	v7 =	vmovc v4;
	v5 =	vmovc v28;
	v32 =	vsub.f32 $0.0e+00, v8;
	v18 =	vand.u32 $0x7FFFFFFF, v1;
	v25 =	vmul.f32 v24, v24;
	[tilespmem:s31+$0x0] =	vst v27;
	s31 =	smov.u32 s0;
	s0 =	smov.u32 s7;
	s7 =	smov.u32 s10  }
0x4ec: {  	v31 =	vand.u32 $0x7FFFFFFF, v26;
	v18 =	vsub.f32 $0.0e+00, v18;
	v17 =	vmul.f32 $1.442695020e+00, v17;
	v23 =	vpop (erf)  }
0x4ed: {  	v4 =	vmovc v29;
	v27 =	vsub.f32 $0.0e+00, v31;
	v28 =	vmul.f32 $1.442695020e+00, v32;
	v30 =	vmul.f32 $1.111111120e-01, v25;
	v8 =	vmovc v2  }
0x4ee: {  	v29 =	vadd.f32 $1.000000000e+00, v14;
	v2 =	vmovc v11;
	v18 =	vmul.f32 $1.442695020e+00, v18;
	(erf) = vpow2.f32 v17  }
0x4ef: {  	v11 =	vmul.f32 $1.442695020e+00, v27;
	(erf) = vpow2.f32 v28;
	v14 =	vadd.f32 $1.428571490e-01, v30  }
0x4f0: {  	(erf) = vpow2.f32 v18;
	v18 =	vmul.f32 v23, v21;
	v21 =	vadd.f32 $1.000000000e+00, v16  }
0x4f1: {  	v23 =	vadd.f32 v19, v19;
	(erf) = vpow2.f32 v11;
	v11 =	vmul.f32 v14, v25  }
0x4f2: {  	v15 =	vmul.f32 v22, v15;
	v17 =	vmul.f32 v18, v18;
	v27 =	vadd.f32 v18, v18  }
0x4f3: {  	v14 =	vmul.f32 v19, v19;
	v18 =	vmul.f32 v20, v10;
	v19 =	vadd.f32 $2.000000030e-01, v11  }
0x4f4: {  	v28 =	vadd.f32 v15, v15;
	v16 =	vmul.f32 v15, v15;
	v20 =	vmul.f32 $1.111111120e-01, v17;
	v10 =	vmovc v27  }
0x4f5: {  	v11 =	vmax.f32 v26, $0.0e+00;
	v15 =	vmul.f32 $1.111111120e-01, v14;
	v19 =	vmul.f32 v19, v25  }
0x4f6: {  	v27 =	vmul.f32 $1.111111120e-01, v16;
	v26 =	vadd.f32 $1.428571490e-01, v20;
	v20 =	vmul.f32 v29, v9;
	v9 =	vmovc v23  }
0x4f7: {  	v29 =	vadd.f32 $1.428571490e-01, v15;
	v23 =	vpop (erf);
	v30 =	vadd.f32 $3.333333430e-01, v19;
	v19 =	vmul.f32 v21, v12  }
0x4f8: {  	v27 =	vadd.f32 $1.428571490e-01, v27;
	v33 =	vadd.f32 $2.000000000e+00, v23;
	v22 =	vpop (erf);
	v26 =	vmul.f32 v26, v17  }
0x4f9: {  	v29 =	vmul.f32 v29, v14;
	v31 =	vadd.f32 $2.000000000e+00, v22;
	v15 =	vpop (erf);
	v25 =	vmul.f32 v30, v25  }
.Ltmp34:
0x4fa: {  	v27 =	vmul.f32 v27, v16;
	v30 =	vadd.f32 $2.000000000e+00, v15;
	v21 =	vpop (erf);
	(erf) = vrcp.f32 v33;
	(pc) =	sbr.rel @p1 .LBB2_52-.Ltmp34, $4  }
0x4fb: {  	v32 =	vadd.f32 v24, v24;
	v12 =	vmovc v28;
	(erf) = vrcp.f32 v31;
	v31 =	vadd.f32 $1.000000000e+00, v25  }
0x4fc: {  	v28 =	vadd.f32 $2.000000000e+00, v21;
	(erf) = vrcp.f32 v30;
	v30 =	vadd.f32 $2.000000030e-01, v26  }
0x4fd: {  	v24 =	vadd.f32 $2.000000030e-01, v29;
	v25 =	vadd.f32 $2.000000030e-01, v27;
	v26 =	vmul.f32 v31, v32  }
0x4fe: {  	s10 =	sadd.s32 $0x40, s10;
	(erf) = vrcp.f32 v28;
	v27 =	vmul.f32 v30, v17;
	v28 =	vmax.f32 v3, $0.0e+00;
	v3 =	vmovc v13  }
0x4ff: {  	_ =	sdelay $0x4  }
0x500: {  	v13 =	vpop (erf)  }
0x501: {  	v26 =	vadd.f32 v26, v28;
	v13 =	vmul.f32 v13, v23;
	v39 =	vpop (erf)  }
0x502: {  	v24 =	vmul.f32 v24, v14;
	v25 =	vmul.f32 v25, v16;
	v8 =	vadd.f32 v18, v8;
	v29 =	vpop (erf)  }
0x503: {  	v6 =	vadd.f32 v20, v6;
	v30 =	vmul.f32 v13, v13;
	v15 =	vmul.f32 v29, v15;
	v31 =	vpop (erf)  }
0x504: {  	v7 =	vadd.f32 v19, v7;
	v22 =	vmul.f32 v39, v22;
	v21 =	vmul.f32 v31, v21  }
0x505: {  	v3 =	vmax.f32 v3, $0.0e+00;
	v40 =	vmul.f32 $1.111111120e-01, v30;
	v29 =	vmul.f32 v15, v15  }
0x506: {  	v27 =	vadd.f32 $3.333333430e-01, v27;
	v24 =	vadd.f32 $3.333333430e-01, v24;
	v42 =	vmul.f32 v21, v21  }
0x507: {  	v43 =	vmul.f32 v22, v22;
	v41 =	vadd.f32 $1.428571490e-01, v40;
	v48 =	vmul.f32 $1.111111120e-01, v29  }
0x508: {  	v25 =	vadd.f32 $3.333333430e-01, v25;
	v17 =	vmul.f32 v27, v17;
	v44 =	vmul.f32 $1.111111120e-01, v42  }
0x509: {  	v46 =	vmul.f32 $1.111111120e-01, v43;
	v23 =	vmul.f32 v41, v30;
	v50 =	vadd.f32 $1.428571490e-01, v48  }
0x50a: {  	v47 =	vmul.f32 v24, v14;
	v49 =	vmul.f32 v25, v16;
	v18 =	vadd.f32 $1.428571490e-01, v44  }
0x50b: {  	v45 =	vadd.f32 $2.000000030e-01, v23;
	v23 =	vadd.f32 $1.428571490e-01, v46;
	v19 =	vmul.f32 v50, v29  }
0x50c: {  	v17 =	vadd.f32 $1.000000000e+00, v17;
	v14 =	vadd.f32 $1.000000000e+00, v47;
	v18 =	vmul.f32 v18, v42  }
0x50d: {  	v16 =	vadd.f32 $1.000000000e+00, v49;
	v23 =	vmul.f32 v23, v43;
	v19 =	vadd.f32 $2.000000030e-01, v19  }
0x50e: {  	v13 =	vadd.f32 v13, v13;
	v20 =	vmul.f32 v45, v30;
	v18 =	vadd.f32 $2.000000030e-01, v18  }
0x50f: {  	v10 =	vmul.f32 v17, v10;
	v23 =	vadd.f32 $2.000000030e-01, v23;
	v19 =	vmul.f32 v19, v29  }
0x510: {  	v22 =	vadd.f32 v22, v22;
	v20 =	vadd.f32 $3.333333430e-01, v20;
	v18 =	vmul.f32 v18, v42  }
0x511: {  	v52 =	vmul.f32 v14, v9;
	v23 =	vmul.f32 v23, v43;
	v19 =	vadd.f32 $3.333333430e-01, v19  }
0x512: {  	v56 =	vmul.f32 v16, v12;
	v20 =	vmul.f32 v20, v30;
	v18 =	vadd.f32 $3.333333430e-01, v18  }
0x513: {  	[tilespmem:s0+$0x10] =	vst v26;
	v15 =	vadd.f32 v15, v15;
	v51 =	vadd.f32 $3.333333430e-01, v23;
	v54 =	vmul.f32 v19, v29  }
0x514: {  	[tilespmem:s31+$0xFFFFFFE0] =	vst v8;
	v2 =	vadd.f32 v10, v2;
	v20 =	vadd.f32 $1.000000000e+00, v20;
	v18 =	vmul.f32 v18, v42  }
0x515: {  	[tilespmem:s31+$0xFFFFFFF0] =	vst v6;
	v57 =	vadd.f32 v52, v5;
	v53 =	vmul.f32 v51, v43;
	v58 =	vadd.f32 $1.000000000e+00, v54  }
0x516: {  	[tilespmem:s31+$0x0] =	vst v7;
	v21 =	vadd.f32 v21, v21;
	v13 =	vmul.f32 v20, v13;
	v55 =	vadd.f32 $1.000000000e+00, v18  }
0x517: {  	v4 =	vadd.f32 v56, v4;
	[tilespmem:s0+$0xFFFFFFE0] =	vst v2;
	v9 =	vadd.f32 $1.000000000e+00, v53;
	v61 =	vmul.f32 v58, v15  }
0x518: {  	v1 =	vmax.f32 v1, $0.0e+00;
	[tilespmem:s0+$0xFFFFFFF0] =	vst v57;
	v3 =	vadd.f32 v13, v3;
	v59 =	vmul.f32 v55, v21  }
0x519: {  	[tilespmem:s0+$0x0] =	vst v4;
	v60 =	vmul.f32 v9, v22;
	v1 =	vadd.f32 v61, v1  }
0x51a: {  	v0 =	vmax.f32 v0, $0.0e+00;
	[tilespmem:s7+$0x10] =	vst v3;
	v62 =	vadd.f32 v59, v11  }
0x51b: {  	v0 =	vadd.f32 v60, v0;
	[tilespmem:s7+$0x0] =	vst v1  }
0x51c: {  	[tilespmem:s7+$0xFFFFFFE0] =	vst v62  }
0x51d: {  	s0 =	simm.s32 $0x0;
	[tilespmem:s7+$0xFFFFFFF0] =	vst v0  }
.LBB2_54:
0x51e: {  	s7 =	sshra.s32 s0, $0x2  }
0x51f: {  	v0 =	vld [tilespmem:s7+$0x1CD80];
	_ =	sdelay $0x4  }
0x520: {  	v1 =	vand.u32 $0x7FFFFFFF, v0  }
0x521: {  	v1 =	vsub.f32 $0.0e+00, v1;
	_ =	sdelay $0x1  }
0x522: {  	v1 =	vmul.f32 $1.442695020e+00, v1;
	_ =	sdelay $0x1  }
0x523: {  	(erf) = vpow2.f32 v1;
	_ =	sdelay $0x8  }
0x524: {  	v1 =	vpop (erf)  }
0x525: {  	v2 =	vadd.f32 $2.000000000e+00, v1;
	_ =	sdelay $0x1  }
0x526: {  	(erf) = vrcp.f32 v2;
	_ =	sdelay $0x8  }
0x527: {  	v2 =	vpop (erf)  }
0x528: {  	v1 =	vmul.f32 v2, v1;
	_ =	sdelay $0x1  }
0x529: {  	v2 =	vmul.f32 v1, v1;
	_ =	sdelay $0x1  }
0x52a: {  	v3 =	vmul.f32 $1.111111120e-01, v2;
	_ =	sdelay $0x1  }
0x52b: {  	v3 =	vadd.f32 $1.428571490e-01, v3;
	_ =	sdelay $0x1  }
0x52c: {  	v3 =	vmul.f32 v3, v2;
	_ =	sdelay $0x1  }
0x52d: {  	v3 =	vadd.f32 $2.000000030e-01, v3;
	_ =	sdelay $0x1  }
0x52e: {  	v3 =	vmul.f32 v3, v2;
	_ =	sdelay $0x1  }
0x52f: {  	v3 =	vadd.f32 $3.333333430e-01, v3;
	_ =	sdelay $0x1  }
0x530: {  	v2 =	vmul.f32 v3, v2;
	_ =	sdelay $0x1  }
0x531: {  	v1 =	vadd.f32 v1, v1;
	v2 =	vadd.f32 $1.000000000e+00, v2  }
0x532: {  	p1 =	seq.s32 s0, $0x40  }
.Ltmp35:
0x533: {  	v1 =	vmul.f32 v2, v1;
	(pc) =	sbr.rel @!p1 .LBB2_54-.Ltmp35, $3  }
0x534: {  	v0 =	vmax.f32 v0, $0.0e+00  }
0x535: {  	v0 =	vadd.f32 v1, v0;
	_ =	sdelay $0x1  }
0x536: {  	s0 =	sadd.s32 $0x40, s0;
	[tilespmem:s7+$0x1CD80] =	vst v0  }
.Ltmp36:
0x537: {  	(pc) =	sbr.rel .LBB2_61-.Ltmp36, $3  }
0x538: {  	_ =	sdelay $0x1  }
0x539: {  	s7 =	rddreg [dreg:$0x1d]  }
0x53a: {  	s0 =	rddreg [dreg:$0x1e]  }
.LBB2_56:
0x53b: {  	_ =	swait.ge [sflag:s26], $0x320  }
0x53c: {  	[sflag:s26] =	ssyncset.done $0x0  }
0x53d: {  	s31 =	simm.s32 $0x1CAA0;
	[sflag:s26] =	ssyncadd.s32 $0xFFFFFCE0  }
0x53e: {  	v1 =	vld [tilespmem:s31+$0x10];
	_ =	sdelay $0x4  }
0x53f: {  	v0 =	vld [tilespmem:s31+$0xFFFFFFF0];
	v2 =	vand.u32 $0x7FFFFFFF, v1  }
0x540: {  	v3 =	vld [tilespmem:s31+$0x0];
	v2 =	vsub.f32 $0.0e+00, v2  }
0x541: {  	v4 =	vld [tilespmem:s31+$0xFFFFFFE0]  }
0x542: {  	v2 =	vmul.f32 $1.442695020e+00, v2;
	_ =	sdelay $0x1  }
0x543: {  	v5 =	vand.u32 $0x7FFFFFFF, v0;
	(erf) = vpow2.f32 v2  }
0x544: {  	v2 =	vsub.f32 $0.0e+00, v5;
	v5 =	vand.u32 $0x7FFFFFFF, v3  }
0x545: {  	v6 =	vand.u32 $0x7FFFFFFF, v4;
	v5 =	vsub.f32 $0.0e+00, v5  }
0x546: {  	v6 =	vsub.f32 $0.0e+00, v6;
	v2 =	vmul.f32 $1.442695020e+00, v2  }
0x547: {  	v5 =	vmul.f32 $1.442695020e+00, v5  }
0x548: {  	v6 =	vmul.f32 $1.442695020e+00, v6;
	(erf) = vpow2.f32 v2  }
0x549: {  	(erf) = vpow2.f32 v5  }
0x54a: {  	(erf) = vpow2.f32 v6;
	_ =	sdelay $0x1  }
0x54b: {  	v2 =	vpop (erf)  }
0x54c: {  	v5 =	vadd.f32 $2.000000000e+00, v2;
	_ =	sdelay $0x1  }
0x54d: {  	(erf) = vrcp.f32 v5  }
0x54e: {  	s0 =	simm.s32 $0x1CAE0  }
0x54f: {  	v13 =	vld [tilespmem:s0+$0x10];
	v5 =	vpop (erf)  }
0x550: {  	v6 =	vadd.f32 $2.000000000e+00, v5;
	v7 =	vpop (erf)  }
0x551: {  	v8 =	vadd.f32 $2.000000000e+00, v7;
	v9 =	vpop (erf)  }
0x552: {  	v10 =	vld [tilespmem:s0+$0xFFFFFFF0];
	(erf) = vrcp.f32 v6;
	v6 =	vadd.f32 $2.000000000e+00, v9  }
0x553: {  	v11 =	vld [tilespmem:s0+$0x0];
	(erf) = vrcp.f32 v8  }
0x554: {  	v8 =	vand.u32 $0x7FFFFFFF, v13;
	(erf) = vrcp.f32 v6  }
0x555: {  	v8 =	vsub.f32 $0.0e+00, v8  }
0x556: {  	v12 =	vld [tilespmem:s0+$0xFFFFFFE0];
	v6 =	vpop (erf)  }
0x557: {  	v8 =	vmul.f32 $1.442695020e+00, v8;
	v2 =	vmul.f32 v6, v2;
	v6 =	vand.u32 $0x7FFFFFFF, v10  }
0x558: {  	v14 =	vand.u32 $0x7FFFFFFF, v11;
	v6 =	vsub.f32 $0.0e+00, v6  }
0x559: {  	v14 =	vsub.f32 $0.0e+00, v14;
	(erf) = vpow2.f32 v8;
	v15 =	vmul.f32 v2, v2  }
0x55a: {  	v6 =	vmul.f32 $1.442695020e+00, v6  }
0x55b: {  	v19 =	vand.u32 $0x7FFFFFFF, v12;
	v14 =	vmul.f32 $1.442695020e+00, v14;
	v16 =	vpop (erf);
	v17 =	vmul.f32 $1.111111120e-01, v15  }
0x55c: {  	v19 =	vsub.f32 $0.0e+00, v19;
	v18 =	vpop (erf);
	(erf) = vpow2.f32 v6;
	v5 =	vmul.f32 v16, v5  }
0x55d: {  	v8 =	vpop (erf);
	v6 =	vadd.f32 $1.428571490e-01, v17;
	(erf) = vpow2.f32 v14;
	v7 =	vmul.f32 v18, v7  }
0x55e: {  	v9 =	vmul.f32 v8, v9;
	v8 =	vmul.f32 $1.442695020e+00, v19  }
0x55f: {  	v16 =	vmul.f32 v5, v5;
	v19 =	vadd.f32 v5, v5;
	v6 =	vmul.f32 v6, v15  }
0x560: {  	v17 =	vmul.f32 v7, v7;
	v21 =	vadd.f32 v7, v7;
	v14 =	vmul.f32 v9, v9  }
0x561: {  	(erf) = vpow2.f32 v8;
	v8 =	vmax.f32 v4, $0.0e+00;
	v6 =	vadd.f32 $2.000000030e-01, v6  }
0x562: {  	v18 =	vadd.f32 v9, v9;
	v7 =	vmul.f32 $1.111111120e-01, v17;
	v4 =	vmul.f32 $1.111111120e-01, v14;
	v9 =	vpop (erf)  }
0x563: {  	v5 =	vmul.f32 v6, v15;
	v6 =	vmul.f32 $1.111111120e-01, v16;
	v20 =	vadd.f32 $2.000000000e+00, v9  }
0x564: {  	v7 =	vadd.f32 $1.428571490e-01, v7;
	v4 =	vadd.f32 $1.428571490e-01, v4  }
0x565: {  	v5 =	vadd.f32 $3.333333430e-01, v5;
	v6 =	vadd.f32 $1.428571490e-01, v6;
	v22 =	vpop (erf);
	(erf) = vrcp.f32 v20  }
0x566: {  	v20 =	vmul.f32 v7, v17;
	v4 =	vmul.f32 v4, v14;
	v23 =	vadd.f32 $2.000000000e+00, v22  }
0x567: {  	v24 =	vpop (erf);
	v5 =	vmul.f32 v5, v15;
	v15 =	vmul.f32 v6, v16  }
0x568: {  	v25 =	vadd.f32 $2.000000000e+00, v24;
	v6 =	vmax.f32 v0, $0.0e+00;
	v0 =	vadd.f32 v2, v2  }
0x569: {  	(erf) = vrcp.f32 v23;
	v2 =	vadd.f32 $2.000000030e-01, v4;
	v5 =	vadd.f32 $1.000000000e+00, v5  }
0x56a: {  	s7 =	simm.s32 $0x1CB20;
	v7 =	vmax.f32 v3, $0.0e+00;
	v4 =	vadd.f32 $2.000000030e-01, v15;
	v15 =	vadd.f32 $2.000000030e-01, v20;
	v23 =	vpop (erf)  }
0x56b: {  	v3 =	vld [tilespmem:s7+$0x10];
	(erf) = vrcp.f32 v25;
	v25 =	vmul.f32 v2, v14;
	v20 =	vadd.f32 $2.000000000e+00, v23  }
0x56c: {  	v2 =	vmax.f32 v12, $0.0e+00;
	v4 =	vmul.f32 v4, v16;
	v12 =	vmul.f32 v15, v17  }
0x56d: {  	v5 =	vmul.f32 v5, v0;
	v0 =	vld [tilespmem:s7+$0xFFFFFFF0];
	v15 =	vadd.f32 $3.333333430e-01, v25;
	(erf) = vrcp.f32 v20  }
0x56e: {  	v20 =	vmax.f32 v1, $0.0e+00;
	v1 =	vld [tilespmem:s7+$0x0];
	v25 =	vadd.f32 $3.333333430e-01, v4;
	v4 =	vmax.f32 v11, $0.0e+00  }
0x56f: {  	v27 =	vadd.f32 v5, v20;
	v5 =	vmax.f32 v10, $0.0e+00;
	v10 =	vmul.f32 v15, v14;
	v11 =	vpop (erf)  }
0x570: {  	v20 =	vld [tilespmem:s7+$0xFFFFFFE0];
	v15 =	vand.u32 $0x7FFFFFFF, v3;
	v14 =	vmul.f32 v25, v16;
	v25 =	vmul.f32 v11, v9  }
0x571: {  	v12 =	vadd.f32 $3.333333430e-01, v12;
	v15 =	vsub.f32 $0.0e+00, v15  }
0x572: {  	v11 =	vadd.f32 $1.000000000e+00, v10;
	v10 =	vand.u32 $0x7FFFFFFF, v0;
	v9 =	vpop (erf);
	v26 =	vmul.f32 v25, v25  }
0x573: {  	v16 =	vmul.f32 v9, v22;
	v9 =	vsub.f32 $0.0e+00, v10;
	v10 =	vand.u32 $0x7FFFFFFF, v1  }
0x574: {  	v12 =	vmul.f32 v12, v17;
	v15 =	vmul.f32 $1.442695020e+00, v15;
	v10 =	vsub.f32 $0.0e+00, v10  }
0x575: {  	v17 =	vand.u32 $0x7FFFFFFF, v20;
	v22 =	vmul.f32 $1.111111120e-01, v26;
	v9 =	vmul.f32 $1.442695020e+00, v9  }
0x576: {  	(erf) = vpow2.f32 v15;
	v17 =	vsub.f32 $0.0e+00, v17;
	v10 =	vmul.f32 $1.442695020e+00, v10  }
0x577: {  	v28 =	vpop (erf);
	v22 =	vadd.f32 $1.428571490e-01, v22;
	(erf) = vpow2.f32 v9  }
0x578: {  	v15 =	vadd.f32 $1.000000000e+00, v14;
	v14 =	vpop (erf);
	v17 =	vmul.f32 $1.442695020e+00, v17;
	(erf) = vpow2.f32 v10  }
0x579: {  	v29 =	vadd.f32 $1.000000000e+00, v12;
	v10 =	vmul.f32 v14, v23;
	v12 =	vmul.f32 v22, v26  }
0x57a: {  	v22 =	vmul.f32 v28, v24;
	v14 =	vmul.f32 v16, v16  }
0x57b: {  	(erf) = vpow2.f32 v17;
	v17 =	vmul.f32 v10, v10;
	v23 =	vadd.f32 $2.000000030e-01, v12  }
0x57c: {  	v18 =	vmul.f32 v11, v18;
	v9 =	vadd.f32 v16, v16;
	v16 =	vmul.f32 v22, v22  }
0x57d: {  	v12 =	vadd.f32 v22, v22;
	v22 =	vmul.f32 $1.111111120e-01, v14;
	v24 =	vmul.f32 $1.111111120e-01, v17  }
0x57e: {  	v11 =	vmax.f32 v20, $0.0e+00;
	v20 =	vmul.f32 v15, v19;
	v28 =	vmul.f32 v23, v26  }
0x57f: {  	v30 =	vmul.f32 $1.111111120e-01, v16;
	v31 =	vadd.f32 $1.428571490e-01, v22;
	v24 =	vadd.f32 $1.428571490e-01, v24;
	v23 =	vpop (erf)  }
0x580: {  	v19 =	vmul.f32 v29, v21;
	v28 =	vadd.f32 $3.333333430e-01, v28;
	v21 =	vadd.f32 $2.000000000e+00, v23  }
0x581: {  	v10 =	vadd.f32 v10, v10;
	v29 =	vadd.f32 $1.428571490e-01, v30;
	v31 =	vmul.f32 v31, v14;
	v22 =	vpop (erf)  }
0x582: {  	v24 =	vmul.f32 v24, v17;
	v26 =	vmul.f32 v28, v26;
	v30 =	vadd.f32 $2.000000000e+00, v22;
	v15 =	vpop (erf)  }
0x583: {  	v29 =	vmul.f32 v29, v16;
	(erf) = vrcp.f32 v21;
	v28 =	vadd.f32 $2.000000000e+00, v15  }
0x584: {  	v26 =	vadd.f32 $1.000000000e+00, v26;
	v21 =	vpop (erf);
	(erf) = vrcp.f32 v30;
	v30 =	vadd.f32 v25, v25  }
0x585: {  	v32 =	vadd.f32 $2.000000000e+00, v21;
	(erf) = vrcp.f32 v28;
	v28 =	vadd.f32 $2.000000030e-01, v24  }
0x586: {  	v25 =	vadd.f32 $2.000000030e-01, v29;
	v24 =	vadd.f32 $2.000000030e-01, v31;
	v26 =	vmul.f32 v26, v30  }
0x587: {  	s8 =	simm.s32 $0x8;
	s10 =	simm.s32 $0x1CB60;
	[tilespmem:s31+$0x10] =	vst v27;
	(erf) = vrcp.f32 v32;
	v27 =	vmul.f32 v28, v17;
	v28 =	vmax.f32 v13, $0.0e+00  }
.LBB2_57:
0x588: {  	v13 =	vld [tilespmem:s10+$0x10];
	s8 =	sadd.s32 $0x4, s8;
	v24 =	vmul.f32 v24, v14;
	v25 =	vmul.f32 v25, v16;
	v26 =	vadd.f32 v26, v28  }
0x589: {  	v28 =	vmax.f32 v0, $0.0e+00;
	v29 =	vmax.f32 v1, $0.0e+00;
	p1 =	slt.u32 s8, $0x2C;
	v0 =	vld [tilespmem:s10+$0xFFFFFFF0];
	v27 =	vadd.f32 $3.333333430e-01, v27  }
0x58a: {  	v1 =	vld [tilespmem:s10+$0x0];
	v24 =	vadd.f32 $3.333333430e-01, v24;
	v25 =	vadd.f32 $3.333333430e-01, v25;
	[tilespmem:s0+$0x10] =	vst v26  }
0x58b: {  	v8 =	vadd.f32 v18, v8;
	v18 =	vadd.f32 v20, v6;
	v6 =	vmovc v5;
	v26 =	vld [tilespmem:s10+$0xFFFFFFE0];
	v17 =	vmul.f32 v27, v17  }
0x58c: {  	v27 =	vadd.f32 v19, v7;
	v5 =	vpop (erf);
	v14 =	vmul.f32 v24, v14;
	v16 =	vmul.f32 v25, v16  }
0x58d: {  	v19 =	vand.u32 $0x7FFFFFFF, v13;
	v24 =	vmul.f32 v5, v23;
	v5 =	vpop (erf);
	v20 =	vadd.f32 $1.000000000e+00, v17;
	[tilespmem:s31+$0xFFFFFFE0] =	vst v8  }
0x58e: {  	v8 =	vand.u32 $0x7FFFFFFF, v0;
	v17 =	vsub.f32 $0.0e+00, v19;
	v19 =	vmul.f32 v5, v22;
	v22 =	vpop (erf);
	[tilespmem:s31+$0xFFFFFFF0] =	vst v18  }
0x58f: {  	v7 =	vmovc v4;
	v5 =	vmovc v28;
	v32 =	vsub.f32 $0.0e+00, v8;
	v18 =	vand.u32 $0x7FFFFFFF, v1;
	v25 =	vmul.f32 v24, v24;
	[tilespmem:s31+$0x0] =	vst v27;
	s31 =	smov.u32 s0;
	s0 =	smov.u32 s7;
	s7 =	smov.u32 s10  }
0x590: {  	v31 =	vand.u32 $0x7FFFFFFF, v26;
	v18 =	vsub.f32 $0.0e+00, v18;
	v17 =	vmul.f32 $1.442695020e+00, v17;
	v23 =	vpop (erf)  }
0x591: {  	v4 =	vmovc v29;
	v27 =	vsub.f32 $0.0e+00, v31;
	v28 =	vmul.f32 $1.442695020e+00, v32;
	v30 =	vmul.f32 $1.111111120e-01, v25;
	v8 =	vmovc v2  }
0x592: {  	v29 =	vadd.f32 $1.000000000e+00, v14;
	v2 =	vmovc v11;
	v18 =	vmul.f32 $1.442695020e+00, v18;
	(erf) = vpow2.f32 v17  }
0x593: {  	v11 =	vmul.f32 $1.442695020e+00, v27;
	(erf) = vpow2.f32 v28;
	v14 =	vadd.f32 $1.428571490e-01, v30  }
0x594: {  	(erf) = vpow2.f32 v18;
	v18 =	vmul.f32 v23, v21;
	v21 =	vadd.f32 $1.000000000e+00, v16  }
0x595: {  	v23 =	vadd.f32 v19, v19;
	(erf) = vpow2.f32 v11;
	v11 =	vmul.f32 v14, v25  }
0x596: {  	v15 =	vmul.f32 v22, v15;
	v17 =	vmul.f32 v18, v18;
	v27 =	vadd.f32 v18, v18  }
0x597: {  	v14 =	vmul.f32 v19, v19;
	v18 =	vmul.f32 v20, v10;
	v19 =	vadd.f32 $2.000000030e-01, v11  }
0x598: {  	v28 =	vadd.f32 v15, v15;
	v16 =	vmul.f32 v15, v15;
	v20 =	vmul.f32 $1.111111120e-01, v17;
	v10 =	vmovc v27  }
0x599: {  	v11 =	vmax.f32 v26, $0.0e+00;
	v15 =	vmul.f32 $1.111111120e-01, v14;
	v19 =	vmul.f32 v19, v25  }
0x59a: {  	v27 =	vmul.f32 $1.111111120e-01, v16;
	v26 =	vadd.f32 $1.428571490e-01, v20;
	v20 =	vmul.f32 v29, v9;
	v9 =	vmovc v23  }
0x59b: {  	v29 =	vadd.f32 $1.428571490e-01, v15;
	v23 =	vpop (erf);
	v30 =	vadd.f32 $3.333333430e-01, v19;
	v19 =	vmul.f32 v21, v12  }
0x59c: {  	v27 =	vadd.f32 $1.428571490e-01, v27;
	v33 =	vadd.f32 $2.000000000e+00, v23;
	v22 =	vpop (erf);
	v26 =	vmul.f32 v26, v17  }
0x59d: {  	v29 =	vmul.f32 v29, v14;
	v31 =	vadd.f32 $2.000000000e+00, v22;
	v15 =	vpop (erf);
	v25 =	vmul.f32 v30, v25  }
.Ltmp37:
0x59e: {  	v27 =	vmul.f32 v27, v16;
	v30 =	vadd.f32 $2.000000000e+00, v15;
	v21 =	vpop (erf);
	(erf) = vrcp.f32 v33;
	(pc) =	sbr.rel @p1 .LBB2_57-.Ltmp37, $4  }
0x59f: {  	v32 =	vadd.f32 v24, v24;
	v12 =	vmovc v28;
	(erf) = vrcp.f32 v31;
	v31 =	vadd.f32 $1.000000000e+00, v25  }
0x5a0: {  	v28 =	vadd.f32 $2.000000000e+00, v21;
	(erf) = vrcp.f32 v30;
	v30 =	vadd.f32 $2.000000030e-01, v26  }
0x5a1: {  	v24 =	vadd.f32 $2.000000030e-01, v29;
	v25 =	vadd.f32 $2.000000030e-01, v27;
	v26 =	vmul.f32 v31, v32  }
0x5a2: {  	s10 =	sadd.s32 $0x40, s10;
	(erf) = vrcp.f32 v28;
	v27 =	vmul.f32 v30, v17;
	v28 =	vmax.f32 v3, $0.0e+00;
	v3 =	vmovc v13  }
0x5a3: {  	_ =	sdelay $0x4  }
0x5a4: {  	v13 =	vpop (erf)  }
0x5a5: {  	v26 =	vadd.f32 v26, v28;
	v13 =	vmul.f32 v13, v23;
	v39 =	vpop (erf)  }
0x5a6: {  	v24 =	vmul.f32 v24, v14;
	v25 =	vmul.f32 v25, v16;
	v8 =	vadd.f32 v18, v8;
	v29 =	vpop (erf)  }
0x5a7: {  	v6 =	vadd.f32 v20, v6;
	v30 =	vmul.f32 v13, v13;
	v15 =	vmul.f32 v29, v15;
	v31 =	vpop (erf)  }
0x5a8: {  	v7 =	vadd.f32 v19, v7;
	v22 =	vmul.f32 v39, v22;
	v21 =	vmul.f32 v31, v21  }
0x5a9: {  	v3 =	vmax.f32 v3, $0.0e+00;
	v40 =	vmul.f32 $1.111111120e-01, v30;
	v29 =	vmul.f32 v15, v15  }
0x5aa: {  	v27 =	vadd.f32 $3.333333430e-01, v27;
	v24 =	vadd.f32 $3.333333430e-01, v24;
	v42 =	vmul.f32 v21, v21  }
0x5ab: {  	v43 =	vmul.f32 v22, v22;
	v41 =	vadd.f32 $1.428571490e-01, v40;
	v48 =	vmul.f32 $1.111111120e-01, v29  }
0x5ac: {  	v25 =	vadd.f32 $3.333333430e-01, v25;
	v17 =	vmul.f32 v27, v17;
	v44 =	vmul.f32 $1.111111120e-01, v42  }
0x5ad: {  	v46 =	vmul.f32 $1.111111120e-01, v43;
	v23 =	vmul.f32 v41, v30;
	v50 =	vadd.f32 $1.428571490e-01, v48  }
0x5ae: {  	v47 =	vmul.f32 v24, v14;
	v49 =	vmul.f32 v25, v16;
	v18 =	vadd.f32 $1.428571490e-01, v44  }
0x5af: {  	v45 =	vadd.f32 $2.000000030e-01, v23;
	v23 =	vadd.f32 $1.428571490e-01, v46;
	v19 =	vmul.f32 v50, v29  }
0x5b0: {  	v17 =	vadd.f32 $1.000000000e+00, v17;
	v14 =	vadd.f32 $1.000000000e+00, v47;
	v18 =	vmul.f32 v18, v42  }
0x5b1: {  	v16 =	vadd.f32 $1.000000000e+00, v49;
	v23 =	vmul.f32 v23, v43;
	v19 =	vadd.f32 $2.000000030e-01, v19  }
0x5b2: {  	v13 =	vadd.f32 v13, v13;
	v20 =	vmul.f32 v45, v30;
	v18 =	vadd.f32 $2.000000030e-01, v18  }
0x5b3: {  	v10 =	vmul.f32 v17, v10;
	v23 =	vadd.f32 $2.000000030e-01, v23;
	v19 =	vmul.f32 v19, v29  }
0x5b4: {  	v22 =	vadd.f32 v22, v22;
	v20 =	vadd.f32 $3.333333430e-01, v20;
	v18 =	vmul.f32 v18, v42  }
0x5b5: {  	v52 =	vmul.f32 v14, v9;
	v23 =	vmul.f32 v23, v43;
	v19 =	vadd.f32 $3.333333430e-01, v19  }
0x5b6: {  	v56 =	vmul.f32 v16, v12;
	v20 =	vmul.f32 v20, v30;
	v18 =	vadd.f32 $3.333333430e-01, v18  }
0x5b7: {  	[tilespmem:s0+$0x10] =	vst v26;
	v15 =	vadd.f32 v15, v15;
	v51 =	vadd.f32 $3.333333430e-01, v23;
	v54 =	vmul.f32 v19, v29  }
0x5b8: {  	[tilespmem:s31+$0xFFFFFFE0] =	vst v8;
	v2 =	vadd.f32 v10, v2;
	v20 =	vadd.f32 $1.000000000e+00, v20;
	v18 =	vmul.f32 v18, v42  }
0x5b9: {  	[tilespmem:s31+$0xFFFFFFF0] =	vst v6;
	v57 =	vadd.f32 v52, v5;
	v53 =	vmul.f32 v51, v43;
	v58 =	vadd.f32 $1.000000000e+00, v54  }
0x5ba: {  	[tilespmem:s31+$0x0] =	vst v7;
	v21 =	vadd.f32 v21, v21;
	v13 =	vmul.f32 v20, v13;
	v55 =	vadd.f32 $1.000000000e+00, v18  }
0x5bb: {  	v4 =	vadd.f32 v56, v4;
	[tilespmem:s0+$0xFFFFFFE0] =	vst v2;
	v9 =	vadd.f32 $1.000000000e+00, v53;
	v61 =	vmul.f32 v58, v15  }
0x5bc: {  	v1 =	vmax.f32 v1, $0.0e+00;
	[tilespmem:s0+$0xFFFFFFF0] =	vst v57;
	v3 =	vadd.f32 v13, v3;
	v59 =	vmul.f32 v55, v21  }
0x5bd: {  	[tilespmem:s0+$0x0] =	vst v4;
	v60 =	vmul.f32 v9, v22;
	v1 =	vadd.f32 v61, v1  }
0x5be: {  	v0 =	vmax.f32 v0, $0.0e+00;
	[tilespmem:s7+$0x10] =	vst v3;
	v62 =	vadd.f32 v59, v11  }
0x5bf: {  	v0 =	vadd.f32 v60, v0;
	[tilespmem:s7+$0x0] =	vst v1  }
0x5c0: {  	[tilespmem:s7+$0xFFFFFFE0] =	vst v62  }
0x5c1: {  	s0 =	simm.s32 $0x0;
	[tilespmem:s7+$0xFFFFFFF0] =	vst v0  }
.LBB2_59:
0x5c2: {  	s7 =	sshra.s32 s0, $0x2  }
0x5c3: {  	v0 =	vld [tilespmem:s7+$0x1CD80];
	_ =	sdelay $0x4  }
0x5c4: {  	v1 =	vand.u32 $0x7FFFFFFF, v0  }
0x5c5: {  	v1 =	vsub.f32 $0.0e+00, v1;
	_ =	sdelay $0x1  }
0x5c6: {  	v1 =	vmul.f32 $1.442695020e+00, v1;
	_ =	sdelay $0x1  }
0x5c7: {  	(erf) = vpow2.f32 v1;
	_ =	sdelay $0x8  }
0x5c8: {  	v1 =	vpop (erf)  }
0x5c9: {  	v2 =	vadd.f32 $2.000000000e+00, v1;
	_ =	sdelay $0x1  }
0x5ca: {  	(erf) = vrcp.f32 v2;
	_ =	sdelay $0x8  }
0x5cb: {  	v2 =	vpop (erf)  }
0x5cc: {  	v1 =	vmul.f32 v2, v1;
	_ =	sdelay $0x1  }
0x5cd: {  	v2 =	vmul.f32 v1, v1;
	_ =	sdelay $0x1  }
0x5ce: {  	v3 =	vmul.f32 $1.111111120e-01, v2;
	_ =	sdelay $0x1  }
0x5cf: {  	v3 =	vadd.f32 $1.428571490e-01, v3;
	_ =	sdelay $0x1  }
0x5d0: {  	v3 =	vmul.f32 v3, v2;
	_ =	sdelay $0x1  }
0x5d1: {  	v3 =	vadd.f32 $2.000000030e-01, v3;
	_ =	sdelay $0x1  }
0x5d2: {  	v3 =	vmul.f32 v3, v2;
	_ =	sdelay $0x1  }
0x5d3: {  	v3 =	vadd.f32 $3.333333430e-01, v3;
	_ =	sdelay $0x1  }
0x5d4: {  	v2 =	vmul.f32 v3, v2;
	_ =	sdelay $0x1  }
0x5d5: {  	v1 =	vadd.f32 v1, v1;
	v2 =	vadd.f32 $1.000000000e+00, v2  }
0x5d6: {  	p1 =	sne.s32 s0, $0x40  }
.Ltmp38:
0x5d7: {  	v1 =	vmul.f32 v2, v1;
	(pc) =	sbr.rel @p1 .LBB2_59-.Ltmp38, $3  }
0x5d8: {  	v0 =	vmax.f32 v0, $0.0e+00  }
0x5d9: {  	v0 =	vadd.f32 v1, v0;
	_ =	sdelay $0x1  }
0x5da: {  	s0 =	sadd.s32 $0x40, s0;
	[tilespmem:s7+$0x1CD80] =	vst v0  }
.Ltmp39:
0x5db: {  	(pc) =	sbr.rel .LBB2_61-.Ltmp39, $2  }
0x5dc: {  	_ =	sdelay $0x2  }
0x5dd: {  	s7 =	rddreg [dreg:$0x1f];
	s0 =	smov.u32 s11  }
.LBB2_63:
0x5de: {  	s0 =	simm.s32 $0x4  }
0x5df: {  	_ =	swait.ge [sflag:s0], $0x1000  }
0x5e0: {  	[sflag:s0] =	ssyncset.done $0x0  }
0x5e1: {  	[sflag:s0] =	ssyncadd.s32 $0xFFFFF000  }
0x5e2: {  	_ =	swait.ge [sflag:s19], $0x1000  }
0x5e3: {  	[sflag:s19] =	ssyncset.done $0x0  }
0x5e4: {  	[sflag:s19] =	ssyncadd.s32 $0xFFFFF000  }
0x5e5: {  	_ =	swait.ge [sflag:s26], $0x320  }
0x5e6: {  	[sflag:s26] =	ssyncset.done $0x0  }
0x5e7: {  	s30 =	simm.s32 $0x1CAA0;
	[sflag:s26] =	ssyncadd.s32 $0xFFFFFCE0  }
0x5e8: {  	v1 =	vld [tilespmem:s30+$0x10];
	_ =	sdelay $0x4  }
0x5e9: {  	v0 =	vld [tilespmem:s30+$0xFFFFFFF0];
	v2 =	vand.u32 $0x7FFFFFFF, v1  }
0x5ea: {  	v3 =	vld [tilespmem:s30+$0x0];
	v2 =	vsub.f32 $0.0e+00, v2  }
0x5eb: {  	v4 =	vld [tilespmem:s30+$0xFFFFFFE0]  }
0x5ec: {  	v2 =	vmul.f32 $1.442695020e+00, v2;
	_ =	sdelay $0x1  }
0x5ed: {  	v5 =	vand.u32 $0x7FFFFFFF, v0;
	(erf) = vpow2.f32 v2  }
0x5ee: {  	v2 =	vsub.f32 $0.0e+00, v5;
	v5 =	vand.u32 $0x7FFFFFFF, v3  }
0x5ef: {  	v6 =	vand.u32 $0x7FFFFFFF, v4;
	v5 =	vsub.f32 $0.0e+00, v5  }
0x5f0: {  	v6 =	vsub.f32 $0.0e+00, v6;
	v2 =	vmul.f32 $1.442695020e+00, v2  }
0x5f1: {  	v5 =	vmul.f32 $1.442695020e+00, v5  }
0x5f2: {  	v6 =	vmul.f32 $1.442695020e+00, v6;
	(erf) = vpow2.f32 v2  }
0x5f3: {  	(erf) = vpow2.f32 v5  }
0x5f4: {  	(erf) = vpow2.f32 v6;
	_ =	sdelay $0x1  }
0x5f5: {  	v2 =	vpop (erf)  }
0x5f6: {  	v5 =	vadd.f32 $2.000000000e+00, v2;
	_ =	sdelay $0x1  }
0x5f7: {  	(erf) = vrcp.f32 v5  }
0x5f8: {  	s0 =	simm.s32 $0x1CAE0  }
0x5f9: {  	v13 =	vld [tilespmem:s0+$0x10];
	v5 =	vpop (erf)  }
0x5fa: {  	v6 =	vadd.f32 $2.000000000e+00, v5;
	v7 =	vpop (erf)  }
0x5fb: {  	v8 =	vadd.f32 $2.000000000e+00, v7;
	v9 =	vpop (erf)  }
0x5fc: {  	v10 =	vld [tilespmem:s0+$0xFFFFFFF0];
	(erf) = vrcp.f32 v6;
	v6 =	vadd.f32 $2.000000000e+00, v9  }
0x5fd: {  	v11 =	vld [tilespmem:s0+$0x0];
	(erf) = vrcp.f32 v8  }
0x5fe: {  	v8 =	vand.u32 $0x7FFFFFFF, v13;
	(erf) = vrcp.f32 v6  }
0x5ff: {  	v8 =	vsub.f32 $0.0e+00, v8  }
0x600: {  	v12 =	vld [tilespmem:s0+$0xFFFFFFE0];
	v6 =	vpop (erf)  }
0x601: {  	v8 =	vmul.f32 $1.442695020e+00, v8;
	v2 =	vmul.f32 v6, v2;
	v6 =	vand.u32 $0x7FFFFFFF, v10  }
0x602: {  	v14 =	vand.u32 $0x7FFFFFFF, v11;
	v6 =	vsub.f32 $0.0e+00, v6  }
0x603: {  	v14 =	vsub.f32 $0.0e+00, v14;
	(erf) = vpow2.f32 v8;
	v15 =	vmul.f32 v2, v2  }
0x604: {  	v6 =	vmul.f32 $1.442695020e+00, v6  }
0x605: {  	v19 =	vand.u32 $0x7FFFFFFF, v12;
	v14 =	vmul.f32 $1.442695020e+00, v14;
	v16 =	vpop (erf);
	v17 =	vmul.f32 $1.111111120e-01, v15  }
0x606: {  	v19 =	vsub.f32 $0.0e+00, v19;
	v18 =	vpop (erf);
	(erf) = vpow2.f32 v6;
	v5 =	vmul.f32 v16, v5  }
0x607: {  	v8 =	vpop (erf);
	v6 =	vadd.f32 $1.428571490e-01, v17;
	(erf) = vpow2.f32 v14;
	v7 =	vmul.f32 v18, v7  }
0x608: {  	v9 =	vmul.f32 v8, v9;
	v8 =	vmul.f32 $1.442695020e+00, v19  }
0x609: {  	v16 =	vmul.f32 v5, v5;
	v19 =	vadd.f32 v5, v5;
	v6 =	vmul.f32 v6, v15  }
0x60a: {  	v17 =	vmul.f32 v7, v7;
	v21 =	vadd.f32 v7, v7;
	v14 =	vmul.f32 v9, v9  }
0x60b: {  	(erf) = vpow2.f32 v8;
	v8 =	vmax.f32 v4, $0.0e+00;
	v6 =	vadd.f32 $2.000000030e-01, v6  }
0x60c: {  	v18 =	vadd.f32 v9, v9;
	v7 =	vmul.f32 $1.111111120e-01, v17;
	v4 =	vmul.f32 $1.111111120e-01, v14;
	v9 =	vpop (erf)  }
0x60d: {  	v5 =	vmul.f32 v6, v15;
	v6 =	vmul.f32 $1.111111120e-01, v16;
	v20 =	vadd.f32 $2.000000000e+00, v9  }
0x60e: {  	v7 =	vadd.f32 $1.428571490e-01, v7;
	v4 =	vadd.f32 $1.428571490e-01, v4  }
0x60f: {  	v5 =	vadd.f32 $3.333333430e-01, v5;
	v6 =	vadd.f32 $1.428571490e-01, v6;
	v22 =	vpop (erf);
	(erf) = vrcp.f32 v20  }
0x610: {  	v20 =	vmul.f32 v7, v17;
	v4 =	vmul.f32 v4, v14;
	v23 =	vadd.f32 $2.000000000e+00, v22  }
0x611: {  	v24 =	vpop (erf);
	v5 =	vmul.f32 v5, v15;
	v15 =	vmul.f32 v6, v16  }
0x612: {  	v25 =	vadd.f32 $2.000000000e+00, v24;
	v6 =	vmax.f32 v0, $0.0e+00;
	v0 =	vadd.f32 v2, v2  }
0x613: {  	(erf) = vrcp.f32 v23;
	v2 =	vadd.f32 $2.000000030e-01, v4;
	v5 =	vadd.f32 $1.000000000e+00, v5  }
0x614: {  	s7 =	simm.s32 $0x1CB20;
	v7 =	vmax.f32 v3, $0.0e+00;
	v4 =	vadd.f32 $2.000000030e-01, v15;
	v15 =	vadd.f32 $2.000000030e-01, v20;
	v23 =	vpop (erf)  }
0x615: {  	v3 =	vld [tilespmem:s7+$0x10];
	(erf) = vrcp.f32 v25;
	v25 =	vmul.f32 v2, v14;
	v20 =	vadd.f32 $2.000000000e+00, v23  }
0x616: {  	v2 =	vmax.f32 v12, $0.0e+00;
	v4 =	vmul.f32 v4, v16;
	v12 =	vmul.f32 v15, v17  }
0x617: {  	v5 =	vmul.f32 v5, v0;
	v0 =	vld [tilespmem:s7+$0xFFFFFFF0];
	v15 =	vadd.f32 $3.333333430e-01, v25;
	(erf) = vrcp.f32 v20  }
0x618: {  	v20 =	vmax.f32 v1, $0.0e+00;
	v1 =	vld [tilespmem:s7+$0x0];
	v25 =	vadd.f32 $3.333333430e-01, v4;
	v4 =	vmax.f32 v11, $0.0e+00  }
0x619: {  	v27 =	vadd.f32 v5, v20;
	v5 =	vmax.f32 v10, $0.0e+00;
	v10 =	vmul.f32 v15, v14;
	v11 =	vpop (erf)  }
0x61a: {  	v20 =	vld [tilespmem:s7+$0xFFFFFFE0];
	v15 =	vand.u32 $0x7FFFFFFF, v3;
	v14 =	vmul.f32 v25, v16;
	v25 =	vmul.f32 v11, v9  }
0x61b: {  	v12 =	vadd.f32 $3.333333430e-01, v12;
	v15 =	vsub.f32 $0.0e+00, v15  }
0x61c: {  	v11 =	vadd.f32 $1.000000000e+00, v10;
	v10 =	vand.u32 $0x7FFFFFFF, v0;
	v9 =	vpop (erf);
	v26 =	vmul.f32 v25, v25  }
0x61d: {  	v16 =	vmul.f32 v9, v22;
	v9 =	vsub.f32 $0.0e+00, v10;
	v10 =	vand.u32 $0x7FFFFFFF, v1  }
0x61e: {  	v12 =	vmul.f32 v12, v17;
	v15 =	vmul.f32 $1.442695020e+00, v15;
	v10 =	vsub.f32 $0.0e+00, v10  }
0x61f: {  	v17 =	vand.u32 $0x7FFFFFFF, v20;
	v22 =	vmul.f32 $1.111111120e-01, v26;
	v9 =	vmul.f32 $1.442695020e+00, v9  }
0x620: {  	(erf) = vpow2.f32 v15;
	v17 =	vsub.f32 $0.0e+00, v17;
	v10 =	vmul.f32 $1.442695020e+00, v10  }
0x621: {  	v28 =	vpop (erf);
	v22 =	vadd.f32 $1.428571490e-01, v22;
	(erf) = vpow2.f32 v9  }
0x622: {  	v15 =	vadd.f32 $1.000000000e+00, v14;
	v14 =	vpop (erf);
	v17 =	vmul.f32 $1.442695020e+00, v17;
	(erf) = vpow2.f32 v10  }
0x623: {  	v29 =	vadd.f32 $1.000000000e+00, v12;
	v10 =	vmul.f32 v14, v23;
	v12 =	vmul.f32 v22, v26  }
0x624: {  	v22 =	vmul.f32 v28, v24;
	v14 =	vmul.f32 v16, v16  }
0x625: {  	(erf) = vpow2.f32 v17;
	v17 =	vmul.f32 v10, v10;
	v23 =	vadd.f32 $2.000000030e-01, v12  }
0x626: {  	v18 =	vmul.f32 v11, v18;
	v9 =	vadd.f32 v16, v16;
	v16 =	vmul.f32 v22, v22  }
0x627: {  	v12 =	vadd.f32 v22, v22;
	v22 =	vmul.f32 $1.111111120e-01, v14;
	v24 =	vmul.f32 $1.111111120e-01, v17  }
0x628: {  	v11 =	vmax.f32 v20, $0.0e+00;
	v20 =	vmul.f32 v15, v19;
	v28 =	vmul.f32 v23, v26  }
0x629: {  	v30 =	vmul.f32 $1.111111120e-01, v16;
	v31 =	vadd.f32 $1.428571490e-01, v22;
	v24 =	vadd.f32 $1.428571490e-01, v24;
	v23 =	vpop (erf)  }
0x62a: {  	v19 =	vmul.f32 v29, v21;
	v28 =	vadd.f32 $3.333333430e-01, v28;
	v21 =	vadd.f32 $2.000000000e+00, v23  }
0x62b: {  	v10 =	vadd.f32 v10, v10;
	v29 =	vadd.f32 $1.428571490e-01, v30;
	v31 =	vmul.f32 v31, v14;
	v22 =	vpop (erf)  }
0x62c: {  	v24 =	vmul.f32 v24, v17;
	v26 =	vmul.f32 v28, v26;
	v30 =	vadd.f32 $2.000000000e+00, v22;
	v15 =	vpop (erf)  }
0x62d: {  	v29 =	vmul.f32 v29, v16;
	(erf) = vrcp.f32 v21;
	v28 =	vadd.f32 $2.000000000e+00, v15  }
0x62e: {  	v26 =	vadd.f32 $1.000000000e+00, v26;
	v21 =	vpop (erf);
	(erf) = vrcp.f32 v30;
	v30 =	vadd.f32 v25, v25  }
0x62f: {  	v32 =	vadd.f32 $2.000000000e+00, v21;
	(erf) = vrcp.f32 v28;
	v28 =	vadd.f32 $2.000000030e-01, v24  }
0x630: {  	v25 =	vadd.f32 $2.000000030e-01, v29;
	v24 =	vadd.f32 $2.000000030e-01, v31;
	v26 =	vmul.f32 v26, v30  }
0x631: {  	s8 =	simm.s32 $0x8;
	s10 =	simm.s32 $0x1CB60;
	[tilespmem:s30+$0x10] =	vst v27;
	(erf) = vrcp.f32 v32;
	v27 =	vmul.f32 v28, v17;
	v28 =	vmax.f32 v13, $0.0e+00  }
.LBB2_64:
0x632: {  	v13 =	vld [tilespmem:s10+$0x10];
	s8 =	sadd.s32 $0x4, s8;
	v24 =	vmul.f32 v24, v14;
	v25 =	vmul.f32 v25, v16;
	v26 =	vadd.f32 v26, v28  }
0x633: {  	v28 =	vmax.f32 v0, $0.0e+00;
	v29 =	vmax.f32 v1, $0.0e+00;
	p1 =	slt.u32 s8, $0x2C;
	v0 =	vld [tilespmem:s10+$0xFFFFFFF0];
	v27 =	vadd.f32 $3.333333430e-01, v27  }
0x634: {  	v1 =	vld [tilespmem:s10+$0x0];
	v24 =	vadd.f32 $3.333333430e-01, v24;
	v25 =	vadd.f32 $3.333333430e-01, v25;
	[tilespmem:s0+$0x10] =	vst v26  }
0x635: {  	v8 =	vadd.f32 v18, v8;
	v18 =	vadd.f32 v20, v6;
	v6 =	vmovc v5;
	v26 =	vld [tilespmem:s10+$0xFFFFFFE0];
	v17 =	vmul.f32 v27, v17  }
0x636: {  	v27 =	vadd.f32 v19, v7;
	v5 =	vpop (erf);
	v14 =	vmul.f32 v24, v14;
	v16 =	vmul.f32 v25, v16  }
0x637: {  	v19 =	vand.u32 $0x7FFFFFFF, v13;
	v24 =	vmul.f32 v5, v23;
	v5 =	vpop (erf);
	v20 =	vadd.f32 $1.000000000e+00, v17;
	[tilespmem:s30+$0xFFFFFFE0] =	vst v8  }
0x638: {  	v8 =	vand.u32 $0x7FFFFFFF, v0;
	v17 =	vsub.f32 $0.0e+00, v19;
	v19 =	vmul.f32 v5, v22;
	v22 =	vpop (erf);
	[tilespmem:s30+$0xFFFFFFF0] =	vst v18  }
0x639: {  	v7 =	vmovc v4;
	v5 =	vmovc v28;
	v32 =	vsub.f32 $0.0e+00, v8;
	v18 =	vand.u32 $0x7FFFFFFF, v1;
	v25 =	vmul.f32 v24, v24;
	[tilespmem:s30+$0x0] =	vst v27;
	s30 =	smov.u32 s0;
	s0 =	smov.u32 s7;
	s7 =	smov.u32 s10  }
0x63a: {  	v31 =	vand.u32 $0x7FFFFFFF, v26;
	v18 =	vsub.f32 $0.0e+00, v18;
	v17 =	vmul.f32 $1.442695020e+00, v17;
	v23 =	vpop (erf)  }
0x63b: {  	v4 =	vmovc v29;
	v27 =	vsub.f32 $0.0e+00, v31;
	v28 =	vmul.f32 $1.442695020e+00, v32;
	v30 =	vmul.f32 $1.111111120e-01, v25;
	v8 =	vmovc v2  }
0x63c: {  	v29 =	vadd.f32 $1.000000000e+00, v14;
	v2 =	vmovc v11;
	v18 =	vmul.f32 $1.442695020e+00, v18;
	(erf) = vpow2.f32 v17  }
0x63d: {  	v11 =	vmul.f32 $1.442695020e+00, v27;
	(erf) = vpow2.f32 v28;
	v14 =	vadd.f32 $1.428571490e-01, v30  }
0x63e: {  	(erf) = vpow2.f32 v18;
	v18 =	vmul.f32 v23, v21;
	v21 =	vadd.f32 $1.000000000e+00, v16  }
0x63f: {  	v23 =	vadd.f32 v19, v19;
	(erf) = vpow2.f32 v11;
	v11 =	vmul.f32 v14, v25  }
0x640: {  	v15 =	vmul.f32 v22, v15;
	v17 =	vmul.f32 v18, v18;
	v27 =	vadd.f32 v18, v18  }
0x641: {  	v14 =	vmul.f32 v19, v19;
	v18 =	vmul.f32 v20, v10;
	v19 =	vadd.f32 $2.000000030e-01, v11  }
0x642: {  	v28 =	vadd.f32 v15, v15;
	v16 =	vmul.f32 v15, v15;
	v20 =	vmul.f32 $1.111111120e-01, v17;
	v10 =	vmovc v27  }
0x643: {  	v11 =	vmax.f32 v26, $0.0e+00;
	v15 =	vmul.f32 $1.111111120e-01, v14;
	v19 =	vmul.f32 v19, v25  }
0x644: {  	v27 =	vmul.f32 $1.111111120e-01, v16;
	v26 =	vadd.f32 $1.428571490e-01, v20;
	v20 =	vmul.f32 v29, v9;
	v9 =	vmovc v23  }
0x645: {  	v29 =	vadd.f32 $1.428571490e-01, v15;
	v23 =	vpop (erf);
	v30 =	vadd.f32 $3.333333430e-01, v19;
	v19 =	vmul.f32 v21, v12  }
0x646: {  	v27 =	vadd.f32 $1.428571490e-01, v27;
	v33 =	vadd.f32 $2.000000000e+00, v23;
	v22 =	vpop (erf);
	v26 =	vmul.f32 v26, v17  }
0x647: {  	v29 =	vmul.f32 v29, v14;
	v31 =	vadd.f32 $2.000000000e+00, v22;
	v15 =	vpop (erf);
	v25 =	vmul.f32 v30, v25  }
.Ltmp40:
0x648: {  	v27 =	vmul.f32 v27, v16;
	v30 =	vadd.f32 $2.000000000e+00, v15;
	v21 =	vpop (erf);
	(erf) = vrcp.f32 v33;
	(pc) =	sbr.rel @p1 .LBB2_64-.Ltmp40, $4  }
0x649: {  	v32 =	vadd.f32 v24, v24;
	v12 =	vmovc v28;
	(erf) = vrcp.f32 v31;
	v31 =	vadd.f32 $1.000000000e+00, v25  }
0x64a: {  	v28 =	vadd.f32 $2.000000000e+00, v21;
	(erf) = vrcp.f32 v30;
	v30 =	vadd.f32 $2.000000030e-01, v26  }
0x64b: {  	v24 =	vadd.f32 $2.000000030e-01, v29;
	v25 =	vadd.f32 $2.000000030e-01, v27;
	v26 =	vmul.f32 v31, v32  }
0x64c: {  	s10 =	sadd.s32 $0x40, s10;
	(erf) = vrcp.f32 v28;
	v27 =	vmul.f32 v30, v17;
	v28 =	vmax.f32 v3, $0.0e+00;
	v3 =	vmovc v13  }
0x64d: {  	_ =	sdelay $0x4  }
0x64e: {  	v13 =	vpop (erf)  }
0x64f: {  	v26 =	vadd.f32 v26, v28;
	v13 =	vmul.f32 v13, v23;
	v39 =	vpop (erf)  }
0x650: {  	v24 =	vmul.f32 v24, v14;
	v25 =	vmul.f32 v25, v16;
	v8 =	vadd.f32 v18, v8;
	v29 =	vpop (erf)  }
0x651: {  	v6 =	vadd.f32 v20, v6;
	v30 =	vmul.f32 v13, v13;
	v15 =	vmul.f32 v29, v15;
	v31 =	vpop (erf)  }
0x652: {  	v7 =	vadd.f32 v19, v7;
	v22 =	vmul.f32 v39, v22;
	v21 =	vmul.f32 v31, v21  }
0x653: {  	v3 =	vmax.f32 v3, $0.0e+00;
	v40 =	vmul.f32 $1.111111120e-01, v30;
	v29 =	vmul.f32 v15, v15  }
0x654: {  	v27 =	vadd.f32 $3.333333430e-01, v27;
	v24 =	vadd.f32 $3.333333430e-01, v24;
	v42 =	vmul.f32 v21, v21  }
0x655: {  	v43 =	vmul.f32 v22, v22;
	v41 =	vadd.f32 $1.428571490e-01, v40;
	v48 =	vmul.f32 $1.111111120e-01, v29  }
0x656: {  	v25 =	vadd.f32 $3.333333430e-01, v25;
	v17 =	vmul.f32 v27, v17;
	v44 =	vmul.f32 $1.111111120e-01, v42  }
0x657: {  	v46 =	vmul.f32 $1.111111120e-01, v43;
	v23 =	vmul.f32 v41, v30;
	v50 =	vadd.f32 $1.428571490e-01, v48  }
0x658: {  	v47 =	vmul.f32 v24, v14;
	v49 =	vmul.f32 v25, v16;
	v18 =	vadd.f32 $1.428571490e-01, v44  }
0x659: {  	v45 =	vadd.f32 $2.000000030e-01, v23;
	v23 =	vadd.f32 $1.428571490e-01, v46;
	v19 =	vmul.f32 v50, v29  }
0x65a: {  	v17 =	vadd.f32 $1.000000000e+00, v17;
	v14 =	vadd.f32 $1.000000000e+00, v47;
	v18 =	vmul.f32 v18, v42  }
0x65b: {  	v16 =	vadd.f32 $1.000000000e+00, v49;
	v23 =	vmul.f32 v23, v43;
	v19 =	vadd.f32 $2.000000030e-01, v19  }
0x65c: {  	v13 =	vadd.f32 v13, v13;
	v20 =	vmul.f32 v45, v30;
	v18 =	vadd.f32 $2.000000030e-01, v18  }
0x65d: {  	v10 =	vmul.f32 v17, v10;
	v23 =	vadd.f32 $2.000000030e-01, v23;
	v19 =	vmul.f32 v19, v29  }
0x65e: {  	v22 =	vadd.f32 v22, v22;
	v20 =	vadd.f32 $3.333333430e-01, v20;
	v18 =	vmul.f32 v18, v42  }
0x65f: {  	v52 =	vmul.f32 v14, v9;
	v23 =	vmul.f32 v23, v43;
	v19 =	vadd.f32 $3.333333430e-01, v19  }
0x660: {  	v56 =	vmul.f32 v16, v12;
	v20 =	vmul.f32 v20, v30;
	v18 =	vadd.f32 $3.333333430e-01, v18  }
0x661: {  	[tilespmem:s0+$0x10] =	vst v26;
	v15 =	vadd.f32 v15, v15;
	v51 =	vadd.f32 $3.333333430e-01, v23;
	v54 =	vmul.f32 v19, v29  }
0x662: {  	[tilespmem:s30+$0xFFFFFFE0] =	vst v8;
	v2 =	vadd.f32 v10, v2;
	v20 =	vadd.f32 $1.000000000e+00, v20;
	v18 =	vmul.f32 v18, v42  }
0x663: {  	[tilespmem:s30+$0xFFFFFFF0] =	vst v6;
	v57 =	vadd.f32 v52, v5;
	v53 =	vmul.f32 v51, v43;
	v58 =	vadd.f32 $1.000000000e+00, v54  }
0x664: {  	[tilespmem:s30+$0x0] =	vst v7;
	v21 =	vadd.f32 v21, v21;
	v13 =	vmul.f32 v20, v13;
	v55 =	vadd.f32 $1.000000000e+00, v18  }
0x665: {  	v4 =	vadd.f32 v56, v4;
	[tilespmem:s0+$0xFFFFFFE0] =	vst v2;
	v9 =	vadd.f32 $1.000000000e+00, v53;
	v61 =	vmul.f32 v58, v15  }
0x666: {  	v1 =	vmax.f32 v1, $0.0e+00;
	[tilespmem:s0+$0xFFFFFFF0] =	vst v57;
	v3 =	vadd.f32 v13, v3;
	v59 =	vmul.f32 v55, v21  }
0x667: {  	[tilespmem:s0+$0x0] =	vst v4;
	v60 =	vmul.f32 v9, v22;
	v1 =	vadd.f32 v61, v1  }
0x668: {  	v0 =	vmax.f32 v0, $0.0e+00;
	[tilespmem:s7+$0x10] =	vst v3;
	v62 =	vadd.f32 v59, v11  }
0x669: {  	v0 =	vadd.f32 v60, v0;
	[tilespmem:s7+$0x0] =	vst v1  }
0x66a: {  	[tilespmem:s7+$0xFFFFFFE0] =	vst v62  }
0x66b: {  	s0 =	simm.s32 $0x0;
	[tilespmem:s7+$0xFFFFFFF0] =	vst v0  }
.LBB2_66:
0x66c: {  	s7 =	sshra.s32 s0, $0x2  }
0x66d: {  	v0 =	vld [tilespmem:s7+$0x1CD80];
	_ =	sdelay $0x4  }
0x66e: {  	v1 =	vand.u32 $0x7FFFFFFF, v0  }
0x66f: {  	v1 =	vsub.f32 $0.0e+00, v1;
	_ =	sdelay $0x1  }
0x670: {  	v1 =	vmul.f32 $1.442695020e+00, v1;
	_ =	sdelay $0x1  }
0x671: {  	(erf) = vpow2.f32 v1;
	_ =	sdelay $0x8  }
0x672: {  	v1 =	vpop (erf)  }
0x673: {  	v2 =	vadd.f32 $2.000000000e+00, v1;
	_ =	sdelay $0x1  }
0x674: {  	(erf) = vrcp.f32 v2;
	_ =	sdelay $0x8  }
0x675: {  	v2 =	vpop (erf)  }
0x676: {  	v1 =	vmul.f32 v2, v1;
	_ =	sdelay $0x1  }
0x677: {  	v2 =	vmul.f32 v1, v1;
	_ =	sdelay $0x1  }
0x678: {  	v3 =	vmul.f32 $1.111111120e-01, v2;
	_ =	sdelay $0x1  }
0x679: {  	v3 =	vadd.f32 $1.428571490e-01, v3;
	_ =	sdelay $0x1  }
0x67a: {  	v3 =	vmul.f32 v3, v2;
	_ =	sdelay $0x1  }
0x67b: {  	v3 =	vadd.f32 $2.000000030e-01, v3;
	_ =	sdelay $0x1  }
0x67c: {  	v3 =	vmul.f32 v3, v2;
	_ =	sdelay $0x1  }
0x67d: {  	v3 =	vadd.f32 $3.333333430e-01, v3;
	_ =	sdelay $0x1  }
0x67e: {  	v2 =	vmul.f32 v3, v2;
	_ =	sdelay $0x1  }
0x67f: {  	v1 =	vadd.f32 v1, v1;
	v2 =	vadd.f32 $1.000000000e+00, v2  }
0x680: {  	p1 =	sne.s32 s0, $0x40  }
.Ltmp41:
0x681: {  	v1 =	vmul.f32 v2, v1;
	(pc) =	sbr.rel @p1 .LBB2_66-.Ltmp41, $3  }
0x682: {  	v0 =	vmax.f32 v0, $0.0e+00  }
0x683: {  	v0 =	vadd.f32 v1, v0;
	_ =	sdelay $0x1  }
0x684: {  	s0 =	sadd.s32 $0x40, s0;
	[tilespmem:s7+$0x1CD80] =	vst v0  }
0x685: {  	s0 =	rddreg [dreg:$0x11]  }
0x686: {  	[hbm4b:s0+s6] =	stream.linear.scatter [tilespmem:s23], [sflag:$0x8], $0x320, $0x38;
	v63 =	vld [tilespmem:$0x0]  }
0x687: {  	_ =	swait.ge [sflag:s28], $0x320  }
0x688: {  	s7 =	sld [smem:$0x7FD];
	_ =	sdelay $0x2  }
0x689: {  	s31 =	rddreg [dreg:$0x12];
	s7 =	sadd.s32 $0x1, s7  }
0x68a: {  	p1 =	sne.s32 s7, s31  }
.Ltmp42:
0x68b: {  	_ = 	snop;
	(pc) =	sbr.rel @p1 .LBB2_1-.Ltmp42, $3  }
0x68c: {  	_ =	sdelay $0x1  }
0x68d: {  	[sflag:s28] =	ssyncset.done $0x0  }
0x68e: {  	[sflag:s28] =	ssyncadd.s32 $0xFFFFFCE0  }
0x68f: {  	_ =	sfence.sel $0x180000  }
0x690: {  	[bflag:$0x0] =	sbarrier.arrive $0xFFFF  }
0x691: {  	_ =	strace $0x90000047  }
0x692: {  	s0 =	stileid.u32;
	[bflag:$0x2] =	sbarrier.arrive $0xFFFF  }
0x693: {  	p0 =	sne.s32 s0, $0x0;
	s0 =	rddreg [dreg:$0x6]  }
0x694: {  	s0 =	sadd.s32 @!p0 $0x100000, s0  }
0x695: {  	[sflag:s0] =	ssyncadd.tile.s32 @!p0 $0x1;
	_ =	shalt  }
.Lfunc_end2:
_tile_overlayer_lowered:
.L_overlay_start_2:
0x696: {  	(tag) =	ssettag $0x2  }
0x697: {  	s0 =	rddreg [dreg:$0x0];
	s2 =	stileid.u32  }
0x698: {  	s1 =	rddreg [dreg:$0x1];
	p0 =	sne.s32 s2, $0x0  }
0x699: {  	s3 =	rddreg [dreg:$0x2];
	[bflag:$0x3] =	sbarrier.arrive $0xFFFF;
	s2 =	simm.s32 @!p0 $0x1C0A  }
0x69a: {  	[timem:s3], [sflag:s2] =	dma.local @!p0 [hbm:s0], s1  }
0x69b: {  	s0 =	simm.s32 @!p0 $0xA  }
0x69c: {  	_ =	swait.ge @!p0 [sflag:s0], s1  }
0x69d: {  	s1 =	ssub.s32 @!p0 $0x0, s1;
	[sflag:s0] =	ssyncset.done @!p0 $0x0  }
0x69e: {  	[sflag:s0] =	ssyncadd.s32 @!p0 s1  }
0x69f: {  	[bflag:$0x3] =	sbarrier.arrive $0xFFFF  }
0x6a0: {  	_ =	shalt  }

</sc_bundles>
